<compile_context>
chip_gen: v7x
topology: tpu7x:2x2x1
jax: 0.10.2.dev20260603
libtpu: 0.0.44.dev20260713+nightly
codegen_flags: <defaults>
</compile_context>

<pallas_src>
import functools

import jax
import jax.numpy as jnp
from jax import lax
from jax.experimental import pallas as pl
from jax.experimental.pallas import tpu as pltpu
from jax.experimental.pallas import tpu_sc as plsc

N = 10000
E = 320000
D = 128
EPS = 1e-5

NC = 2
NS = 16
NW = NC * NS
CHUNK = 128
CPW = 80
BC = 16
NBLK = CPW // BC
E_PAD = NW * CPW * CHUNK
ACC_ROWS = 10240
ZROWS_PER_SUB = ACC_ROWS // NS


def _ln_body(x_ref, w_ref, b_ref, h_ref):
    x = x_ref[...]
    mean = jnp.mean(x)
    var = jnp.mean((x - mean) ** 2)
    inv = 1.0 / (jnp.sqrt(var) + EPS)
    h = (x - mean) * inv * w_ref[...] + b_ref[...]
    h_ref[...] = jnp.maximum(h, 0.0)


def _layernorm_relu(x, w, b):
    return pl.pallas_call(
        _ln_body,
        out_shape=jax.ShapeDtypeStruct((N, D), jnp.float32),
    )(x, w.reshape(1, D), b.reshape(1, D))


def _sc_body(do_gather, h_hbm, src_hbm, dst_hbm, acc_out,
             src_idx, dst_idx, zidx, rows_v, rows_w, acc_sh,
             sem, sem2, sem3):
    c = lax.axis_index("c")
    s = lax.axis_index("s")
    wid = s * NC + c

    zeros16 = jnp.zeros((16,), jnp.float32)

    @pl.loop(0, CHUNK)
    def _fill_z(i):
        for j in range(D // 16):
            rows_v[i, pl.ds(16 * j, 16)] = zeros16

    zbase = s * ZROWS_PER_SUB
    iota16 = lax.iota(jnp.int32, 16)

    def _set_zidx(row0):
        for k in range(CHUNK // 16):
            zidx[pl.ds(16 * k, 16)] = iota16 + (row0 + 16 * k)

    for b in range(ZROWS_PER_SUB // CHUNK):
        _set_zidx(zbase + CHUNK * b)
        pltpu.async_copy(rows_v, acc_sh.at[zidx], sem).wait()

    if not do_gather:
        ones16f = jnp.ones((16,), jnp.float32)

        @pl.loop(0, CHUNK)
        def _fill_one(i):
            for j in range(D // 16):
                rows_v[i, pl.ds(16 * j, 16)] = ones16f

    plsc.subcore_barrier()

    ibase = wid * CPW

    for b in range(NBLK):
        pltpu.sync_copy(dst_hbm.at[pl.ds(ibase + b * BC, BC)], dst_idx)
        if do_gather:
            pltpu.sync_copy(src_hbm.at[pl.ds(ibase + b * BC, BC)], src_idx)

            @pl.loop(0, BC // 2)
            def _edge(j):
                ga = pltpu.async_copy(h_hbm.at[src_idx.at[2 * j]], rows_v, sem)
                gb = pltpu.async_copy(h_hbm.at[src_idx.at[2 * j + 1]], rows_w, sem2)
                ga.wait()
                sa = pltpu.async_copy(rows_v, acc_sh.at[dst_idx.at[2 * j]], sem3, add=True)
                gb.wait()
                sa.wait()
                pltpu.async_copy(rows_w, acc_sh.at[dst_idx.at[2 * j + 1]], sem3, add=True).wait()
        else:
            @pl.loop(0, BC // 4)
            def _cnt(j):
                cps = [
                    pltpu.async_copy(rows_v, acc_sh.at[dst_idx.at[4 * j + k]],
                                     sem3, add=True)
                    for k in range(4)
                ]
                for cp in cps:
                    cp.wait()

    plsc.subcore_barrier()

    obase = c * ACC_ROWS + zbase

    for b in range(ZROWS_PER_SUB // CHUNK):
        off = CHUNK * b
        _set_zidx(zbase + off)
        pltpu.async_copy(acc_sh.at[zidx], rows_v, sem).wait()
        pltpu.sync_copy(rows_v, acc_out.at[pl.ds(obase + off, CHUNK)])


@functools.cache
def _sc_segment_sum_kernel(do_gather):
    return pl.kernel(
        functools.partial(_sc_body, do_gather),
        out_type=jax.ShapeDtypeStruct((NC * ACC_ROWS, D), jnp.float32),
        mesh=plsc.VectorSubcoreMesh(core_axis_name="c", subcore_axis_name="s"),
        scratch_types=[
            pltpu.VMEM((BC, CHUNK), jnp.int32),
            pltpu.VMEM((BC, CHUNK), jnp.int32),
            pltpu.VMEM((CHUNK,), jnp.int32),
            pltpu.VMEM((CHUNK, D), jnp.float32),
            pltpu.VMEM((CHUNK, D), jnp.float32),
            pltpu.VMEM_SHARED((ACC_ROWS, D), jnp.float32),
            pltpu.SemaphoreType.DMA,
            pltpu.SemaphoreType.DMA,
            pltpu.SemaphoreType.DMA,
        ],
    )


_RB = 1000


def _comb_body(acc_ref, cnt_ref, h_ref, wlt_ref, bl_ref, wrt_ref, out_ref):
    a = acc_ref[0] + acc_ref[1]
    cnt = cnt_ref[0, :, 0:1] + cnt_ref[1, :, 0:1]
    mean_agg = a / jnp.maximum(cnt, 1.0)
    h = h_ref[...]
    out_ref[...] = (
        jnp.dot(mean_agg, wlt_ref[...], preferred_element_type=jnp.float32)
        + bl_ref[...]
        + jnp.dot(h, wrt_ref[...], preferred_element_type=jnp.float32)
    )


def _combine(acc, cnt, h, W_l, b_l, W_r):
    grid = N // _RB
    return pl.pallas_call(
        _comb_body,
        grid=(grid,),
        in_specs=[
            pl.BlockSpec((NC, _RB, D), lambda i: (0, i, 0)),
            pl.BlockSpec((NC, _RB, D), lambda i: (0, i, 0)),
            pl.BlockSpec((_RB, D), lambda i: (i, 0)),
            pl.BlockSpec((D, D), lambda i: (0, 0)),
            pl.BlockSpec((1, D), lambda i: (0, 0)),
            pl.BlockSpec((D, D), lambda i: (0, 0)),
        ],
        out_specs=pl.BlockSpec((_RB, D), lambda i: (i, 0)),
        out_shape=jax.ShapeDtypeStruct((N, D), jnp.float32),
    )(acc, cnt, h, W_l.T, b_l.reshape(1, D), W_r.T)


def kernel(x, edge_index, ln_weight, ln_bias, W_l, b_l, W_r):
    h = _layernorm_relu(x, ln_weight, ln_bias)

    src = edge_index[0]
    dst = edge_index[1]
    pad = E_PAD - E
    src_p = jnp.concatenate([src, jnp.zeros((pad,), jnp.int32)])
    dst_p = jnp.concatenate([dst, jnp.full((pad,), N, jnp.int32)])
    src_p = src_p.reshape(NW * CPW, CHUNK)
    dst_p = dst_p.reshape(NW * CPW, CHUNK)

    acc_f = _sc_segment_sum_kernel(True)(h, src_p, dst_p)
    ones_tab = jnp.ones((8, D), jnp.float32)
    cnt_f = _sc_segment_sum_kernel(False)(ones_tab, src_p, dst_p)
    acc = acc_f.reshape(NC, ACC_ROWS, D)
    cnt = cnt_f.reshape(NC, ACC_ROWS, D)
    return _combine(acc, cnt, h, W_l, b_l, W_r)

# --- scband reference (transcript-rebuilt; emitter-appended) ---
"""Pipeline reference for scband-gnnblock-80032420594207 (READ-ONLY COPY).

The authoritative reference and input builder live on the scoring server;
editing this copy changes nothing except your own understanding.
"""

import jax, jax.numpy as jnp
import numpy as np

N = 10000
E = 320000
D_IN = 128
D_OUT = 128
EPS = 1e-5


def setup_inputs(seed: int = 0) -> dict:
    key = jax.random.key(seed)
    ks = jax.random.split(key, 6)
    x = jax.random.normal(ks[0], (N, D_IN), dtype=jnp.float32)
    edge_index = jax.random.randint(ks[1], (2, E), 0, N, dtype=jnp.int32)
    ln_weight = jnp.ones((D_IN,), dtype=jnp.float32)
    ln_bias = jnp.zeros((D_IN,), dtype=jnp.float32)
    # SAGEConv params: lin_l (with bias) applied to aggregated neighbors, lin_r (no bias) applied to root
    W_l = jax.random.normal(ks[2], (D_OUT, D_IN), dtype=jnp.float32) * (1.0 / np.sqrt(D_IN))
    b_l = jnp.zeros((D_OUT,), dtype=jnp.float32)
    W_r = jax.random.normal(ks[3], (D_OUT, D_IN), dtype=jnp.float32) * (1.0 / np.sqrt(D_IN))
    return {"x": x, "edge_index": edge_index, "ln_weight": ln_weight, "ln_bias": ln_bias,
            "W_l": W_l, "b_l": b_l, "W_r": W_r}


def reference(x, edge_index, ln_weight, ln_bias, W_l, b_l, W_r):
    # PyG LayerNorm (mode='graph', batch=None): normalize over ALL nodes and features
    mean = x.mean()
    std = x.std()  # ddof=0, matches unbiased=False
    h = (x - mean) / (std + EPS)
    h = h * ln_weight + ln_bias
    h = jax.nn.relu(h)
    # SAGEConv with mean aggregation: out = lin_l(mean_{j in N(i)} h_j) + lin_r(h_i)
    src = edge_index[0]
    dst = edge_index[1]
    msg = h[src]  # gather over source nodes
    summed = jax.ops.segment_sum(msg, dst, num_segments=N)
    count = jax.ops.segment_sum(jnp.ones((E,), dtype=jnp.float32), dst, num_segments=N)
    mean_agg = summed / jnp.clip(count, 1.0, None)[:, None]
    out = mean_agg @ W_l.T + b_l + h @ W_r.T
    return out

if __name__ == "__main__":
    import jax
    _d = setup_inputs()
    print(jax.jit(kernel)(*tuple(_d.values())))

</pallas_src>

<mosaic_0001>
#map = affine_map<(d0, d1) -> (0, 0)>
module attributes {stable_mosaic.version = 14 : i64} {
  func.func @_sc_body(%arg0: i32, %arg1: i32, %arg2: memref<10000x128xf32, #tpu.memory_space<hbm>>, %arg3: memref<2560x128xi32, #tpu.memory_space<hbm>>, %arg4: memref<2560x128xi32, #tpu.memory_space<hbm>>, %arg5: memref<20480x128xf32, #tpu.memory_space<hbm>>, %arg6: memref<16x128xi32, #tpu.memory_space<vmem>>, %arg7: memref<16x128xi32, #tpu.memory_space<vmem>>, %arg8: memref<128xi32, #tpu.memory_space<vmem>>, %arg9: memref<128x128xf32, #tpu.memory_space<vmem>>, %arg10: memref<128x128xf32, #tpu.memory_space<vmem>>, %arg11: memref<10240x128xf32, #tpu.memory_space<vmem_shared>>, %arg12: memref<!tpu.dma_semaphore, #tpu.memory_space<semaphore_mem>>, %arg13: memref<!tpu.dma_semaphore, #tpu.memory_space<semaphore_mem>>, %arg14: memref<!tpu.dma_semaphore, #tpu.memory_space<semaphore_mem>>) attributes {dimension_semantics = [#tpu.dimension_semantics<core_parallel>, #tpu.dimension_semantics<subcore_parallel>], iteration_bounds = array<i64: 2, 16>, scalar_prefetch = 0 : i64, scratch_operands = 9 : i64, tpu.core_type = #tpu.core_type<sc_vector_subcore>, window_params = [{transform_indices = #map}, {transform_indices = #map}, {transform_indices = #map}, {transform_indices = #map}]} {
    %mul3A = arith.constant 2 : i32
    %mul3A_0 = arith.muli %arg1, %mul3A : i32
    %add3A = arith.addi %mul3A_0, %arg0 : i32
    %broadcast_in_dim3A = arith.constant 0.000000e+00 : f32
    %broadcast_in_dim3A_1 = vector.broadcast %broadcast_in_dim3A : f32 to vector<16xf32>
    %scan3A = arith.constant 0 : i32
    %scan3A_2 = arith.constant 128 : i32
    %scan3A_3 = arith.addi %scan3A, %scan3A_2 : i32
    %scan3A_4 = arith.constant 1 : i32
    scf.for %scan3A_786 = %scan3A to %scan3A_3 step %scan3A_4  : i32 {
      %mul3A_787 = arith.constant 1 : i32
      %mul3A_788 = arith.muli %scan3A_786, %mul3A_787 : i32
      %add3A_789 = arith.constant 0 : i32
      %add3A_790 = arith.addi %add3A_789, %mul3A_788 : i32
      %swap3A_791 = arith.index_cast %add3A_790 : i32 to index
      %swap3A_792 = arith.constant 0 : index
      %swap3A_793 = tpu.vector_load %arg9[%swap3A_791, %swap3A_792] {strides = array<i32>} : memref<128x128xf32, #tpu.memory_space<vmem>>, vector<1x16xf32>,
      %swap3A_794 = vector.shape_cast %swap3A_793 : vector<1x16xf32> to vector<16xf32>
      %swap3A_795 = vector.shape_cast %broadcast_in_dim3A_1 : vector<16xf32> to vector<1x16xf32>
      tpu.vector_store %arg9[%swap3A_791, %swap3A_792], %swap3A_795 {strides = array<i32>} : memref<128x128xf32, #tpu.memory_space<vmem>>, vector<1x16xf32>,
      %swap3A_796 = arith.index_cast %add3A_790 : i32 to index
      %swap3A_797 = arith.constant 16 : index
      %swap3A_798 = tpu.vector_load %arg9[%swap3A_796, %swap3A_797] {strides = array<i32>} : memref<128x128xf32, #tpu.memory_space<vmem>>, vector<1x16xf32>,
      %swap3A_799 = vector.shape_cast %swap3A_798 : vector<1x16xf32> to vector<16xf32>
      %swap3A_800 = vector.shape_cast %broadcast_in_dim3A_1 : vector<16xf32> to vector<1x16xf32>
      tpu.vector_store %arg9[%swap3A_796, %swap3A_797], %swap3A_800 {strides = array<i32>} : memref<128x128xf32, #tpu.memory_space<vmem>>, vector<1x16xf32>,
      %swap3A_801 = arith.index_cast %add3A_790 : i32 to index
      %swap3A_802 = arith.constant 32 : index
      %swap3A_803 = tpu.vector_load %arg9[%swap3A_801, %swap3A_802] {strides = array<i32>} : memref<128x128xf32, #tpu.memory_space<vmem>>, vector<1x16xf32>,
      %swap3A_804 = vector.shape_cast %swap3A_803 : vector<1x16xf32> to vector<16xf32>
      %swap3A_805 = vector.shape_cast %broadcast_in_dim3A_1 : vector<16xf32> to vector<1x16xf32>
      tpu.vector_store %arg9[%swap3A_801, %swap3A_802], %swap3A_805 {strides = array<i32>} : memref<128x128xf32, #tpu.memory_space<vmem>>, vector<1x16xf32>,
      %swap3A_806 = arith.index_cast %add3A_790 : i32 to index
      %swap3A_807 = arith.constant 48 : index
      %swap3A_808 = tpu.vector_load %arg9[%swap3A_806, %swap3A_807] {strides = array<i32>} : memref<128x128xf32, #tpu.memory_space<vmem>>, vector<1x16xf32>,
      %swap3A_809 = vector.shape_cast %swap3A_808 : vector<1x16xf32> to vector<16xf32>
      %swap3A_810 = vector.shape_cast %broadcast_in_dim3A_1 : vector<16xf32> to vector<1x16xf32>
      tpu.vector_store %arg9[%swap3A_806, %swap3A_807], %swap3A_810 {strides = array<i32>} : memref<128x128xf32, #tpu.memory_space<vmem>>, vector<1x16xf32>,
      %swap3A_811 = arith.index_cast %add3A_790 : i32 to index
      %swap3A_812 = arith.constant 64 : index
      %swap3A_813 = tpu.vector_load %arg9[%swap3A_811, %swap3A_812] {strides = array<i32>} : memref<128x128xf32, #tpu.memory_space<vmem>>, vector<1x16xf32>,
      %swap3A_814 = vector.shape_cast %swap3A_813 : vector<1x16xf32> to vector<16xf32>
      %swap3A_815 = vector.shape_cast %broadcast_in_dim3A_1 : vector<16xf32> to vector<1x16xf32>
      tpu.vector_store %arg9[%swap3A_811, %swap3A_812], %swap3A_815 {strides = array<i32>} : memref<128x128xf32, #tpu.memory_space<vmem>>, vector<1x16xf32>,
      %swap3A_816 = arith.index_cast %add3A_790 : i32 to index
      %swap3A_817 = arith.constant 80 : index
      %swap3A_818 = tpu.vector_load %arg9[%swap3A_816, %swap3A_817] {strides = array<i32>} : memref<128x128xf32, #tpu.memory_space<vmem>>, vector<1x16xf32>,
      %swap3A_819 = vector.shape_cast %swap3A_818 : vector<1x16xf32> to vector<16xf32>
      %swap3A_820 = vector.shape_cast %broadcast_in_dim3A_1 : vector<16xf32> to vector<1x16xf32>
      tpu.vector_store %arg9[%swap3A_816, %swap3A_817], %swap3A_820 {strides = array<i32>} : memref<128x128xf32, #tpu.memory_space<vmem>>, vector<1x16xf32>,
      %swap3A_821 = arith.index_cast %add3A_790 : i32 to index
      %swap3A_822 = arith.constant 96 : index
      %swap3A_823 = tpu.vector_load %arg9[%swap3A_821, %swap3A_822] {strides = array<i32>} : memref<128x128xf32, #tpu.memory_space<vmem>>, vector<1x16xf32>,
      %swap3A_824 = vector.shape_cast %swap3A_823 : vector<1x16xf32> to vector<16xf32>
      %swap3A_825 = vector.shape_cast %broadcast_in_dim3A_1 : vector<16xf32> to vector<1x16xf32>
      tpu.vector_store %arg9[%swap3A_821, %swap3A_822], %swap3A_825 {strides = array<i32>} : memref<128x128xf32, #tpu.memory_space<vmem>>, vector<1x16xf32>,
      %swap3A_826 = arith.index_cast %add3A_790 : i32 to index
      %swap3A_827 = arith.constant 112 : index
      %swap3A_828 = tpu.vector_load %arg9[%swap3A_826, %swap3A_827] {strides = array<i32>} : memref<128x128xf32, #tpu.memory_space<vmem>>, vector<1x16xf32>,
      %swap3A_829 = vector.shape_cast %swap3A_828 : vector<1x16xf32> to vector<16xf32>
      %swap3A_830 = vector.shape_cast %broadcast_in_dim3A_1 : vector<16xf32> to vector<1x16xf32>
      tpu.vector_store %arg9[%swap3A_826, %swap3A_827], %swap3A_830 {strides = array<i32>} : memref<128x128xf32, #tpu.memory_space<vmem>>, vector<1x16xf32>,
    }
    %scan3A_5 = arith.constant 128 : i32
    %mul3A_6 = arith.constant 640 : i32
    %mul3A_7 = arith.muli %arg1, %mul3A_6 : i32
    %iota3A = tpu.iota {dimensions = array<i32: 0>} : vector<16xi32>
    %add3A_8 = arith.constant 0 : i32
    %add3A_9 = arith.addi %mul3A_7, %add3A_8 : i32
    %add3A_10 = arith.constant 0 : i32
    %add3A_11 = arith.addi %add3A_9, %add3A_10 : i32
    %add3A_12 = vector.broadcast %add3A_11 : i32 to vector<16xi32>
    %add3A_13 = arith.addi %iota3A, %add3A_12 : vector<16xi32>
    %swap3A = arith.constant 0 : index
    %swap3A_14 = tpu.vector_load %arg8[%swap3A] {strides = array<i32>} : memref<128xi32, #tpu.memory_space<vmem>>, vector<16xi32>,
    %swap3A_15 = vector.shape_cast %swap3A_14 : vector<16xi32> to vector<16xi32>
    %swap3A_16 = vector.shape_cast %add3A_13 : vector<16xi32> to vector<16xi32>
    tpu.vector_store %arg8[%swap3A], %swap3A_16 {strides = array<i32>} : memref<128xi32, #tpu.memory_space<vmem>>, vector<16xi32>,
    %add3A_17 = arith.constant 16 : i32
    %add3A_18 = arith.addi %add3A_9, %add3A_17 : i32
    %add3A_19 = vector.broadcast %add3A_18 : i32 to vector<16xi32>
    %add3A_20 = arith.addi %iota3A, %add3A_19 : vector<16xi32>
    %swap3A_21 = arith.constant 16 : index
    %swap3A_22 = tpu.vector_load %arg8[%swap3A_21] {strides = array<i32>} : memref<128xi32, #tpu.memory_space<vmem>>, vector<16xi32>,
    %swap3A_23 = vector.shape_cast %swap3A_22 : vector<16xi32> to vector<16xi32>
    %swap3A_24 = vector.shape_cast %add3A_20 : vector<16xi32> to vector<16xi32>
    tpu.vector_store %arg8[%swap3A_21], %swap3A_24 {strides = array<i32>} : memref<128xi32, #tpu.memory_space<vmem>>, vector<16xi32>,
    %add3A_25 = arith.constant 32 : i32
    %add3A_26 = arith.addi %add3A_9, %add3A_25 : i32
    %add3A_27 = vector.broadcast %add3A_26 : i32 to vector<16xi32>
    %add3A_28 = arith.addi %iota3A, %add3A_27 : vector<16xi32>
    %swap3A_29 = arith.constant 32 : index
    %swap3A_30 = tpu.vector_load %arg8[%swap3A_29] {strides = array<i32>} : memref<128xi32, #tpu.memory_space<vmem>>, vector<16xi32>,
    %swap3A_31 = vector.shape_cast %swap3A_30 : vector<16xi32> to vector<16xi32>
    %swap3A_32 = vector.shape_cast %add3A_28 : vector<16xi32> to vector<16xi32>
    tpu.vector_store %arg8[%swap3A_29], %swap3A_32 {strides = array<i32>} : memref<128xi32, #tpu.memory_space<vmem>>, vector<16xi32>,
    %add3A_33 = arith.constant 48 : i32
    %add3A_34 = arith.addi %add3A_9, %add3A_33 : i32
    %add3A_35 = vector.broadcast %add3A_34 : i32 to vector<16xi32>
    %add3A_36 = arith.addi %iota3A, %add3A_35 : vector<16xi32>
    %swap3A_37 = arith.constant 48 : index
    %swap3A_38 = tpu.vector_load %arg8[%swap3A_37] {strides = array<i32>} : memref<128xi32, #tpu.memory_space<vmem>>, vector<16xi32>,
    %swap3A_39 = vector.shape_cast %swap3A_38 : vector<16xi32> to vector<16xi32>
    %swap3A_40 = vector.shape_cast %add3A_36 : vector<16xi32> to vector<16xi32>
    tpu.vector_store %arg8[%swap3A_37], %swap3A_40 {strides = array<i32>} : memref<128xi32, #tpu.memory_space<vmem>>, vector<16xi32>,
    %add3A_41 = arith.constant 64 : i32
    %add3A_42 = arith.addi %add3A_9, %add3A_41 : i32
    %add3A_43 = vector.broadcast %add3A_42 : i32 to vector<16xi32>
    %add3A_44 = arith.addi %iota3A, %add3A_43 : vector<16xi32>
    %swap3A_45 = arith.constant 64 : index
    %swap3A_46 = tpu.vector_load %arg8[%swap3A_45] {strides = array<i32>} : memref<128xi32, #tpu.memory_space<vmem>>, vector<16xi32>,
    %swap3A_47 = vector.shape_cast %swap3A_46 : vector<16xi32> to vector<16xi32>
    %swap3A_48 = vector.shape_cast %add3A_44 : vector<16xi32> to vector<16xi32>
    tpu.vector_store %arg8[%swap3A_45], %swap3A_48 {strides = array<i32>} : memref<128xi32, #tpu.memory_space<vmem>>, vector<16xi32>,
    %add3A_49 = arith.constant 80 : i32
    %add3A_50 = arith.addi %add3A_9, %add3A_49 : i32
    %add3A_51 = vector.broadcast %add3A_50 : i32 to vector<16xi32>
    %add3A_52 = arith.addi %iota3A, %add3A_51 : vector<16xi32>
    %swap3A_53 = arith.constant 80 : index
    %swap3A_54 = tpu.vector_load %arg8[%swap3A_53] {strides = array<i32>} : memref<128xi32, #tpu.memory_space<vmem>>, vector<16xi32>,
    %swap3A_55 = vector.shape_cast %swap3A_54 : vector<16xi32> to vector<16xi32>
    %swap3A_56 = vector.shape_cast %add3A_52 : vector<16xi32> to vector<16xi32>
    tpu.vector_store %arg8[%swap3A_53], %swap3A_56 {strides = array<i32>} : memref<128xi32, #tpu.memory_space<vmem>>, vector<16xi32>,
    %add3A_57 = arith.constant 96 : i32
    %add3A_58 = arith.addi %add3A_9, %add3A_57 : i32
    %add3A_59 = vector.broadcast %add3A_58 : i32 to vector<16xi32>
    %add3A_60 = arith.addi %iota3A, %add3A_59 : vector<16xi32>
    %swap3A_61 = arith.constant 96 : index
    %swap3A_62 = tpu.vector_load %arg8[%swap3A_61] {strides = array<i32>} : memref<128xi32, #tpu.memory_space<vmem>>, vector<16xi32>,
    %swap3A_63 = vector.shape_cast %swap3A_62 : vector<16xi32> to vector<16xi32>
    %swap3A_64 = vector.shape_cast %add3A_60 : vector<16xi32> to vector<16xi32>
    tpu.vector_store %arg8[%swap3A_61], %swap3A_64 {strides = array<i32>} : memref<128xi32, #tpu.memory_space<vmem>>, vector<16xi32>,
    %add3A_65 = arith.constant 112 : i32
    %add3A_66 = arith.addi %add3A_9, %add3A_65 : i32
    %add3A_67 = vector.broadcast %add3A_66 : i32 to vector<16xi32>
    %add3A_68 = arith.addi %iota3A, %add3A_67 : vector<16xi32>
    %swap3A_69 = arith.constant 112 : index
    %swap3A_70 = tpu.vector_load %arg8[%swap3A_69] {strides = array<i32>} : memref<128xi32, #tpu.memory_space<vmem>>, vector<16xi32>,
    %swap3A_71 = vector.shape_cast %swap3A_70 : vector<16xi32> to vector<16xi32>
    %swap3A_72 = vector.shape_cast %add3A_68 : vector<16xi32> to vector<16xi32>
    tpu.vector_store %arg8[%swap3A_69], %swap3A_72 {strides = array<i32>} : memref<128xi32, #tpu.memory_space<vmem>>, vector<16xi32>,
    %dma_start3A = arith.constant 0 : i32
    %dma_start3A_73 = arith.constant 0 : i32
    %dma_start3A_74 = tpu.memref_slice %arg11[%dma_start3A, %dma_start3A_73] : memref<10240x128xf32, #tpu.memory_space<vmem_shared>> -> memref<10240x128xf32, #tpu.memory_space<vmem_shared>>
    tpu.enqueue_indirect_dma source(%arg9 : memref<128x128xf32, #tpu.memory_space<vmem>>) target(%dma_start3A_74 : memref<10240x128xf32, #tpu.memory_space<vmem_shared>>) offsets(%arg8 : memref<128xi32, #tpu.memory_space<vmem>>) semaphore(%arg12 : memref<!tpu.dma_semaphore, #tpu.memory_space<semaphore_mem>>)
    %dma_wait3A = arith.constant 0 : i32
    %dma_wait3A_75 = arith.constant 0 : i32
    %dma_wait3A_76 = tpu.memref_slice %arg11[%dma_wait3A, %dma_wait3A_75] : memref<10240x128xf32, #tpu.memory_space<vmem_shared>> -> memref<10240x128xf32, #tpu.memory_space<vmem_shared>>
    tpu.wait_indirect_dma semaphore(%arg12 : memref<!tpu.dma_semaphore, #tpu.memory_space<semaphore_mem>>) src(%arg9 : memref<128x128xf32, #tpu.memory_space<vmem>>) dst(%dma_wait3A_76 : memref<10240x128xf32, #tpu.memory_space<vmem_shared>>)
    %add3A_77 = arith.constant 128 : i32
    %add3A_78 = arith.addi %mul3A_7, %add3A_77 : i32
    %add3A_79 = arith.constant 0 : i32
    %add3A_80 = arith.addi %add3A_78, %add3A_79 : i32
    %add3A_81 = vector.broadcast %add3A_80 : i32 to vector<16xi32>
    %add3A_82 = arith.addi %iota3A, %add3A_81 : vector<16xi32>
    %swap3A_83 = arith.constant 0 : index
    %swap3A_84 = tpu.vector_load %arg8[%swap3A_83] {strides = array<i32>} : memref<128xi32, #tpu.memory_space<vmem>>, vector<16xi32>,
    %swap3A_85 = vector.shape_cast %swap3A_84 : vector<16xi32> to vector<16xi32>
    %swap3A_86 = vector.shape_cast %add3A_82 : vector<16xi32> to vector<16xi32>
    tpu.vector_store %arg8[%swap3A_83], %swap3A_86 {strides = array<i32>} : memref<128xi32, #tpu.memory_space<vmem>>, vector<16xi32>,
    %add3A_87 = arith.constant 16 : i32
    %add3A_88 = arith.addi %add3A_78, %add3A_87 : i32
    %add3A_89 = vector.broadcast %add3A_88 : i32 to vector<16xi32>
    %add3A_90 = arith.addi %iota3A, %add3A_89 : vector<16xi32>
    %swap3A_91 = arith.constant 16 : index
    %swap3A_92 = tpu.vector_load %arg8[%swap3A_91] {strides = array<i32>} : memref<128xi32, #tpu.memory_space<vmem>>, vector<16xi32>,
    %swap3A_93 = vector.shape_cast %swap3A_92 : vector<16xi32> to vector<16xi32>
    %swap3A_94 = vector.shape_cast %add3A_90 : vector<16xi32> to vector<16xi32>
    tpu.vector_store %arg8[%swap3A_91], %swap3A_94 {strides = array<i32>} : memref<128xi32, #tpu.memory_space<vmem>>, vector<16xi32>,
    %add3A_95 = arith.constant 32 : i32
    %add3A_96 = arith.addi %add3A_78, %add3A_95 : i32
    %add3A_97 = vector.broadcast %add3A_96 : i32 to vector<16xi32>
    %add3A_98 = arith.addi %iota3A, %add3A_97 : vector<16xi32>
    %swap3A_99 = arith.constant 32 : index
    %swap3A_100 = tpu.vector_load %arg8[%swap3A_99] {strides = array<i32>} : memref<128xi32, #tpu.memory_space<vmem>>, vector<16xi32>,
    %swap3A_101 = vector.shape_cast %swap3A_100 : vector<16xi32> to vector<16xi32>
    %swap3A_102 = vector.shape_cast %add3A_98 : vector<16xi32> to vector<16xi32>
    tpu.vector_store %arg8[%swap3A_99], %swap3A_102 {strides = array<i32>} : memref<128xi32, #tpu.memory_space<vmem>>, vector<16xi32>,
    %add3A_103 = arith.constant 48 : i32
    %add3A_104 = arith.addi %add3A_78, %add3A_103 : i32
    %add3A_105 = vector.broadcast %add3A_104 : i32 to vector<16xi32>
    %add3A_106 = arith.addi %iota3A, %add3A_105 : vector<16xi32>
    %swap3A_107 = arith.constant 48 : index
    %swap3A_108 = tpu.vector_load %arg8[%swap3A_107] {strides = array<i32>} : memref<128xi32, #tpu.memory_space<vmem>>, vector<16xi32>,
    %swap3A_109 = vector.shape_cast %swap3A_108 : vector<16xi32> to vector<16xi32>
    %swap3A_110 = vector.shape_cast %add3A_106 : vector<16xi32> to vector<16xi32>
    tpu.vector_store %arg8[%swap3A_107], %swap3A_110 {strides = array<i32>} : memref<128xi32, #tpu.memory_space<vmem>>, vector<16xi32>,
    %add3A_111 = arith.constant 64 : i32
    %add3A_112 = arith.addi %add3A_78, %add3A_111 : i32
    %add3A_113 = vector.broadcast %add3A_112 : i32 to vector<16xi32>
    %add3A_114 = arith.addi %iota3A, %add3A_113 : vector<16xi32>
    %swap3A_115 = arith.constant 64 : index
    %swap3A_116 = tpu.vector_load %arg8[%swap3A_115] {strides = array<i32>} : memref<128xi32, #tpu.memory_space<vmem>>, vector<16xi32>,
    %swap3A_117 = vector.shape_cast %swap3A_116 : vector<16xi32> to vector<16xi32>
    %swap3A_118 = vector.shape_cast %add3A_114 : vector<16xi32> to vector<16xi32>
    tpu.vector_store %arg8[%swap3A_115], %swap3A_118 {strides = array<i32>} : memref<128xi32, #tpu.memory_space<vmem>>, vector<16xi32>,
    %add3A_119 = arith.constant 80 : i32
    %add3A_120 = arith.addi %add3A_78, %add3A_119 : i32
    %add3A_121 = vector.broadcast %add3A_120 : i32 to vector<16xi32>
    %add3A_122 = arith.addi %iota3A, %add3A_121 : vector<16xi32>
    %swap3A_123 = arith.constant 80 : index
    %swap3A_124 = tpu.vector_load %arg8[%swap3A_123] {strides = array<i32>} : memref<128xi32, #tpu.memory_space<vmem>>, vector<16xi32>,
    %swap3A_125 = vector.shape_cast %swap3A_124 : vector<16xi32> to vector<16xi32>
    %swap3A_126 = vector.shape_cast %add3A_122 : vector<16xi32> to vector<16xi32>
    tpu.vector_store %arg8[%swap3A_123], %swap3A_126 {strides = array<i32>} : memref<128xi32, #tpu.memory_space<vmem>>, vector<16xi32>,
    %add3A_127 = arith.constant 96 : i32
    %add3A_128 = arith.addi %add3A_78, %add3A_127 : i32
    %add3A_129 = vector.broadcast %add3A_128 : i32 to vector<16xi32>
    %add3A_130 = arith.addi %iota3A, %add3A_129 : vector<16xi32>
    %swap3A_131 = arith.constant 96 : index
    %swap3A_132 = tpu.vector_load %arg8[%swap3A_131] {strides = array<i32>} : memref<128xi32, #tpu.memory_space<vmem>>, vector<16xi32>,
    %swap3A_133 = vector.shape_cast %swap3A_132 : vector<16xi32> to vector<16xi32>
    %swap3A_134 = vector.shape_cast %add3A_130 : vector<16xi32> to vector<16xi32>
    tpu.vector_store %arg8[%swap3A_131], %swap3A_134 {strides = array<i32>} : memref<128xi32, #tpu.memory_space<vmem>>, vector<16xi32>,
    %add3A_135 = arith.constant 112 : i32
    %add3A_136 = arith.addi %add3A_78, %add3A_135 : i32
    %add3A_137 = vector.broadcast %add3A_136 : i32 to vector<16xi32>
    %add3A_138 = arith.addi %iota3A, %add3A_137 : vector<16xi32>
    %swap3A_139 = arith.constant 112 : index
    %swap3A_140 = tpu.vector_load %arg8[%swap3A_139] {strides = array<i32>} : memref<128xi32, #tpu.memory_space<vmem>>, vector<16xi32>,
    %swap3A_141 = vector.shape_cast %swap3A_140 : vector<16xi32> to vector<16xi32>
    %swap3A_142 = vector.shape_cast %add3A_138 : vector<16xi32> to vector<16xi32>
    tpu.vector_store %arg8[%swap3A_139], %swap3A_142 {strides = array<i32>} : memref<128xi32, #tpu.memory_space<vmem>>, vector<16xi32>,
    %dma_start3A_143 = arith.constant 0 : i32
    %dma_start3A_144 = arith.constant 0 : i32
    %dma_start3A_145 = tpu.memref_slice %arg11[%dma_start3A_143, %dma_start3A_144] : memref<10240x128xf32, #tpu.memory_space<vmem_shared>> -> memref<10240x128xf32, #tpu.memory_space<vmem_shared>>
    tpu.enqueue_indirect_dma source(%arg9 : memref<128x128xf32, #tpu.memory_space<vmem>>) target(%dma_start3A_145 : memref<10240x128xf32, #tpu.memory_space<vmem_shared>>) offsets(%arg8 : memref<128xi32, #tpu.memory_space<vmem>>) semaphore(%arg12 : memref<!tpu.dma_semaphore, #tpu.memory_space<semaphore_mem>>)
    %dma_wait3A_146 = arith.constant 0 : i32
    %dma_wait3A_147 = arith.constant 0 : i32
    %dma_wait3A_148 = tpu.memref_slice %arg11[%dma_wait3A_146, %dma_wait3A_147] : memref<10240x128xf32, #tpu.memory_space<vmem_shared>> -> memref<10240x128xf32, #tpu.memory_space<vmem_shared>>
    tpu.wait_indirect_dma semaphore(%arg12 : memref<!tpu.dma_semaphore, #tpu.memory_space<semaphore_mem>>) src(%arg9 : memref<128x128xf32, #tpu.memory_space<vmem>>) dst(%dma_wait3A_148 : memref<10240x128xf32, #tpu.memory_space<vmem_shared>>)
    %add3A_149 = arith.constant 256 : i32
    %add3A_150 = arith.addi %mul3A_7, %add3A_149 : i32
    %add3A_151 = arith.constant 0 : i32
    %add3A_152 = arith.addi %add3A_150, %add3A_151 : i32
    %add3A_153 = vector.broadcast %add3A_152 : i32 to vector<16xi32>
    %add3A_154 = arith.addi %iota3A, %add3A_153 : vector<16xi32>
    %swap3A_155 = arith.constant 0 : index
    %swap3A_156 = tpu.vector_load %arg8[%swap3A_155] {strides = array<i32>} : memref<128xi32, #tpu.memory_space<vmem>>, vector<16xi32>,
    %swap3A_157 = vector.shape_cast %swap3A_156 : vector<16xi32> to vector<16xi32>
    %swap3A_158 = vector.shape_cast %add3A_154 : vector<16xi32> to vector<16xi32>
    tpu.vector_store %arg8[%swap3A_155], %swap3A_158 {strides = array<i32>} : memref<128xi32, #tpu.memory_space<vmem>>, vector<16xi32>,
    %add3A_159 = arith.constant 16 : i32
    %add3A_160 = arith.addi %add3A_150, %add3A_159 : i32
    %add3A_161 = vector.broadcast %add3A_160 : i32 to vector<16xi32>
    %add3A_162 = arith.addi %iota3A, %add3A_161 : vector<16xi32>
    %swap3A_163 = arith.constant 16 : index
    %swap3A_164 = tpu.vector_load %arg8[%swap3A_163] {strides = array<i32>} : memref<128xi32, #tpu.memory_space<vmem>>, vector<16xi32>,
    %swap3A_165 = vector.shape_cast %swap3A_164 : vector<16xi32> to vector<16xi32>
    %swap3A_166 = vector.shape_cast %add3A_162 : vector<16xi32> to vector<16xi32>
    tpu.vector_store %arg8[%swap3A_163], %swap3A_166 {strides = array<i32>} : memref<128xi32, #tpu.memory_space<vmem>>, vector<16xi32>,
    %add3A_167 = arith.constant 32 : i32
    %add3A_168 = arith.addi %add3A_150, %add3A_167 : i32
    %add3A_169 = vector.broadcast %add3A_168 : i32 to vector<16xi32>
    %add3A_170 = arith.addi %iota3A, %add3A_169 : vector<16xi32>
    %swap3A_171 = arith.constant 32 : index
    %swap3A_172 = tpu.vector_load %arg8[%swap3A_171] {strides = array<i32>} : memref<128xi32, #tpu.memory_space<vmem>>, vector<16xi32>,
    %swap3A_173 = vector.shape_cast %swap3A_172 : vector<16xi32> to vector<16xi32>
    %swap3A_174 = vector.shape_cast %add3A_170 : vector<16xi32> to vector<16xi32>
    tpu.vector_store %arg8[%swap3A_171], %swap3A_174 {strides = array<i32>} : memref<128xi32, #tpu.memory_space<vmem>>, vector<16xi32>,
    %add3A_175 = arith.constant 48 : i32
    %add3A_176 = arith.addi %add3A_150, %add3A_175 : i32
    %add3A_177 = vector.broadcast %add3A_176 : i32 to vector<16xi32>
    %add3A_178 = arith.addi %iota3A, %add3A_177 : vector<16xi32>
    %swap3A_179 = arith.constant 48 : index
    %swap3A_180 = tpu.vector_load %arg8[%swap3A_179] {strides = array<i32>} : memref<128xi32, #tpu.memory_space<vmem>>, vector<16xi32>,
    %swap3A_181 = vector.shape_cast %swap3A_180 : vector<16xi32> to vector<16xi32>
    %swap3A_182 = vector.shape_cast %add3A_178 : vector<16xi32> to vector<16xi32>
    tpu.vector_store %arg8[%swap3A_179], %swap3A_182 {strides = array<i32>} : memref<128xi32, #tpu.memory_space<vmem>>, vector<16xi32>,
    %add3A_183 = arith.constant 64 : i32
    %add3A_184 = arith.addi %add3A_150, %add3A_183 : i32
    %add3A_185 = vector.broadcast %add3A_184 : i32 to vector<16xi32>
    %add3A_186 = arith.addi %iota3A, %add3A_185 : vector<16xi32>
    %swap3A_187 = arith.constant 64 : index
    %swap3A_188 = tpu.vector_load %arg8[%swap3A_187] {strides = array<i32>} : memref<128xi32, #tpu.memory_space<vmem>>, vector<16xi32>,
    %swap3A_189 = vector.shape_cast %swap3A_188 : vector<16xi32> to vector<16xi32>
    %swap3A_190 = vector.shape_cast %add3A_186 : vector<16xi32> to vector<16xi32>
    tpu.vector_store %arg8[%swap3A_187], %swap3A_190 {strides = array<i32>} : memref<128xi32, #tpu.memory_space<vmem>>, vector<16xi32>,
    %add3A_191 = arith.constant 80 : i32
    %add3A_192 = arith.addi %add3A_150, %add3A_191 : i32
    %add3A_193 = vector.broadcast %add3A_192 : i32 to vector<16xi32>
    %add3A_194 = arith.addi %iota3A, %add3A_193 : vector<16xi32>
    %swap3A_195 = arith.constant 80 : index
    %swap3A_196 = tpu.vector_load %arg8[%swap3A_195] {strides = array<i32>} : memref<128xi32, #tpu.memory_space<vmem>>, vector<16xi32>,
    %swap3A_197 = vector.shape_cast %swap3A_196 : vector<16xi32> to vector<16xi32>
    %swap3A_198 = vector.shape_cast %add3A_194 : vector<16xi32> to vector<16xi32>
    tpu.vector_store %arg8[%swap3A_195], %swap3A_198 {strides = array<i32>} : memref<128xi32, #tpu.memory_space<vmem>>, vector<16xi32>,
    %add3A_199 = arith.constant 96 : i32
    %add3A_200 = arith.addi %add3A_150, %add3A_199 : i32
    %add3A_201 = vector.broadcast %add3A_200 : i32 to vector<16xi32>
    %add3A_202 = arith.addi %iota3A, %add3A_201 : vector<16xi32>
    %swap3A_203 = arith.constant 96 : index
    %swap3A_204 = tpu.vector_load %arg8[%swap3A_203] {strides = array<i32>} : memref<128xi32, #tpu.memory_space<vmem>>, vector<16xi32>,
    %swap3A_205 = vector.shape_cast %swap3A_204 : vector<16xi32> to vector<16xi32>
    %swap3A_206 = vector.shape_cast %add3A_202 : vector<16xi32> to vector<16xi32>
    tpu.vector_store %arg8[%swap3A_203], %swap3A_206 {strides = array<i32>} : memref<128xi32, #tpu.memory_space<vmem>>, vector<16xi32>,
    %add3A_207 = arith.constant 112 : i32
    %add3A_208 = arith.addi %add3A_150, %add3A_207 : i32
    %add3A_209 = vector.broadcast %add3A_208 : i32 to vector<16xi32>
    %add3A_210 = arith.addi %iota3A, %add3A_209 : vector<16xi32>
    %swap3A_211 = arith.constant 112 : index
    %swap3A_212 = tpu.vector_load %arg8[%swap3A_211] {strides = array<i32>} : memref<128xi32, #tpu.memory_space<vmem>>, vector<16xi32>,
    %swap3A_213 = vector.shape_cast %swap3A_212 : vector<16xi32> to vector<16xi32>
    %swap3A_214 = vector.shape_cast %add3A_210 : vector<16xi32> to vector<16xi32>
    tpu.vector_store %arg8[%swap3A_211], %swap3A_214 {strides = array<i32>} : memref<128xi32, #tpu.memory_space<vmem>>, vector<16xi32>,
    %dma_start3A_215 = arith.constant 0 : i32
    %dma_start3A_216 = arith.constant 0 : i32
    %dma_start3A_217 = tpu.memref_slice %arg11[%dma_start3A_215, %dma_start3A_216] : memref<10240x128xf32, #tpu.memory_space<vmem_shared>> -> memref<10240x128xf32, #tpu.memory_space<vmem_shared>>
    tpu.enqueue_indirect_dma source(%arg9 : memref<128x128xf32, #tpu.memory_space<vmem>>) target(%dma_start3A_217 : memref<10240x128xf32, #tpu.memory_space<vmem_shared>>) offsets(%arg8 : memref<128xi32, #tpu.memory_space<vmem>>) semaphore(%arg12 : memref<!tpu.dma_semaphore, #tpu.memory_space<semaphore_mem>>)
    %dma_wait3A_218 = arith.constant 0 : i32
    %dma_wait3A_219 = arith.constant 0 : i32
    %dma_wait3A_220 = tpu.memref_slice %arg11[%dma_wait3A_218, %dma_wait3A_219] : memref<10240x128xf32, #tpu.memory_space<vmem_shared>> -> memref<10240x128xf32, #tpu.memory_space<vmem_shared>>
    tpu.wait_indirect_dma semaphore(%arg12 : memref<!tpu.dma_semaphore, #tpu.memory_space<semaphore_mem>>) src(%arg9 : memref<128x128xf32, #tpu.memory_space<vmem>>) dst(%dma_wait3A_220 : memref<10240x128xf32, #tpu.memory_space<vmem_shared>>)
    %add3A_221 = arith.constant 384 : i32
    %add3A_222 = arith.addi %mul3A_7, %add3A_221 : i32
    %add3A_223 = arith.constant 0 : i32
    %add3A_224 = arith.addi %add3A_222, %add3A_223 : i32
    %add3A_225 = vector.broadcast %add3A_224 : i32 to vector<16xi32>
    %add3A_226 = arith.addi %iota3A, %add3A_225 : vector<16xi32>
    %swap3A_227 = arith.constant 0 : index
    %swap3A_228 = tpu.vector_load %arg8[%swap3A_227] {strides = array<i32>} : memref<128xi32, #tpu.memory_space<vmem>>, vector<16xi32>,
    %swap3A_229 = vector.shape_cast %swap3A_228 : vector<16xi32> to vector<16xi32>
    %swap3A_230 = vector.shape_cast %add3A_226 : vector<16xi32> to vector<16xi32>
    tpu.vector_store %arg8[%swap3A_227], %swap3A_230 {strides = array<i32>} : memref<128xi32, #tpu.memory_space<vmem>>, vector<16xi32>,
    %add3A_231 = arith.constant 16 : i32
    %add3A_232 = arith.addi %add3A_222, %add3A_231 : i32
    %add3A_233 = vector.broadcast %add3A_232 : i32 to vector<16xi32>
    %add3A_234 = arith.addi %iota3A, %add3A_233 : vector<16xi32>
    %swap3A_235 = arith.constant 16 : index
    %swap3A_236 = tpu.vector_load %arg8[%swap3A_235] {strides = array<i32>} : memref<128xi32, #tpu.memory_space<vmem>>, vector<16xi32>,
    %swap3A_237 = vector.shape_cast %swap3A_236 : vector<16xi32> to vector<16xi32>
    %swap3A_238 = vector.shape_cast %add3A_234 : vector<16xi32> to vector<16xi32>
    tpu.vector_store %arg8[%swap3A_235], %swap3A_238 {strides = array<i32>} : memref<128xi32, #tpu.memory_space<vmem>>, vector<16xi32>,
    %add3A_239 = arith.constant 32 : i32
    %add3A_240 = arith.addi %add3A_222, %add3A_239 : i32
    %add3A_241 = vector.broadcast %add3A_240 : i32 to vector<16xi32>
    %add3A_242 = arith.addi %iota3A, %add3A_241 : vector<16xi32>
    %swap3A_243 = arith.constant 32 : index
    %swap3A_244 = tpu.vector_load %arg8[%swap3A_243] {strides = array<i32>} : memref<128xi32, #tpu.memory_space<vmem>>, vector<16xi32>,
    %swap3A_245 = vector.shape_cast %swap3A_244 : vector<16xi32> to vector<16xi32>
    %swap3A_246 = vector.shape_cast %add3A_242 : vector<16xi32> to vector<16xi32>
    tpu.vector_store %arg8[%swap3A_243], %swap3A_246 {strides = array<i32>} : memref<128xi32, #tpu.memory_space<vmem>>, vector<16xi32>,
    %add3A_247 = arith.constant 48 : i32
    %add3A_248 = arith.addi %add3A_222, %add3A_247 : i32
    %add3A_249 = vector.broadcast %add3A_248 : i32 to vector<16xi32>
    %add3A_250 = arith.addi %iota3A, %add3A_249 : vector<16xi32>
    %swap3A_251 = arith.constant 48 : index
    %swap3A_252 = tpu.vector_load %arg8[%swap3A_251] {strides = array<i32>} : memref<128xi32, #tpu.memory_space<vmem>>, vector<16xi32>,
    %swap3A_253 = vector.shape_cast %swap3A_252 : vector<16xi32> to vector<16xi32>
    %swap3A_254 = vector.shape_cast %add3A_250 : vector<16xi32> to vector<16xi32>
    tpu.vector_store %arg8[%swap3A_251], %swap3A_254 {strides = array<i32>} : memref<128xi32, #tpu.memory_space<vmem>>, vector<16xi32>,
    %add3A_255 = arith.constant 64 : i32
    %add3A_256 = arith.addi %add3A_222, %add3A_255 : i32
    %add3A_257 = vector.broadcast %add3A_256 : i32 to vector<16xi32>
    %add3A_258 = arith.addi %iota3A, %add3A_257 : vector<16xi32>
    %swap3A_259 = arith.constant 64 : index
    %swap3A_260 = tpu.vector_load %arg8[%swap3A_259] {strides = array<i32>} : memref<128xi32, #tpu.memory_space<vmem>>, vector<16xi32>,
    %swap3A_261 = vector.shape_cast %swap3A_260 : vector<16xi32> to vector<16xi32>
    %swap3A_262 = vector.shape_cast %add3A_258 : vector<16xi32> to vector<16xi32>
    tpu.vector_store %arg8[%swap3A_259], %swap3A_262 {strides = array<i32>} : memref<128xi32, #tpu.memory_space<vmem>>, vector<16xi32>,
    %add3A_263 = arith.constant 80 : i32
    %add3A_264 = arith.addi %add3A_222, %add3A_263 : i32
    %add3A_265 = vector.broadcast %add3A_264 : i32 to vector<16xi32>
    %add3A_266 = arith.addi %iota3A, %add3A_265 : vector<16xi32>
    %swap3A_267 = arith.constant 80 : index
    %swap3A_268 = tpu.vector_load %arg8[%swap3A_267] {strides = array<i32>} : memref<128xi32, #tpu.memory_space<vmem>>, vector<16xi32>,
    %swap3A_269 = vector.shape_cast %swap3A_268 : vector<16xi32> to vector<16xi32>
    %swap3A_270 = vector.shape_cast %add3A_266 : vector<16xi32> to vector<16xi32>
    tpu.vector_store %arg8[%swap3A_267], %swap3A_270 {strides = array<i32>} : memref<128xi32, #tpu.memory_space<vmem>>, vector<16xi32>,
    %add3A_271 = arith.constant 96 : i32
    %add3A_272 = arith.addi %add3A_222, %add3A_271 : i32
    %add3A_273 = vector.broadcast %add3A_272 : i32 to vector<16xi32>
    %add3A_274 = arith.addi %iota3A, %add3A_273 : vector<16xi32>
    %swap3A_275 = arith.constant 96 : index
    %swap3A_276 = tpu.vector_load %arg8[%swap3A_275] {strides = array<i32>} : memref<128xi32, #tpu.memory_space<vmem>>, vector<16xi32>,
    %swap3A_277 = vector.shape_cast %swap3A_276 : vector<16xi32> to vector<16xi32>
    %swap3A_278 = vector.shape_cast %add3A_274 : vector<16xi32> to vector<16xi32>
    tpu.vector_store %arg8[%swap3A_275], %swap3A_278 {strides = array<i32>} : memref<128xi32, #tpu.memory_space<vmem>>, vector<16xi32>,
    %add3A_279 = arith.constant 112 : i32
    %add3A_280 = arith.addi %add3A_222, %add3A_279 : i32
    %add3A_281 = vector.broadcast %add3A_280 : i32 to vector<16xi32>
    %add3A_282 = arith.addi %iota3A, %add3A_281 : vector<16xi32>
    %swap3A_283 = arith.constant 112 : index
    %swap3A_284 = tpu.vector_load %arg8[%swap3A_283] {strides = array<i32>} : memref<128xi32, #tpu.memory_space<vmem>>, vector<16xi32>,
    %swap3A_285 = vector.shape_cast %swap3A_284 : vector<16xi32> to vector<16xi32>
    %swap3A_286 = vector.shape_cast %add3A_282 : vector<16xi32> to vector<16xi32>
    tpu.vector_store %arg8[%swap3A_283], %swap3A_286 {strides = array<i32>} : memref<128xi32, #tpu.memory_space<vmem>>, vector<16xi32>,
    %dma_start3A_287 = arith.constant 0 : i32
    %dma_start3A_288 = arith.constant 0 : i32
    %dma_start3A_289 = tpu.memref_slice %arg11[%dma_start3A_287, %dma_start3A_288] : memref<10240x128xf32, #tpu.memory_space<vmem_shared>> -> memref<10240x128xf32, #tpu.memory_space<vmem_shared>>
    tpu.enqueue_indirect_dma source(%arg9 : memref<128x128xf32, #tpu.memory_space<vmem>>) target(%dma_start3A_289 : memref<10240x128xf32, #tpu.memory_space<vmem_shared>>) offsets(%arg8 : memref<128xi32, #tpu.memory_space<vmem>>) semaphore(%arg12 : memref<!tpu.dma_semaphore, #tpu.memory_space<semaphore_mem>>)
    %dma_wait3A_290 = arith.constant 0 : i32
    %dma_wait3A_291 = arith.constant 0 : i32
    %dma_wait3A_292 = tpu.memref_slice %arg11[%dma_wait3A_290, %dma_wait3A_291] : memref<10240x128xf32, #tpu.memory_space<vmem_shared>> -> memref<10240x128xf32, #tpu.memory_space<vmem_shared>>
    tpu.wait_indirect_dma semaphore(%arg12 : memref<!tpu.dma_semaphore, #tpu.memory_space<semaphore_mem>>) src(%arg9 : memref<128x128xf32, #tpu.memory_space<vmem>>) dst(%dma_wait3A_292 : memref<10240x128xf32, #tpu.memory_space<vmem_shared>>)
    %add3A_293 = arith.constant 512 : i32
    %add3A_294 = arith.addi %mul3A_7, %add3A_293 : i32
    %add3A_295 = arith.constant 0 : i32
    %add3A_296 = arith.addi %add3A_294, %add3A_295 : i32
    %add3A_297 = vector.broadcast %add3A_296 : i32 to vector<16xi32>
    %add3A_298 = arith.addi %iota3A, %add3A_297 : vector<16xi32>
    %swap3A_299 = arith.constant 0 : index
    %swap3A_300 = tpu.vector_load %arg8[%swap3A_299] {strides = array<i32>} : memref<128xi32, #tpu.memory_space<vmem>>, vector<16xi32>,
    %swap3A_301 = vector.shape_cast %swap3A_300 : vector<16xi32> to vector<16xi32>
    %swap3A_302 = vector.shape_cast %add3A_298 : vector<16xi32> to vector<16xi32>
    tpu.vector_store %arg8[%swap3A_299], %swap3A_302 {strides = array<i32>} : memref<128xi32, #tpu.memory_space<vmem>>, vector<16xi32>,
    %add3A_303 = arith.constant 16 : i32
    %add3A_304 = arith.addi %add3A_294, %add3A_303 : i32
    %add3A_305 = vector.broadcast %add3A_304 : i32 to vector<16xi32>
    %add3A_306 = arith.addi %iota3A, %add3A_305 : vector<16xi32>
    %swap3A_307 = arith.constant 16 : index
    %swap3A_308 = tpu.vector_load %arg8[%swap3A_307] {strides = array<i32>} : memref<128xi32, #tpu.memory_space<vmem>>, vector<16xi32>,
    %swap3A_309 = vector.shape_cast %swap3A_308 : vector<16xi32> to vector<16xi32>
    %swap3A_310 = vector.shape_cast %add3A_306 : vector<16xi32> to vector<16xi32>
    tpu.vector_store %arg8[%swap3A_307], %swap3A_310 {strides = array<i32>} : memref<128xi32, #tpu.memory_space<vmem>>, vector<16xi32>,
    %add3A_311 = arith.constant 32 : i32
    %add3A_312 = arith.addi %add3A_294, %add3A_311 : i32
    %add3A_313 = vector.broadcast %add3A_312 : i32 to vector<16xi32>
    %add3A_314 = arith.addi %iota3A, %add3A_313 : vector<16xi32>
    %swap3A_315 = arith.constant 32 : index
    %swap3A_316 = tpu.vector_load %arg8[%swap3A_315] {strides = array<i32>} : memref<128xi32, #tpu.memory_space<vmem>>, vector<16xi32>,
    %swap3A_317 = vector.shape_cast %swap3A_316 : vector<16xi32> to vector<16xi32>
    %swap3A_318 = vector.shape_cast %add3A_314 : vector<16xi32> to vector<16xi32>
    tpu.vector_store %arg8[%swap3A_315], %swap3A_318 {strides = array<i32>} : memref<128xi32, #tpu.memory_space<vmem>>, vector<16xi32>,
    %add3A_319 = arith.constant 48 : i32
    %add3A_320 = arith.addi %add3A_294, %add3A_319 : i32
    %add3A_321 = vector.broadcast %add3A_320 : i32 to vector<16xi32>
    %add3A_322 = arith.addi %iota3A, %add3A_321 : vector<16xi32>
    %swap3A_323 = arith.constant 48 : index
    %swap3A_324 = tpu.vector_load %arg8[%swap3A_323] {strides = array<i32>} : memref<128xi32, #tpu.memory_space<vmem>>, vector<16xi32>,
    %swap3A_325 = vector.shape_cast %swap3A_324 : vector<16xi32> to vector<16xi32>
    %swap3A_326 = vector.shape_cast %add3A_322 : vector<16xi32> to vector<16xi32>
    tpu.vector_store %arg8[%swap3A_323], %swap3A_326 {strides = array<i32>} : memref<128xi32, #tpu.memory_space<vmem>>, vector<16xi32>,
    %add3A_327 = arith.constant 64 : i32
    %add3A_328 = arith.addi %add3A_294, %add3A_327 : i32
    %add3A_329 = vector.broadcast %add3A_328 : i32 to vector<16xi32>
    %add3A_330 = arith.addi %iota3A, %add3A_329 : vector<16xi32>
    %swap3A_331 = arith.constant 64 : index
    %swap3A_332 = tpu.vector_load %arg8[%swap3A_331] {strides = array<i32>} : memref<128xi32, #tpu.memory_space<vmem>>, vector<16xi32>,
    %swap3A_333 = vector.shape_cast %swap3A_332 : vector<16xi32> to vector<16xi32>
    %swap3A_334 = vector.shape_cast %add3A_330 : vector<16xi32> to vector<16xi32>
    tpu.vector_store %arg8[%swap3A_331], %swap3A_334 {strides = array<i32>} : memref<128xi32, #tpu.memory_space<vmem>>, vector<16xi32>,
    %add3A_335 = arith.constant 80 : i32
    %add3A_336 = arith.addi %add3A_294, %add3A_335 : i32
    %add3A_337 = vector.broadcast %add3A_336 : i32 to vector<16xi32>
    %add3A_338 = arith.addi %iota3A, %add3A_337 : vector<16xi32>
    %swap3A_339 = arith.constant 80 : index
    %swap3A_340 = tpu.vector_load %arg8[%swap3A_339] {strides = array<i32>} : memref<128xi32, #tpu.memory_space<vmem>>, vector<16xi32>,
    %swap3A_341 = vector.shape_cast %swap3A_340 : vector<16xi32> to vector<16xi32>
    %swap3A_342 = vector.shape_cast %add3A_338 : vector<16xi32> to vector<16xi32>
    tpu.vector_store %arg8[%swap3A_339], %swap3A_342 {strides = array<i32>} : memref<128xi32, #tpu.memory_space<vmem>>, vector<16xi32>,
    %add3A_343 = arith.constant 96 : i32
    %add3A_344 = arith.addi %add3A_294, %add3A_343 : i32
    %add3A_345 = vector.broadcast %add3A_344 : i32 to vector<16xi32>
    %add3A_346 = arith.addi %iota3A, %add3A_345 : vector<16xi32>
    %swap3A_347 = arith.constant 96 : index
    %swap3A_348 = tpu.vector_load %arg8[%swap3A_347] {strides = array<i32>} : memref<128xi32, #tpu.memory_space<vmem>>, vector<16xi32>,
    %swap3A_349 = vector.shape_cast %swap3A_348 : vector<16xi32> to vector<16xi32>
    %swap3A_350 = vector.shape_cast %add3A_346 : vector<16xi32> to vector<16xi32>
    tpu.vector_store %arg8[%swap3A_347], %swap3A_350 {strides = array<i32>} : memref<128xi32, #tpu.memory_space<vmem>>, vector<16xi32>,
    %add3A_351 = arith.constant 112 : i32
    %add3A_352 = arith.addi %add3A_294, %add3A_351 : i32
    %add3A_353 = vector.broadcast %add3A_352 : i32 to vector<16xi32>
    %add3A_354 = arith.addi %iota3A, %add3A_353 : vector<16xi32>
    %swap3A_355 = arith.constant 112 : index
    %swap3A_356 = tpu.vector_load %arg8[%swap3A_355] {strides = array<i32>} : memref<128xi32, #tpu.memory_space<vmem>>, vector<16xi32>,
    %swap3A_357 = vector.shape_cast %swap3A_356 : vector<16xi32> to vector<16xi32>
    %swap3A_358 = vector.shape_cast %add3A_354 : vector<16xi32> to vector<16xi32>
    tpu.vector_store %arg8[%swap3A_355], %swap3A_358 {strides = array<i32>} : memref<128xi32, #tpu.memory_space<vmem>>, vector<16xi32>,
    %dma_start3A_359 = arith.constant 0 : i32
    %dma_start3A_360 = arith.constant 0 : i32
    %dma_start3A_361 = tpu.memref_slice %arg11[%dma_start3A_359, %dma_start3A_360] : memref<10240x128xf32, #tpu.memory_space<vmem_shared>> -> memref<10240x128xf32, #tpu.memory_space<vmem_shared>>
    tpu.enqueue_indirect_dma source(%arg9 : memref<128x128xf32, #tpu.memory_space<vmem>>) target(%dma_start3A_361 : memref<10240x128xf32, #tpu.memory_space<vmem_shared>>) offsets(%arg8 : memref<128xi32, #tpu.memory_space<vmem>>) semaphore(%arg12 : memref<!tpu.dma_semaphore, #tpu.memory_space<semaphore_mem>>)
    %dma_wait3A_362 = arith.constant 0 : i32
    %dma_wait3A_363 = arith.constant 0 : i32
    %dma_wait3A_364 = tpu.memref_slice %arg11[%dma_wait3A_362, %dma_wait3A_363] : memref<10240x128xf32, #tpu.memory_space<vmem_shared>> -> memref<10240x128xf32, #tpu.memory_space<vmem_shared>>
    tpu.wait_indirect_dma semaphore(%arg12 : memref<!tpu.dma_semaphore, #tpu.memory_space<semaphore_mem>>) src(%arg9 : memref<128x128xf32, #tpu.memory_space<vmem>>) dst(%dma_wait3A_364 : memref<10240x128xf32, #tpu.memory_space<vmem_shared>>)
    %barrier3A = arith.constant 0 : index
    tpu.barrier barrier_id(%barrier3A)
    %mul3A_365 = arith.constant 80 : i32
    %mul3A_366 = arith.muli %add3A, %mul3A_365 : i32
    %add3A_367 = arith.constant 0 : i32
    %add3A_368 = arith.addi %mul3A_366, %add3A_367 : i32
    "tpu.region"() ({
      %run_scoped3A = tpu.sem_alloc : memref<!tpu.dma_semaphore, #tpu.memory_space<semaphore_mem>>
      %dma_start3A_786 = arith.constant 0 : i32
      %dma_start3A_787 = tpu.memref_slice %arg4[%add3A_368, %dma_start3A_786] : memref<2560x128xi32, #tpu.memory_space<hbm>> -> memref<16x128xi32, #tpu.memory_space<hbm>>
      %dma_start3A_788 = arith.constant 0 : i32
      %dma_start3A_789 = tpu.memref_slice %arg4[%add3A_368, %dma_start3A_788] : memref<2560x128xi32, #tpu.memory_space<hbm>> -> memref<16x128xi32, #tpu.memory_space<hbm>>
      tpu.enqueue_dma source(%dma_start3A_789 : memref<16x128xi32, #tpu.memory_space<hbm>>) target(%arg7 : memref<16x128xi32, #tpu.memory_space<vmem>>) target_semaphore(%run_scoped3A : memref<!tpu.dma_semaphore, #tpu.memory_space<semaphore_mem>>)
      %dma_wait3A_790 = arith.constant 0 : i32
      %dma_wait3A_791 = tpu.memref_slice %arg4[%add3A_368, %dma_wait3A_790] : memref<2560x128xi32, #tpu.memory_space<hbm>> -> memref<16x128xi32, #tpu.memory_space<hbm>>
      %dma_wait3A_792 = arith.constant 0 : i32
      %dma_wait3A_793 = tpu.memref_slice %arg4[%add3A_368, %dma_wait3A_792] : memref<2560x128xi32, #tpu.memory_space<hbm>> -> memref<16x128xi32, #tpu.memory_space<hbm>>
      tpu.wait_dma2 semaphore(%run_scoped3A : memref<!tpu.dma_semaphore, #tpu.memory_space<semaphore_mem>>) src(%dma_wait3A_793 : memref<16x128xi32, #tpu.memory_space<hbm>>) dst(%arg7 : memref<16x128xi32, #tpu.memory_space<vmem>>)
      tpu.yield
    }) : () -> ()
    %add3A_369 = arith.constant 0 : i32
    %add3A_370 = arith.addi %mul3A_366, %add3A_369 : i32
    "tpu.region"() ({
      %run_scoped3A = tpu.sem_alloc : memref<!tpu.dma_semaphore, #tpu.memory_space<semaphore_mem>>
      %dma_start3A_786 = arith.constant 0 : i32
      %dma_start3A_787 = tpu.memref_slice %arg3[%add3A_370, %dma_start3A_786] : memref<2560x128xi32, #tpu.memory_space<hbm>> -> memref<16x128xi32, #tpu.memory_space<hbm>>
      %dma_start3A_788 = arith.constant 0 : i32
      %dma_start3A_789 = tpu.memref_slice %arg3[%add3A_370, %dma_start3A_788] : memref<2560x128xi32, #tpu.memory_space<hbm>> -> memref<16x128xi32, #tpu.memory_space<hbm>>
      tpu.enqueue_dma source(%dma_start3A_789 : memref<16x128xi32, #tpu.memory_space<hbm>>) target(%arg6 : memref<16x128xi32, #tpu.memory_space<vmem>>) target_semaphore(%run_scoped3A : memref<!tpu.dma_semaphore, #tpu.memory_space<semaphore_mem>>)
      %dma_wait3A_790 = arith.constant 0 : i32
      %dma_wait3A_791 = tpu.memref_slice %arg3[%add3A_370, %dma_wait3A_790] : memref<2560x128xi32, #tpu.memory_space<hbm>> -> memref<16x128xi32, #tpu.memory_space<hbm>>
      %dma_wait3A_792 = arith.constant 0 : i32
      %dma_wait3A_793 = tpu.memref_slice %arg3[%add3A_370, %dma_wait3A_792] : memref<2560x128xi32, #tpu.memory_space<hbm>> -> memref<16x128xi32, #tpu.memory_space<hbm>>
      tpu.wait_dma2 semaphore(%run_scoped3A : memref<!tpu.dma_semaphore, #tpu.memory_space<semaphore_mem>>) src(%dma_wait3A_793 : memref<16x128xi32, #tpu.memory_space<hbm>>) dst(%arg6 : memref<16x128xi32, #tpu.memory_space<vmem>>)
      tpu.yield
    }) : () -> ()
    %scan3A_371 = arith.constant 0 : i32
    %scan3A_372 = arith.constant 8 : i32
    %scan3A_373 = arith.addi %scan3A_371, %scan3A_372 : i32
    %scan3A_374 = arith.constant 1 : i32
    scf.for %scan3A_786 = %scan3A_371 to %scan3A_373 step %scan3A_374  : i32 {
      %mul3A_787 = arith.constant 1 : i32
      %mul3A_788 = arith.muli %scan3A_786, %mul3A_787 : i32
      %add3A_789 = arith.constant 0 : i32
      %add3A_790 = arith.addi %add3A_789, %mul3A_788 : i32
      %mul3A_791 = arith.constant 2 : i32
      %mul3A_792 = arith.muli %mul3A_791, %add3A_790 : i32
      %dma_start3A_793 = arith.constant 0 : i32
      %dma_start3A_794 = tpu.memref_slice %arg6[%mul3A_792, %dma_start3A_793] : memref<16x128xi32, #tpu.memory_space<vmem>> -> memref<1x128xi32, #tpu.memory_space<vmem>>
      %dma_start3A_795 = tpu.memref_squeeze %dma_start3A_794 : memref<1x128xi32, #tpu.memory_space<vmem>> -> memref<128xi32, #tpu.memory_space<vmem>>
      %dma_start3A_796 = arith.constant 0 : i32
      %dma_start3A_797 = arith.constant 0 : i32
      %dma_start3A_798 = tpu.memref_slice %arg2[%dma_start3A_796, %dma_start3A_797] : memref<10000x128xf32, #tpu.memory_space<hbm>> -> memref<10000x128xf32, #tpu.memory_space<hbm>>
      tpu.enqueue_indirect_dma source(%dma_start3A_798 : memref<10000x128xf32, #tpu.memory_space<hbm>>) target(%arg9 : memref<128x128xf32, #tpu.memory_space<vmem>>) offsets(%dma_start3A_795 : memref<128xi32, #tpu.memory_space<vmem>>) semaphore(%arg12 : memref<!tpu.dma_semaphore, #tpu.memory_space<semaphore_mem>>)
      %mul3A_799 = arith.constant 2 : i32
      %mul3A_800 = arith.muli %mul3A_799, %add3A_790 : i32
      %add3A_801 = arith.constant 1 : i32
      %add3A_802 = arith.addi %mul3A_800, %add3A_801 : i32
      %dma_start3A_803 = arith.constant 0 : i32
      %dma_start3A_804 = tpu.memref_slice %arg6[%add3A_802, %dma_start3A_803] : memref<16x128xi32, #tpu.memory_space<vmem>> -> memref<1x128xi32, #tpu.memory_space<vmem>>
      %dma_start3A_805 = tpu.memref_squeeze %dma_start3A_804 : memref<1x128xi32, #tpu.memory_space<vmem>> -> memref<128xi32, #tpu.memory_space<vmem>>
      %dma_start3A_806 = arith.constant 0 : i32
      %dma_start3A_807 = arith.constant 0 : i32
      %dma_start3A_808 = tpu.memref_slice %arg2[%dma_start3A_806, %dma_start3A_807] : memref<10000x128xf32, #tpu.memory_space<hbm>> -> memref<10000x128xf32, #tpu.memory_space<hbm>>
      tpu.enqueue_indirect_dma source(%dma_start3A_808 : memref<10000x128xf32, #tpu.memory_space<hbm>>) target(%arg10 : memref<128x128xf32, #tpu.memory_space<vmem>>) offsets(%dma_start3A_805 : memref<128xi32, #tpu.memory_space<vmem>>) semaphore(%arg13 : memref<!tpu.dma_semaphore, #tpu.memory_space<semaphore_mem>>)
      %dma_wait3A_809 = arith.constant 0 : i32
      %dma_wait3A_810 = tpu.memref_slice %arg6[%mul3A_792, %dma_wait3A_809] : memref<16x128xi32, #tpu.memory_space<vmem>> -> memref<1x128xi32, #tpu.memory_space<vmem>>
      %dma_wait3A_811 = tpu.memref_squeeze %dma_wait3A_810 : memref<1x128xi32, #tpu.memory_space<vmem>> -> memref<128xi32, #tpu.memory_space<vmem>>
      %dma_wait3A_812 = arith.constant 0 : i32
      %dma_wait3A_813 = arith.constant 0 : i32
      %dma_wait3A_814 = tpu.memref_slice %arg2[%dma_wait3A_812, %dma_wait3A_813] : memref<10000x128xf32, #tpu.memory_space<hbm>> -> memref<10000x128xf32, #tpu.memory_space<hbm>>
      tpu.wait_indirect_dma semaphore(%arg12 : memref<!tpu.dma_semaphore, #tpu.memory_space<semaphore_mem>>) src(%dma_wait3A_814 : memref<10000x128xf32, #tpu.memory_space<hbm>>) dst(%arg9 : memref<128x128xf32, #tpu.memory_space<vmem>>)
      %mul3A_815 = arith.constant 2 : i32
      %mul3A_816 = arith.muli %mul3A_815, %add3A_790 : i32
      %dma_start3A_817 = arith.constant 0 : i32
      %dma_start3A_818 = tpu.memref_slice %arg7[%mul3A_816, %dma_start3A_817] : memref<16x128xi32, #tpu.memory_space<vmem>> -> memref<1x128xi32, #tpu.memory_space<vmem>>
      %dma_start3A_819 = tpu.memref_squeeze %dma_start3A_818 : memref<1x128xi32, #tpu.memory_space<vmem>> -> memref<128xi32, #tpu.memory_space<vmem>>
      %dma_start3A_820 = arith.constant 0 : i32
      %dma_start3A_821 = arith.constant 0 : i32
      %dma_start3A_822 = tpu.memref_slice %arg11[%dma_start3A_820, %dma_start3A_821] : memref<10240x128xf32, #tpu.memory_space<vmem_shared>> -> memref<10240x128xf32, #tpu.memory_space<vmem_shared>>
      tpu.enqueue_indirect_dma source(%arg9 : memref<128x128xf32, #tpu.memory_space<vmem>>) target(%dma_start3A_822 : memref<10240x128xf32, #tpu.memory_space<vmem_shared>>) offsets(%dma_start3A_819 : memref<128xi32, #tpu.memory_space<vmem>>) semaphore(%arg14 : memref<!tpu.dma_semaphore, #tpu.memory_space<semaphore_mem>>) {add = true}
      %dma_wait3A_823 = arith.constant 0 : i32
      %dma_wait3A_824 = tpu.memref_slice %arg6[%add3A_802, %dma_wait3A_823] : memref<16x128xi32, #tpu.memory_space<vmem>> -> memref<1x128xi32, #tpu.memory_space<vmem>>
      %dma_wait3A_825 = tpu.memref_squeeze %dma_wait3A_824 : memref<1x128xi32, #tpu.memory_space<vmem>> -> memref<128xi32, #tpu.memory_space<vmem>>
      %dma_wait3A_826 = arith.constant 0 : i32
      %dma_wait3A_827 = arith.constant 0 : i32
      %dma_wait3A_828 = tpu.memref_slice %arg2[%dma_wait3A_826, %dma_wait3A_827] : memref<10000x128xf32, #tpu.memory_space<hbm>> -> memref<10000x128xf32, #tpu.memory_space<hbm>>
      tpu.wait_indirect_dma semaphore(%arg13 : memref<!tpu.dma_semaphore, #tpu.memory_space<semaphore_mem>>) src(%dma_wait3A_828 : memref<10000x128xf32, #tpu.memory_space<hbm>>) dst(%arg10 : memref<128x128xf32, #tpu.memory_space<vmem>>)
      %dma_wait3A_829 = arith.constant 0 : i32
      %dma_wait3A_830 = tpu.memref_slice %arg7[%mul3A_816, %dma_wait3A_829] : memref<16x128xi32, #tpu.memory_space<vmem>> -> memref<1x128xi32, #tpu.memory_space<vmem>>
      %dma_wait3A_831 = tpu.memref_squeeze %dma_wait3A_830 : memref<1x128xi32, #tpu.memory_space<vmem>> -> memref<128xi32, #tpu.memory_space<vmem>>
      %dma_wait3A_832 = arith.constant 0 : i32
      %dma_wait3A_833 = arith.constant 0 : i32
      %dma_wait3A_834 = tpu.memref_slice %arg11[%dma_wait3A_832, %dma_wait3A_833] : memref<10240x128xf32, #tpu.memory_space<vmem_shared>> -> memref<10240x128xf32, #tpu.memory_space<vmem_shared>>
      tpu.wait_indirect_dma semaphore(%arg14 : memref<!tpu.dma_semaphore, #tpu.memory_space<semaphore_mem>>) src(%arg9 : memref<128x128xf32, #tpu.memory_space<vmem>>) dst(%dma_wait3A_834 : memref<10240x128xf32, #tpu.memory_space<vmem_shared>>)
      %mul3A_835 = arith.constant 2 : i32
      %mul3A_836 = arith.muli %mul3A_835, %add3A_790 : i32
      %add3A_837 = arith.constant 1 : i32
      %add3A_838 = arith.addi %mul3A_836, %add3A_837 : i32
      %dma_start3A_839 = arith.constant 0 : i32
      %dma_start3A_840 = tpu.memref_slice %arg7[%add3A_838, %dma_start3A_839] : memref<16x128xi32, #tpu.memory_space<vmem>> -> memref<1x128xi32, #tpu.memory_space<vmem>>
      %dma_start3A_841 = tpu.memref_squeeze %dma_start3A_840 : memref<1x128xi32, #tpu.memory_space<vmem>> -> memref<128xi32, #tpu.memory_space<vmem>>
      %dma_start3A_842 = arith.constant 0 : i32
      %dma_start3A_843 = arith.constant 0 : i32
      %dma_start3A_844 = tpu.memref_slice %arg11[%dma_start3A_842, %dma_start3A_843] : memref<10240x128xf32, #tpu.memory_space<vmem_shared>> -> memref<10240x128xf32, #tpu.memory_space<vmem_shared>>
      tpu.enqueue_indirect_dma source(%arg10 : memref<128x128xf32, #tpu.memory_space<vmem>>) target(%dma_start3A_844 : memref<10240x128xf32, #tpu.memory_space<vmem_shared>>) offsets(%dma_start3A_841 : memref<128xi32, #tpu.memory_space<vmem>>) semaphore(%arg14 : memref<!tpu.dma_semaphore, #tpu.memory_space<semaphore_mem>>) {add = true}
      %dma_wait3A_845 = arith.constant 0 : i32
      %dma_wait3A_846 = tpu.memref_slice %arg7[%add3A_838, %dma_wait3A_845] : memref<16x128xi32, #tpu.memory_space<vmem>> -> memref<1x128xi32, #tpu.memory_space<vmem>>
      %dma_wait3A_847 = tpu.memref_squeeze %dma_wait3A_846 : memref<1x128xi32, #tpu.memory_space<vmem>> -> memref<128xi32, #tpu.memory_space<vmem>>
      %dma_wait3A_848 = arith.constant 0 : i32
      %dma_wait3A_849 = arith.constant 0 : i32
      %dma_wait3A_850 = tpu.memref_slice %arg11[%dma_wait3A_848, %dma_wait3A_849] : memref<10240x128xf32, #tpu.memory_space<vmem_shared>> -> memref<10240x128xf32, #tpu.memory_space<vmem_shared>>
      tpu.wait_indirect_dma semaphore(%arg14 : memref<!tpu.dma_semaphore, #tpu.memory_space<semaphore_mem>>) src(%arg10 : memref<128x128xf32, #tpu.memory_space<vmem>>) dst(%dma_wait3A_850 : memref<10240x128xf32, #tpu.memory_space<vmem_shared>>)
    }
    %scan3A_375 = arith.constant 8 : i32
    %add3A_376 = arith.constant 16 : i32
    %add3A_377 = arith.addi %mul3A_366, %add3A_376 : i32
    "tpu.region"() ({
      %run_scoped3A = tpu.sem_alloc : memref<!tpu.dma_semaphore, #tpu.memory_space<semaphore_mem>>
      %dma_start3A_786 = arith.constant 0 : i32
      %dma_start3A_787 = tpu.memref_slice %arg4[%add3A_377, %dma_start3A_786] : memref<2560x128xi32, #tpu.memory_space<hbm>> -> memref<16x128xi32, #tpu.memory_space<hbm>>
      %dma_start3A_788 = arith.constant 0 : i32
      %dma_start3A_789 = tpu.memref_slice %arg4[%add3A_377, %dma_start3A_788] : memref<2560x128xi32, #tpu.memory_space<hbm>> -> memref<16x128xi32, #tpu.memory_space<hbm>>
      tpu.enqueue_dma source(%dma_start3A_789 : memref<16x128xi32, #tpu.memory_space<hbm>>) target(%arg7 : memref<16x128xi32, #tpu.memory_space<vmem>>) target_semaphore(%run_scoped3A : memref<!tpu.dma_semaphore, #tpu.memory_space<semaphore_mem>>)
      %dma_wait3A_790 = arith.constant 0 : i32
      %dma_wait3A_791 = tpu.memref_slice %arg4[%add3A_377, %dma_wait3A_790] : memref<2560x128xi32, #tpu.memory_space<hbm>> -> memref<16x128xi32, #tpu.memory_space<hbm>>
      %dma_wait3A_792 = arith.constant 0 : i32
      %dma_wait3A_793 = tpu.memref_slice %arg4[%add3A_377, %dma_wait3A_792] : memref<2560x128xi32, #tpu.memory_space<hbm>> -> memref<16x128xi32, #tpu.memory_space<hbm>>
      tpu.wait_dma2 semaphore(%run_scoped3A : memref<!tpu.dma_semaphore, #tpu.memory_space<semaphore_mem>>) src(%dma_wait3A_793 : memref<16x128xi32, #tpu.memory_space<hbm>>) dst(%arg7 : memref<16x128xi32, #tpu.memory_space<vmem>>)
      tpu.yield
    }) : () -> ()
    %add3A_378 = arith.constant 16 : i32
    %add3A_379 = arith.addi %mul3A_366, %add3A_378 : i32
    "tpu.region"() ({
      %run_scoped3A = tpu.sem_alloc : memref<!tpu.dma_semaphore, #tpu.memory_space<semaphore_mem>>
      %dma_start3A_786 = arith.constant 0 : i32
      %dma_start3A_787 = tpu.memref_slice %arg3[%add3A_379, %dma_start3A_786] : memref<2560x128xi32, #tpu.memory_space<hbm>> -> memref<16x128xi32, #tpu.memory_space<hbm>>
      %dma_start3A_788 = arith.constant 0 : i32
      %dma_start3A_789 = tpu.memref_slice %arg3[%add3A_379, %dma_start3A_788] : memref<2560x128xi32, #tpu.memory_space<hbm>> -> memref<16x128xi32, #tpu.memory_space<hbm>>
      tpu.enqueue_dma source(%dma_start3A_789 : memref<16x128xi32, #tpu.memory_space<hbm>>) target(%arg6 : memref<16x128xi32, #tpu.memory_space<vmem>>) target_semaphore(%run_scoped3A : memref<!tpu.dma_semaphore, #tpu.memory_space<semaphore_mem>>)
      %dma_wait3A_790 = arith.constant 0 : i32
      %dma_wait3A_791 = tpu.memref_slice %arg3[%add3A_379, %dma_wait3A_790] : memref<2560x128xi32, #tpu.memory_space<hbm>> -> memref<16x128xi32, #tpu.memory_space<hbm>>
      %dma_wait3A_792 = arith.constant 0 : i32
      %dma_wait3A_793 = tpu.memref_slice %arg3[%add3A_379, %dma_wait3A_792] : memref<2560x128xi32, #tpu.memory_space<hbm>> -> memref<16x128xi32, #tpu.memory_space<hbm>>
      tpu.wait_dma2 semaphore(%run_scoped3A : memref<!tpu.dma_semaphore, #tpu.memory_space<semaphore_mem>>) src(%dma_wait3A_793 : memref<16x128xi32, #tpu.memory_space<hbm>>) dst(%arg6 : memref<16x128xi32, #tpu.memory_space<vmem>>)
      tpu.yield
    }) : () -> ()
    %scan3A_380 = arith.constant 0 : i32
    %scan3A_381 = arith.constant 8 : i32
    %scan3A_382 = arith.addi %scan3A_380, %scan3A_381 : i32
    %scan3A_383 = arith.constant 1 : i32
    scf.for %scan3A_786 = %scan3A_380 to %scan3A_382 step %scan3A_383  : i32 {
      %mul3A_787 = arith.constant 1 : i32
      %mul3A_788 = arith.muli %scan3A_786, %mul3A_787 : i32
      %add3A_789 = arith.constant 0 : i32
      %add3A_790 = arith.addi %add3A_789, %mul3A_788 : i32
      %mul3A_791 = arith.constant 2 : i32
      %mul3A_792 = arith.muli %mul3A_791, %add3A_790 : i32
      %dma_start3A_793 = arith.constant 0 : i32
      %dma_start3A_794 = tpu.memref_slice %arg6[%mul3A_792, %dma_start3A_793] : memref<16x128xi32, #tpu.memory_space<vmem>> -> memref<1x128xi32, #tpu.memory_space<vmem>>
      %dma_start3A_795 = tpu.memref_squeeze %dma_start3A_794 : memref<1x128xi32, #tpu.memory_space<vmem>> -> memref<128xi32, #tpu.memory_space<vmem>>
      %dma_start3A_796 = arith.constant 0 : i32
      %dma_start3A_797 = arith.constant 0 : i32
      %dma_start3A_798 = tpu.memref_slice %arg2[%dma_start3A_796, %dma_start3A_797] : memref<10000x128xf32, #tpu.memory_space<hbm>> -> memref<10000x128xf32, #tpu.memory_space<hbm>>
      tpu.enqueue_indirect_dma source(%dma_start3A_798 : memref<10000x128xf32, #tpu.memory_space<hbm>>) target(%arg9 : memref<128x128xf32, #tpu.memory_space<vmem>>) offsets(%dma_start3A_795 : memref<128xi32, #tpu.memory_space<vmem>>) semaphore(%arg12 : memref<!tpu.dma_semaphore, #tpu.memory_space<semaphore_mem>>)
      %mul3A_799 = arith.constant 2 : i32
      %mul3A_800 = arith.muli %mul3A_799, %add3A_790 : i32
      %add3A_801 = arith.constant 1 : i32
      %add3A_802 = arith.addi %mul3A_800, %add3A_801 : i32
      %dma_start3A_803 = arith.constant 0 : i32
      %dma_start3A_804 = tpu.memref_slice %arg6[%add3A_802, %dma_start3A_803] : memref<16x128xi32, #tpu.memory_space<vmem>> -> memref<1x128xi32, #tpu.memory_space<vmem>>
      %dma_start3A_805 = tpu.memref_squeeze %dma_start3A_804 : memref<1x128xi32, #tpu.memory_space<vmem>> -> memref<128xi32, #tpu.memory_space<vmem>>
      %dma_start3A_806 = arith.constant 0 : i32
      %dma_start3A_807 = arith.constant 0 : i32
      %dma_start3A_808 = tpu.memref_slice %arg2[%dma_start3A_806, %dma_start3A_807] : memref<10000x128xf32, #tpu.memory_space<hbm>> -> memref<10000x128xf32, #tpu.memory_space<hbm>>
      tpu.enqueue_indirect_dma source(%dma_start3A_808 : memref<10000x128xf32, #tpu.memory_space<hbm>>) target(%arg10 : memref<128x128xf32, #tpu.memory_space<vmem>>) offsets(%dma_start3A_805 : memref<128xi32, #tpu.memory_space<vmem>>) semaphore(%arg13 : memref<!tpu.dma_semaphore, #tpu.memory_space<semaphore_mem>>)
      %dma_wait3A_809 = arith.constant 0 : i32
      %dma_wait3A_810 = tpu.memref_slice %arg6[%mul3A_792, %dma_wait3A_809] : memref<16x128xi32, #tpu.memory_space<vmem>> -> memref<1x128xi32, #tpu.memory_space<vmem>>
      %dma_wait3A_811 = tpu.memref_squeeze %dma_wait3A_810 : memref<1x128xi32, #tpu.memory_space<vmem>> -> memref<128xi32, #tpu.memory_space<vmem>>
      %dma_wait3A_812 = arith.constant 0 : i32
      %dma_wait3A_813 = arith.constant 0 : i32
      %dma_wait3A_814 = tpu.memref_slice %arg2[%dma_wait3A_812, %dma_wait3A_813] : memref<10000x128xf32, #tpu.memory_space<hbm>> -> memref<10000x128xf32, #tpu.memory_space<hbm>>
      tpu.wait_indirect_dma semaphore(%arg12 : memref<!tpu.dma_semaphore, #tpu.memory_space<semaphore_mem>>) src(%dma_wait3A_814 : memref<10000x128xf32, #tpu.memory_space<hbm>>) dst(%arg9 : memref<128x128xf32, #tpu.memory_space<vmem>>)
      %mul3A_815 = arith.constant 2 : i32
      %mul3A_816 = arith.muli %mul3A_815, %add3A_790 : i32
      %dma_start3A_817 = arith.constant 0 : i32
      %dma_start3A_818 = tpu.memref_slice %arg7[%mul3A_816, %dma_start3A_817] : memref<16x128xi32, #tpu.memory_space<vmem>> -> memref<1x128xi32, #tpu.memory_space<vmem>>
      %dma_start3A_819 = tpu.memref_squeeze %dma_start3A_818 : memref<1x128xi32, #tpu.memory_space<vmem>> -> memref<128xi32, #tpu.memory_space<vmem>>
      %dma_start3A_820 = arith.constant 0 : i32
      %dma_start3A_821 = arith.constant 0 : i32
      %dma_start3A_822 = tpu.memref_slice %arg11[%dma_start3A_820, %dma_start3A_821] : memref<10240x128xf32, #tpu.memory_space<vmem_shared>> -> memref<10240x128xf32, #tpu.memory_space<vmem_shared>>
      tpu.enqueue_indirect_dma source(%arg9 : memref<128x128xf32, #tpu.memory_space<vmem>>) target(%dma_start3A_822 : memref<10240x128xf32, #tpu.memory_space<vmem_shared>>) offsets(%dma_start3A_819 : memref<128xi32, #tpu.memory_space<vmem>>) semaphore(%arg14 : memref<!tpu.dma_semaphore, #tpu.memory_space<semaphore_mem>>) {add = true}
      %dma_wait3A_823 = arith.constant 0 : i32
      %dma_wait3A_824 = tpu.memref_slice %arg6[%add3A_802, %dma_wait3A_823] : memref<16x128xi32, #tpu.memory_space<vmem>> -> memref<1x128xi32, #tpu.memory_space<vmem>>
      %dma_wait3A_825 = tpu.memref_squeeze %dma_wait3A_824 : memref<1x128xi32, #tpu.memory_space<vmem>> -> memref<128xi32, #tpu.memory_space<vmem>>
      %dma_wait3A_826 = arith.constant 0 : i32
      %dma_wait3A_827 = arith.constant 0 : i32
      %dma_wait3A_828 = tpu.memref_slice %arg2[%dma_wait3A_826, %dma_wait3A_827] : memref<10000x128xf32, #tpu.memory_space<hbm>> -> memref<10000x128xf32, #tpu.memory_space<hbm>>
      tpu.wait_indirect_dma semaphore(%arg13 : memref<!tpu.dma_semaphore, #tpu.memory_space<semaphore_mem>>) src(%dma_wait3A_828 : memref<10000x128xf32, #tpu.memory_space<hbm>>) dst(%arg10 : memref<128x128xf32, #tpu.memory_space<vmem>>)
      %dma_wait3A_829 = arith.constant 0 : i32
      %dma_wait3A_830 = tpu.memref_slice %arg7[%mul3A_816, %dma_wait3A_829] : memref<16x128xi32, #tpu.memory_space<vmem>> -> memref<1x128xi32, #tpu.memory_space<vmem>>
      %dma_wait3A_831 = tpu.memref_squeeze %dma_wait3A_830 : memref<1x128xi32, #tpu.memory_space<vmem>> -> memref<128xi32, #tpu.memory_space<vmem>>
      %dma_wait3A_832 = arith.constant 0 : i32
      %dma_wait3A_833 = arith.constant 0 : i32
      %dma_wait3A_834 = tpu.memref_slice %arg11[%dma_wait3A_832, %dma_wait3A_833] : memref<10240x128xf32, #tpu.memory_space<vmem_shared>> -> memref<10240x128xf32, #tpu.memory_space<vmem_shared>>
      tpu.wait_indirect_dma semaphore(%arg14 : memref<!tpu.dma_semaphore, #tpu.memory_space<semaphore_mem>>) src(%arg9 : memref<128x128xf32, #tpu.memory_space<vmem>>) dst(%dma_wait3A_834 : memref<10240x128xf32, #tpu.memory_space<vmem_shared>>)
      %mul3A_835 = arith.constant 2 : i32
      %mul3A_836 = arith.muli %mul3A_835, %add3A_790 : i32
      %add3A_837 = arith.constant 1 : i32
      %add3A_838 = arith.addi %mul3A_836, %add3A_837 : i32
      %dma_start3A_839 = arith.constant 0 : i32
      %dma_start3A_840 = tpu.memref_slice %arg7[%add3A_838, %dma_start3A_839] : memref<16x128xi32, #tpu.memory_space<vmem>> -> memref<1x128xi32, #tpu.memory_space<vmem>>
      %dma_start3A_841 = tpu.memref_squeeze %dma_start3A_840 : memref<1x128xi32, #tpu.memory_space<vmem>> -> memref<128xi32, #tpu.memory_space<vmem>>
      %dma_start3A_842 = arith.constant 0 : i32
      %dma_start3A_843 = arith.constant 0 : i32
      %dma_start3A_844 = tpu.memref_slice %arg11[%dma_start3A_842, %dma_start3A_843] : memref<10240x128xf32, #tpu.memory_space<vmem_shared>> -> memref<10240x128xf32, #tpu.memory_space<vmem_shared>>
      tpu.enqueue_indirect_dma source(%arg10 : memref<128x128xf32, #tpu.memory_space<vmem>>) target(%dma_start3A_844 : memref<10240x128xf32, #tpu.memory_space<vmem_shared>>) offsets(%dma_start3A_841 : memref<128xi32, #tpu.memory_space<vmem>>) semaphore(%arg14 : memref<!tpu.dma_semaphore, #tpu.memory_space<semaphore_mem>>) {add = true}
      %dma_wait3A_845 = arith.constant 0 : i32
      %dma_wait3A_846 = tpu.memref_slice %arg7[%add3A_838, %dma_wait3A_845] : memref<16x128xi32, #tpu.memory_space<vmem>> -> memref<1x128xi32, #tpu.memory_space<vmem>>
      %dma_wait3A_847 = tpu.memref_squeeze %dma_wait3A_846 : memref<1x128xi32, #tpu.memory_space<vmem>> -> memref<128xi32, #tpu.memory_space<vmem>>
      %dma_wait3A_848 = arith.constant 0 : i32
      %dma_wait3A_849 = arith.constant 0 : i32
      %dma_wait3A_850 = tpu.memref_slice %arg11[%dma_wait3A_848, %dma_wait3A_849] : memref<10240x128xf32, #tpu.memory_space<vmem_shared>> -> memref<10240x128xf32, #tpu.memory_space<vmem_shared>>
      tpu.wait_indirect_dma semaphore(%arg14 : memref<!tpu.dma_semaphore, #tpu.memory_space<semaphore_mem>>) src(%arg10 : memref<128x128xf32, #tpu.memory_space<vmem>>) dst(%dma_wait3A_850 : memref<10240x128xf32, #tpu.memory_space<vmem_shared>>)
    }
    %scan3A_384 = arith.constant 8 : i32
    %add3A_385 = arith.constant 32 : i32
    %add3A_386 = arith.addi %mul3A_366, %add3A_385 : i32
    "tpu.region"() ({
      %run_scoped3A = tpu.sem_alloc : memref<!tpu.dma_semaphore, #tpu.memory_space<semaphore_mem>>
      %dma_start3A_786 = arith.constant 0 : i32
      %dma_start3A_787 = tpu.memref_slice %arg4[%add3A_386, %dma_start3A_786] : memref<2560x128xi32, #tpu.memory_space<hbm>> -> memref<16x128xi32, #tpu.memory_space<hbm>>
      %dma_start3A_788 = arith.constant 0 : i32
      %dma_start3A_789 = tpu.memref_slice %arg4[%add3A_386, %dma_start3A_788] : memref<2560x128xi32, #tpu.memory_space<hbm>> -> memref<16x128xi32, #tpu.memory_space<hbm>>
      tpu.enqueue_dma source(%dma_start3A_789 : memref<16x128xi32, #tpu.memory_space<hbm>>) target(%arg7 : memref<16x128xi32, #tpu.memory_space<vmem>>) target_semaphore(%run_scoped3A : memref<!tpu.dma_semaphore, #tpu.memory_space<semaphore_mem>>)
      %dma_wait3A_790 = arith.constant 0 : i32
      %dma_wait3A_791 = tpu.memref_slice %arg4[%add3A_386, %dma_wait3A_790] : memref<2560x128xi32, #tpu.memory_space<hbm>> -> memref<16x128xi32, #tpu.memory_space<hbm>>
      %dma_wait3A_792 = arith.constant 0 : i32
      %dma_wait3A_793 = tpu.memref_slice %arg4[%add3A_386, %dma_wait3A_792] : memref<2560x128xi32, #tpu.memory_space<hbm>> -> memref<16x128xi32, #tpu.memory_space<hbm>>
      tpu.wait_dma2 semaphore(%run_scoped3A : memref<!tpu.dma_semaphore, #tpu.memory_space<semaphore_mem>>) src(%dma_wait3A_793 : memref<16x128xi32, #tpu.memory_space<hbm>>) dst(%arg7 : memref<16x128xi32, #tpu.memory_space<vmem>>)
      tpu.yield
    }) : () -> ()
    %add3A_387 = arith.constant 32 : i32
    %add3A_388 = arith.addi %mul3A_366, %add3A_387 : i32
    "tpu.region"() ({
      %run_scoped3A = tpu.sem_alloc : memref<!tpu.dma_semaphore, #tpu.memory_space<semaphore_mem>>
      %dma_start3A_786 = arith.constant 0 : i32
      %dma_start3A_787 = tpu.memref_slice %arg3[%add3A_388, %dma_start3A_786] : memref<2560x128xi32, #tpu.memory_space<hbm>> -> memref<16x128xi32, #tpu.memory_space<hbm>>
      %dma_start3A_788 = arith.constant 0 : i32
      %dma_start3A_789 = tpu.memref_slice %arg3[%add3A_388, %dma_start3A_788] : memref<2560x128xi32, #tpu.memory_space<hbm>> -> memref<16x128xi32, #tpu.memory_space<hbm>>
      tpu.enqueue_dma source(%dma_start3A_789 : memref<16x128xi32, #tpu.memory_space<hbm>>) target(%arg6 : memref<16x128xi32, #tpu.memory_space<vmem>>) target_semaphore(%run_scoped3A : memref<!tpu.dma_semaphore, #tpu.memory_space<semaphore_mem>>)
      %dma_wait3A_790 = arith.constant 0 : i32
      %dma_wait3A_791 = tpu.memref_slice %arg3[%add3A_388, %dma_wait3A_790] : memref<2560x128xi32, #tpu.memory_space<hbm>> -> memref<16x128xi32, #tpu.memory_space<hbm>>
      %dma_wait3A_792 = arith.constant 0 : i32
      %dma_wait3A_793 = tpu.memref_slice %arg3[%add3A_388, %dma_wait3A_792] : memref<2560x128xi32, #tpu.memory_space<hbm>> -> memref<16x128xi32, #tpu.memory_space<hbm>>
      tpu.wait_dma2 semaphore(%run_scoped3A : memref<!tpu.dma_semaphore, #tpu.memory_space<semaphore_mem>>) src(%dma_wait3A_793 : memref<16x128xi32, #tpu.memory_space<hbm>>) dst(%arg6 : memref<16x128xi32, #tpu.memory_space<vmem>>)
      tpu.yield
    }) : () -> ()
    %scan3A_389 = arith.constant 0 : i32
    %scan3A_390 = arith.constant 8 : i32
    %scan3A_391 = arith.addi %scan3A_389, %scan3A_390 : i32
    %scan3A_392 = arith.constant 1 : i32
    scf.for %scan3A_786 = %scan3A_389 to %scan3A_391 step %scan3A_392  : i32 {
      %mul3A_787 = arith.constant 1 : i32
      %mul3A_788 = arith.muli %scan3A_786, %mul3A_787 : i32
      %add3A_789 = arith.constant 0 : i32
      %add3A_790 = arith.addi %add3A_789, %mul3A_788 : i32
      %mul3A_791 = arith.constant 2 : i32
      %mul3A_792 = arith.muli %mul3A_791, %add3A_790 : i32
      %dma_start3A_793 = arith.constant 0 : i32
      %dma_start3A_794 = tpu.memref_slice %arg6[%mul3A_792, %dma_start3A_793] : memref<16x128xi32, #tpu.memory_space<vmem>> -> memref<1x128xi32, #tpu.memory_space<vmem>>
      %dma_start3A_795 = tpu.memref_squeeze %dma_start3A_794 : memref<1x128xi32, #tpu.memory_space<vmem>> -> memref<128xi32, #tpu.memory_space<vmem>>
      %dma_start3A_796 = arith.constant 0 : i32
      %dma_start3A_797 = arith.constant 0 : i32
      %dma_start3A_798 = tpu.memref_slice %arg2[%dma_start3A_796, %dma_start3A_797] : memref<10000x128xf32, #tpu.memory_space<hbm>> -> memref<10000x128xf32, #tpu.memory_space<hbm>>
      tpu.enqueue_indirect_dma source(%dma_start3A_798 : memref<10000x128xf32, #tpu.memory_space<hbm>>) target(%arg9 : memref<128x128xf32, #tpu.memory_space<vmem>>) offsets(%dma_start3A_795 : memref<128xi32, #tpu.memory_space<vmem>>) semaphore(%arg12 : memref<!tpu.dma_semaphore, #tpu.memory_space<semaphore_mem>>)
      %mul3A_799 = arith.constant 2 : i32
      %mul3A_800 = arith.muli %mul3A_799, %add3A_790 : i32
      %add3A_801 = arith.constant 1 : i32
      %add3A_802 = arith.addi %mul3A_800, %add3A_801 : i32
      %dma_start3A_803 = arith.constant 0 : i32
      %dma_start3A_804 = tpu.memref_slice %arg6[%add3A_802, %dma_start3A_803] : memref<16x128xi32, #tpu.memory_space<vmem>> -> memref<1x128xi32, #tpu.memory_space<vmem>>
      %dma_start3A_805 = tpu.memref_squeeze %dma_start3A_804 : memref<1x128xi32, #tpu.memory_space<vmem>> -> memref<128xi32, #tpu.memory_space<vmem>>
      %dma_start3A_806 = arith.constant 0 : i32
      %dma_start3A_807 = arith.constant 0 : i32
      %dma_start3A_808 = tpu.memref_slice %arg2[%dma_start3A_806, %dma_start3A_807] : memref<10000x128xf32, #tpu.memory_space<hbm>> -> memref<10000x128xf32, #tpu.memory_space<hbm>>
      tpu.enqueue_indirect_dma source(%dma_start3A_808 : memref<10000x128xf32, #tpu.memory_space<hbm>>) target(%arg10 : memref<128x128xf32, #tpu.memory_space<vmem>>) offsets(%dma_start3A_805 : memref<128xi32, #tpu.memory_space<vmem>>) semaphore(%arg13 : memref<!tpu.dma_semaphore, #tpu.memory_space<semaphore_mem>>)
      %dma_wait3A_809 = arith.constant 0 : i32
      %dma_wait3A_810 = tpu.memref_slice %arg6[%mul3A_792, %dma_wait3A_809] : memref<16x128xi32, #tpu.memory_space<vmem>> -> memref<1x128xi32, #tpu.memory_space<vmem>>
      %dma_wait3A_811 = tpu.memref_squeeze %dma_wait3A_810 : memref<1x128xi32, #tpu.memory_space<vmem>> -> memref<128xi32, #tpu.memory_space<vmem>>
      %dma_wait3A_812 = arith.constant 0 : i32
      %dma_wait3A_813 = arith.constant 0 : i32
      %dma_wait3A_814 = tpu.memref_slice %arg2[%dma_wait3A_812, %dma_wait3A_813] : memref<10000x128xf32, #tpu.memory_space<hbm>> -> memref<10000x128xf32, #tpu.memory_space<hbm>>
      tpu.wait_indirect_dma semaphore(%arg12 : memref<!tpu.dma_semaphore, #tpu.memory_space<semaphore_mem>>) src(%dma_wait3A_814 : memref<10000x128xf32, #tpu.memory_space<hbm>>) dst(%arg9 : memref<128x128xf32, #tpu.memory_space<vmem>>)
      %mul3A_815 = arith.constant 2 : i32
      %mul3A_816 = arith.muli %mul3A_815, %add3A_790 : i32
      %dma_start3A_817 = arith.constant 0 : i32
      %dma_start3A_818 = tpu.memref_slice %arg7[%mul3A_816, %dma_start3A_817] : memref<16x128xi32, #tpu.memory_space<vmem>> -> memref<1x128xi32, #tpu.memory_space<vmem>>
      %dma_start3A_819 = tpu.memref_squeeze %dma_start3A_818 : memref<1x128xi32, #tpu.memory_space<vmem>> -> memref<128xi32, #tpu.memory_space<vmem>>
      %dma_start3A_820 = arith.constant 0 : i32
      %dma_start3A_821 = arith.constant 0 : i32
      %dma_start3A_822 = tpu.memref_slice %arg11[%dma_start3A_820, %dma_start3A_821] : memref<10240x128xf32, #tpu.memory_space<vmem_shared>> -> memref<10240x128xf32, #tpu.memory_space<vmem_shared>>
      tpu.enqueue_indirect_dma source(%arg9 : memref<128x128xf32, #tpu.memory_space<vmem>>) target(%dma_start3A_822 : memref<10240x128xf32, #tpu.memory_space<vmem_shared>>) offsets(%dma_start3A_819 : memref<128xi32, #tpu.memory_space<vmem>>) semaphore(%arg14 : memref<!tpu.dma_semaphore, #tpu.memory_space<semaphore_mem>>) {add = true}
      %dma_wait3A_823 = arith.constant 0 : i32
      %dma_wait3A_824 = tpu.memref_slice %arg6[%add3A_802, %dma_wait3A_823] : memref<16x128xi32, #tpu.memory_space<vmem>> -> memref<1x128xi32, #tpu.memory_space<vmem>>
      %dma_wait3A_825 = tpu.memref_squeeze %dma_wait3A_824 : memref<1x128xi32, #tpu.memory_space<vmem>> -> memref<128xi32, #tpu.memory_space<vmem>>
      %dma_wait3A_826 = arith.constant 0 : i32
      %dma_wait3A_827 = arith.constant 0 : i32
      %dma_wait3A_828 = tpu.memref_slice %arg2[%dma_wait3A_826, %dma_wait3A_827] : memref<10000x128xf32, #tpu.memory_space<hbm>> -> memref<10000x128xf32, #tpu.memory_space<hbm>>
      tpu.wait_indirect_dma semaphore(%arg13 : memref<!tpu.dma_semaphore, #tpu.memory_space<semaphore_mem>>) src(%dma_wait3A_828 : memref<10000x128xf32, #tpu.memory_space<hbm>>) dst(%arg10 : memref<128x128xf32, #tpu.memory_space<vmem>>)
      %dma_wait3A_829 = arith.constant 0 : i32
      %dma_wait3A_830 = tpu.memref_slice %arg7[%mul3A_816, %dma_wait3A_829] : memref<16x128xi32, #tpu.memory_space<vmem>> -> memref<1x128xi32, #tpu.memory_space<vmem>>
      %dma_wait3A_831 = tpu.memref_squeeze %dma_wait3A_830 : memref<1x128xi32, #tpu.memory_space<vmem>> -> memref<128xi32, #tpu.memory_space<vmem>>
      %dma_wait3A_832 = arith.constant 0 : i32
      %dma_wait3A_833 = arith.constant 0 : i32
      %dma_wait3A_834 = tpu.memref_slice %arg11[%dma_wait3A_832, %dma_wait3A_833] : memref<10240x128xf32, #tpu.memory_space<vmem_shared>> -> memref<10240x128xf32, #tpu.memory_space<vmem_shared>>
      tpu.wait_indirect_dma semaphore(%arg14 : memref<!tpu.dma_semaphore, #tpu.memory_space<semaphore_mem>>) src(%arg9 : memref<128x128xf32, #tpu.memory_space<vmem>>) dst(%dma_wait3A_834 : memref<10240x128xf32, #tpu.memory_space<vmem_shared>>)
      %mul3A_835 = arith.constant 2 : i32
      %mul3A_836 = arith.muli %mul3A_835, %add3A_790 : i32
      %add3A_837 = arith.constant 1 : i32
      %add3A_838 = arith.addi %mul3A_836, %add3A_837 : i32
      %dma_start3A_839 = arith.constant 0 : i32
      %dma_start3A_840 = tpu.memref_slice %arg7[%add3A_838, %dma_start3A_839] : memref<16x128xi32, #tpu.memory_space<vmem>> -> memref<1x128xi32, #tpu.memory_space<vmem>>
      %dma_start3A_841 = tpu.memref_squeeze %dma_start3A_840 : memref<1x128xi32, #tpu.memory_space<vmem>> -> memref<128xi32, #tpu.memory_space<vmem>>
      %dma_start3A_842 = arith.constant 0 : i32
      %dma_start3A_843 = arith.constant 0 : i32
      %dma_start3A_844 = tpu.memref_slice %arg11[%dma_start3A_842, %dma_start3A_843] : memref<10240x128xf32, #tpu.memory_space<vmem_shared>> -> memref<10240x128xf32, #tpu.memory_space<vmem_shared>>
      tpu.enqueue_indirect_dma source(%arg10 : memref<128x128xf32, #tpu.memory_space<vmem>>) target(%dma_start3A_844 : memref<10240x128xf32, #tpu.memory_space<vmem_shared>>) offsets(%dma_start3A_841 : memref<128xi32, #tpu.memory_space<vmem>>) semaphore(%arg14 : memref<!tpu.dma_semaphore, #tpu.memory_space<semaphore_mem>>) {add = true}
      %dma_wait3A_845 = arith.constant 0 : i32
      %dma_wait3A_846 = tpu.memref_slice %arg7[%add3A_838, %dma_wait3A_845] : memref<16x128xi32, #tpu.memory_space<vmem>> -> memref<1x128xi32, #tpu.memory_space<vmem>>
      %dma_wait3A_847 = tpu.memref_squeeze %dma_wait3A_846 : memref<1x128xi32, #tpu.memory_space<vmem>> -> memref<128xi32, #tpu.memory_space<vmem>>
      %dma_wait3A_848 = arith.constant 0 : i32
      %dma_wait3A_849 = arith.constant 0 : i32
      %dma_wait3A_850 = tpu.memref_slice %arg11[%dma_wait3A_848, %dma_wait3A_849] : memref<10240x128xf32, #tpu.memory_space<vmem_shared>> -> memref<10240x128xf32, #tpu.memory_space<vmem_shared>>
      tpu.wait_indirect_dma semaphore(%arg14 : memref<!tpu.dma_semaphore, #tpu.memory_space<semaphore_mem>>) src(%arg10 : memref<128x128xf32, #tpu.memory_space<vmem>>) dst(%dma_wait3A_850 : memref<10240x128xf32, #tpu.memory_space<vmem_shared>>)
    }
    %scan3A_393 = arith.constant 8 : i32
    %add3A_394 = arith.constant 48 : i32
    %add3A_395 = arith.addi %mul3A_366, %add3A_394 : i32
    "tpu.region"() ({
      %run_scoped3A = tpu.sem_alloc : memref<!tpu.dma_semaphore, #tpu.memory_space<semaphore_mem>>
      %dma_start3A_786 = arith.constant 0 : i32
      %dma_start3A_787 = tpu.memref_slice %arg4[%add3A_395, %dma_start3A_786] : memref<2560x128xi32, #tpu.memory_space<hbm>> -> memref<16x128xi32, #tpu.memory_space<hbm>>
      %dma_start3A_788 = arith.constant 0 : i32
      %dma_start3A_789 = tpu.memref_slice %arg4[%add3A_395, %dma_start3A_788] : memref<2560x128xi32, #tpu.memory_space<hbm>> -> memref<16x128xi32, #tpu.memory_space<hbm>>
      tpu.enqueue_dma source(%dma_start3A_789 : memref<16x128xi32, #tpu.memory_space<hbm>>) target(%arg7 : memref<16x128xi32, #tpu.memory_space<vmem>>) target_semaphore(%run_scoped3A : memref<!tpu.dma_semaphore, #tpu.memory_space<semaphore_mem>>)
      %dma_wait3A_790 = arith.constant 0 : i32
      %dma_wait3A_791 = tpu.memref_slice %arg4[%add3A_395, %dma_wait3A_790] : memref<2560x128xi32, #tpu.memory_space<hbm>> -> memref<16x128xi32, #tpu.memory_space<hbm>>
      %dma_wait3A_792 = arith.constant 0 : i32
      %dma_wait3A_793 = tpu.memref_slice %arg4[%add3A_395, %dma_wait3A_792] : memref<2560x128xi32, #tpu.memory_space<hbm>> -> memref<16x128xi32, #tpu.memory_space<hbm>>
      tpu.wait_dma2 semaphore(%run_scoped3A : memref<!tpu.dma_semaphore, #tpu.memory_space<semaphore_mem>>) src(%dma_wait3A_793 : memref<16x128xi32, #tpu.memory_space<hbm>>) dst(%arg7 : memref<16x128xi32, #tpu.memory_space<vmem>>)
      tpu.yield
    }) : () -> ()
    %add3A_396 = arith.constant 48 : i32
    %add3A_397 = arith.addi %mul3A_366, %add3A_396 : i32
    "tpu.region"() ({
      %run_scoped3A = tpu.sem_alloc : memref<!tpu.dma_semaphore, #tpu.memory_space<semaphore_mem>>
      %dma_start3A_786 = arith.constant 0 : i32
      %dma_start3A_787 = tpu.memref_slice %arg3[%add3A_397, %dma_start3A_786] : memref<2560x128xi32, #tpu.memory_space<hbm>> -> memref<16x128xi32, #tpu.memory_space<hbm>>
      %dma_start3A_788 = arith.constant 0 : i32
      %dma_start3A_789 = tpu.memref_slice %arg3[%add3A_397, %dma_start3A_788] : memref<2560x128xi32, #tpu.memory_space<hbm>> -> memref<16x128xi32, #tpu.memory_space<hbm>>
      tpu.enqueue_dma source(%dma_start3A_789 : memref<16x128xi32, #tpu.memory_space<hbm>>) target(%arg6 : memref<16x128xi32, #tpu.memory_space<vmem>>) target_semaphore(%run_scoped3A : memref<!tpu.dma_semaphore, #tpu.memory_space<semaphore_mem>>)
      %dma_wait3A_790 = arith.constant 0 : i32
      %dma_wait3A_791 = tpu.memref_slice %arg3[%add3A_397, %dma_wait3A_790] : memref<2560x128xi32, #tpu.memory_space<hbm>> -> memref<16x128xi32, #tpu.memory_space<hbm>>
      %dma_wait3A_792 = arith.constant 0 : i32
      %dma_wait3A_793 = tpu.memref_slice %arg3[%add3A_397, %dma_wait3A_792] : memref<2560x128xi32, #tpu.memory_space<hbm>> -> memref<16x128xi32, #tpu.memory_space<hbm>>
      tpu.wait_dma2 semaphore(%run_scoped3A : memref<!tpu.dma_semaphore, #tpu.memory_space<semaphore_mem>>) src(%dma_wait3A_793 : memref<16x128xi32, #tpu.memory_space<hbm>>) dst(%arg6 : memref<16x128xi32, #tpu.memory_space<vmem>>)
      tpu.yield
    }) : () -> ()
    %scan3A_398 = arith.constant 0 : i32
    %scan3A_399 = arith.constant 8 : i32
    %scan3A_400 = arith.addi %scan3A_398, %scan3A_399 : i32
    %scan3A_401 = arith.constant 1 : i32
    scf.for %scan3A_786 = %scan3A_398 to %scan3A_400 step %scan3A_401  : i32 {
      %mul3A_787 = arith.constant 1 : i32
      %mul3A_788 = arith.muli %scan3A_786, %mul3A_787 : i32
      %add3A_789 = arith.constant 0 : i32
      %add3A_790 = arith.addi %add3A_789, %mul3A_788 : i32
      %mul3A_791 = arith.constant 2 : i32
      %mul3A_792 = arith.muli %mul3A_791, %add3A_790 : i32
      %dma_start3A_793 = arith.constant 0 : i32
      %dma_start3A_794 = tpu.memref_slice %arg6[%mul3A_792, %dma_start3A_793] : memref<16x128xi32, #tpu.memory_space<vmem>> -> memref<1x128xi32, #tpu.memory_space<vmem>>
      %dma_start3A_795 = tpu.memref_squeeze %dma_start3A_794 : memref<1x128xi32, #tpu.memory_space<vmem>> -> memref<128xi32, #tpu.memory_space<vmem>>
      %dma_start3A_796 = arith.constant 0 : i32
      %dma_start3A_797 = arith.constant 0 : i32
      %dma_start3A_798 = tpu.memref_slice %arg2[%dma_start3A_796, %dma_start3A_797] : memref<10000x128xf32, #tpu.memory_space<hbm>> -> memref<10000x128xf32, #tpu.memory_space<hbm>>
      tpu.enqueue_indirect_dma source(%dma_start3A_798 : memref<10000x128xf32, #tpu.memory_space<hbm>>) target(%arg9 : memref<128x128xf32, #tpu.memory_space<vmem>>) offsets(%dma_start3A_795 : memref<128xi32, #tpu.memory_space<vmem>>) semaphore(%arg12 : memref<!tpu.dma_semaphore, #tpu.memory_space<semaphore_mem>>)
      %mul3A_799 = arith.constant 2 : i32
      %mul3A_800 = arith.muli %mul3A_799, %add3A_790 : i32
      %add3A_801 = arith.constant 1 : i32
      %add3A_802 = arith.addi %mul3A_800, %add3A_801 : i32
      %dma_start3A_803 = arith.constant 0 : i32
      %dma_start3A_804 = tpu.memref_slice %arg6[%add3A_802, %dma_start3A_803] : memref<16x128xi32, #tpu.memory_space<vmem>> -> memref<1x128xi32, #tpu.memory_space<vmem>>
      %dma_start3A_805 = tpu.memref_squeeze %dma_start3A_804 : memref<1x128xi32, #tpu.memory_space<vmem>> -> memref<128xi32, #tpu.memory_space<vmem>>
      %dma_start3A_806 = arith.constant 0 : i32
      %dma_start3A_807 = arith.constant 0 : i32
      %dma_start3A_808 = tpu.memref_slice %arg2[%dma_start3A_806, %dma_start3A_807] : memref<10000x128xf32, #tpu.memory_space<hbm>> -> memref<10000x128xf32, #tpu.memory_space<hbm>>
      tpu.enqueue_indirect_dma source(%dma_start3A_808 : memref<10000x128xf32, #tpu.memory_space<hbm>>) target(%arg10 : memref<128x128xf32, #tpu.memory_space<vmem>>) offsets(%dma_start3A_805 : memref<128xi32, #tpu.memory_space<vmem>>) semaphore(%arg13 : memref<!tpu.dma_semaphore, #tpu.memory_space<semaphore_mem>>)
      %dma_wait3A_809 = arith.constant 0 : i32
      %dma_wait3A_810 = tpu.memref_slice %arg6[%mul3A_792, %dma_wait3A_809] : memref<16x128xi32, #tpu.memory_space<vmem>> -> memref<1x128xi32, #tpu.memory_space<vmem>>
      %dma_wait3A_811 = tpu.memref_squeeze %dma_wait3A_810 : memref<1x128xi32, #tpu.memory_space<vmem>> -> memref<128xi32, #tpu.memory_space<vmem>>
      %dma_wait3A_812 = arith.constant 0 : i32
      %dma_wait3A_813 = arith.constant 0 : i32
      %dma_wait3A_814 = tpu.memref_slice %arg2[%dma_wait3A_812, %dma_wait3A_813] : memref<10000x128xf32, #tpu.memory_space<hbm>> -> memref<10000x128xf32, #tpu.memory_space<hbm>>
      tpu.wait_indirect_dma semaphore(%arg12 : memref<!tpu.dma_semaphore, #tpu.memory_space<semaphore_mem>>) src(%dma_wait3A_814 : memref<10000x128xf32, #tpu.memory_space<hbm>>) dst(%arg9 : memref<128x128xf32, #tpu.memory_space<vmem>>)
      %mul3A_815 = arith.constant 2 : i32
      %mul3A_816 = arith.muli %mul3A_815, %add3A_790 : i32
      %dma_start3A_817 = arith.constant 0 : i32
      %dma_start3A_818 = tpu.memref_slice %arg7[%mul3A_816, %dma_start3A_817] : memref<16x128xi32, #tpu.memory_space<vmem>> -> memref<1x128xi32, #tpu.memory_space<vmem>>
      %dma_start3A_819 = tpu.memref_squeeze %dma_start3A_818 : memref<1x128xi32, #tpu.memory_space<vmem>> -> memref<128xi32, #tpu.memory_space<vmem>>
      %dma_start3A_820 = arith.constant 0 : i32
      %dma_start3A_821 = arith.constant 0 : i32
      %dma_start3A_822 = tpu.memref_slice %arg11[%dma_start3A_820, %dma_start3A_821] : memref<10240x128xf32, #tpu.memory_space<vmem_shared>> -> memref<10240x128xf32, #tpu.memory_space<vmem_shared>>
      tpu.enqueue_indirect_dma source(%arg9 : memref<128x128xf32, #tpu.memory_space<vmem>>) target(%dma_start3A_822 : memref<10240x128xf32, #tpu.memory_space<vmem_shared>>) offsets(%dma_start3A_819 : memref<128xi32, #tpu.memory_space<vmem>>) semaphore(%arg14 : memref<!tpu.dma_semaphore, #tpu.memory_space<semaphore_mem>>) {add = true}
      %dma_wait3A_823 = arith.constant 0 : i32
      %dma_wait3A_824 = tpu.memref_slice %arg6[%add3A_802, %dma_wait3A_823] : memref<16x128xi32, #tpu.memory_space<vmem>> -> memref<1x128xi32, #tpu.memory_space<vmem>>
      %dma_wait3A_825 = tpu.memref_squeeze %dma_wait3A_824 : memref<1x128xi32, #tpu.memory_space<vmem>> -> memref<128xi32, #tpu.memory_space<vmem>>
      %dma_wait3A_826 = arith.constant 0 : i32
      %dma_wait3A_827 = arith.constant 0 : i32
      %dma_wait3A_828 = tpu.memref_slice %arg2[%dma_wait3A_826, %dma_wait3A_827] : memref<10000x128xf32, #tpu.memory_space<hbm>> -> memref<10000x128xf32, #tpu.memory_space<hbm>>
      tpu.wait_indirect_dma semaphore(%arg13 : memref<!tpu.dma_semaphore, #tpu.memory_space<semaphore_mem>>) src(%dma_wait3A_828 : memref<10000x128xf32, #tpu.memory_space<hbm>>) dst(%arg10 : memref<128x128xf32, #tpu.memory_space<vmem>>)
      %dma_wait3A_829 = arith.constant 0 : i32
      %dma_wait3A_830 = tpu.memref_slice %arg7[%mul3A_816, %dma_wait3A_829] : memref<16x128xi32, #tpu.memory_space<vmem>> -> memref<1x128xi32, #tpu.memory_space<vmem>>
      %dma_wait3A_831 = tpu.memref_squeeze %dma_wait3A_830 : memref<1x128xi32, #tpu.memory_space<vmem>> -> memref<128xi32, #tpu.memory_space<vmem>>
      %dma_wait3A_832 = arith.constant 0 : i32
      %dma_wait3A_833 = arith.constant 0 : i32
      %dma_wait3A_834 = tpu.memref_slice %arg11[%dma_wait3A_832, %dma_wait3A_833] : memref<10240x128xf32, #tpu.memory_space<vmem_shared>> -> memref<10240x128xf32, #tpu.memory_space<vmem_shared>>
      tpu.wait_indirect_dma semaphore(%arg14 : memref<!tpu.dma_semaphore, #tpu.memory_space<semaphore_mem>>) src(%arg9 : memref<128x128xf32, #tpu.memory_space<vmem>>) dst(%dma_wait3A_834 : memref<10240x128xf32, #tpu.memory_space<vmem_shared>>)
      %mul3A_835 = arith.constant 2 : i32
      %mul3A_836 = arith.muli %mul3A_835, %add3A_790 : i32
      %add3A_837 = arith.constant 1 : i32
      %add3A_838 = arith.addi %mul3A_836, %add3A_837 : i32
      %dma_start3A_839 = arith.constant 0 : i32
      %dma_start3A_840 = tpu.memref_slice %arg7[%add3A_838, %dma_start3A_839] : memref<16x128xi32, #tpu.memory_space<vmem>> -> memref<1x128xi32, #tpu.memory_space<vmem>>
      %dma_start3A_841 = tpu.memref_squeeze %dma_start3A_840 : memref<1x128xi32, #tpu.memory_space<vmem>> -> memref<128xi32, #tpu.memory_space<vmem>>
      %dma_start3A_842 = arith.constant 0 : i32
      %dma_start3A_843 = arith.constant 0 : i32
      %dma_start3A_844 = tpu.memref_slice %arg11[%dma_start3A_842, %dma_start3A_843] : memref<10240x128xf32, #tpu.memory_space<vmem_shared>> -> memref<10240x128xf32, #tpu.memory_space<vmem_shared>>
      tpu.enqueue_indirect_dma source(%arg10 : memref<128x128xf32, #tpu.memory_space<vmem>>) target(%dma_start3A_844 : memref<10240x128xf32, #tpu.memory_space<vmem_shared>>) offsets(%dma_start3A_841 : memref<128xi32, #tpu.memory_space<vmem>>) semaphore(%arg14 : memref<!tpu.dma_semaphore, #tpu.memory_space<semaphore_mem>>) {add = true}
      %dma_wait3A_845 = arith.constant 0 : i32
      %dma_wait3A_846 = tpu.memref_slice %arg7[%add3A_838, %dma_wait3A_845] : memref<16x128xi32, #tpu.memory_space<vmem>> -> memref<1x128xi32, #tpu.memory_space<vmem>>
      %dma_wait3A_847 = tpu.memref_squeeze %dma_wait3A_846 : memref<1x128xi32, #tpu.memory_space<vmem>> -> memref<128xi32, #tpu.memory_space<vmem>>
      %dma_wait3A_848 = arith.constant 0 : i32
      %dma_wait3A_849 = arith.constant 0 : i32
      %dma_wait3A_850 = tpu.memref_slice %arg11[%dma_wait3A_848, %dma_wait3A_849] : memref<10240x128xf32, #tpu.memory_space<vmem_shared>> -> memref<10240x128xf32, #tpu.memory_space<vmem_shared>>
      tpu.wait_indirect_dma semaphore(%arg14 : memref<!tpu.dma_semaphore, #tpu.memory_space<semaphore_mem>>) src(%arg10 : memref<128x128xf32, #tpu.memory_space<vmem>>) dst(%dma_wait3A_850 : memref<10240x128xf32, #tpu.memory_space<vmem_shared>>)
    }
    %scan3A_402 = arith.constant 8 : i32
    %add3A_403 = arith.constant 64 : i32
    %add3A_404 = arith.addi %mul3A_366, %add3A_403 : i32
    "tpu.region"() ({
      %run_scoped3A = tpu.sem_alloc : memref<!tpu.dma_semaphore, #tpu.memory_space<semaphore_mem>>
      %dma_start3A_786 = arith.constant 0 : i32
      %dma_start3A_787 = tpu.memref_slice %arg4[%add3A_404, %dma_start3A_786] : memref<2560x128xi32, #tpu.memory_space<hbm>> -> memref<16x128xi32, #tpu.memory_space<hbm>>
      %dma_start3A_788 = arith.constant 0 : i32
      %dma_start3A_789 = tpu.memref_slice %arg4[%add3A_404, %dma_start3A_788] : memref<2560x128xi32, #tpu.memory_space<hbm>> -> memref<16x128xi32, #tpu.memory_space<hbm>>
      tpu.enqueue_dma source(%dma_start3A_789 : memref<16x128xi32, #tpu.memory_space<hbm>>) target(%arg7 : memref<16x128xi32, #tpu.memory_space<vmem>>) target_semaphore(%run_scoped3A : memref<!tpu.dma_semaphore, #tpu.memory_space<semaphore_mem>>)
      %dma_wait3A_790 = arith.constant 0 : i32
      %dma_wait3A_791 = tpu.memref_slice %arg4[%add3A_404, %dma_wait3A_790] : memref<2560x128xi32, #tpu.memory_space<hbm>> -> memref<16x128xi32, #tpu.memory_space<hbm>>
      %dma_wait3A_792 = arith.constant 0 : i32
      %dma_wait3A_793 = tpu.memref_slice %arg4[%add3A_404, %dma_wait3A_792] : memref<2560x128xi32, #tpu.memory_space<hbm>> -> memref<16x128xi32, #tpu.memory_space<hbm>>
      tpu.wait_dma2 semaphore(%run_scoped3A : memref<!tpu.dma_semaphore, #tpu.memory_space<semaphore_mem>>) src(%dma_wait3A_793 : memref<16x128xi32, #tpu.memory_space<hbm>>) dst(%arg7 : memref<16x128xi32, #tpu.memory_space<vmem>>)
      tpu.yield
    }) : () -> ()
    %add3A_405 = arith.constant 64 : i32
    %add3A_406 = arith.addi %mul3A_366, %add3A_405 : i32
    "tpu.region"() ({
      %run_scoped3A = tpu.sem_alloc : memref<!tpu.dma_semaphore, #tpu.memory_space<semaphore_mem>>
      %dma_start3A_786 = arith.constant 0 : i32
      %dma_start3A_787 = tpu.memref_slice %arg3[%add3A_406, %dma_start3A_786] : memref<2560x128xi32, #tpu.memory_space<hbm>> -> memref<16x128xi32, #tpu.memory_space<hbm>>
      %dma_start3A_788 = arith.constant 0 : i32
      %dma_start3A_789 = tpu.memref_slice %arg3[%add3A_406, %dma_start3A_788] : memref<2560x128xi32, #tpu.memory_space<hbm>> -> memref<16x128xi32, #tpu.memory_space<hbm>>
      tpu.enqueue_dma source(%dma_start3A_789 : memref<16x128xi32, #tpu.memory_space<hbm>>) target(%arg6 : memref<16x128xi32, #tpu.memory_space<vmem>>) target_semaphore(%run_scoped3A : memref<!tpu.dma_semaphore, #tpu.memory_space<semaphore_mem>>)
      %dma_wait3A_790 = arith.constant 0 : i32
      %dma_wait3A_791 = tpu.memref_slice %arg3[%add3A_406, %dma_wait3A_790] : memref<2560x128xi32, #tpu.memory_space<hbm>> -> memref<16x128xi32, #tpu.memory_space<hbm>>
      %dma_wait3A_792 = arith.constant 0 : i32
      %dma_wait3A_793 = tpu.memref_slice %arg3[%add3A_406, %dma_wait3A_792] : memref<2560x128xi32, #tpu.memory_space<hbm>> -> memref<16x128xi32, #tpu.memory_space<hbm>>
      tpu.wait_dma2 semaphore(%run_scoped3A : memref<!tpu.dma_semaphore, #tpu.memory_space<semaphore_mem>>) src(%dma_wait3A_793 : memref<16x128xi32, #tpu.memory_space<hbm>>) dst(%arg6 : memref<16x128xi32, #tpu.memory_space<vmem>>)
      tpu.yield
    }) : () -> ()
    %scan3A_407 = arith.constant 0 : i32
    %scan3A_408 = arith.constant 8 : i32
    %scan3A_409 = arith.addi %scan3A_407, %scan3A_408 : i32
    %scan3A_410 = arith.constant 1 : i32
    scf.for %scan3A_786 = %scan3A_407 to %scan3A_409 step %scan3A_410  : i32 {
      %mul3A_787 = arith.constant 1 : i32
      %mul3A_788 = arith.muli %scan3A_786, %mul3A_787 : i32
      %add3A_789 = arith.constant 0 : i32
      %add3A_790 = arith.addi %add3A_789, %mul3A_788 : i32
      %mul3A_791 = arith.constant 2 : i32
      %mul3A_792 = arith.muli %mul3A_791, %add3A_790 : i32
      %dma_start3A_793 = arith.constant 0 : i32
      %dma_start3A_794 = tpu.memref_slice %arg6[%mul3A_792, %dma_start3A_793] : memref<16x128xi32, #tpu.memory_space<vmem>> -> memref<1x128xi32, #tpu.memory_space<vmem>>
      %dma_start3A_795 = tpu.memref_squeeze %dma_start3A_794 : memref<1x128xi32, #tpu.memory_space<vmem>> -> memref<128xi32, #tpu.memory_space<vmem>>
      %dma_start3A_796 = arith.constant 0 : i32
      %dma_start3A_797 = arith.constant 0 : i32
      %dma_start3A_798 = tpu.memref_slice %arg2[%dma_start3A_796, %dma_start3A_797] : memref<10000x128xf32, #tpu.memory_space<hbm>> -> memref<10000x128xf32, #tpu.memory_space<hbm>>
      tpu.enqueue_indirect_dma source(%dma_start3A_798 : memref<10000x128xf32, #tpu.memory_space<hbm>>) target(%arg9 : memref<128x128xf32, #tpu.memory_space<vmem>>) offsets(%dma_start3A_795 : memref<128xi32, #tpu.memory_space<vmem>>) semaphore(%arg12 : memref<!tpu.dma_semaphore, #tpu.memory_space<semaphore_mem>>)
      %mul3A_799 = arith.constant 2 : i32
      %mul3A_800 = arith.muli %mul3A_799, %add3A_790 : i32
      %add3A_801 = arith.constant 1 : i32
      %add3A_802 = arith.addi %mul3A_800, %add3A_801 : i32
      %dma_start3A_803 = arith.constant 0 : i32
      %dma_start3A_804 = tpu.memref_slice %arg6[%add3A_802, %dma_start3A_803] : memref<16x128xi32, #tpu.memory_space<vmem>> -> memref<1x128xi32, #tpu.memory_space<vmem>>
      %dma_start3A_805 = tpu.memref_squeeze %dma_start3A_804 : memref<1x128xi32, #tpu.memory_space<vmem>> -> memref<128xi32, #tpu.memory_space<vmem>>
      %dma_start3A_806 = arith.constant 0 : i32
      %dma_start3A_807 = arith.constant 0 : i32
      %dma_start3A_808 = tpu.memref_slice %arg2[%dma_start3A_806, %dma_start3A_807] : memref<10000x128xf32, #tpu.memory_space<hbm>> -> memref<10000x128xf32, #tpu.memory_space<hbm>>
      tpu.enqueue_indirect_dma source(%dma_start3A_808 : memref<10000x128xf32, #tpu.memory_space<hbm>>) target(%arg10 : memref<128x128xf32, #tpu.memory_space<vmem>>) offsets(%dma_start3A_805 : memref<128xi32, #tpu.memory_space<vmem>>) semaphore(%arg13 : memref<!tpu.dma_semaphore, #tpu.memory_space<semaphore_mem>>)
      %dma_wait3A_809 = arith.constant 0 : i32
      %dma_wait3A_810 = tpu.memref_slice %arg6[%mul3A_792, %dma_wait3A_809] : memref<16x128xi32, #tpu.memory_space<vmem>> -> memref<1x128xi32, #tpu.memory_space<vmem>>
      %dma_wait3A_811 = tpu.memref_squeeze %dma_wait3A_810 : memref<1x128xi32, #tpu.memory_space<vmem>> -> memref<128xi32, #tpu.memory_space<vmem>>
      %dma_wait3A_812 = arith.constant 0 : i32
      %dma_wait3A_813 = arith.constant 0 : i32
      %dma_wait3A_814 = tpu.memref_slice %arg2[%dma_wait3A_812, %dma_wait3A_813] : memref<10000x128xf32, #tpu.memory_space<hbm>> -> memref<10000x128xf32, #tpu.memory_space<hbm>>
      tpu.wait_indirect_dma semaphore(%arg12 : memref<!tpu.dma_semaphore, #tpu.memory_space<semaphore_mem>>) src(%dma_wait3A_814 : memref<10000x128xf32, #tpu.memory_space<hbm>>) dst(%arg9 : memref<128x128xf32, #tpu.memory_space<vmem>>)
      %mul3A_815 = arith.constant 2 : i32
      %mul3A_816 = arith.muli %mul3A_815, %add3A_790 : i32
      %dma_start3A_817 = arith.constant 0 : i32
      %dma_start3A_818 = tpu.memref_slice %arg7[%mul3A_816, %dma_start3A_817] : memref<16x128xi32, #tpu.memory_space<vmem>> -> memref<1x128xi32, #tpu.memory_space<vmem>>
      %dma_start3A_819 = tpu.memref_squeeze %dma_start3A_818 : memref<1x128xi32, #tpu.memory_space<vmem>> -> memref<128xi32, #tpu.memory_space<vmem>>
      %dma_start3A_820 = arith.constant 0 : i32
      %dma_start3A_821 = arith.constant 0 : i32
      %dma_start3A_822 = tpu.memref_slice %arg11[%dma_start3A_820, %dma_start3A_821] : memref<10240x128xf32, #tpu.memory_space<vmem_shared>> -> memref<10240x128xf32, #tpu.memory_space<vmem_shared>>
      tpu.enqueue_indirect_dma source(%arg9 : memref<128x128xf32, #tpu.memory_space<vmem>>) target(%dma_start3A_822 : memref<10240x128xf32, #tpu.memory_space<vmem_shared>>) offsets(%dma_start3A_819 : memref<128xi32, #tpu.memory_space<vmem>>) semaphore(%arg14 : memref<!tpu.dma_semaphore, #tpu.memory_space<semaphore_mem>>) {add = true}
      %dma_wait3A_823 = arith.constant 0 : i32
      %dma_wait3A_824 = tpu.memref_slice %arg6[%add3A_802, %dma_wait3A_823] : memref<16x128xi32, #tpu.memory_space<vmem>> -> memref<1x128xi32, #tpu.memory_space<vmem>>
      %dma_wait3A_825 = tpu.memref_squeeze %dma_wait3A_824 : memref<1x128xi32, #tpu.memory_space<vmem>> -> memref<128xi32, #tpu.memory_space<vmem>>
      %dma_wait3A_826 = arith.constant 0 : i32
      %dma_wait3A_827 = arith.constant 0 : i32
      %dma_wait3A_828 = tpu.memref_slice %arg2[%dma_wait3A_826, %dma_wait3A_827] : memref<10000x128xf32, #tpu.memory_space<hbm>> -> memref<10000x128xf32, #tpu.memory_space<hbm>>
      tpu.wait_indirect_dma semaphore(%arg13 : memref<!tpu.dma_semaphore, #tpu.memory_space<semaphore_mem>>) src(%dma_wait3A_828 : memref<10000x128xf32, #tpu.memory_space<hbm>>) dst(%arg10 : memref<128x128xf32, #tpu.memory_space<vmem>>)
      %dma_wait3A_829 = arith.constant 0 : i32
      %dma_wait3A_830 = tpu.memref_slice %arg7[%mul3A_816, %dma_wait3A_829] : memref<16x128xi32, #tpu.memory_space<vmem>> -> memref<1x128xi32, #tpu.memory_space<vmem>>
      %dma_wait3A_831 = tpu.memref_squeeze %dma_wait3A_830 : memref<1x128xi32, #tpu.memory_space<vmem>> -> memref<128xi32, #tpu.memory_space<vmem>>
      %dma_wait3A_832 = arith.constant 0 : i32
      %dma_wait3A_833 = arith.constant 0 : i32
      %dma_wait3A_834 = tpu.memref_slice %arg11[%dma_wait3A_832, %dma_wait3A_833] : memref<10240x128xf32, #tpu.memory_space<vmem_shared>> -> memref<10240x128xf32, #tpu.memory_space<vmem_shared>>
      tpu.wait_indirect_dma semaphore(%arg14 : memref<!tpu.dma_semaphore, #tpu.memory_space<semaphore_mem>>) src(%arg9 : memref<128x128xf32, #tpu.memory_space<vmem>>) dst(%dma_wait3A_834 : memref<10240x128xf32, #tpu.memory_space<vmem_shared>>)
      %mul3A_835 = arith.constant 2 : i32
      %mul3A_836 = arith.muli %mul3A_835, %add3A_790 : i32
      %add3A_837 = arith.constant 1 : i32
      %add3A_838 = arith.addi %mul3A_836, %add3A_837 : i32
      %dma_start3A_839 = arith.constant 0 : i32
      %dma_start3A_840 = tpu.memref_slice %arg7[%add3A_838, %dma_start3A_839] : memref<16x128xi32, #tpu.memory_space<vmem>> -> memref<1x128xi32, #tpu.memory_space<vmem>>
      %dma_start3A_841 = tpu.memref_squeeze %dma_start3A_840 : memref<1x128xi32, #tpu.memory_space<vmem>> -> memref<128xi32, #tpu.memory_space<vmem>>
      %dma_start3A_842 = arith.constant 0 : i32
      %dma_start3A_843 = arith.constant 0 : i32
      %dma_start3A_844 = tpu.memref_slice %arg11[%dma_start3A_842, %dma_start3A_843] : memref<10240x128xf32, #tpu.memory_space<vmem_shared>> -> memref<10240x128xf32, #tpu.memory_space<vmem_shared>>
      tpu.enqueue_indirect_dma source(%arg10 : memref<128x128xf32, #tpu.memory_space<vmem>>) target(%dma_start3A_844 : memref<10240x128xf32, #tpu.memory_space<vmem_shared>>) offsets(%dma_start3A_841 : memref<128xi32, #tpu.memory_space<vmem>>) semaphore(%arg14 : memref<!tpu.dma_semaphore, #tpu.memory_space<semaphore_mem>>) {add = true}
      %dma_wait3A_845 = arith.constant 0 : i32
      %dma_wait3A_846 = tpu.memref_slice %arg7[%add3A_838, %dma_wait3A_845] : memref<16x128xi32, #tpu.memory_space<vmem>> -> memref<1x128xi32, #tpu.memory_space<vmem>>
      %dma_wait3A_847 = tpu.memref_squeeze %dma_wait3A_846 : memref<1x128xi32, #tpu.memory_space<vmem>> -> memref<128xi32, #tpu.memory_space<vmem>>
      %dma_wait3A_848 = arith.constant 0 : i32
      %dma_wait3A_849 = arith.constant 0 : i32
      %dma_wait3A_850 = tpu.memref_slice %arg11[%dma_wait3A_848, %dma_wait3A_849] : memref<10240x128xf32, #tpu.memory_space<vmem_shared>> -> memref<10240x128xf32, #tpu.memory_space<vmem_shared>>
      tpu.wait_indirect_dma semaphore(%arg14 : memref<!tpu.dma_semaphore, #tpu.memory_space<semaphore_mem>>) src(%arg10 : memref<128x128xf32, #tpu.memory_space<vmem>>) dst(%dma_wait3A_850 : memref<10240x128xf32, #tpu.memory_space<vmem_shared>>)
    }
    %scan3A_411 = arith.constant 8 : i32
    %barrier3A_412 = arith.constant 0 : index
    tpu.barrier barrier_id(%barrier3A_412)
    %mul3A_413 = arith.constant 10240 : i32
    %mul3A_414 = arith.muli %arg0, %mul3A_413 : i32
    %add3A_415 = arith.addi %mul3A_414, %mul3A_7 : i32
    %add3A_416 = arith.constant 0 : i32
    %add3A_417 = arith.addi %mul3A_7, %add3A_416 : i32
    %add3A_418 = arith.constant 0 : i32
    %add3A_419 = arith.addi %add3A_417, %add3A_418 : i32
    %add3A_420 = vector.broadcast %add3A_419 : i32 to vector<16xi32>
    %add3A_421 = arith.addi %iota3A, %add3A_420 : vector<16xi32>
    %swap3A_422 = arith.constant 0 : index
    %swap3A_423 = tpu.vector_load %arg8[%swap3A_422] {strides = array<i32>} : memref<128xi32, #tpu.memory_space<vmem>>, vector<16xi32>,
    %swap3A_424 = vector.shape_cast %swap3A_423 : vector<16xi32> to vector<16xi32>
    %swap3A_425 = vector.shape_cast %add3A_421 : vector<16xi32> to vector<16xi32>
    tpu.vector_store %arg8[%swap3A_422], %swap3A_425 {strides = array<i32>} : memref<128xi32, #tpu.memory_space<vmem>>, vector<16xi32>,
    %add3A_426 = arith.constant 16 : i32
    %add3A_427 = arith.addi %add3A_417, %add3A_426 : i32
    %add3A_428 = vector.broadcast %add3A_427 : i32 to vector<16xi32>
    %add3A_429 = arith.addi %iota3A, %add3A_428 : vector<16xi32>
    %swap3A_430 = arith.constant 16 : index
    %swap3A_431 = tpu.vector_load %arg8[%swap3A_430] {strides = array<i32>} : memref<128xi32, #tpu.memory_space<vmem>>, vector<16xi32>,
    %swap3A_432 = vector.shape_cast %swap3A_431 : vector<16xi32> to vector<16xi32>
    %swap3A_433 = vector.shape_cast %add3A_429 : vector<16xi32> to vector<16xi32>
    tpu.vector_store %arg8[%swap3A_430], %swap3A_433 {strides = array<i32>} : memref<128xi32, #tpu.memory_space<vmem>>, vector<16xi32>,
    %add3A_434 = arith.constant 32 : i32
    %add3A_435 = arith.addi %add3A_417, %add3A_434 : i32
    %add3A_436 = vector.broadcast %add3A_435 : i32 to vector<16xi32>
    %add3A_437 = arith.addi %iota3A, %add3A_436 : vector<16xi32>
    %swap3A_438 = arith.constant 32 : index
    %swap3A_439 = tpu.vector_load %arg8[%swap3A_438] {strides = array<i32>} : memref<128xi32, #tpu.memory_space<vmem>>, vector<16xi32>,
    %swap3A_440 = vector.shape_cast %swap3A_439 : vector<16xi32> to vector<16xi32>
    %swap3A_441 = vector.shape_cast %add3A_437 : vector<16xi32> to vector<16xi32>
    tpu.vector_store %arg8[%swap3A_438], %swap3A_441 {strides = array<i32>} : memref<128xi32, #tpu.memory_space<vmem>>, vector<16xi32>,
    %add3A_442 = arith.constant 48 : i32
    %add3A_443 = arith.addi %add3A_417, %add3A_442 : i32
    %add3A_444 = vector.broadcast %add3A_443 : i32 to vector<16xi32>
    %add3A_445 = arith.addi %iota3A, %add3A_444 : vector<16xi32>
    %swap3A_446 = arith.constant 48 : index
    %swap3A_447 = tpu.vector_load %arg8[%swap3A_446] {strides = array<i32>} : memref<128xi32, #tpu.memory_space<vmem>>, vector<16xi32>,
    %swap3A_448 = vector.shape_cast %swap3A_447 : vector<16xi32> to vector<16xi32>
    %swap3A_449 = vector.shape_cast %add3A_445 : vector<16xi32> to vector<16xi32>
    tpu.vector_store %arg8[%swap3A_446], %swap3A_449 {strides = array<i32>} : memref<128xi32, #tpu.memory_space<vmem>>, vector<16xi32>,
    %add3A_450 = arith.constant 64 : i32
    %add3A_451 = arith.addi %add3A_417, %add3A_450 : i32
    %add3A_452 = vector.broadcast %add3A_451 : i32 to vector<16xi32>
    %add3A_453 = arith.addi %iota3A, %add3A_452 : vector<16xi32>
    %swap3A_454 = arith.constant 64 : index
    %swap3A_455 = tpu.vector_load %arg8[%swap3A_454] {strides = array<i32>} : memref<128xi32, #tpu.memory_space<vmem>>, vector<16xi32>,
    %swap3A_456 = vector.shape_cast %swap3A_455 : vector<16xi32> to vector<16xi32>
    %swap3A_457 = vector.shape_cast %add3A_453 : vector<16xi32> to vector<16xi32>
    tpu.vector_store %arg8[%swap3A_454], %swap3A_457 {strides = array<i32>} : memref<128xi32, #tpu.memory_space<vmem>>, vector<16xi32>,
    %add3A_458 = arith.constant 80 : i32
    %add3A_459 = arith.addi %add3A_417, %add3A_458 : i32
    %add3A_460 = vector.broadcast %add3A_459 : i32 to vector<16xi32>
    %add3A_461 = arith.addi %iota3A, %add3A_460 : vector<16xi32>
    %swap3A_462 = arith.constant 80 : index
    %swap3A_463 = tpu.vector_load %arg8[%swap3A_462] {strides = array<i32>} : memref<128xi32, #tpu.memory_space<vmem>>, vector<16xi32>,
    %swap3A_464 = vector.shape_cast %swap3A_463 : vector<16xi32> to vector<16xi32>
    %swap3A_465 = vector.shape_cast %add3A_461 : vector<16xi32> to vector<16xi32>
    tpu.vector_store %arg8[%swap3A_462], %swap3A_465 {strides = array<i32>} : memref<128xi32, #tpu.memory_space<vmem>>, vector<16xi32>,
    %add3A_466 = arith.constant 96 : i32
    %add3A_467 = arith.addi %add3A_417, %add3A_466 : i32
    %add3A_468 = vector.broadcast %add3A_467 : i32 to vector<16xi32>
    %add3A_469 = arith.addi %iota3A, %add3A_468 : vector<16xi32>
    %swap3A_470 = arith.constant 96 : index
    %swap3A_471 = tpu.vector_load %arg8[%swap3A_470] {strides = array<i32>} : memref<128xi32, #tpu.memory_space<vmem>>, vector<16xi32>,
    %swap3A_472 = vector.shape_cast %swap3A_471 : vector<16xi32> to vector<16xi32>
    %swap3A_473 = vector.shape_cast %add3A_469 : vector<16xi32> to vector<16xi32>
    tpu.vector_store %arg8[%swap3A_470], %swap3A_473 {strides = array<i32>} : memref<128xi32, #tpu.memory_space<vmem>>, vector<16xi32>,
    %add3A_474 = arith.constant 112 : i32
    %add3A_475 = arith.addi %add3A_417, %add3A_474 : i32
    %add3A_476 = vector.broadcast %add3A_475 : i32 to vector<16xi32>
    %add3A_477 = arith.addi %iota3A, %add3A_476 : vector<16xi32>
    %swap3A_478 = arith.constant 112 : index
    %swap3A_479 = tpu.vector_load %arg8[%swap3A_478] {strides = array<i32>} : memref<128xi32, #tpu.memory_space<vmem>>, vector<16xi32>,
    %swap3A_480 = vector.shape_cast %swap3A_479 : vector<16xi32> to vector<16xi32>
    %swap3A_481 = vector.shape_cast %add3A_477 : vector<16xi32> to vector<16xi32>
    tpu.vector_store %arg8[%swap3A_478], %swap3A_481 {strides = array<i32>} : memref<128xi32, #tpu.memory_space<vmem>>, vector<16xi32>,
    %dma_start3A_482 = arith.constant 0 : i32
    %dma_start3A_483 = arith.constant 0 : i32
    %dma_start3A_484 = tpu.memref_slice %arg11[%dma_start3A_482, %dma_start3A_483] : memref<10240x128xf32, #tpu.memory_space<vmem_shared>> -> memref<10240x128xf32, #tpu.memory_space<vmem_shared>>
    tpu.enqueue_indirect_dma source(%dma_start3A_484 : memref<10240x128xf32, #tpu.memory_space<vmem_shared>>) target(%arg9 : memref<128x128xf32, #tpu.memory_space<vmem>>) offsets(%arg8 : memref<128xi32, #tpu.memory_space<vmem>>) semaphore(%arg12 : memref<!tpu.dma_semaphore, #tpu.memory_space<semaphore_mem>>)
    %dma_wait3A_485 = arith.constant 0 : i32
    %dma_wait3A_486 = arith.constant 0 : i32
    %dma_wait3A_487 = tpu.memref_slice %arg11[%dma_wait3A_485, %dma_wait3A_486] : memref<10240x128xf32, #tpu.memory_space<vmem_shared>> -> memref<10240x128xf32, #tpu.memory_space<vmem_shared>>
    tpu.wait_indirect_dma semaphore(%arg12 : memref<!tpu.dma_semaphore, #tpu.memory_space<semaphore_mem>>) src(%dma_wait3A_487 : memref<10240x128xf32, #tpu.memory_space<vmem_shared>>) dst(%arg9 : memref<128x128xf32, #tpu.memory_space<vmem>>)
    %add3A_488 = arith.constant 0 : i32
    %add3A_489 = arith.addi %add3A_415, %add3A_488 : i32
    "tpu.region"() ({
      %run_scoped3A = tpu.sem_alloc : memref<!tpu.dma_semaphore, #tpu.memory_space<semaphore_mem>>
      %dma_start3A_786 = arith.constant 0 : i32
      %dma_start3A_787 = tpu.memref_slice %arg5[%add3A_489, %dma_start3A_786] : memref<20480x128xf32, #tpu.memory_space<hbm>> -> memref<128x128xf32, #tpu.memory_space<hbm>>
      %dma_start3A_788 = arith.constant 0 : i32
      %dma_start3A_789 = tpu.memref_slice %arg5[%add3A_489, %dma_start3A_788] : memref<20480x128xf32, #tpu.memory_space<hbm>> -> memref<128x128xf32, #tpu.memory_space<hbm>>
      tpu.enqueue_dma source(%arg9 : memref<128x128xf32, #tpu.memory_space<vmem>>) target(%dma_start3A_789 : memref<128x128xf32, #tpu.memory_space<hbm>>) target_semaphore(%run_scoped3A : memref<!tpu.dma_semaphore, #tpu.memory_space<semaphore_mem>>)
      %dma_wait3A_790 = arith.constant 0 : i32
      %dma_wait3A_791 = tpu.memref_slice %arg5[%add3A_489, %dma_wait3A_790] : memref<20480x128xf32, #tpu.memory_space<hbm>> -> memref<128x128xf32, #tpu.memory_space<hbm>>
      %dma_wait3A_792 = arith.constant 0 : i32
      %dma_wait3A_793 = tpu.memref_slice %arg5[%add3A_489, %dma_wait3A_792] : memref<20480x128xf32, #tpu.memory_space<hbm>> -> memref<128x128xf32, #tpu.memory_space<hbm>>
      tpu.wait_dma2 semaphore(%run_scoped3A : memref<!tpu.dma_semaphore, #tpu.memory_space<semaphore_mem>>) src(%arg9 : memref<128x128xf32, #tpu.memory_space<vmem>>) dst(%dma_wait3A_793 : memref<128x128xf32, #tpu.memory_space<hbm>>)
      tpu.yield
    }) : () -> ()
    %add3A_490 = arith.constant 128 : i32
    %add3A_491 = arith.addi %mul3A_7, %add3A_490 : i32
    %add3A_492 = arith.constant 0 : i32
    %add3A_493 = arith.addi %add3A_491, %add3A_492 : i32
    %add3A_494 = vector.broadcast %add3A_493 : i32 to vector<16xi32>
    %add3A_495 = arith.addi %iota3A, %add3A_494 : vector<16xi32>
    %swap3A_496 = arith.constant 0 : index
    %swap3A_497 = tpu.vector_load %arg8[%swap3A_496] {strides = array<i32>} : memref<128xi32, #tpu.memory_space<vmem>>, vector<16xi32>,
    %swap3A_498 = vector.shape_cast %swap3A_497 : vector<16xi32> to vector<16xi32>
    %swap3A_499 = vector.shape_cast %add3A_495 : vector<16xi32> to vector<16xi32>
    tpu.vector_store %arg8[%swap3A_496], %swap3A_499 {strides = array<i32>} : memref<128xi32, #tpu.memory_space<vmem>>, vector<16xi32>,
    %add3A_500 = arith.constant 16 : i32
    %add3A_501 = arith.addi %add3A_491, %add3A_500 : i32
    %add3A_502 = vector.broadcast %add3A_501 : i32 to vector<16xi32>
    %add3A_503 = arith.addi %iota3A, %add3A_502 : vector<16xi32>
    %swap3A_504 = arith.constant 16 : index
    %swap3A_505 = tpu.vector_load %arg8[%swap3A_504] {strides = array<i32>} : memref<128xi32, #tpu.memory_space<vmem>>, vector<16xi32>,
    %swap3A_506 = vector.shape_cast %swap3A_505 : vector<16xi32> to vector<16xi32>
    %swap3A_507 = vector.shape_cast %add3A_503 : vector<16xi32> to vector<16xi32>
    tpu.vector_store %arg8[%swap3A_504], %swap3A_507 {strides = array<i32>} : memref<128xi32, #tpu.memory_space<vmem>>, vector<16xi32>,
    %add3A_508 = arith.constant 32 : i32
    %add3A_509 = arith.addi %add3A_491, %add3A_508 : i32
    %add3A_510 = vector.broadcast %add3A_509 : i32 to vector<16xi32>
    %add3A_511 = arith.addi %iota3A, %add3A_510 : vector<16xi32>
    %swap3A_512 = arith.constant 32 : index
    %swap3A_513 = tpu.vector_load %arg8[%swap3A_512] {strides = array<i32>} : memref<128xi32, #tpu.memory_space<vmem>>, vector<16xi32>,
    %swap3A_514 = vector.shape_cast %swap3A_513 : vector<16xi32> to vector<16xi32>
    %swap3A_515 = vector.shape_cast %add3A_511 : vector<16xi32> to vector<16xi32>
    tpu.vector_store %arg8[%swap3A_512], %swap3A_515 {strides = array<i32>} : memref<128xi32, #tpu.memory_space<vmem>>, vector<16xi32>,
    %add3A_516 = arith.constant 48 : i32
    %add3A_517 = arith.addi %add3A_491, %add3A_516 : i32
    %add3A_518 = vector.broadcast %add3A_517 : i32 to vector<16xi32>
    %add3A_519 = arith.addi %iota3A, %add3A_518 : vector<16xi32>
    %swap3A_520 = arith.constant 48 : index
    %swap3A_521 = tpu.vector_load %arg8[%swap3A_520] {strides = array<i32>} : memref<128xi32, #tpu.memory_space<vmem>>, vector<16xi32>,
    %swap3A_522 = vector.shape_cast %swap3A_521 : vector<16xi32> to vector<16xi32>
    %swap3A_523 = vector.shape_cast %add3A_519 : vector<16xi32> to vector<16xi32>
    tpu.vector_store %arg8[%swap3A_520], %swap3A_523 {strides = array<i32>} : memref<128xi32, #tpu.memory_space<vmem>>, vector<16xi32>,
    %add3A_524 = arith.constant 64 : i32
    %add3A_525 = arith.addi %add3A_491, %add3A_524 : i32
    %add3A_526 = vector.broadcast %add3A_525 : i32 to vector<16xi32>
    %add3A_527 = arith.addi %iota3A, %add3A_526 : vector<16xi32>
    %swap3A_528 = arith.constant 64 : index
    %swap3A_529 = tpu.vector_load %arg8[%swap3A_528] {strides = array<i32>} : memref<128xi32, #tpu.memory_space<vmem>>, vector<16xi32>,
    %swap3A_530 = vector.shape_cast %swap3A_529 : vector<16xi32> to vector<16xi32>
    %swap3A_531 = vector.shape_cast %add3A_527 : vector<16xi32> to vector<16xi32>
    tpu.vector_store %arg8[%swap3A_528], %swap3A_531 {strides = array<i32>} : memref<128xi32, #tpu.memory_space<vmem>>, vector<16xi32>,
    %add3A_532 = arith.constant 80 : i32
    %add3A_533 = arith.addi %add3A_491, %add3A_532 : i32
    %add3A_534 = vector.broadcast %add3A_533 : i32 to vector<16xi32>
    %add3A_535 = arith.addi %iota3A, %add3A_534 : vector<16xi32>
    %swap3A_536 = arith.constant 80 : index
    %swap3A_537 = tpu.vector_load %arg8[%swap3A_536] {strides = array<i32>} : memref<128xi32, #tpu.memory_space<vmem>>, vector<16xi32>,
    %swap3A_538 = vector.shape_cast %swap3A_537 : vector<16xi32> to vector<16xi32>
    %swap3A_539 = vector.shape_cast %add3A_535 : vector<16xi32> to vector<16xi32>
    tpu.vector_store %arg8[%swap3A_536], %swap3A_539 {strides = array<i32>} : memref<128xi32, #tpu.memory_space<vmem>>, vector<16xi32>,
    %add3A_540 = arith.constant 96 : i32
    %add3A_541 = arith.addi %add3A_491, %add3A_540 : i32
    %add3A_542 = vector.broadcast %add3A_541 : i32 to vector<16xi32>
    %add3A_543 = arith.addi %iota3A, %add3A_542 : vector<16xi32>
    %swap3A_544 = arith.constant 96 : index
    %swap3A_545 = tpu.vector_load %arg8[%swap3A_544] {strides = array<i32>} : memref<128xi32, #tpu.memory_space<vmem>>, vector<16xi32>,
    %swap3A_546 = vector.shape_cast %swap3A_545 : vector<16xi32> to vector<16xi32>
    %swap3A_547 = vector.shape_cast %add3A_543 : vector<16xi32> to vector<16xi32>
    tpu.vector_store %arg8[%swap3A_544], %swap3A_547 {strides = array<i32>} : memref<128xi32, #tpu.memory_space<vmem>>, vector<16xi32>,
    %add3A_548 = arith.constant 112 : i32
    %add3A_549 = arith.addi %add3A_491, %add3A_548 : i32
    %add3A_550 = vector.broadcast %add3A_549 : i32 to vector<16xi32>
    %add3A_551 = arith.addi %iota3A, %add3A_550 : vector<16xi32>
    %swap3A_552 = arith.constant 112 : index
    %swap3A_553 = tpu.vector_load %arg8[%swap3A_552] {strides = array<i32>} : memref<128xi32, #tpu.memory_space<vmem>>, vector<16xi32>,
    %swap3A_554 = vector.shape_cast %swap3A_553 : vector<16xi32> to vector<16xi32>
    %swap3A_555 = vector.shape_cast %add3A_551 : vector<16xi32> to vector<16xi32>
    tpu.vector_store %arg8[%swap3A_552], %swap3A_555 {strides = array<i32>} : memref<128xi32, #tpu.memory_space<vmem>>, vector<16xi32>,
    %dma_start3A_556 = arith.constant 0 : i32
    %dma_start3A_557 = arith.constant 0 : i32
    %dma_start3A_558 = tpu.memref_slice %arg11[%dma_start3A_556, %dma_start3A_557] : memref<10240x128xf32, #tpu.memory_space<vmem_shared>> -> memref<10240x128xf32, #tpu.memory_space<vmem_shared>>
    tpu.enqueue_indirect_dma source(%dma_start3A_558 : memref<10240x128xf32, #tpu.memory_space<vmem_shared>>) target(%arg9 : memref<128x128xf32, #tpu.memory_space<vmem>>) offsets(%arg8 : memref<128xi32, #tpu.memory_space<vmem>>) semaphore(%arg12 : memref<!tpu.dma_semaphore, #tpu.memory_space<semaphore_mem>>)
    %dma_wait3A_559 = arith.constant 0 : i32
    %dma_wait3A_560 = arith.constant 0 : i32
    %dma_wait3A_561 = tpu.memref_slice %arg11[%dma_wait3A_559, %dma_wait3A_560] : memref<10240x128xf32, #tpu.memory_space<vmem_shared>> -> memref<10240x128xf32, #tpu.memory_space<vmem_shared>>
    tpu.wait_indirect_dma semaphore(%arg12 : memref<!tpu.dma_semaphore, #tpu.memory_space<semaphore_mem>>) src(%dma_wait3A_561 : memref<10240x128xf32, #tpu.memory_space<vmem_shared>>) dst(%arg9 : memref<128x128xf32, #tpu.memory_space<vmem>>)
    %add3A_562 = arith.constant 128 : i32
    %add3A_563 = arith.addi %add3A_415, %add3A_562 : i32
    "tpu.region"() ({
      %run_scoped3A = tpu.sem_alloc : memref<!tpu.dma_semaphore, #tpu.memory_space<semaphore_mem>>
      %dma_start3A_786 = arith.constant 0 : i32
      %dma_start3A_787 = tpu.memref_slice %arg5[%add3A_563, %dma_start3A_786] : memref<20480x128xf32, #tpu.memory_space<hbm>> -> memref<128x128xf32, #tpu.memory_space<hbm>>
      %dma_start3A_788 = arith.constant 0 : i32
      %dma_start3A_789 = tpu.memref_slice %arg5[%add3A_563, %dma_start3A_788] : memref<20480x128xf32, #tpu.memory_space<hbm>> -> memref<128x128xf32, #tpu.memory_space<hbm>>
      tpu.enqueue_dma source(%arg9 : memref<128x128xf32, #tpu.memory_space<vmem>>) target(%dma_start3A_789 : memref<128x128xf32, #tpu.memory_space<hbm>>) target_semaphore(%run_scoped3A : memref<!tpu.dma_semaphore, #tpu.memory_space<semaphore_mem>>)
      %dma_wait3A_790 = arith.constant 0 : i32
      %dma_wait3A_791 = tpu.memref_slice %arg5[%add3A_563, %dma_wait3A_790] : memref<20480x128xf32, #tpu.memory_space<hbm>> -> memref<128x128xf32, #tpu.memory_space<hbm>>
      %dma_wait3A_792 = arith.constant 0 : i32
      %dma_wait3A_793 = tpu.memref_slice %arg5[%add3A_563, %dma_wait3A_792] : memref<20480x128xf32, #tpu.memory_space<hbm>> -> memref<128x128xf32, #tpu.memory_space<hbm>>
      tpu.wait_dma2 semaphore(%run_scoped3A : memref<!tpu.dma_semaphore, #tpu.memory_space<semaphore_mem>>) src(%arg9 : memref<128x128xf32, #tpu.memory_space<vmem>>) dst(%dma_wait3A_793 : memref<128x128xf32, #tpu.memory_space<hbm>>)
      tpu.yield
    }) : () -> ()
    %add3A_564 = arith.constant 256 : i32
    %add3A_565 = arith.addi %mul3A_7, %add3A_564 : i32
    %add3A_566 = arith.constant 0 : i32
    %add3A_567 = arith.addi %add3A_565, %add3A_566 : i32
    %add3A_568 = vector.broadcast %add3A_567 : i32 to vector<16xi32>
    %add3A_569 = arith.addi %iota3A, %add3A_568 : vector<16xi32>
    %swap3A_570 = arith.constant 0 : index
    %swap3A_571 = tpu.vector_load %arg8[%swap3A_570] {strides = array<i32>} : memref<128xi32, #tpu.memory_space<vmem>>, vector<16xi32>,
    %swap3A_572 = vector.shape_cast %swap3A_571 : vector<16xi32> to vector<16xi32>
    %swap3A_573 = vector.shape_cast %add3A_569 : vector<16xi32> to vector<16xi32>
    tpu.vector_store %arg8[%swap3A_570], %swap3A_573 {strides = array<i32>} : memref<128xi32, #tpu.memory_space<vmem>>, vector<16xi32>,
    %add3A_574 = arith.constant 16 : i32
    %add3A_575 = arith.addi %add3A_565, %add3A_574 : i32
    %add3A_576 = vector.broadcast %add3A_575 : i32 to vector<16xi32>
    %add3A_577 = arith.addi %iota3A, %add3A_576 : vector<16xi32>
    %swap3A_578 = arith.constant 16 : index
    %swap3A_579 = tpu.vector_load %arg8[%swap3A_578] {strides = array<i32>} : memref<128xi32, #tpu.memory_space<vmem>>, vector<16xi32>,
    %swap3A_580 = vector.shape_cast %swap3A_579 : vector<16xi32> to vector<16xi32>
    %swap3A_581 = vector.shape_cast %add3A_577 : vector<16xi32> to vector<16xi32>
    tpu.vector_store %arg8[%swap3A_578], %swap3A_581 {strides = array<i32>} : memref<128xi32, #tpu.memory_space<vmem>>, vector<16xi32>,
    %add3A_582 = arith.constant 32 : i32
    %add3A_583 = arith.addi %add3A_565, %add3A_582 : i32
    %add3A_584 = vector.broadcast %add3A_583 : i32 to vector<16xi32>
    %add3A_585 = arith.addi %iota3A, %add3A_584 : vector<16xi32>
    %swap3A_586 = arith.constant 32 : index
    %swap3A_587 = tpu.vector_load %arg8[%swap3A_586] {strides = array<i32>} : memref<128xi32, #tpu.memory_space<vmem>>, vector<16xi32>,
    %swap3A_588 = vector.shape_cast %swap3A_587 : vector<16xi32> to vector<16xi32>
    %swap3A_589 = vector.shape_cast %add3A_585 : vector<16xi32> to vector<16xi32>
    tpu.vector_store %arg8[%swap3A_586], %swap3A_589 {strides = array<i32>} : memref<128xi32, #tpu.memory_space<vmem>>, vector<16xi32>,
    %add3A_590 = arith.constant 48 : i32
    %add3A_591 = arith.addi %add3A_565, %add3A_590 : i32
    %add3A_592 = vector.broadcast %add3A_591 : i32 to vector<16xi32>
    %add3A_593 = arith.addi %iota3A, %add3A_592 : vector<16xi32>
    %swap3A_594 = arith.constant 48 : index
    %swap3A_595 = tpu.vector_load %arg8[%swap3A_594] {strides = array<i32>} : memref<128xi32, #tpu.memory_space<vmem>>, vector<16xi32>,
    %swap3A_596 = vector.shape_cast %swap3A_595 : vector<16xi32> to vector<16xi32>
    %swap3A_597 = vector.shape_cast %add3A_593 : vector<16xi32> to vector<16xi32>
    tpu.vector_store %arg8[%swap3A_594], %swap3A_597 {strides = array<i32>} : memref<128xi32, #tpu.memory_space<vmem>>, vector<16xi32>,
    %add3A_598 = arith.constant 64 : i32
    %add3A_599 = arith.addi %add3A_565, %add3A_598 : i32
    %add3A_600 = vector.broadcast %add3A_599 : i32 to vector<16xi32>
    %add3A_601 = arith.addi %iota3A, %add3A_600 : vector<16xi32>
    %swap3A_602 = arith.constant 64 : index
    %swap3A_603 = tpu.vector_load %arg8[%swap3A_602] {strides = array<i32>} : memref<128xi32, #tpu.memory_space<vmem>>, vector<16xi32>,
    %swap3A_604 = vector.shape_cast %swap3A_603 : vector<16xi32> to vector<16xi32>
    %swap3A_605 = vector.shape_cast %add3A_601 : vector<16xi32> to vector<16xi32>
    tpu.vector_store %arg8[%swap3A_602], %swap3A_605 {strides = array<i32>} : memref<128xi32, #tpu.memory_space<vmem>>, vector<16xi32>,
    %add3A_606 = arith.constant 80 : i32
    %add3A_607 = arith.addi %add3A_565, %add3A_606 : i32
    %add3A_608 = vector.broadcast %add3A_607 : i32 to vector<16xi32>
    %add3A_609 = arith.addi %iota3A, %add3A_608 : vector<16xi32>
    %swap3A_610 = arith.constant 80 : index
    %swap3A_611 = tpu.vector_load %arg8[%swap3A_610] {strides = array<i32>} : memref<128xi32, #tpu.memory_space<vmem>>, vector<16xi32>,
    %swap3A_612 = vector.shape_cast %swap3A_611 : vector<16xi32> to vector<16xi32>
    %swap3A_613 = vector.shape_cast %add3A_609 : vector<16xi32> to vector<16xi32>
    tpu.vector_store %arg8[%swap3A_610], %swap3A_613 {strides = array<i32>} : memref<128xi32, #tpu.memory_space<vmem>>, vector<16xi32>,
    %add3A_614 = arith.constant 96 : i32
    %add3A_615 = arith.addi %add3A_565, %add3A_614 : i32
    %add3A_616 = vector.broadcast %add3A_615 : i32 to vector<16xi32>
    %add3A_617 = arith.addi %iota3A, %add3A_616 : vector<16xi32>
    %swap3A_618 = arith.constant 96 : index
    %swap3A_619 = tpu.vector_load %arg8[%swap3A_618] {strides = array<i32>} : memref<128xi32, #tpu.memory_space<vmem>>, vector<16xi32>,
    %swap3A_620 = vector.shape_cast %swap3A_619 : vector<16xi32> to vector<16xi32>
    %swap3A_621 = vector.shape_cast %add3A_617 : vector<16xi32> to vector<16xi32>
    tpu.vector_store %arg8[%swap3A_618], %swap3A_621 {strides = array<i32>} : memref<128xi32, #tpu.memory_space<vmem>>, vector<16xi32>,
    %add3A_622 = arith.constant 112 : i32
    %add3A_623 = arith.addi %add3A_565, %add3A_622 : i32
    %add3A_624 = vector.broadcast %add3A_623 : i32 to vector<16xi32>
    %add3A_625 = arith.addi %iota3A, %add3A_624 : vector<16xi32>
    %swap3A_626 = arith.constant 112 : index
    %swap3A_627 = tpu.vector_load %arg8[%swap3A_626] {strides = array<i32>} : memref<128xi32, #tpu.memory_space<vmem>>, vector<16xi32>,
    %swap3A_628 = vector.shape_cast %swap3A_627 : vector<16xi32> to vector<16xi32>
    %swap3A_629 = vector.shape_cast %add3A_625 : vector<16xi32> to vector<16xi32>
    tpu.vector_store %arg8[%swap3A_626], %swap3A_629 {strides = array<i32>} : memref<128xi32, #tpu.memory_space<vmem>>, vector<16xi32>,
    %dma_start3A_630 = arith.constant 0 : i32
    %dma_start3A_631 = arith.constant 0 : i32
    %dma_start3A_632 = tpu.memref_slice %arg11[%dma_start3A_630, %dma_start3A_631] : memref<10240x128xf32, #tpu.memory_space<vmem_shared>> -> memref<10240x128xf32, #tpu.memory_space<vmem_shared>>
    tpu.enqueue_indirect_dma source(%dma_start3A_632 : memref<10240x128xf32, #tpu.memory_space<vmem_shared>>) target(%arg9 : memref<128x128xf32, #tpu.memory_space<vmem>>) offsets(%arg8 : memref<128xi32, #tpu.memory_space<vmem>>) semaphore(%arg12 : memref<!tpu.dma_semaphore, #tpu.memory_space<semaphore_mem>>)
    %dma_wait3A_633 = arith.constant 0 : i32
    %dma_wait3A_634 = arith.constant 0 : i32
    %dma_wait3A_635 = tpu.memref_slice %arg11[%dma_wait3A_633, %dma_wait3A_634] : memref<10240x128xf32, #tpu.memory_space<vmem_shared>> -> memref<10240x128xf32, #tpu.memory_space<vmem_shared>>
    tpu.wait_indirect_dma semaphore(%arg12 : memref<!tpu.dma_semaphore, #tpu.memory_space<semaphore_mem>>) src(%dma_wait3A_635 : memref<10240x128xf32, #tpu.memory_space<vmem_shared>>) dst(%arg9 : memref<128x128xf32, #tpu.memory_space<vmem>>)
    %add3A_636 = arith.constant 256 : i32
    %add3A_637 = arith.addi %add3A_415, %add3A_636 : i32
    "tpu.region"() ({
      %run_scoped3A = tpu.sem_alloc : memref<!tpu.dma_semaphore, #tpu.memory_space<semaphore_mem>>
      %dma_start3A_786 = arith.constant 0 : i32
      %dma_start3A_787 = tpu.memref_slice %arg5[%add3A_637, %dma_start3A_786] : memref<20480x128xf32, #tpu.memory_space<hbm>> -> memref<128x128xf32, #tpu.memory_space<hbm>>
      %dma_start3A_788 = arith.constant 0 : i32
      %dma_start3A_789 = tpu.memref_slice %arg5[%add3A_637, %dma_start3A_788] : memref<20480x128xf32, #tpu.memory_space<hbm>> -> memref<128x128xf32, #tpu.memory_space<hbm>>
      tpu.enqueue_dma source(%arg9 : memref<128x128xf32, #tpu.memory_space<vmem>>) target(%dma_start3A_789 : memref<128x128xf32, #tpu.memory_space<hbm>>) target_semaphore(%run_scoped3A : memref<!tpu.dma_semaphore, #tpu.memory_space<semaphore_mem>>)
      %dma_wait3A_790 = arith.constant 0 : i32
      %dma_wait3A_791 = tpu.memref_slice %arg5[%add3A_637, %dma_wait3A_790] : memref<20480x128xf32, #tpu.memory_space<hbm>> -> memref<128x128xf32, #tpu.memory_space<hbm>>
      %dma_wait3A_792 = arith.constant 0 : i32
      %dma_wait3A_793 = tpu.memref_slice %arg5[%add3A_637, %dma_wait3A_792] : memref<20480x128xf32, #tpu.memory_space<hbm>> -> memref<128x128xf32, #tpu.memory_space<hbm>>
      tpu.wait_dma2 semaphore(%run_scoped3A : memref<!tpu.dma_semaphore, #tpu.memory_space<semaphore_mem>>) src(%arg9 : memref<128x128xf32, #tpu.memory_space<vmem>>) dst(%dma_wait3A_793 : memref<128x128xf32, #tpu.memory_space<hbm>>)
      tpu.yield
    }) : () -> ()
    %add3A_638 = arith.constant 384 : i32
    %add3A_639 = arith.addi %mul3A_7, %add3A_638 : i32
    %add3A_640 = arith.constant 0 : i32
    %add3A_641 = arith.addi %add3A_639, %add3A_640 : i32
    %add3A_642 = vector.broadcast %add3A_641 : i32 to vector<16xi32>
    %add3A_643 = arith.addi %iota3A, %add3A_642 : vector<16xi32>
    %swap3A_644 = arith.constant 0 : index
    %swap3A_645 = tpu.vector_load %arg8[%swap3A_644] {strides = array<i32>} : memref<128xi32, #tpu.memory_space<vmem>>, vector<16xi32>,
    %swap3A_646 = vector.shape_cast %swap3A_645 : vector<16xi32> to vector<16xi32>
    %swap3A_647 = vector.shape_cast %add3A_643 : vector<16xi32> to vector<16xi32>
    tpu.vector_store %arg8[%swap3A_644], %swap3A_647 {strides = array<i32>} : memref<128xi32, #tpu.memory_space<vmem>>, vector<16xi32>,
    %add3A_648 = arith.constant 16 : i32
    %add3A_649 = arith.addi %add3A_639, %add3A_648 : i32
    %add3A_650 = vector.broadcast %add3A_649 : i32 to vector<16xi32>
    %add3A_651 = arith.addi %iota3A, %add3A_650 : vector<16xi32>
    %swap3A_652 = arith.constant 16 : index
    %swap3A_653 = tpu.vector_load %arg8[%swap3A_652] {strides = array<i32>} : memref<128xi32, #tpu.memory_space<vmem>>, vector<16xi32>,
    %swap3A_654 = vector.shape_cast %swap3A_653 : vector<16xi32> to vector<16xi32>
    %swap3A_655 = vector.shape_cast %add3A_651 : vector<16xi32> to vector<16xi32>
    tpu.vector_store %arg8[%swap3A_652], %swap3A_655 {strides = array<i32>} : memref<128xi32, #tpu.memory_space<vmem>>, vector<16xi32>,
    %add3A_656 = arith.constant 32 : i32
    %add3A_657 = arith.addi %add3A_639, %add3A_656 : i32
    %add3A_658 = vector.broadcast %add3A_657 : i32 to vector<16xi32>
    %add3A_659 = arith.addi %iota3A, %add3A_658 : vector<16xi32>
    %swap3A_660 = arith.constant 32 : index
    %swap3A_661 = tpu.vector_load %arg8[%swap3A_660] {strides = array<i32>} : memref<128xi32, #tpu.memory_space<vmem>>, vector<16xi32>,
    %swap3A_662 = vector.shape_cast %swap3A_661 : vector<16xi32> to vector<16xi32>
    %swap3A_663 = vector.shape_cast %add3A_659 : vector<16xi32> to vector<16xi32>
    tpu.vector_store %arg8[%swap3A_660], %swap3A_663 {strides = array<i32>} : memref<128xi32, #tpu.memory_space<vmem>>, vector<16xi32>,
    %add3A_664 = arith.constant 48 : i32
    %add3A_665 = arith.addi %add3A_639, %add3A_664 : i32
    %add3A_666 = vector.broadcast %add3A_665 : i32 to vector<16xi32>
    %add3A_667 = arith.addi %iota3A, %add3A_666 : vector<16xi32>
    %swap3A_668 = arith.constant 48 : index
    %swap3A_669 = tpu.vector_load %arg8[%swap3A_668] {strides = array<i32>} : memref<128xi32, #tpu.memory_space<vmem>>, vector<16xi32>,
    %swap3A_670 = vector.shape_cast %swap3A_669 : vector<16xi32> to vector<16xi32>
    %swap3A_671 = vector.shape_cast %add3A_667 : vector<16xi32> to vector<16xi32>
    tpu.vector_store %arg8[%swap3A_668], %swap3A_671 {strides = array<i32>} : memref<128xi32, #tpu.memory_space<vmem>>, vector<16xi32>,
    %add3A_672 = arith.constant 64 : i32
    %add3A_673 = arith.addi %add3A_639, %add3A_672 : i32
    %add3A_674 = vector.broadcast %add3A_673 : i32 to vector<16xi32>
    %add3A_675 = arith.addi %iota3A, %add3A_674 : vector<16xi32>
    %swap3A_676 = arith.constant 64 : index
    %swap3A_677 = tpu.vector_load %arg8[%swap3A_676] {strides = array<i32>} : memref<128xi32, #tpu.memory_space<vmem>>, vector<16xi32>,
    %swap3A_678 = vector.shape_cast %swap3A_677 : vector<16xi32> to vector<16xi32>
    %swap3A_679 = vector.shape_cast %add3A_675 : vector<16xi32> to vector<16xi32>
    tpu.vector_store %arg8[%swap3A_676], %swap3A_679 {strides = array<i32>} : memref<128xi32, #tpu.memory_space<vmem>>, vector<16xi32>,
    %add3A_680 = arith.constant 80 : i32
    %add3A_681 = arith.addi %add3A_639, %add3A_680 : i32
    %add3A_682 = vector.broadcast %add3A_681 : i32 to vector<16xi32>
    %add3A_683 = arith.addi %iota3A, %add3A_682 : vector<16xi32>
    %swap3A_684 = arith.constant 80 : index
    %swap3A_685 = tpu.vector_load %arg8[%swap3A_684] {strides = array<i32>} : memref<128xi32, #tpu.memory_space<vmem>>, vector<16xi32>,
    %swap3A_686 = vector.shape_cast %swap3A_685 : vector<16xi32> to vector<16xi32>
    %swap3A_687 = vector.shape_cast %add3A_683 : vector<16xi32> to vector<16xi32>
    tpu.vector_store %arg8[%swap3A_684], %swap3A_687 {strides = array<i32>} : memref<128xi32, #tpu.memory_space<vmem>>, vector<16xi32>,
    %add3A_688 = arith.constant 96 : i32
    %add3A_689 = arith.addi %add3A_639, %add3A_688 : i32
    %add3A_690 = vector.broadcast %add3A_689 : i32 to vector<16xi32>
    %add3A_691 = arith.addi %iota3A, %add3A_690 : vector<16xi32>
    %swap3A_692 = arith.constant 96 : index
    %swap3A_693 = tpu.vector_load %arg8[%swap3A_692] {strides = array<i32>} : memref<128xi32, #tpu.memory_space<vmem>>, vector<16xi32>,
    %swap3A_694 = vector.shape_cast %swap3A_693 : vector<16xi32> to vector<16xi32>
    %swap3A_695 = vector.shape_cast %add3A_691 : vector<16xi32> to vector<16xi32>
    tpu.vector_store %arg8[%swap3A_692], %swap3A_695 {strides = array<i32>} : memref<128xi32, #tpu.memory_space<vmem>>, vector<16xi32>,
    %add3A_696 = arith.constant 112 : i32
    %add3A_697 = arith.addi %add3A_639, %add3A_696 : i32
    %add3A_698 = vector.broadcast %add3A_697 : i32 to vector<16xi32>
    %add3A_699 = arith.addi %iota3A, %add3A_698 : vector<16xi32>
    %swap3A_700 = arith.constant 112 : index
    %swap3A_701 = tpu.vector_load %arg8[%swap3A_700] {strides = array<i32>} : memref<128xi32, #tpu.memory_space<vmem>>, vector<16xi32>,
    %swap3A_702 = vector.shape_cast %swap3A_701 : vector<16xi32> to vector<16xi32>
    %swap3A_703 = vector.shape_cast %add3A_699 : vector<16xi32> to vector<16xi32>
    tpu.vector_store %arg8[%swap3A_700], %swap3A_703 {strides = array<i32>} : memref<128xi32, #tpu.memory_space<vmem>>, vector<16xi32>,
    %dma_start3A_704 = arith.constant 0 : i32
    %dma_start3A_705 = arith.constant 0 : i32
    %dma_start3A_706 = tpu.memref_slice %arg11[%dma_start3A_704, %dma_start3A_705] : memref<10240x128xf32, #tpu.memory_space<vmem_shared>> -> memref<10240x128xf32, #tpu.memory_space<vmem_shared>>
    tpu.enqueue_indirect_dma source(%dma_start3A_706 : memref<10240x128xf32, #tpu.memory_space<vmem_shared>>) target(%arg9 : memref<128x128xf32, #tpu.memory_space<vmem>>) offsets(%arg8 : memref<128xi32, #tpu.memory_space<vmem>>) semaphore(%arg12 : memref<!tpu.dma_semaphore, #tpu.memory_space<semaphore_mem>>)
    %dma_wait3A_707 = arith.constant 0 : i32
    %dma_wait3A_708 = arith.constant 0 : i32
    %dma_wait3A_709 = tpu.memref_slice %arg11[%dma_wait3A_707, %dma_wait3A_708] : memref<10240x128xf32, #tpu.memory_space<vmem_shared>> -> memref<10240x128xf32, #tpu.memory_space<vmem_shared>>
    tpu.wait_indirect_dma semaphore(%arg12 : memref<!tpu.dma_semaphore, #tpu.memory_space<semaphore_mem>>) src(%dma_wait3A_709 : memref<10240x128xf32, #tpu.memory_space<vmem_shared>>) dst(%arg9 : memref<128x128xf32, #tpu.memory_space<vmem>>)
    %add3A_710 = arith.constant 384 : i32
    %add3A_711 = arith.addi %add3A_415, %add3A_710 : i32
    "tpu.region"() ({
      %run_scoped3A = tpu.sem_alloc : memref<!tpu.dma_semaphore, #tpu.memory_space<semaphore_mem>>
      %dma_start3A_786 = arith.constant 0 : i32
      %dma_start3A_787 = tpu.memref_slice %arg5[%add3A_711, %dma_start3A_786] : memref<20480x128xf32, #tpu.memory_space<hbm>> -> memref<128x128xf32, #tpu.memory_space<hbm>>
      %dma_start3A_788 = arith.constant 0 : i32
      %dma_start3A_789 = tpu.memref_slice %arg5[%add3A_711, %dma_start3A_788] : memref<20480x128xf32, #tpu.memory_space<hbm>> -> memref<128x128xf32, #tpu.memory_space<hbm>>
      tpu.enqueue_dma source(%arg9 : memref<128x128xf32, #tpu.memory_space<vmem>>) target(%dma_start3A_789 : memref<128x128xf32, #tpu.memory_space<hbm>>) target_semaphore(%run_scoped3A : memref<!tpu.dma_semaphore, #tpu.memory_space<semaphore_mem>>)
      %dma_wait3A_790 = arith.constant 0 : i32
      %dma_wait3A_791 = tpu.memref_slice %arg5[%add3A_711, %dma_wait3A_790] : memref<20480x128xf32, #tpu.memory_space<hbm>> -> memref<128x128xf32, #tpu.memory_space<hbm>>
      %dma_wait3A_792 = arith.constant 0 : i32
      %dma_wait3A_793 = tpu.memref_slice %arg5[%add3A_711, %dma_wait3A_792] : memref<20480x128xf32, #tpu.memory_space<hbm>> -> memref<128x128xf32, #tpu.memory_space<hbm>>
      tpu.wait_dma2 semaphore(%run_scoped3A : memref<!tpu.dma_semaphore, #tpu.memory_space<semaphore_mem>>) src(%arg9 : memref<128x128xf32, #tpu.memory_space<vmem>>) dst(%dma_wait3A_793 : memref<128x128xf32, #tpu.memory_space<hbm>>)
      tpu.yield
    }) : () -> ()
    %add3A_712 = arith.constant 512 : i32
    %add3A_713 = arith.addi %mul3A_7, %add3A_712 : i32
    %add3A_714 = arith.constant 0 : i32
    %add3A_715 = arith.addi %add3A_713, %add3A_714 : i32
    %add3A_716 = vector.broadcast %add3A_715 : i32 to vector<16xi32>
    %add3A_717 = arith.addi %iota3A, %add3A_716 : vector<16xi32>
    %swap3A_718 = arith.constant 0 : index
    %swap3A_719 = tpu.vector_load %arg8[%swap3A_718] {strides = array<i32>} : memref<128xi32, #tpu.memory_space<vmem>>, vector<16xi32>,
    %swap3A_720 = vector.shape_cast %swap3A_719 : vector<16xi32> to vector<16xi32>
    %swap3A_721 = vector.shape_cast %add3A_717 : vector<16xi32> to vector<16xi32>
    tpu.vector_store %arg8[%swap3A_718], %swap3A_721 {strides = array<i32>} : memref<128xi32, #tpu.memory_space<vmem>>, vector<16xi32>,
    %add3A_722 = arith.constant 16 : i32
    %add3A_723 = arith.addi %add3A_713, %add3A_722 : i32
    %add3A_724 = vector.broadcast %add3A_723 : i32 to vector<16xi32>
    %add3A_725 = arith.addi %iota3A, %add3A_724 : vector<16xi32>
    %swap3A_726 = arith.constant 16 : index
    %swap3A_727 = tpu.vector_load %arg8[%swap3A_726] {strides = array<i32>} : memref<128xi32, #tpu.memory_space<vmem>>, vector<16xi32>,
    %swap3A_728 = vector.shape_cast %swap3A_727 : vector<16xi32> to vector<16xi32>
    %swap3A_729 = vector.shape_cast %add3A_725 : vector<16xi32> to vector<16xi32>
    tpu.vector_store %arg8[%swap3A_726], %swap3A_729 {strides = array<i32>} : memref<128xi32, #tpu.memory_space<vmem>>, vector<16xi32>,
    %add3A_730 = arith.constant 32 : i32
    %add3A_731 = arith.addi %add3A_713, %add3A_730 : i32
    %add3A_732 = vector.broadcast %add3A_731 : i32 to vector<16xi32>
    %add3A_733 = arith.addi %iota3A, %add3A_732 : vector<16xi32>
    %swap3A_734 = arith.constant 32 : index
    %swap3A_735 = tpu.vector_load %arg8[%swap3A_734] {strides = array<i32>} : memref<128xi32, #tpu.memory_space<vmem>>, vector<16xi32>,
    %swap3A_736 = vector.shape_cast %swap3A_735 : vector<16xi32> to vector<16xi32>
    %swap3A_737 = vector.shape_cast %add3A_733 : vector<16xi32> to vector<16xi32>
    tpu.vector_store %arg8[%swap3A_734], %swap3A_737 {strides = array<i32>} : memref<128xi32, #tpu.memory_space<vmem>>, vector<16xi32>,
    %add3A_738 = arith.constant 48 : i32
    %add3A_739 = arith.addi %add3A_713, %add3A_738 : i32
    %add3A_740 = vector.broadcast %add3A_739 : i32 to vector<16xi32>
    %add3A_741 = arith.addi %iota3A, %add3A_740 : vector<16xi32>
    %swap3A_742 = arith.constant 48 : index
    %swap3A_743 = tpu.vector_load %arg8[%swap3A_742] {strides = array<i32>} : memref<128xi32, #tpu.memory_space<vmem>>, vector<16xi32>,
    %swap3A_744 = vector.shape_cast %swap3A_743 : vector<16xi32> to vector<16xi32>
    %swap3A_745 = vector.shape_cast %add3A_741 : vector<16xi32> to vector<16xi32>
    tpu.vector_store %arg8[%swap3A_742], %swap3A_745 {strides = array<i32>} : memref<128xi32, #tpu.memory_space<vmem>>, vector<16xi32>,
    %add3A_746 = arith.constant 64 : i32
    %add3A_747 = arith.addi %add3A_713, %add3A_746 : i32
    %add3A_748 = vector.broadcast %add3A_747 : i32 to vector<16xi32>
    %add3A_749 = arith.addi %iota3A, %add3A_748 : vector<16xi32>
    %swap3A_750 = arith.constant 64 : index
    %swap3A_751 = tpu.vector_load %arg8[%swap3A_750] {strides = array<i32>} : memref<128xi32, #tpu.memory_space<vmem>>, vector<16xi32>,
    %swap3A_752 = vector.shape_cast %swap3A_751 : vector<16xi32> to vector<16xi32>
    %swap3A_753 = vector.shape_cast %add3A_749 : vector<16xi32> to vector<16xi32>
    tpu.vector_store %arg8[%swap3A_750], %swap3A_753 {strides = array<i32>} : memref<128xi32, #tpu.memory_space<vmem>>, vector<16xi32>,
    %add3A_754 = arith.constant 80 : i32
    %add3A_755 = arith.addi %add3A_713, %add3A_754 : i32
    %add3A_756 = vector.broadcast %add3A_755 : i32 to vector<16xi32>
    %add3A_757 = arith.addi %iota3A, %add3A_756 : vector<16xi32>
    %swap3A_758 = arith.constant 80 : index
    %swap3A_759 = tpu.vector_load %arg8[%swap3A_758] {strides = array<i32>} : memref<128xi32, #tpu.memory_space<vmem>>, vector<16xi32>,
    %swap3A_760 = vector.shape_cast %swap3A_759 : vector<16xi32> to vector<16xi32>
    %swap3A_761 = vector.shape_cast %add3A_757 : vector<16xi32> to vector<16xi32>
    tpu.vector_store %arg8[%swap3A_758], %swap3A_761 {strides = array<i32>} : memref<128xi32, #tpu.memory_space<vmem>>, vector<16xi32>,
    %add3A_762 = arith.constant 96 : i32
    %add3A_763 = arith.addi %add3A_713, %add3A_762 : i32
    %add3A_764 = vector.broadcast %add3A_763 : i32 to vector<16xi32>
    %add3A_765 = arith.addi %iota3A, %add3A_764 : vector<16xi32>
    %swap3A_766 = arith.constant 96 : index
    %swap3A_767 = tpu.vector_load %arg8[%swap3A_766] {strides = array<i32>} : memref<128xi32, #tpu.memory_space<vmem>>, vector<16xi32>,
    %swap3A_768 = vector.shape_cast %swap3A_767 : vector<16xi32> to vector<16xi32>
    %swap3A_769 = vector.shape_cast %add3A_765 : vector<16xi32> to vector<16xi32>
    tpu.vector_store %arg8[%swap3A_766], %swap3A_769 {strides = array<i32>} : memref<128xi32, #tpu.memory_space<vmem>>, vector<16xi32>,
    %add3A_770 = arith.constant 112 : i32
    %add3A_771 = arith.addi %add3A_713, %add3A_770 : i32
    %add3A_772 = vector.broadcast %add3A_771 : i32 to vector<16xi32>
    %add3A_773 = arith.addi %iota3A, %add3A_772 : vector<16xi32>
    %swap3A_774 = arith.constant 112 : index
    %swap3A_775 = tpu.vector_load %arg8[%swap3A_774] {strides = array<i32>} : memref<128xi32, #tpu.memory_space<vmem>>, vector<16xi32>,
    %swap3A_776 = vector.shape_cast %swap3A_775 : vector<16xi32> to vector<16xi32>
    %swap3A_777 = vector.shape_cast %add3A_773 : vector<16xi32> to vector<16xi32>
    tpu.vector_store %arg8[%swap3A_774], %swap3A_777 {strides = array<i32>} : memref<128xi32, #tpu.memory_space<vmem>>, vector<16xi32>,
    %dma_start3A_778 = arith.constant 0 : i32
    %dma_start3A_779 = arith.constant 0 : i32
    %dma_start3A_780 = tpu.memref_slice %arg11[%dma_start3A_778, %dma_start3A_779] : memref<10240x128xf32, #tpu.memory_space<vmem_shared>> -> memref<10240x128xf32, #tpu.memory_space<vmem_shared>>
    tpu.enqueue_indirect_dma source(%dma_start3A_780 : memref<10240x128xf32, #tpu.memory_space<vmem_shared>>) target(%arg9 : memref<128x128xf32, #tpu.memory_space<vmem>>) offsets(%arg8 : memref<128xi32, #tpu.memory_space<vmem>>) semaphore(%arg12 : memref<!tpu.dma_semaphore, #tpu.memory_space<semaphore_mem>>)
    %dma_wait3A_781 = arith.constant 0 : i32
    %dma_wait3A_782 = arith.constant 0 : i32
    %dma_wait3A_783 = tpu.memref_slice %arg11[%dma_wait3A_781, %dma_wait3A_782] : memref<10240x128xf32, #tpu.memory_space<vmem_shared>> -> memref<10240x128xf32, #tpu.memory_space<vmem_shared>>
    tpu.wait_indirect_dma semaphore(%arg12 : memref<!tpu.dma_semaphore, #tpu.memory_space<semaphore_mem>>) src(%dma_wait3A_783 : memref<10240x128xf32, #tpu.memory_space<vmem_shared>>) dst(%arg9 : memref<128x128xf32, #tpu.memory_space<vmem>>)
    %add3A_784 = arith.constant 512 : i32
    %add3A_785 = arith.addi %add3A_415, %add3A_784 : i32
    "tpu.region"() ({
      %run_scoped3A = tpu.sem_alloc : memref<!tpu.dma_semaphore, #tpu.memory_space<semaphore_mem>>
      %dma_start3A_786 = arith.constant 0 : i32
      %dma_start3A_787 = tpu.memref_slice %arg5[%add3A_785, %dma_start3A_786] : memref<20480x128xf32, #tpu.memory_space<hbm>> -> memref<128x128xf32, #tpu.memory_space<hbm>>
      %dma_start3A_788 = arith.constant 0 : i32
      %dma_start3A_789 = tpu.memref_slice %arg5[%add3A_785, %dma_start3A_788] : memref<20480x128xf32, #tpu.memory_space<hbm>> -> memref<128x128xf32, #tpu.memory_space<hbm>>
      tpu.enqueue_dma source(%arg9 : memref<128x128xf32, #tpu.memory_space<vmem>>) target(%dma_start3A_789 : memref<128x128xf32, #tpu.memory_space<hbm>>) target_semaphore(%run_scoped3A : memref<!tpu.dma_semaphore, #tpu.memory_space<semaphore_mem>>)
      %dma_wait3A_790 = arith.constant 0 : i32
      %dma_wait3A_791 = tpu.memref_slice %arg5[%add3A_785, %dma_wait3A_790] : memref<20480x128xf32, #tpu.memory_space<hbm>> -> memref<128x128xf32, #tpu.memory_space<hbm>>
      %dma_wait3A_792 = arith.constant 0 : i32
      %dma_wait3A_793 = tpu.memref_slice %arg5[%add3A_785, %dma_wait3A_792] : memref<20480x128xf32, #tpu.memory_space<hbm>> -> memref<128x128xf32, #tpu.memory_space<hbm>>
      tpu.wait_dma2 semaphore(%run_scoped3A : memref<!tpu.dma_semaphore, #tpu.memory_space<semaphore_mem>>) src(%arg9 : memref<128x128xf32, #tpu.memory_space<vmem>>) dst(%dma_wait3A_793 : memref<128x128xf32, #tpu.memory_space<hbm>>)
      tpu.yield
    }) : () -> ()
    return
  }
}

#map = affine_map<(d0, d1) -> (0, 0)>
module attributes {stable_mosaic.version = 14 : i64} {
  func.func @_sc_body(%arg0: i32, %arg1: i32, %arg2: memref<8x128xf32, #tpu.memory_space<hbm>>, %arg3: memref<2560x128xi32, #tpu.memory_space<hbm>>, %arg4: memref<2560x128xi32, #tpu.memory_space<hbm>>, %arg5: memref<20480x128xf32, #tpu.memory_space<hbm>>, %arg6: memref<16x128xi32, #tpu.memory_space<vmem>>, %arg7: memref<16x128xi32, #tpu.memory_space<vmem>>, %arg8: memref<128xi32, #tpu.memory_space<vmem>>, %arg9: memref<128x128xf32, #tpu.memory_space<vmem>>, %arg10: memref<128x128xf32, #tpu.memory_space<vmem>>, %arg11: memref<10240x128xf32, #tpu.memory_space<vmem_shared>>, %arg12: memref<!tpu.dma_semaphore, #tpu.memory_space<semaphore_mem>>, %arg13: memref<!tpu.dma_semaphore, #tpu.memory_space<semaphore_mem>>, %arg14: memref<!tpu.dma_semaphore, #tpu.memory_space<semaphore_mem>>) attributes {dimension_semantics = [#tpu.dimension_semantics<core_parallel>, #tpu.dimension_semantics<subcore_parallel>], iteration_bounds = array<i64: 2, 16>, scalar_prefetch = 0 : i64, scratch_operands = 9 : i64, tpu.core_type = #tpu.core_type<sc_vector_subcore>, window_params = [{transform_indices = #map}, {transform_indices = #map}, {transform_indices = #map}, {transform_indices = #map}]} {
    %mul3A = arith.constant 2 : i32
    %mul3A_0 = arith.muli %arg1, %mul3A : i32
    %add3A = arith.addi %mul3A_0, %arg0 : i32
    %broadcast_in_dim3A = arith.constant 0.000000e+00 : f32
    %broadcast_in_dim3A_1 = vector.broadcast %broadcast_in_dim3A : f32 to vector<16xf32>
    %scan3A = arith.constant 0 : i32
    %scan3A_2 = arith.constant 128 : i32
    %scan3A_3 = arith.addi %scan3A, %scan3A_2 : i32
    %scan3A_4 = arith.constant 1 : i32
    scf.for %scan3A_783 = %scan3A to %scan3A_3 step %scan3A_4  : i32 {
      %mul3A_784 = arith.constant 1 : i32
      %mul3A_785 = arith.muli %scan3A_783, %mul3A_784 : i32
      %add3A_786 = arith.constant 0 : i32
      %add3A_787 = arith.addi %add3A_786, %mul3A_785 : i32
      %swap3A_788 = arith.index_cast %add3A_787 : i32 to index
      %swap3A_789 = arith.constant 0 : index
      %swap3A_790 = tpu.vector_load %arg9[%swap3A_788, %swap3A_789] {strides = array<i32>} : memref<128x128xf32, #tpu.memory_space<vmem>>, vector<1x16xf32>,
      %swap3A_791 = vector.shape_cast %swap3A_790 : vector<1x16xf32> to vector<16xf32>
      %swap3A_792 = vector.shape_cast %broadcast_in_dim3A_1 : vector<16xf32> to vector<1x16xf32>
      tpu.vector_store %arg9[%swap3A_788, %swap3A_789], %swap3A_792 {strides = array<i32>} : memref<128x128xf32, #tpu.memory_space<vmem>>, vector<1x16xf32>,
      %swap3A_793 = arith.index_cast %add3A_787 : i32 to index
      %swap3A_794 = arith.constant 16 : index
      %swap3A_795 = tpu.vector_load %arg9[%swap3A_793, %swap3A_794] {strides = array<i32>} : memref<128x128xf32, #tpu.memory_space<vmem>>, vector<1x16xf32>,
      %swap3A_796 = vector.shape_cast %swap3A_795 : vector<1x16xf32> to vector<16xf32>
      %swap3A_797 = vector.shape_cast %broadcast_in_dim3A_1 : vector<16xf32> to vector<1x16xf32>
      tpu.vector_store %arg9[%swap3A_793, %swap3A_794], %swap3A_797 {strides = array<i32>} : memref<128x128xf32, #tpu.memory_space<vmem>>, vector<1x16xf32>,
      %swap3A_798 = arith.index_cast %add3A_787 : i32 to index
      %swap3A_799 = arith.constant 32 : index
      %swap3A_800 = tpu.vector_load %arg9[%swap3A_798, %swap3A_799] {strides = array<i32>} : memref<128x128xf32, #tpu.memory_space<vmem>>, vector<1x16xf32>,
      %swap3A_801 = vector.shape_cast %swap3A_800 : vector<1x16xf32> to vector<16xf32>
      %swap3A_802 = vector.shape_cast %broadcast_in_dim3A_1 : vector<16xf32> to vector<1x16xf32>
      tpu.vector_store %arg9[%swap3A_798, %swap3A_799], %swap3A_802 {strides = array<i32>} : memref<128x128xf32, #tpu.memory_space<vmem>>, vector<1x16xf32>,
      %swap3A_803 = arith.index_cast %add3A_787 : i32 to index
      %swap3A_804 = arith.constant 48 : index
      %swap3A_805 = tpu.vector_load %arg9[%swap3A_803, %swap3A_804] {strides = array<i32>} : memref<128x128xf32, #tpu.memory_space<vmem>>, vector<1x16xf32>,
      %swap3A_806 = vector.shape_cast %swap3A_805 : vector<1x16xf32> to vector<16xf32>
      %swap3A_807 = vector.shape_cast %broadcast_in_dim3A_1 : vector<16xf32> to vector<1x16xf32>
      tpu.vector_store %arg9[%swap3A_803, %swap3A_804], %swap3A_807 {strides = array<i32>} : memref<128x128xf32, #tpu.memory_space<vmem>>, vector<1x16xf32>,
      %swap3A_808 = arith.index_cast %add3A_787 : i32 to index
      %swap3A_809 = arith.constant 64 : index
      %swap3A_810 = tpu.vector_load %arg9[%swap3A_808, %swap3A_809] {strides = array<i32>} : memref<128x128xf32, #tpu.memory_space<vmem>>, vector<1x16xf32>,
      %swap3A_811 = vector.shape_cast %swap3A_810 : vector<1x16xf32> to vector<16xf32>
      %swap3A_812 = vector.shape_cast %broadcast_in_dim3A_1 : vector<16xf32> to vector<1x16xf32>
      tpu.vector_store %arg9[%swap3A_808, %swap3A_809], %swap3A_812 {strides = array<i32>} : memref<128x128xf32, #tpu.memory_space<vmem>>, vector<1x16xf32>,
      %swap3A_813 = arith.index_cast %add3A_787 : i32 to index
      %swap3A_814 = arith.constant 80 : index
      %swap3A_815 = tpu.vector_load %arg9[%swap3A_813, %swap3A_814] {strides = array<i32>} : memref<128x128xf32, #tpu.memory_space<vmem>>, vector<1x16xf32>,
      %swap3A_816 = vector.shape_cast %swap3A_815 : vector<1x16xf32> to vector<16xf32>
      %swap3A_817 = vector.shape_cast %broadcast_in_dim3A_1 : vector<16xf32> to vector<1x16xf32>
      tpu.vector_store %arg9[%swap3A_813, %swap3A_814], %swap3A_817 {strides = array<i32>} : memref<128x128xf32, #tpu.memory_space<vmem>>, vector<1x16xf32>,
      %swap3A_818 = arith.index_cast %add3A_787 : i32 to index
      %swap3A_819 = arith.constant 96 : index
      %swap3A_820 = tpu.vector_load %arg9[%swap3A_818, %swap3A_819] {strides = array<i32>} : memref<128x128xf32, #tpu.memory_space<vmem>>, vector<1x16xf32>,
      %swap3A_821 = vector.shape_cast %swap3A_820 : vector<1x16xf32> to vector<16xf32>
      %swap3A_822 = vector.shape_cast %broadcast_in_dim3A_1 : vector<16xf32> to vector<1x16xf32>
      tpu.vector_store %arg9[%swap3A_818, %swap3A_819], %swap3A_822 {strides = array<i32>} : memref<128x128xf32, #tpu.memory_space<vmem>>, vector<1x16xf32>,
      %swap3A_823 = arith.index_cast %add3A_787 : i32 to index
      %swap3A_824 = arith.constant 112 : index
      %swap3A_825 = tpu.vector_load %arg9[%swap3A_823, %swap3A_824] {strides = array<i32>} : memref<128x128xf32, #tpu.memory_space<vmem>>, vector<1x16xf32>,
      %swap3A_826 = vector.shape_cast %swap3A_825 : vector<1x16xf32> to vector<16xf32>
      %swap3A_827 = vector.shape_cast %broadcast_in_dim3A_1 : vector<16xf32> to vector<1x16xf32>
      tpu.vector_store %arg9[%swap3A_823, %swap3A_824], %swap3A_827 {strides = array<i32>} : memref<128x128xf32, #tpu.memory_space<vmem>>, vector<1x16xf32>,
    }
    %scan3A_5 = arith.constant 128 : i32
    %mul3A_6 = arith.constant 640 : i32
    %mul3A_7 = arith.muli %arg1, %mul3A_6 : i32
    %iota3A = tpu.iota {dimensions = array<i32: 0>} : vector<16xi32>
    %add3A_8 = arith.constant 0 : i32
    %add3A_9 = arith.addi %mul3A_7, %add3A_8 : i32
    %add3A_10 = arith.constant 0 : i32
    %add3A_11 = arith.addi %add3A_9, %add3A_10 : i32
    %add3A_12 = vector.broadcast %add3A_11 : i32 to vector<16xi32>
    %add3A_13 = arith.addi %iota3A, %add3A_12 : vector<16xi32>
    %swap3A = arith.constant 0 : index
    %swap3A_14 = tpu.vector_load %arg8[%swap3A] {strides = array<i32>} : memref<128xi32, #tpu.memory_space<vmem>>, vector<16xi32>,
    %swap3A_15 = vector.shape_cast %swap3A_14 : vector<16xi32> to vector<16xi32>
    %swap3A_16 = vector.shape_cast %add3A_13 : vector<16xi32> to vector<16xi32>
    tpu.vector_store %arg8[%swap3A], %swap3A_16 {strides = array<i32>} : memref<128xi32, #tpu.memory_space<vmem>>, vector<16xi32>,
    %add3A_17 = arith.constant 16 : i32
    %add3A_18 = arith.addi %add3A_9, %add3A_17 : i32
    %add3A_19 = vector.broadcast %add3A_18 : i32 to vector<16xi32>
    %add3A_20 = arith.addi %iota3A, %add3A_19 : vector<16xi32>
    %swap3A_21 = arith.constant 16 : index
    %swap3A_22 = tpu.vector_load %arg8[%swap3A_21] {strides = array<i32>} : memref<128xi32, #tpu.memory_space<vmem>>, vector<16xi32>,
    %swap3A_23 = vector.shape_cast %swap3A_22 : vector<16xi32> to vector<16xi32>
    %swap3A_24 = vector.shape_cast %add3A_20 : vector<16xi32> to vector<16xi32>
    tpu.vector_store %arg8[%swap3A_21], %swap3A_24 {strides = array<i32>} : memref<128xi32, #tpu.memory_space<vmem>>, vector<16xi32>,
    %add3A_25 = arith.constant 32 : i32
    %add3A_26 = arith.addi %add3A_9, %add3A_25 : i32
    %add3A_27 = vector.broadcast %add3A_26 : i32 to vector<16xi32>
    %add3A_28 = arith.addi %iota3A, %add3A_27 : vector<16xi32>
    %swap3A_29 = arith.constant 32 : index
    %swap3A_30 = tpu.vector_load %arg8[%swap3A_29] {strides = array<i32>} : memref<128xi32, #tpu.memory_space<vmem>>, vector<16xi32>,
    %swap3A_31 = vector.shape_cast %swap3A_30 : vector<16xi32> to vector<16xi32>
    %swap3A_32 = vector.shape_cast %add3A_28 : vector<16xi32> to vector<16xi32>
    tpu.vector_store %arg8[%swap3A_29], %swap3A_32 {strides = array<i32>} : memref<128xi32, #tpu.memory_space<vmem>>, vector<16xi32>,
    %add3A_33 = arith.constant 48 : i32
    %add3A_34 = arith.addi %add3A_9, %add3A_33 : i32
    %add3A_35 = vector.broadcast %add3A_34 : i32 to vector<16xi32>
    %add3A_36 = arith.addi %iota3A, %add3A_35 : vector<16xi32>
    %swap3A_37 = arith.constant 48 : index
    %swap3A_38 = tpu.vector_load %arg8[%swap3A_37] {strides = array<i32>} : memref<128xi32, #tpu.memory_space<vmem>>, vector<16xi32>,
    %swap3A_39 = vector.shape_cast %swap3A_38 : vector<16xi32> to vector<16xi32>
    %swap3A_40 = vector.shape_cast %add3A_36 : vector<16xi32> to vector<16xi32>
    tpu.vector_store %arg8[%swap3A_37], %swap3A_40 {strides = array<i32>} : memref<128xi32, #tpu.memory_space<vmem>>, vector<16xi32>,
    %add3A_41 = arith.constant 64 : i32
    %add3A_42 = arith.addi %add3A_9, %add3A_41 : i32
    %add3A_43 = vector.broadcast %add3A_42 : i32 to vector<16xi32>
    %add3A_44 = arith.addi %iota3A, %add3A_43 : vector<16xi32>
    %swap3A_45 = arith.constant 64 : index
    %swap3A_46 = tpu.vector_load %arg8[%swap3A_45] {strides = array<i32>} : memref<128xi32, #tpu.memory_space<vmem>>, vector<16xi32>,
    %swap3A_47 = vector.shape_cast %swap3A_46 : vector<16xi32> to vector<16xi32>
    %swap3A_48 = vector.shape_cast %add3A_44 : vector<16xi32> to vector<16xi32>
    tpu.vector_store %arg8[%swap3A_45], %swap3A_48 {strides = array<i32>} : memref<128xi32, #tpu.memory_space<vmem>>, vector<16xi32>,
    %add3A_49 = arith.constant 80 : i32
    %add3A_50 = arith.addi %add3A_9, %add3A_49 : i32
    %add3A_51 = vector.broadcast %add3A_50 : i32 to vector<16xi32>
    %add3A_52 = arith.addi %iota3A, %add3A_51 : vector<16xi32>
    %swap3A_53 = arith.constant 80 : index
    %swap3A_54 = tpu.vector_load %arg8[%swap3A_53] {strides = array<i32>} : memref<128xi32, #tpu.memory_space<vmem>>, vector<16xi32>,
    %swap3A_55 = vector.shape_cast %swap3A_54 : vector<16xi32> to vector<16xi32>
    %swap3A_56 = vector.shape_cast %add3A_52 : vector<16xi32> to vector<16xi32>
    tpu.vector_store %arg8[%swap3A_53], %swap3A_56 {strides = array<i32>} : memref<128xi32, #tpu.memory_space<vmem>>, vector<16xi32>,
    %add3A_57 = arith.constant 96 : i32
    %add3A_58 = arith.addi %add3A_9, %add3A_57 : i32
    %add3A_59 = vector.broadcast %add3A_58 : i32 to vector<16xi32>
    %add3A_60 = arith.addi %iota3A, %add3A_59 : vector<16xi32>
    %swap3A_61 = arith.constant 96 : index
    %swap3A_62 = tpu.vector_load %arg8[%swap3A_61] {strides = array<i32>} : memref<128xi32, #tpu.memory_space<vmem>>, vector<16xi32>,
    %swap3A_63 = vector.shape_cast %swap3A_62 : vector<16xi32> to vector<16xi32>
    %swap3A_64 = vector.shape_cast %add3A_60 : vector<16xi32> to vector<16xi32>
    tpu.vector_store %arg8[%swap3A_61], %swap3A_64 {strides = array<i32>} : memref<128xi32, #tpu.memory_space<vmem>>, vector<16xi32>,
    %add3A_65 = arith.constant 112 : i32
    %add3A_66 = arith.addi %add3A_9, %add3A_65 : i32
    %add3A_67 = vector.broadcast %add3A_66 : i32 to vector<16xi32>
    %add3A_68 = arith.addi %iota3A, %add3A_67 : vector<16xi32>
    %swap3A_69 = arith.constant 112 : index
    %swap3A_70 = tpu.vector_load %arg8[%swap3A_69] {strides = array<i32>} : memref<128xi32, #tpu.memory_space<vmem>>, vector<16xi32>,
    %swap3A_71 = vector.shape_cast %swap3A_70 : vector<16xi32> to vector<16xi32>
    %swap3A_72 = vector.shape_cast %add3A_68 : vector<16xi32> to vector<16xi32>
    tpu.vector_store %arg8[%swap3A_69], %swap3A_72 {strides = array<i32>} : memref<128xi32, #tpu.memory_space<vmem>>, vector<16xi32>,
    %dma_start3A = arith.constant 0 : i32
    %dma_start3A_73 = arith.constant 0 : i32
    %dma_start3A_74 = tpu.memref_slice %arg11[%dma_start3A, %dma_start3A_73] : memref<10240x128xf32, #tpu.memory_space<vmem_shared>> -> memref<10240x128xf32, #tpu.memory_space<vmem_shared>>
    tpu.enqueue_indirect_dma source(%arg9 : memref<128x128xf32, #tpu.memory_space<vmem>>) target(%dma_start3A_74 : memref<10240x128xf32, #tpu.memory_space<vmem_shared>>) offsets(%arg8 : memref<128xi32, #tpu.memory_space<vmem>>) semaphore(%arg12 : memref<!tpu.dma_semaphore, #tpu.memory_space<semaphore_mem>>)
    %dma_wait3A = arith.constant 0 : i32
    %dma_wait3A_75 = arith.constant 0 : i32
    %dma_wait3A_76 = tpu.memref_slice %arg11[%dma_wait3A, %dma_wait3A_75] : memref<10240x128xf32, #tpu.memory_space<vmem_shared>> -> memref<10240x128xf32, #tpu.memory_space<vmem_shared>>
    tpu.wait_indirect_dma semaphore(%arg12 : memref<!tpu.dma_semaphore, #tpu.memory_space<semaphore_mem>>) src(%arg9 : memref<128x128xf32, #tpu.memory_space<vmem>>) dst(%dma_wait3A_76 : memref<10240x128xf32, #tpu.memory_space<vmem_shared>>)
    %add3A_77 = arith.constant 128 : i32
    %add3A_78 = arith.addi %mul3A_7, %add3A_77 : i32
    %add3A_79 = arith.constant 0 : i32
    %add3A_80 = arith.addi %add3A_78, %add3A_79 : i32
    %add3A_81 = vector.broadcast %add3A_80 : i32 to vector<16xi32>
    %add3A_82 = arith.addi %iota3A, %add3A_81 : vector<16xi32>
    %swap3A_83 = arith.constant 0 : index
    %swap3A_84 = tpu.vector_load %arg8[%swap3A_83] {strides = array<i32>} : memref<128xi32, #tpu.memory_space<vmem>>, vector<16xi32>,
    %swap3A_85 = vector.shape_cast %swap3A_84 : vector<16xi32> to vector<16xi32>
    %swap3A_86 = vector.shape_cast %add3A_82 : vector<16xi32> to vector<16xi32>
    tpu.vector_store %arg8[%swap3A_83], %swap3A_86 {strides = array<i32>} : memref<128xi32, #tpu.memory_space<vmem>>, vector<16xi32>,
    %add3A_87 = arith.constant 16 : i32
    %add3A_88 = arith.addi %add3A_78, %add3A_87 : i32
    %add3A_89 = vector.broadcast %add3A_88 : i32 to vector<16xi32>
    %add3A_90 = arith.addi %iota3A, %add3A_89 : vector<16xi32>
    %swap3A_91 = arith.constant 16 : index
    %swap3A_92 = tpu.vector_load %arg8[%swap3A_91] {strides = array<i32>} : memref<128xi32, #tpu.memory_space<vmem>>, vector<16xi32>,
    %swap3A_93 = vector.shape_cast %swap3A_92 : vector<16xi32> to vector<16xi32>
    %swap3A_94 = vector.shape_cast %add3A_90 : vector<16xi32> to vector<16xi32>
    tpu.vector_store %arg8[%swap3A_91], %swap3A_94 {strides = array<i32>} : memref<128xi32, #tpu.memory_space<vmem>>, vector<16xi32>,
    %add3A_95 = arith.constant 32 : i32
    %add3A_96 = arith.addi %add3A_78, %add3A_95 : i32
    %add3A_97 = vector.broadcast %add3A_96 : i32 to vector<16xi32>
    %add3A_98 = arith.addi %iota3A, %add3A_97 : vector<16xi32>
    %swap3A_99 = arith.constant 32 : index
    %swap3A_100 = tpu.vector_load %arg8[%swap3A_99] {strides = array<i32>} : memref<128xi32, #tpu.memory_space<vmem>>, vector<16xi32>,
    %swap3A_101 = vector.shape_cast %swap3A_100 : vector<16xi32> to vector<16xi32>
    %swap3A_102 = vector.shape_cast %add3A_98 : vector<16xi32> to vector<16xi32>
    tpu.vector_store %arg8[%swap3A_99], %swap3A_102 {strides = array<i32>} : memref<128xi32, #tpu.memory_space<vmem>>, vector<16xi32>,
    %add3A_103 = arith.constant 48 : i32
    %add3A_104 = arith.addi %add3A_78, %add3A_103 : i32
    %add3A_105 = vector.broadcast %add3A_104 : i32 to vector<16xi32>
    %add3A_106 = arith.addi %iota3A, %add3A_105 : vector<16xi32>
    %swap3A_107 = arith.constant 48 : index
    %swap3A_108 = tpu.vector_load %arg8[%swap3A_107] {strides = array<i32>} : memref<128xi32, #tpu.memory_space<vmem>>, vector<16xi32>,
    %swap3A_109 = vector.shape_cast %swap3A_108 : vector<16xi32> to vector<16xi32>
    %swap3A_110 = vector.shape_cast %add3A_106 : vector<16xi32> to vector<16xi32>
    tpu.vector_store %arg8[%swap3A_107], %swap3A_110 {strides = array<i32>} : memref<128xi32, #tpu.memory_space<vmem>>, vector<16xi32>,
    %add3A_111 = arith.constant 64 : i32
    %add3A_112 = arith.addi %add3A_78, %add3A_111 : i32
    %add3A_113 = vector.broadcast %add3A_112 : i32 to vector<16xi32>
    %add3A_114 = arith.addi %iota3A, %add3A_113 : vector<16xi32>
    %swap3A_115 = arith.constant 64 : index
    %swap3A_116 = tpu.vector_load %arg8[%swap3A_115] {strides = array<i32>} : memref<128xi32, #tpu.memory_space<vmem>>, vector<16xi32>,
    %swap3A_117 = vector.shape_cast %swap3A_116 : vector<16xi32> to vector<16xi32>
    %swap3A_118 = vector.shape_cast %add3A_114 : vector<16xi32> to vector<16xi32>
    tpu.vector_store %arg8[%swap3A_115], %swap3A_118 {strides = array<i32>} : memref<128xi32, #tpu.memory_space<vmem>>, vector<16xi32>,
    %add3A_119 = arith.constant 80 : i32
    %add3A_120 = arith.addi %add3A_78, %add3A_119 : i32
    %add3A_121 = vector.broadcast %add3A_120 : i32 to vector<16xi32>
    %add3A_122 = arith.addi %iota3A, %add3A_121 : vector<16xi32>
    %swap3A_123 = arith.constant 80 : index
    %swap3A_124 = tpu.vector_load %arg8[%swap3A_123] {strides = array<i32>} : memref<128xi32, #tpu.memory_space<vmem>>, vector<16xi32>,
    %swap3A_125 = vector.shape_cast %swap3A_124 : vector<16xi32> to vector<16xi32>
    %swap3A_126 = vector.shape_cast %add3A_122 : vector<16xi32> to vector<16xi32>
    tpu.vector_store %arg8[%swap3A_123], %swap3A_126 {strides = array<i32>} : memref<128xi32, #tpu.memory_space<vmem>>, vector<16xi32>,
    %add3A_127 = arith.constant 96 : i32
    %add3A_128 = arith.addi %add3A_78, %add3A_127 : i32
    %add3A_129 = vector.broadcast %add3A_128 : i32 to vector<16xi32>
    %add3A_130 = arith.addi %iota3A, %add3A_129 : vector<16xi32>
    %swap3A_131 = arith.constant 96 : index
    %swap3A_132 = tpu.vector_load %arg8[%swap3A_131] {strides = array<i32>} : memref<128xi32, #tpu.memory_space<vmem>>, vector<16xi32>,
    %swap3A_133 = vector.shape_cast %swap3A_132 : vector<16xi32> to vector<16xi32>
    %swap3A_134 = vector.shape_cast %add3A_130 : vector<16xi32> to vector<16xi32>
    tpu.vector_store %arg8[%swap3A_131], %swap3A_134 {strides = array<i32>} : memref<128xi32, #tpu.memory_space<vmem>>, vector<16xi32>,
    %add3A_135 = arith.constant 112 : i32
    %add3A_136 = arith.addi %add3A_78, %add3A_135 : i32
    %add3A_137 = vector.broadcast %add3A_136 : i32 to vector<16xi32>
    %add3A_138 = arith.addi %iota3A, %add3A_137 : vector<16xi32>
    %swap3A_139 = arith.constant 112 : index
    %swap3A_140 = tpu.vector_load %arg8[%swap3A_139] {strides = array<i32>} : memref<128xi32, #tpu.memory_space<vmem>>, vector<16xi32>,
    %swap3A_141 = vector.shape_cast %swap3A_140 : vector<16xi32> to vector<16xi32>
    %swap3A_142 = vector.shape_cast %add3A_138 : vector<16xi32> to vector<16xi32>
    tpu.vector_store %arg8[%swap3A_139], %swap3A_142 {strides = array<i32>} : memref<128xi32, #tpu.memory_space<vmem>>, vector<16xi32>,
    %dma_start3A_143 = arith.constant 0 : i32
    %dma_start3A_144 = arith.constant 0 : i32
    %dma_start3A_145 = tpu.memref_slice %arg11[%dma_start3A_143, %dma_start3A_144] : memref<10240x128xf32, #tpu.memory_space<vmem_shared>> -> memref<10240x128xf32, #tpu.memory_space<vmem_shared>>
    tpu.enqueue_indirect_dma source(%arg9 : memref<128x128xf32, #tpu.memory_space<vmem>>) target(%dma_start3A_145 : memref<10240x128xf32, #tpu.memory_space<vmem_shared>>) offsets(%arg8 : memref<128xi32, #tpu.memory_space<vmem>>) semaphore(%arg12 : memref<!tpu.dma_semaphore, #tpu.memory_space<semaphore_mem>>)
    %dma_wait3A_146 = arith.constant 0 : i32
    %dma_wait3A_147 = arith.constant 0 : i32
    %dma_wait3A_148 = tpu.memref_slice %arg11[%dma_wait3A_146, %dma_wait3A_147] : memref<10240x128xf32, #tpu.memory_space<vmem_shared>> -> memref<10240x128xf32, #tpu.memory_space<vmem_shared>>
    tpu.wait_indirect_dma semaphore(%arg12 : memref<!tpu.dma_semaphore, #tpu.memory_space<semaphore_mem>>) src(%arg9 : memref<128x128xf32, #tpu.memory_space<vmem>>) dst(%dma_wait3A_148 : memref<10240x128xf32, #tpu.memory_space<vmem_shared>>)
    %add3A_149 = arith.constant 256 : i32
    %add3A_150 = arith.addi %mul3A_7, %add3A_149 : i32
    %add3A_151 = arith.constant 0 : i32
    %add3A_152 = arith.addi %add3A_150, %add3A_151 : i32
    %add3A_153 = vector.broadcast %add3A_152 : i32 to vector<16xi32>
    %add3A_154 = arith.addi %iota3A, %add3A_153 : vector<16xi32>
    %swap3A_155 = arith.constant 0 : index
    %swap3A_156 = tpu.vector_load %arg8[%swap3A_155] {strides = array<i32>} : memref<128xi32, #tpu.memory_space<vmem>>, vector<16xi32>,
    %swap3A_157 = vector.shape_cast %swap3A_156 : vector<16xi32> to vector<16xi32>
    %swap3A_158 = vector.shape_cast %add3A_154 : vector<16xi32> to vector<16xi32>
    tpu.vector_store %arg8[%swap3A_155], %swap3A_158 {strides = array<i32>} : memref<128xi32, #tpu.memory_space<vmem>>, vector<16xi32>,
    %add3A_159 = arith.constant 16 : i32
    %add3A_160 = arith.addi %add3A_150, %add3A_159 : i32
    %add3A_161 = vector.broadcast %add3A_160 : i32 to vector<16xi32>
    %add3A_162 = arith.addi %iota3A, %add3A_161 : vector<16xi32>
    %swap3A_163 = arith.constant 16 : index
    %swap3A_164 = tpu.vector_load %arg8[%swap3A_163] {strides = array<i32>} : memref<128xi32, #tpu.memory_space<vmem>>, vector<16xi32>,
    %swap3A_165 = vector.shape_cast %swap3A_164 : vector<16xi32> to vector<16xi32>
    %swap3A_166 = vector.shape_cast %add3A_162 : vector<16xi32> to vector<16xi32>
    tpu.vector_store %arg8[%swap3A_163], %swap3A_166 {strides = array<i32>} : memref<128xi32, #tpu.memory_space<vmem>>, vector<16xi32>,
    %add3A_167 = arith.constant 32 : i32
    %add3A_168 = arith.addi %add3A_150, %add3A_167 : i32
    %add3A_169 = vector.broadcast %add3A_168 : i32 to vector<16xi32>
    %add3A_170 = arith.addi %iota3A, %add3A_169 : vector<16xi32>
    %swap3A_171 = arith.constant 32 : index
    %swap3A_172 = tpu.vector_load %arg8[%swap3A_171] {strides = array<i32>} : memref<128xi32, #tpu.memory_space<vmem>>, vector<16xi32>,
    %swap3A_173 = vector.shape_cast %swap3A_172 : vector<16xi32> to vector<16xi32>
    %swap3A_174 = vector.shape_cast %add3A_170 : vector<16xi32> to vector<16xi32>
    tpu.vector_store %arg8[%swap3A_171], %swap3A_174 {strides = array<i32>} : memref<128xi32, #tpu.memory_space<vmem>>, vector<16xi32>,
    %add3A_175 = arith.constant 48 : i32
    %add3A_176 = arith.addi %add3A_150, %add3A_175 : i32
    %add3A_177 = vector.broadcast %add3A_176 : i32 to vector<16xi32>
    %add3A_178 = arith.addi %iota3A, %add3A_177 : vector<16xi32>
    %swap3A_179 = arith.constant 48 : index
    %swap3A_180 = tpu.vector_load %arg8[%swap3A_179] {strides = array<i32>} : memref<128xi32, #tpu.memory_space<vmem>>, vector<16xi32>,
    %swap3A_181 = vector.shape_cast %swap3A_180 : vector<16xi32> to vector<16xi32>
    %swap3A_182 = vector.shape_cast %add3A_178 : vector<16xi32> to vector<16xi32>
    tpu.vector_store %arg8[%swap3A_179], %swap3A_182 {strides = array<i32>} : memref<128xi32, #tpu.memory_space<vmem>>, vector<16xi32>,
    %add3A_183 = arith.constant 64 : i32
    %add3A_184 = arith.addi %add3A_150, %add3A_183 : i32
    %add3A_185 = vector.broadcast %add3A_184 : i32 to vector<16xi32>
    %add3A_186 = arith.addi %iota3A, %add3A_185 : vector<16xi32>
    %swap3A_187 = arith.constant 64 : index
    %swap3A_188 = tpu.vector_load %arg8[%swap3A_187] {strides = array<i32>} : memref<128xi32, #tpu.memory_space<vmem>>, vector<16xi32>,
    %swap3A_189 = vector.shape_cast %swap3A_188 : vector<16xi32> to vector<16xi32>
    %swap3A_190 = vector.shape_cast %add3A_186 : vector<16xi32> to vector<16xi32>
    tpu.vector_store %arg8[%swap3A_187], %swap3A_190 {strides = array<i32>} : memref<128xi32, #tpu.memory_space<vmem>>, vector<16xi32>,
    %add3A_191 = arith.constant 80 : i32
    %add3A_192 = arith.addi %add3A_150, %add3A_191 : i32
    %add3A_193 = vector.broadcast %add3A_192 : i32 to vector<16xi32>
    %add3A_194 = arith.addi %iota3A, %add3A_193 : vector<16xi32>
    %swap3A_195 = arith.constant 80 : index
    %swap3A_196 = tpu.vector_load %arg8[%swap3A_195] {strides = array<i32>} : memref<128xi32, #tpu.memory_space<vmem>>, vector<16xi32>,
    %swap3A_197 = vector.shape_cast %swap3A_196 : vector<16xi32> to vector<16xi32>
    %swap3A_198 = vector.shape_cast %add3A_194 : vector<16xi32> to vector<16xi32>
    tpu.vector_store %arg8[%swap3A_195], %swap3A_198 {strides = array<i32>} : memref<128xi32, #tpu.memory_space<vmem>>, vector<16xi32>,
    %add3A_199 = arith.constant 96 : i32
    %add3A_200 = arith.addi %add3A_150, %add3A_199 : i32
    %add3A_201 = vector.broadcast %add3A_200 : i32 to vector<16xi32>
    %add3A_202 = arith.addi %iota3A, %add3A_201 : vector<16xi32>
    %swap3A_203 = arith.constant 96 : index
    %swap3A_204 = tpu.vector_load %arg8[%swap3A_203] {strides = array<i32>} : memref<128xi32, #tpu.memory_space<vmem>>, vector<16xi32>,
    %swap3A_205 = vector.shape_cast %swap3A_204 : vector<16xi32> to vector<16xi32>
    %swap3A_206 = vector.shape_cast %add3A_202 : vector<16xi32> to vector<16xi32>
    tpu.vector_store %arg8[%swap3A_203], %swap3A_206 {strides = array<i32>} : memref<128xi32, #tpu.memory_space<vmem>>, vector<16xi32>,
    %add3A_207 = arith.constant 112 : i32
    %add3A_208 = arith.addi %add3A_150, %add3A_207 : i32
    %add3A_209 = vector.broadcast %add3A_208 : i32 to vector<16xi32>
    %add3A_210 = arith.addi %iota3A, %add3A_209 : vector<16xi32>
    %swap3A_211 = arith.constant 112 : index
    %swap3A_212 = tpu.vector_load %arg8[%swap3A_211] {strides = array<i32>} : memref<128xi32, #tpu.memory_space<vmem>>, vector<16xi32>,
    %swap3A_213 = vector.shape_cast %swap3A_212 : vector<16xi32> to vector<16xi32>
    %swap3A_214 = vector.shape_cast %add3A_210 : vector<16xi32> to vector<16xi32>
    tpu.vector_store %arg8[%swap3A_211], %swap3A_214 {strides = array<i32>} : memref<128xi32, #tpu.memory_space<vmem>>, vector<16xi32>,
    %dma_start3A_215 = arith.constant 0 : i32
    %dma_start3A_216 = arith.constant 0 : i32
    %dma_start3A_217 = tpu.memref_slice %arg11[%dma_start3A_215, %dma_start3A_216] : memref<10240x128xf32, #tpu.memory_space<vmem_shared>> -> memref<10240x128xf32, #tpu.memory_space<vmem_shared>>
    tpu.enqueue_indirect_dma source(%arg9 : memref<128x128xf32, #tpu.memory_space<vmem>>) target(%dma_start3A_217 : memref<10240x128xf32, #tpu.memory_space<vmem_shared>>) offsets(%arg8 : memref<128xi32, #tpu.memory_space<vmem>>) semaphore(%arg12 : memref<!tpu.dma_semaphore, #tpu.memory_space<semaphore_mem>>)
    %dma_wait3A_218 = arith.constant 0 : i32
    %dma_wait3A_219 = arith.constant 0 : i32
    %dma_wait3A_220 = tpu.memref_slice %arg11[%dma_wait3A_218, %dma_wait3A_219] : memref<10240x128xf32, #tpu.memory_space<vmem_shared>> -> memref<10240x128xf32, #tpu.memory_space<vmem_shared>>
    tpu.wait_indirect_dma semaphore(%arg12 : memref<!tpu.dma_semaphore, #tpu.memory_space<semaphore_mem>>) src(%arg9 : memref<128x128xf32, #tpu.memory_space<vmem>>) dst(%dma_wait3A_220 : memref<10240x128xf32, #tpu.memory_space<vmem_shared>>)
    %add3A_221 = arith.constant 384 : i32
    %add3A_222 = arith.addi %mul3A_7, %add3A_221 : i32
    %add3A_223 = arith.constant 0 : i32
    %add3A_224 = arith.addi %add3A_222, %add3A_223 : i32
    %add3A_225 = vector.broadcast %add3A_224 : i32 to vector<16xi32>
    %add3A_226 = arith.addi %iota3A, %add3A_225 : vector<16xi32>
    %swap3A_227 = arith.constant 0 : index
    %swap3A_228 = tpu.vector_load %arg8[%swap3A_227] {strides = array<i32>} : memref<128xi32, #tpu.memory_space<vmem>>, vector<16xi32>,
    %swap3A_229 = vector.shape_cast %swap3A_228 : vector<16xi32> to vector<16xi32>
    %swap3A_230 = vector.shape_cast %add3A_226 : vector<16xi32> to vector<16xi32>
    tpu.vector_store %arg8[%swap3A_227], %swap3A_230 {strides = array<i32>} : memref<128xi32, #tpu.memory_space<vmem>>, vector<16xi32>,
    %add3A_231 = arith.constant 16 : i32
    %add3A_232 = arith.addi %add3A_222, %add3A_231 : i32
    %add3A_233 = vector.broadcast %add3A_232 : i32 to vector<16xi32>
    %add3A_234 = arith.addi %iota3A, %add3A_233 : vector<16xi32>
    %swap3A_235 = arith.constant 16 : index
    %swap3A_236 = tpu.vector_load %arg8[%swap3A_235] {strides = array<i32>} : memref<128xi32, #tpu.memory_space<vmem>>, vector<16xi32>,
    %swap3A_237 = vector.shape_cast %swap3A_236 : vector<16xi32> to vector<16xi32>
    %swap3A_238 = vector.shape_cast %add3A_234 : vector<16xi32> to vector<16xi32>
    tpu.vector_store %arg8[%swap3A_235], %swap3A_238 {strides = array<i32>} : memref<128xi32, #tpu.memory_space<vmem>>, vector<16xi32>,
    %add3A_239 = arith.constant 32 : i32
    %add3A_240 = arith.addi %add3A_222, %add3A_239 : i32
    %add3A_241 = vector.broadcast %add3A_240 : i32 to vector<16xi32>
    %add3A_242 = arith.addi %iota3A, %add3A_241 : vector<16xi32>
    %swap3A_243 = arith.constant 32 : index
    %swap3A_244 = tpu.vector_load %arg8[%swap3A_243] {strides = array<i32>} : memref<128xi32, #tpu.memory_space<vmem>>, vector<16xi32>,
    %swap3A_245 = vector.shape_cast %swap3A_244 : vector<16xi32> to vector<16xi32>
    %swap3A_246 = vector.shape_cast %add3A_242 : vector<16xi32> to vector<16xi32>
    tpu.vector_store %arg8[%swap3A_243], %swap3A_246 {strides = array<i32>} : memref<128xi32, #tpu.memory_space<vmem>>, vector<16xi32>,
    %add3A_247 = arith.constant 48 : i32
    %add3A_248 = arith.addi %add3A_222, %add3A_247 : i32
    %add3A_249 = vector.broadcast %add3A_248 : i32 to vector<16xi32>
    %add3A_250 = arith.addi %iota3A, %add3A_249 : vector<16xi32>
    %swap3A_251 = arith.constant 48 : index
    %swap3A_252 = tpu.vector_load %arg8[%swap3A_251] {strides = array<i32>} : memref<128xi32, #tpu.memory_space<vmem>>, vector<16xi32>,
    %swap3A_253 = vector.shape_cast %swap3A_252 : vector<16xi32> to vector<16xi32>
    %swap3A_254 = vector.shape_cast %add3A_250 : vector<16xi32> to vector<16xi32>
    tpu.vector_store %arg8[%swap3A_251], %swap3A_254 {strides = array<i32>} : memref<128xi32, #tpu.memory_space<vmem>>, vector<16xi32>,
    %add3A_255 = arith.constant 64 : i32
    %add3A_256 = arith.addi %add3A_222, %add3A_255 : i32
    %add3A_257 = vector.broadcast %add3A_256 : i32 to vector<16xi32>
    %add3A_258 = arith.addi %iota3A, %add3A_257 : vector<16xi32>
    %swap3A_259 = arith.constant 64 : index
    %swap3A_260 = tpu.vector_load %arg8[%swap3A_259] {strides = array<i32>} : memref<128xi32, #tpu.memory_space<vmem>>, vector<16xi32>,
    %swap3A_261 = vector.shape_cast %swap3A_260 : vector<16xi32> to vector<16xi32>
    %swap3A_262 = vector.shape_cast %add3A_258 : vector<16xi32> to vector<16xi32>
    tpu.vector_store %arg8[%swap3A_259], %swap3A_262 {strides = array<i32>} : memref<128xi32, #tpu.memory_space<vmem>>, vector<16xi32>,
    %add3A_263 = arith.constant 80 : i32
    %add3A_264 = arith.addi %add3A_222, %add3A_263 : i32
    %add3A_265 = vector.broadcast %add3A_264 : i32 to vector<16xi32>
    %add3A_266 = arith.addi %iota3A, %add3A_265 : vector<16xi32>
    %swap3A_267 = arith.constant 80 : index
    %swap3A_268 = tpu.vector_load %arg8[%swap3A_267] {strides = array<i32>} : memref<128xi32, #tpu.memory_space<vmem>>, vector<16xi32>,
    %swap3A_269 = vector.shape_cast %swap3A_268 : vector<16xi32> to vector<16xi32>
    %swap3A_270 = vector.shape_cast %add3A_266 : vector<16xi32> to vector<16xi32>
    tpu.vector_store %arg8[%swap3A_267], %swap3A_270 {strides = array<i32>} : memref<128xi32, #tpu.memory_space<vmem>>, vector<16xi32>,
    %add3A_271 = arith.constant 96 : i32
    %add3A_272 = arith.addi %add3A_222, %add3A_271 : i32
    %add3A_273 = vector.broadcast %add3A_272 : i32 to vector<16xi32>
    %add3A_274 = arith.addi %iota3A, %add3A_273 : vector<16xi32>
    %swap3A_275 = arith.constant 96 : index
    %swap3A_276 = tpu.vector_load %arg8[%swap3A_275] {strides = array<i32>} : memref<128xi32, #tpu.memory_space<vmem>>, vector<16xi32>,
    %swap3A_277 = vector.shape_cast %swap3A_276 : vector<16xi32> to vector<16xi32>
    %swap3A_278 = vector.shape_cast %add3A_274 : vector<16xi32> to vector<16xi32>
    tpu.vector_store %arg8[%swap3A_275], %swap3A_278 {strides = array<i32>} : memref<128xi32, #tpu.memory_space<vmem>>, vector<16xi32>,
    %add3A_279 = arith.constant 112 : i32
    %add3A_280 = arith.addi %add3A_222, %add3A_279 : i32
    %add3A_281 = vector.broadcast %add3A_280 : i32 to vector<16xi32>
    %add3A_282 = arith.addi %iota3A, %add3A_281 : vector<16xi32>
    %swap3A_283 = arith.constant 112 : index
    %swap3A_284 = tpu.vector_load %arg8[%swap3A_283] {strides = array<i32>} : memref<128xi32, #tpu.memory_space<vmem>>, vector<16xi32>,
    %swap3A_285 = vector.shape_cast %swap3A_284 : vector<16xi32> to vector<16xi32>
    %swap3A_286 = vector.shape_cast %add3A_282 : vector<16xi32> to vector<16xi32>
    tpu.vector_store %arg8[%swap3A_283], %swap3A_286 {strides = array<i32>} : memref<128xi32, #tpu.memory_space<vmem>>, vector<16xi32>,
    %dma_start3A_287 = arith.constant 0 : i32
    %dma_start3A_288 = arith.constant 0 : i32
    %dma_start3A_289 = tpu.memref_slice %arg11[%dma_start3A_287, %dma_start3A_288] : memref<10240x128xf32, #tpu.memory_space<vmem_shared>> -> memref<10240x128xf32, #tpu.memory_space<vmem_shared>>
    tpu.enqueue_indirect_dma source(%arg9 : memref<128x128xf32, #tpu.memory_space<vmem>>) target(%dma_start3A_289 : memref<10240x128xf32, #tpu.memory_space<vmem_shared>>) offsets(%arg8 : memref<128xi32, #tpu.memory_space<vmem>>) semaphore(%arg12 : memref<!tpu.dma_semaphore, #tpu.memory_space<semaphore_mem>>)
    %dma_wait3A_290 = arith.constant 0 : i32
    %dma_wait3A_291 = arith.constant 0 : i32
    %dma_wait3A_292 = tpu.memref_slice %arg11[%dma_wait3A_290, %dma_wait3A_291] : memref<10240x128xf32, #tpu.memory_space<vmem_shared>> -> memref<10240x128xf32, #tpu.memory_space<vmem_shared>>
    tpu.wait_indirect_dma semaphore(%arg12 : memref<!tpu.dma_semaphore, #tpu.memory_space<semaphore_mem>>) src(%arg9 : memref<128x128xf32, #tpu.memory_space<vmem>>) dst(%dma_wait3A_292 : memref<10240x128xf32, #tpu.memory_space<vmem_shared>>)
    %add3A_293 = arith.constant 512 : i32
    %add3A_294 = arith.addi %mul3A_7, %add3A_293 : i32
    %add3A_295 = arith.constant 0 : i32
    %add3A_296 = arith.addi %add3A_294, %add3A_295 : i32
    %add3A_297 = vector.broadcast %add3A_296 : i32 to vector<16xi32>
    %add3A_298 = arith.addi %iota3A, %add3A_297 : vector<16xi32>
    %swap3A_299 = arith.constant 0 : index
    %swap3A_300 = tpu.vector_load %arg8[%swap3A_299] {strides = array<i32>} : memref<128xi32, #tpu.memory_space<vmem>>, vector<16xi32>,
    %swap3A_301 = vector.shape_cast %swap3A_300 : vector<16xi32> to vector<16xi32>
    %swap3A_302 = vector.shape_cast %add3A_298 : vector<16xi32> to vector<16xi32>
    tpu.vector_store %arg8[%swap3A_299], %swap3A_302 {strides = array<i32>} : memref<128xi32, #tpu.memory_space<vmem>>, vector<16xi32>,
    %add3A_303 = arith.constant 16 : i32
    %add3A_304 = arith.addi %add3A_294, %add3A_303 : i32
    %add3A_305 = vector.broadcast %add3A_304 : i32 to vector<16xi32>
    %add3A_306 = arith.addi %iota3A, %add3A_305 : vector<16xi32>
    %swap3A_307 = arith.constant 16 : index
    %swap3A_308 = tpu.vector_load %arg8[%swap3A_307] {strides = array<i32>} : memref<128xi32, #tpu.memory_space<vmem>>, vector<16xi32>,
    %swap3A_309 = vector.shape_cast %swap3A_308 : vector<16xi32> to vector<16xi32>
    %swap3A_310 = vector.shape_cast %add3A_306 : vector<16xi32> to vector<16xi32>
    tpu.vector_store %arg8[%swap3A_307], %swap3A_310 {strides = array<i32>} : memref<128xi32, #tpu.memory_space<vmem>>, vector<16xi32>,
    %add3A_311 = arith.constant 32 : i32
    %add3A_312 = arith.addi %add3A_294, %add3A_311 : i32
    %add3A_313 = vector.broadcast %add3A_312 : i32 to vector<16xi32>
    %add3A_314 = arith.addi %iota3A, %add3A_313 : vector<16xi32>
    %swap3A_315 = arith.constant 32 : index
    %swap3A_316 = tpu.vector_load %arg8[%swap3A_315] {strides = array<i32>} : memref<128xi32, #tpu.memory_space<vmem>>, vector<16xi32>,
    %swap3A_317 = vector.shape_cast %swap3A_316 : vector<16xi32> to vector<16xi32>
    %swap3A_318 = vector.shape_cast %add3A_314 : vector<16xi32> to vector<16xi32>
    tpu.vector_store %arg8[%swap3A_315], %swap3A_318 {strides = array<i32>} : memref<128xi32, #tpu.memory_space<vmem>>, vector<16xi32>,
    %add3A_319 = arith.constant 48 : i32
    %add3A_320 = arith.addi %add3A_294, %add3A_319 : i32
    %add3A_321 = vector.broadcast %add3A_320 : i32 to vector<16xi32>
    %add3A_322 = arith.addi %iota3A, %add3A_321 : vector<16xi32>
    %swap3A_323 = arith.constant 48 : index
    %swap3A_324 = tpu.vector_load %arg8[%swap3A_323] {strides = array<i32>} : memref<128xi32, #tpu.memory_space<vmem>>, vector<16xi32>,
    %swap3A_325 = vector.shape_cast %swap3A_324 : vector<16xi32> to vector<16xi32>
    %swap3A_326 = vector.shape_cast %add3A_322 : vector<16xi32> to vector<16xi32>
    tpu.vector_store %arg8[%swap3A_323], %swap3A_326 {strides = array<i32>} : memref<128xi32, #tpu.memory_space<vmem>>, vector<16xi32>,
    %add3A_327 = arith.constant 64 : i32
    %add3A_328 = arith.addi %add3A_294, %add3A_327 : i32
    %add3A_329 = vector.broadcast %add3A_328 : i32 to vector<16xi32>
    %add3A_330 = arith.addi %iota3A, %add3A_329 : vector<16xi32>
    %swap3A_331 = arith.constant 64 : index
    %swap3A_332 = tpu.vector_load %arg8[%swap3A_331] {strides = array<i32>} : memref<128xi32, #tpu.memory_space<vmem>>, vector<16xi32>,
    %swap3A_333 = vector.shape_cast %swap3A_332 : vector<16xi32> to vector<16xi32>
    %swap3A_334 = vector.shape_cast %add3A_330 : vector<16xi32> to vector<16xi32>
    tpu.vector_store %arg8[%swap3A_331], %swap3A_334 {strides = array<i32>} : memref<128xi32, #tpu.memory_space<vmem>>, vector<16xi32>,
    %add3A_335 = arith.constant 80 : i32
    %add3A_336 = arith.addi %add3A_294, %add3A_335 : i32
    %add3A_337 = vector.broadcast %add3A_336 : i32 to vector<16xi32>
    %add3A_338 = arith.addi %iota3A, %add3A_337 : vector<16xi32>
    %swap3A_339 = arith.constant 80 : index
    %swap3A_340 = tpu.vector_load %arg8[%swap3A_339] {strides = array<i32>} : memref<128xi32, #tpu.memory_space<vmem>>, vector<16xi32>,
    %swap3A_341 = vector.shape_cast %swap3A_340 : vector<16xi32> to vector<16xi32>
    %swap3A_342 = vector.shape_cast %add3A_338 : vector<16xi32> to vector<16xi32>
    tpu.vector_store %arg8[%swap3A_339], %swap3A_342 {strides = array<i32>} : memref<128xi32, #tpu.memory_space<vmem>>, vector<16xi32>,
    %add3A_343 = arith.constant 96 : i32
    %add3A_344 = arith.addi %add3A_294, %add3A_343 : i32
    %add3A_345 = vector.broadcast %add3A_344 : i32 to vector<16xi32>
    %add3A_346 = arith.addi %iota3A, %add3A_345 : vector<16xi32>
    %swap3A_347 = arith.constant 96 : index
    %swap3A_348 = tpu.vector_load %arg8[%swap3A_347] {strides = array<i32>} : memref<128xi32, #tpu.memory_space<vmem>>, vector<16xi32>,
    %swap3A_349 = vector.shape_cast %swap3A_348 : vector<16xi32> to vector<16xi32>
    %swap3A_350 = vector.shape_cast %add3A_346 : vector<16xi32> to vector<16xi32>
    tpu.vector_store %arg8[%swap3A_347], %swap3A_350 {strides = array<i32>} : memref<128xi32, #tpu.memory_space<vmem>>, vector<16xi32>,
    %add3A_351 = arith.constant 112 : i32
    %add3A_352 = arith.addi %add3A_294, %add3A_351 : i32
    %add3A_353 = vector.broadcast %add3A_352 : i32 to vector<16xi32>
    %add3A_354 = arith.addi %iota3A, %add3A_353 : vector<16xi32>
    %swap3A_355 = arith.constant 112 : index
    %swap3A_356 = tpu.vector_load %arg8[%swap3A_355] {strides = array<i32>} : memref<128xi32, #tpu.memory_space<vmem>>, vector<16xi32>,
    %swap3A_357 = vector.shape_cast %swap3A_356 : vector<16xi32> to vector<16xi32>
    %swap3A_358 = vector.shape_cast %add3A_354 : vector<16xi32> to vector<16xi32>
    tpu.vector_store %arg8[%swap3A_355], %swap3A_358 {strides = array<i32>} : memref<128xi32, #tpu.memory_space<vmem>>, vector<16xi32>,
    %dma_start3A_359 = arith.constant 0 : i32
    %dma_start3A_360 = arith.constant 0 : i32
    %dma_start3A_361 = tpu.memref_slice %arg11[%dma_start3A_359, %dma_start3A_360] : memref<10240x128xf32, #tpu.memory_space<vmem_shared>> -> memref<10240x128xf32, #tpu.memory_space<vmem_shared>>
    tpu.enqueue_indirect_dma source(%arg9 : memref<128x128xf32, #tpu.memory_space<vmem>>) target(%dma_start3A_361 : memref<10240x128xf32, #tpu.memory_space<vmem_shared>>) offsets(%arg8 : memref<128xi32, #tpu.memory_space<vmem>>) semaphore(%arg12 : memref<!tpu.dma_semaphore, #tpu.memory_space<semaphore_mem>>)
    %dma_wait3A_362 = arith.constant 0 : i32
    %dma_wait3A_363 = arith.constant 0 : i32
    %dma_wait3A_364 = tpu.memref_slice %arg11[%dma_wait3A_362, %dma_wait3A_363] : memref<10240x128xf32, #tpu.memory_space<vmem_shared>> -> memref<10240x128xf32, #tpu.memory_space<vmem_shared>>
    tpu.wait_indirect_dma semaphore(%arg12 : memref<!tpu.dma_semaphore, #tpu.memory_space<semaphore_mem>>) src(%arg9 : memref<128x128xf32, #tpu.memory_space<vmem>>) dst(%dma_wait3A_364 : memref<10240x128xf32, #tpu.memory_space<vmem_shared>>)
    %broadcast_in_dim3A_365 = arith.constant 1.000000e+00 : f32
    %broadcast_in_dim3A_366 = vector.broadcast %broadcast_in_dim3A_365 : f32 to vector<16xf32>
    %scan3A_367 = arith.constant 0 : i32
    %scan3A_368 = arith.constant 128 : i32
    %scan3A_369 = arith.addi %scan3A_367, %scan3A_368 : i32
    %scan3A_370 = arith.constant 1 : i32
    scf.for %scan3A_783 = %scan3A_367 to %scan3A_369 step %scan3A_370  : i32 {
      %mul3A_784 = arith.constant 1 : i32
      %mul3A_785 = arith.muli %scan3A_783, %mul3A_784 : i32
      %add3A_786 = arith.constant 0 : i32
      %add3A_787 = arith.addi %add3A_786, %mul3A_785 : i32
      %swap3A_788 = arith.index_cast %add3A_787 : i32 to index
      %swap3A_789 = arith.constant 0 : index
      %swap3A_790 = tpu.vector_load %arg9[%swap3A_788, %swap3A_789] {strides = array<i32>} : memref<128x128xf32, #tpu.memory_space<vmem>>, vector<1x16xf32>,
      %swap3A_791 = vector.shape_cast %swap3A_790 : vector<1x16xf32> to vector<16xf32>
      %swap3A_792 = vector.shape_cast %broadcast_in_dim3A_366 : vector<16xf32> to vector<1x16xf32>
      tpu.vector_store %arg9[%swap3A_788, %swap3A_789], %swap3A_792 {strides = array<i32>} : memref<128x128xf32, #tpu.memory_space<vmem>>, vector<1x16xf32>,
      %swap3A_793 = arith.index_cast %add3A_787 : i32 to index
      %swap3A_794 = arith.constant 16 : index
      %swap3A_795 = tpu.vector_load %arg9[%swap3A_793, %swap3A_794] {strides = array<i32>} : memref<128x128xf32, #tpu.memory_space<vmem>>, vector<1x16xf32>,
      %swap3A_796 = vector.shape_cast %swap3A_795 : vector<1x16xf32> to vector<16xf32>
      %swap3A_797 = vector.shape_cast %broadcast_in_dim3A_366 : vector<16xf32> to vector<1x16xf32>
      tpu.vector_store %arg9[%swap3A_793, %swap3A_794], %swap3A_797 {strides = array<i32>} : memref<128x128xf32, #tpu.memory_space<vmem>>, vector<1x16xf32>,
      %swap3A_798 = arith.index_cast %add3A_787 : i32 to index
      %swap3A_799 = arith.constant 32 : index
      %swap3A_800 = tpu.vector_load %arg9[%swap3A_798, %swap3A_799] {strides = array<i32>} : memref<128x128xf32, #tpu.memory_space<vmem>>, vector<1x16xf32>,
      %swap3A_801 = vector.shape_cast %swap3A_800 : vector<1x16xf32> to vector<16xf32>
      %swap3A_802 = vector.shape_cast %broadcast_in_dim3A_366 : vector<16xf32> to vector<1x16xf32>
      tpu.vector_store %arg9[%swap3A_798, %swap3A_799], %swap3A_802 {strides = array<i32>} : memref<128x128xf32, #tpu.memory_space<vmem>>, vector<1x16xf32>,
      %swap3A_803 = arith.index_cast %add3A_787 : i32 to index
      %swap3A_804 = arith.constant 48 : index
      %swap3A_805 = tpu.vector_load %arg9[%swap3A_803, %swap3A_804] {strides = array<i32>} : memref<128x128xf32, #tpu.memory_space<vmem>>, vector<1x16xf32>,
      %swap3A_806 = vector.shape_cast %swap3A_805 : vector<1x16xf32> to vector<16xf32>
      %swap3A_807 = vector.shape_cast %broadcast_in_dim3A_366 : vector<16xf32> to vector<1x16xf32>
      tpu.vector_store %arg9[%swap3A_803, %swap3A_804], %swap3A_807 {strides = array<i32>} : memref<128x128xf32, #tpu.memory_space<vmem>>, vector<1x16xf32>,
      %swap3A_808 = arith.index_cast %add3A_787 : i32 to index
      %swap3A_809 = arith.constant 64 : index
      %swap3A_810 = tpu.vector_load %arg9[%swap3A_808, %swap3A_809] {strides = array<i32>} : memref<128x128xf32, #tpu.memory_space<vmem>>, vector<1x16xf32>,
      %swap3A_811 = vector.shape_cast %swap3A_810 : vector<1x16xf32> to vector<16xf32>
      %swap3A_812 = vector.shape_cast %broadcast_in_dim3A_366 : vector<16xf32> to vector<1x16xf32>
      tpu.vector_store %arg9[%swap3A_808, %swap3A_809], %swap3A_812 {strides = array<i32>} : memref<128x128xf32, #tpu.memory_space<vmem>>, vector<1x16xf32>,
      %swap3A_813 = arith.index_cast %add3A_787 : i32 to index
      %swap3A_814 = arith.constant 80 : index
      %swap3A_815 = tpu.vector_load %arg9[%swap3A_813, %swap3A_814] {strides = array<i32>} : memref<128x128xf32, #tpu.memory_space<vmem>>, vector<1x16xf32>,
      %swap3A_816 = vector.shape_cast %swap3A_815 : vector<1x16xf32> to vector<16xf32>
      %swap3A_817 = vector.shape_cast %broadcast_in_dim3A_366 : vector<16xf32> to vector<1x16xf32>
      tpu.vector_store %arg9[%swap3A_813, %swap3A_814], %swap3A_817 {strides = array<i32>} : memref<128x128xf32, #tpu.memory_space<vmem>>, vector<1x16xf32>,
      %swap3A_818 = arith.index_cast %add3A_787 : i32 to index
      %swap3A_819 = arith.constant 96 : index
      %swap3A_820 = tpu.vector_load %arg9[%swap3A_818, %swap3A_819] {strides = array<i32>} : memref<128x128xf32, #tpu.memory_space<vmem>>, vector<1x16xf32>,
      %swap3A_821 = vector.shape_cast %swap3A_820 : vector<1x16xf32> to vector<16xf32>
      %swap3A_822 = vector.shape_cast %broadcast_in_dim3A_366 : vector<16xf32> to vector<1x16xf32>
      tpu.vector_store %arg9[%swap3A_818, %swap3A_819], %swap3A_822 {strides = array<i32>} : memref<128x128xf32, #tpu.memory_space<vmem>>, vector<1x16xf32>,
      %swap3A_823 = arith.index_cast %add3A_787 : i32 to index
      %swap3A_824 = arith.constant 112 : index
      %swap3A_825 = tpu.vector_load %arg9[%swap3A_823, %swap3A_824] {strides = array<i32>} : memref<128x128xf32, #tpu.memory_space<vmem>>, vector<1x16xf32>,
      %swap3A_826 = vector.shape_cast %swap3A_825 : vector<1x16xf32> to vector<16xf32>
      %swap3A_827 = vector.shape_cast %broadcast_in_dim3A_366 : vector<16xf32> to vector<1x16xf32>
      tpu.vector_store %arg9[%swap3A_823, %swap3A_824], %swap3A_827 {strides = array<i32>} : memref<128x128xf32, #tpu.memory_space<vmem>>, vector<1x16xf32>,
    }
    %scan3A_371 = arith.constant 128 : i32
    %barrier3A = arith.constant 0 : index
    tpu.barrier barrier_id(%barrier3A)
    %mul3A_372 = arith.constant 80 : i32
    %mul3A_373 = arith.muli %add3A, %mul3A_372 : i32
    %add3A_374 = arith.constant 0 : i32
    %add3A_375 = arith.addi %mul3A_373, %add3A_374 : i32
    "tpu.region"() ({
      %run_scoped3A = tpu.sem_alloc : memref<!tpu.dma_semaphore, #tpu.memory_space<semaphore_mem>>
      %dma_start3A_783 = arith.constant 0 : i32
      %dma_start3A_784 = tpu.memref_slice %arg4[%add3A_375, %dma_start3A_783] : memref<2560x128xi32, #tpu.memory_space<hbm>> -> memref<16x128xi32, #tpu.memory_space<hbm>>
      %dma_start3A_785 = arith.constant 0 : i32
      %dma_start3A_786 = tpu.memref_slice %arg4[%add3A_375, %dma_start3A_785] : memref<2560x128xi32, #tpu.memory_space<hbm>> -> memref<16x128xi32, #tpu.memory_space<hbm>>
      tpu.enqueue_dma source(%dma_start3A_786 : memref<16x128xi32, #tpu.memory_space<hbm>>) target(%arg7 : memref<16x128xi32, #tpu.memory_space<vmem>>) target_semaphore(%run_scoped3A : memref<!tpu.dma_semaphore, #tpu.memory_space<semaphore_mem>>)
      %dma_wait3A_787 = arith.constant 0 : i32
      %dma_wait3A_788 = tpu.memref_slice %arg4[%add3A_375, %dma_wait3A_787] : memref<2560x128xi32, #tpu.memory_space<hbm>> -> memref<16x128xi32, #tpu.memory_space<hbm>>
      %dma_wait3A_789 = arith.constant 0 : i32
      %dma_wait3A_790 = tpu.memref_slice %arg4[%add3A_375, %dma_wait3A_789] : memref<2560x128xi32, #tpu.memory_space<hbm>> -> memref<16x128xi32, #tpu.memory_space<hbm>>
      tpu.wait_dma2 semaphore(%run_scoped3A : memref<!tpu.dma_semaphore, #tpu.memory_space<semaphore_mem>>) src(%dma_wait3A_790 : memref<16x128xi32, #tpu.memory_space<hbm>>) dst(%arg7 : memref<16x128xi32, #tpu.memory_space<vmem>>)
      tpu.yield
    }) : () -> ()
    %scan3A_376 = arith.constant 0 : i32
    %scan3A_377 = arith.constant 4 : i32
    %scan3A_378 = arith.addi %scan3A_376, %scan3A_377 : i32
    %scan3A_379 = arith.constant 1 : i32
    scf.for %scan3A_783 = %scan3A_376 to %scan3A_378 step %scan3A_379  : i32 {
      %mul3A_784 = arith.constant 1 : i32
      %mul3A_785 = arith.muli %scan3A_783, %mul3A_784 : i32
      %add3A_786 = arith.constant 0 : i32
      %add3A_787 = arith.addi %add3A_786, %mul3A_785 : i32
      %mul3A_788 = arith.constant 4 : i32
      %mul3A_789 = arith.muli %mul3A_788, %add3A_787 : i32
      %add3A_790 = arith.constant 0 : i32
      %add3A_791 = arith.addi %mul3A_789, %add3A_790 : i32
      %dma_start3A_792 = arith.constant 0 : i32
      %dma_start3A_793 = tpu.memref_slice %arg7[%add3A_791, %dma_start3A_792] : memref<16x128xi32, #tpu.memory_space<vmem>> -> memref<1x128xi32, #tpu.memory_space<vmem>>
      %dma_start3A_794 = tpu.memref_squeeze %dma_start3A_793 : memref<1x128xi32, #tpu.memory_space<vmem>> -> memref<128xi32, #tpu.memory_space<vmem>>
      %dma_start3A_795 = arith.constant 0 : i32
      %dma_start3A_796 = arith.constant 0 : i32
      %dma_start3A_797 = tpu.memref_slice %arg11[%dma_start3A_795, %dma_start3A_796] : memref<10240x128xf32, #tpu.memory_space<vmem_shared>> -> memref<10240x128xf32, #tpu.memory_space<vmem_shared>>
      tpu.enqueue_indirect_dma source(%arg9 : memref<128x128xf32, #tpu.memory_space<vmem>>) target(%dma_start3A_797 : memref<10240x128xf32, #tpu.memory_space<vmem_shared>>) offsets(%dma_start3A_794 : memref<128xi32, #tpu.memory_space<vmem>>) semaphore(%arg14 : memref<!tpu.dma_semaphore, #tpu.memory_space<semaphore_mem>>) {add = true}
      %mul3A_798 = arith.constant 4 : i32
      %mul3A_799 = arith.muli %mul3A_798, %add3A_787 : i32
      %add3A_800 = arith.constant 1 : i32
      %add3A_801 = arith.addi %mul3A_799, %add3A_800 : i32
      %dma_start3A_802 = arith.constant 0 : i32
      %dma_start3A_803 = tpu.memref_slice %arg7[%add3A_801, %dma_start3A_802] : memref<16x128xi32, #tpu.memory_space<vmem>> -> memref<1x128xi32, #tpu.memory_space<vmem>>
      %dma_start3A_804 = tpu.memref_squeeze %dma_start3A_803 : memref<1x128xi32, #tpu.memory_space<vmem>> -> memref<128xi32, #tpu.memory_space<vmem>>
      %dma_start3A_805 = arith.constant 0 : i32
      %dma_start3A_806 = arith.constant 0 : i32
      %dma_start3A_807 = tpu.memref_slice %arg11[%dma_start3A_805, %dma_start3A_806] : memref<10240x128xf32, #tpu.memory_space<vmem_shared>> -> memref<10240x128xf32, #tpu.memory_space<vmem_shared>>
      tpu.enqueue_indirect_dma source(%arg9 : memref<128x128xf32, #tpu.memory_space<vmem>>) target(%dma_start3A_807 : memref<10240x128xf32, #tpu.memory_space<vmem_shared>>) offsets(%dma_start3A_804 : memref<128xi32, #tpu.memory_space<vmem>>) semaphore(%arg14 : memref<!tpu.dma_semaphore, #tpu.memory_space<semaphore_mem>>) {add = true}
      %mul3A_808 = arith.constant 4 : i32
      %mul3A_809 = arith.muli %mul3A_808, %add3A_787 : i32
      %add3A_810 = arith.constant 2 : i32
      %add3A_811 = arith.addi %mul3A_809, %add3A_810 : i32
      %dma_start3A_812 = arith.constant 0 : i32
      %dma_start3A_813 = tpu.memref_slice %arg7[%add3A_811, %dma_start3A_812] : memref<16x128xi32, #tpu.memory_space<vmem>> -> memref<1x128xi32, #tpu.memory_space<vmem>>
      %dma_start3A_814 = tpu.memref_squeeze %dma_start3A_813 : memref<1x128xi32, #tpu.memory_space<vmem>> -> memref<128xi32, #tpu.memory_space<vmem>>
      %dma_start3A_815 = arith.constant 0 : i32
      %dma_start3A_816 = arith.constant 0 : i32
      %dma_start3A_817 = tpu.memref_slice %arg11[%dma_start3A_815, %dma_start3A_816] : memref<10240x128xf32, #tpu.memory_space<vmem_shared>> -> memref<10240x128xf32, #tpu.memory_space<vmem_shared>>
      tpu.enqueue_indirect_dma source(%arg9 : memref<128x128xf32, #tpu.memory_space<vmem>>) target(%dma_start3A_817 : memref<10240x128xf32, #tpu.memory_space<vmem_shared>>) offsets(%dma_start3A_814 : memref<128xi32, #tpu.memory_space<vmem>>) semaphore(%arg14 : memref<!tpu.dma_semaphore, #tpu.memory_space<semaphore_mem>>) {add = true}
      %mul3A_818 = arith.constant 4 : i32
      %mul3A_819 = arith.muli %mul3A_818, %add3A_787 : i32
      %add3A_820 = arith.constant 3 : i32
      %add3A_821 = arith.addi %mul3A_819, %add3A_820 : i32
      %dma_start3A_822 = arith.constant 0 : i32
      %dma_start3A_823 = tpu.memref_slice %arg7[%add3A_821, %dma_start3A_822] : memref<16x128xi32, #tpu.memory_space<vmem>> -> memref<1x128xi32, #tpu.memory_space<vmem>>
      %dma_start3A_824 = tpu.memref_squeeze %dma_start3A_823 : memref<1x128xi32, #tpu.memory_space<vmem>> -> memref<128xi32, #tpu.memory_space<vmem>>
      %dma_start3A_825 = arith.constant 0 : i32
      %dma_start3A_826 = arith.constant 0 : i32
      %dma_start3A_827 = tpu.memref_slice %arg11[%dma_start3A_825, %dma_start3A_826] : memref<10240x128xf32, #tpu.memory_space<vmem_shared>> -> memref<10240x128xf32, #tpu.memory_space<vmem_shared>>
      tpu.enqueue_indirect_dma source(%arg9 : memref<128x128xf32, #tpu.memory_space<vmem>>) target(%dma_start3A_827 : memref<10240x128xf32, #tpu.memory_space<vmem_shared>>) offsets(%dma_start3A_824 : memref<128xi32, #tpu.memory_space<vmem>>) semaphore(%arg14 : memref<!tpu.dma_semaphore, #tpu.memory_space<semaphore_mem>>) {add = true}
      %dma_wait3A_828 = arith.constant 0 : i32
      %dma_wait3A_829 = tpu.memref_slice %arg7[%add3A_791, %dma_wait3A_828] : memref<16x128xi32, #tpu.memory_space<vmem>> -> memref<1x128xi32, #tpu.memory_space<vmem>>
      %dma_wait3A_830 = tpu.memref_squeeze %dma_wait3A_829 : memref<1x128xi32, #tpu.memory_space<vmem>> -> memref<128xi32, #tpu.memory_space<vmem>>
      %dma_wait3A_831 = arith.constant 0 : i32
      %dma_wait3A_832 = arith.constant 0 : i32
      %dma_wait3A_833 = tpu.memref_slice %arg11[%dma_wait3A_831, %dma_wait3A_832] : memref<10240x128xf32, #tpu.memory_space<vmem_shared>> -> memref<10240x128xf32, #tpu.memory_space<vmem_shared>>
      tpu.wait_indirect_dma semaphore(%arg14 : memref<!tpu.dma_semaphore, #tpu.memory_space<semaphore_mem>>) src(%arg9 : memref<128x128xf32, #tpu.memory_space<vmem>>) dst(%dma_wait3A_833 : memref<10240x128xf32, #tpu.memory_space<vmem_shared>>)
      %dma_wait3A_834 = arith.constant 0 : i32
      %dma_wait3A_835 = tpu.memref_slice %arg7[%add3A_801, %dma_wait3A_834] : memref<16x128xi32, #tpu.memory_space<vmem>> -> memref<1x128xi32, #tpu.memory_space<vmem>>
      %dma_wait3A_836 = tpu.memref_squeeze %dma_wait3A_835 : memref<1x128xi32, #tpu.memory_space<vmem>> -> memref<128xi32, #tpu.memory_space<vmem>>
      %dma_wait3A_837 = arith.constant 0 : i32
      %dma_wait3A_838 = arith.constant 0 : i32
      %dma_wait3A_839 = tpu.memref_slice %arg11[%dma_wait3A_837, %dma_wait3A_838] : memref<10240x128xf32, #tpu.memory_space<vmem_shared>> -> memref<10240x128xf32, #tpu.memory_space<vmem_shared>>
      tpu.wait_indirect_dma semaphore(%arg14 : memref<!tpu.dma_semaphore, #tpu.memory_space<semaphore_mem>>) src(%arg9 : memref<128x128xf32, #tpu.memory_space<vmem>>) dst(%dma_wait3A_839 : memref<10240x128xf32, #tpu.memory_space<vmem_shared>>)
      %dma_wait3A_840 = arith.constant 0 : i32
      %dma_wait3A_841 = tpu.memref_slice %arg7[%add3A_811, %dma_wait3A_840] : memref<16x128xi32, #tpu.memory_space<vmem>> -> memref<1x128xi32, #tpu.memory_space<vmem>>
      %dma_wait3A_842 = tpu.memref_squeeze %dma_wait3A_841 : memref<1x128xi32, #tpu.memory_space<vmem>> -> memref<128xi32, #tpu.memory_space<vmem>>
      %dma_wait3A_843 = arith.constant 0 : i32
      %dma_wait3A_844 = arith.constant 0 : i32
      %dma_wait3A_845 = tpu.memref_slice %arg11[%dma_wait3A_843, %dma_wait3A_844] : memref<10240x128xf32, #tpu.memory_space<vmem_shared>> -> memref<10240x128xf32, #tpu.memory_space<vmem_shared>>
      tpu.wait_indirect_dma semaphore(%arg14 : memref<!tpu.dma_semaphore, #tpu.memory_space<semaphore_mem>>) src(%arg9 : memref<128x128xf32, #tpu.memory_space<vmem>>) dst(%dma_wait3A_845 : memref<10240x128xf32, #tpu.memory_space<vmem_shared>>)
      %dma_wait3A_846 = arith.constant 0 : i32
      %dma_wait3A_847 = tpu.memref_slice %arg7[%add3A_821, %dma_wait3A_846] : memref<16x128xi32, #tpu.memory_space<vmem>> -> memref<1x128xi32, #tpu.memory_space<vmem>>
      %dma_wait3A_848 = tpu.memref_squeeze %dma_wait3A_847 : memref<1x128xi32, #tpu.memory_space<vmem>> -> memref<128xi32, #tpu.memory_space<vmem>>
      %dma_wait3A_849 = arith.constant 0 : i32
      %dma_wait3A_850 = arith.constant 0 : i32
      %dma_wait3A_851 = tpu.memref_slice %arg11[%dma_wait3A_849, %dma_wait3A_850] : memref<10240x128xf32, #tpu.memory_space<vmem_shared>> -> memref<10240x128xf32, #tpu.memory_space<vmem_shared>>
      tpu.wait_indirect_dma semaphore(%arg14 : memref<!tpu.dma_semaphore, #tpu.memory_space<semaphore_mem>>) src(%arg9 : memref<128x128xf32, #tpu.memory_space<vmem>>) dst(%dma_wait3A_851 : memref<10240x128xf32, #tpu.memory_space<vmem_shared>>)
    }
    %scan3A_380 = arith.constant 4 : i32
    %add3A_381 = arith.constant 16 : i32
    %add3A_382 = arith.addi %mul3A_373, %add3A_381 : i32
    "tpu.region"() ({
      %run_scoped3A = tpu.sem_alloc : memref<!tpu.dma_semaphore, #tpu.memory_space<semaphore_mem>>
      %dma_start3A_783 = arith.constant 0 : i32
      %dma_start3A_784 = tpu.memref_slice %arg4[%add3A_382, %dma_start3A_783] : memref<2560x128xi32, #tpu.memory_space<hbm>> -> memref<16x128xi32, #tpu.memory_space<hbm>>
      %dma_start3A_785 = arith.constant 0 : i32
      %dma_start3A_786 = tpu.memref_slice %arg4[%add3A_382, %dma_start3A_785] : memref<2560x128xi32, #tpu.memory_space<hbm>> -> memref<16x128xi32, #tpu.memory_space<hbm>>
      tpu.enqueue_dma source(%dma_start3A_786 : memref<16x128xi32, #tpu.memory_space<hbm>>) target(%arg7 : memref<16x128xi32, #tpu.memory_space<vmem>>) target_semaphore(%run_scoped3A : memref<!tpu.dma_semaphore, #tpu.memory_space<semaphore_mem>>)
      %dma_wait3A_787 = arith.constant 0 : i32
      %dma_wait3A_788 = tpu.memref_slice %arg4[%add3A_382, %dma_wait3A_787] : memref<2560x128xi32, #tpu.memory_space<hbm>> -> memref<16x128xi32, #tpu.memory_space<hbm>>
      %dma_wait3A_789 = arith.constant 0 : i32
      %dma_wait3A_790 = tpu.memref_slice %arg4[%add3A_382, %dma_wait3A_789] : memref<2560x128xi32, #tpu.memory_space<hbm>> -> memref<16x128xi32, #tpu.memory_space<hbm>>
      tpu.wait_dma2 semaphore(%run_scoped3A : memref<!tpu.dma_semaphore, #tpu.memory_space<semaphore_mem>>) src(%dma_wait3A_790 : memref<16x128xi32, #tpu.memory_space<hbm>>) dst(%arg7 : memref<16x128xi32, #tpu.memory_space<vmem>>)
      tpu.yield
    }) : () -> ()
    %scan3A_383 = arith.constant 0 : i32
    %scan3A_384 = arith.constant 4 : i32
    %scan3A_385 = arith.addi %scan3A_383, %scan3A_384 : i32
    %scan3A_386 = arith.constant 1 : i32
    scf.for %scan3A_783 = %scan3A_383 to %scan3A_385 step %scan3A_386  : i32 {
      %mul3A_784 = arith.constant 1 : i32
      %mul3A_785 = arith.muli %scan3A_783, %mul3A_784 : i32
      %add3A_786 = arith.constant 0 : i32
      %add3A_787 = arith.addi %add3A_786, %mul3A_785 : i32
      %mul3A_788 = arith.constant 4 : i32
      %mul3A_789 = arith.muli %mul3A_788, %add3A_787 : i32
      %add3A_790 = arith.constant 0 : i32
      %add3A_791 = arith.addi %mul3A_789, %add3A_790 : i32
      %dma_start3A_792 = arith.constant 0 : i32
      %dma_start3A_793 = tpu.memref_slice %arg7[%add3A_791, %dma_start3A_792] : memref<16x128xi32, #tpu.memory_space<vmem>> -> memref<1x128xi32, #tpu.memory_space<vmem>>
      %dma_start3A_794 = tpu.memref_squeeze %dma_start3A_793 : memref<1x128xi32, #tpu.memory_space<vmem>> -> memref<128xi32, #tpu.memory_space<vmem>>
      %dma_start3A_795 = arith.constant 0 : i32
      %dma_start3A_796 = arith.constant 0 : i32
      %dma_start3A_797 = tpu.memref_slice %arg11[%dma_start3A_795, %dma_start3A_796] : memref<10240x128xf32, #tpu.memory_space<vmem_shared>> -> memref<10240x128xf32, #tpu.memory_space<vmem_shared>>
      tpu.enqueue_indirect_dma source(%arg9 : memref<128x128xf32, #tpu.memory_space<vmem>>) target(%dma_start3A_797 : memref<10240x128xf32, #tpu.memory_space<vmem_shared>>) offsets(%dma_start3A_794 : memref<128xi32, #tpu.memory_space<vmem>>) semaphore(%arg14 : memref<!tpu.dma_semaphore, #tpu.memory_space<semaphore_mem>>) {add = true}
      %mul3A_798 = arith.constant 4 : i32
      %mul3A_799 = arith.muli %mul3A_798, %add3A_787 : i32
      %add3A_800 = arith.constant 1 : i32
      %add3A_801 = arith.addi %mul3A_799, %add3A_800 : i32
      %dma_start3A_802 = arith.constant 0 : i32
      %dma_start3A_803 = tpu.memref_slice %arg7[%add3A_801, %dma_start3A_802] : memref<16x128xi32, #tpu.memory_space<vmem>> -> memref<1x128xi32, #tpu.memory_space<vmem>>
      %dma_start3A_804 = tpu.memref_squeeze %dma_start3A_803 : memref<1x128xi32, #tpu.memory_space<vmem>> -> memref<128xi32, #tpu.memory_space<vmem>>
      %dma_start3A_805 = arith.constant 0 : i32
      %dma_start3A_806 = arith.constant 0 : i32
      %dma_start3A_807 = tpu.memref_slice %arg11[%dma_start3A_805, %dma_start3A_806] : memref<10240x128xf32, #tpu.memory_space<vmem_shared>> -> memref<10240x128xf32, #tpu.memory_space<vmem_shared>>
      tpu.enqueue_indirect_dma source(%arg9 : memref<128x128xf32, #tpu.memory_space<vmem>>) target(%dma_start3A_807 : memref<10240x128xf32, #tpu.memory_space<vmem_shared>>) offsets(%dma_start3A_804 : memref<128xi32, #tpu.memory_space<vmem>>) semaphore(%arg14 : memref<!tpu.dma_semaphore, #tpu.memory_space<semaphore_mem>>) {add = true}
      %mul3A_808 = arith.constant 4 : i32
      %mul3A_809 = arith.muli %mul3A_808, %add3A_787 : i32
      %add3A_810 = arith.constant 2 : i32
      %add3A_811 = arith.addi %mul3A_809, %add3A_810 : i32
      %dma_start3A_812 = arith.constant 0 : i32
      %dma_start3A_813 = tpu.memref_slice %arg7[%add3A_811, %dma_start3A_812] : memref<16x128xi32, #tpu.memory_space<vmem>> -> memref<1x128xi32, #tpu.memory_space<vmem>>
      %dma_start3A_814 = tpu.memref_squeeze %dma_start3A_813 : memref<1x128xi32, #tpu.memory_space<vmem>> -> memref<128xi32, #tpu.memory_space<vmem>>
      %dma_start3A_815 = arith.constant 0 : i32
      %dma_start3A_816 = arith.constant 0 : i32
      %dma_start3A_817 = tpu.memref_slice %arg11[%dma_start3A_815, %dma_start3A_816] : memref<10240x128xf32, #tpu.memory_space<vmem_shared>> -> memref<10240x128xf32, #tpu.memory_space<vmem_shared>>
      tpu.enqueue_indirect_dma source(%arg9 : memref<128x128xf32, #tpu.memory_space<vmem>>) target(%dma_start3A_817 : memref<10240x128xf32, #tpu.memory_space<vmem_shared>>) offsets(%dma_start3A_814 : memref<128xi32, #tpu.memory_space<vmem>>) semaphore(%arg14 : memref<!tpu.dma_semaphore, #tpu.memory_space<semaphore_mem>>) {add = true}
      %mul3A_818 = arith.constant 4 : i32
      %mul3A_819 = arith.muli %mul3A_818, %add3A_787 : i32
      %add3A_820 = arith.constant 3 : i32
      %add3A_821 = arith.addi %mul3A_819, %add3A_820 : i32
      %dma_start3A_822 = arith.constant 0 : i32
      %dma_start3A_823 = tpu.memref_slice %arg7[%add3A_821, %dma_start3A_822] : memref<16x128xi32, #tpu.memory_space<vmem>> -> memref<1x128xi32, #tpu.memory_space<vmem>>
      %dma_start3A_824 = tpu.memref_squeeze %dma_start3A_823 : memref<1x128xi32, #tpu.memory_space<vmem>> -> memref<128xi32, #tpu.memory_space<vmem>>
      %dma_start3A_825 = arith.constant 0 : i32
      %dma_start3A_826 = arith.constant 0 : i32
      %dma_start3A_827 = tpu.memref_slice %arg11[%dma_start3A_825, %dma_start3A_826] : memref<10240x128xf32, #tpu.memory_space<vmem_shared>> -> memref<10240x128xf32, #tpu.memory_space<vmem_shared>>
      tpu.enqueue_indirect_dma source(%arg9 : memref<128x128xf32, #tpu.memory_space<vmem>>) target(%dma_start3A_827 : memref<10240x128xf32, #tpu.memory_space<vmem_shared>>) offsets(%dma_start3A_824 : memref<128xi32, #tpu.memory_space<vmem>>) semaphore(%arg14 : memref<!tpu.dma_semaphore, #tpu.memory_space<semaphore_mem>>) {add = true}
      %dma_wait3A_828 = arith.constant 0 : i32
      %dma_wait3A_829 = tpu.memref_slice %arg7[%add3A_791, %dma_wait3A_828] : memref<16x128xi32, #tpu.memory_space<vmem>> -> memref<1x128xi32, #tpu.memory_space<vmem>>
      %dma_wait3A_830 = tpu.memref_squeeze %dma_wait3A_829 : memref<1x128xi32, #tpu.memory_space<vmem>> -> memref<128xi32, #tpu.memory_space<vmem>>
      %dma_wait3A_831 = arith.constant 0 : i32
      %dma_wait3A_832 = arith.constant 0 : i32
      %dma_wait3A_833 = tpu.memref_slice %arg11[%dma_wait3A_831, %dma_wait3A_832] : memref<10240x128xf32, #tpu.memory_space<vmem_shared>> -> memref<10240x128xf32, #tpu.memory_space<vmem_shared>>
      tpu.wait_indirect_dma semaphore(%arg14 : memref<!tpu.dma_semaphore, #tpu.memory_space<semaphore_mem>>) src(%arg9 : memref<128x128xf32, #tpu.memory_space<vmem>>) dst(%dma_wait3A_833 : memref<10240x128xf32, #tpu.memory_space<vmem_shared>>)
      %dma_wait3A_834 = arith.constant 0 : i32
      %dma_wait3A_835 = tpu.memref_slice %arg7[%add3A_801, %dma_wait3A_834] : memref<16x128xi32, #tpu.memory_space<vmem>> -> memref<1x128xi32, #tpu.memory_space<vmem>>
      %dma_wait3A_836 = tpu.memref_squeeze %dma_wait3A_835 : memref<1x128xi32, #tpu.memory_space<vmem>> -> memref<128xi32, #tpu.memory_space<vmem>>
      %dma_wait3A_837 = arith.constant 0 : i32
      %dma_wait3A_838 = arith.constant 0 : i32
      %dma_wait3A_839 = tpu.memref_slice %arg11[%dma_wait3A_837, %dma_wait3A_838] : memref<10240x128xf32, #tpu.memory_space<vmem_shared>> -> memref<10240x128xf32, #tpu.memory_space<vmem_shared>>
      tpu.wait_indirect_dma semaphore(%arg14 : memref<!tpu.dma_semaphore, #tpu.memory_space<semaphore_mem>>) src(%arg9 : memref<128x128xf32, #tpu.memory_space<vmem>>) dst(%dma_wait3A_839 : memref<10240x128xf32, #tpu.memory_space<vmem_shared>>)
      %dma_wait3A_840 = arith.constant 0 : i32
      %dma_wait3A_841 = tpu.memref_slice %arg7[%add3A_811, %dma_wait3A_840] : memref<16x128xi32, #tpu.memory_space<vmem>> -> memref<1x128xi32, #tpu.memory_space<vmem>>
      %dma_wait3A_842 = tpu.memref_squeeze %dma_wait3A_841 : memref<1x128xi32, #tpu.memory_space<vmem>> -> memref<128xi32, #tpu.memory_space<vmem>>
      %dma_wait3A_843 = arith.constant 0 : i32
      %dma_wait3A_844 = arith.constant 0 : i32
      %dma_wait3A_845 = tpu.memref_slice %arg11[%dma_wait3A_843, %dma_wait3A_844] : memref<10240x128xf32, #tpu.memory_space<vmem_shared>> -> memref<10240x128xf32, #tpu.memory_space<vmem_shared>>
      tpu.wait_indirect_dma semaphore(%arg14 : memref<!tpu.dma_semaphore, #tpu.memory_space<semaphore_mem>>) src(%arg9 : memref<128x128xf32, #tpu.memory_space<vmem>>) dst(%dma_wait3A_845 : memref<10240x128xf32, #tpu.memory_space<vmem_shared>>)
      %dma_wait3A_846 = arith.constant 0 : i32
      %dma_wait3A_847 = tpu.memref_slice %arg7[%add3A_821, %dma_wait3A_846] : memref<16x128xi32, #tpu.memory_space<vmem>> -> memref<1x128xi32, #tpu.memory_space<vmem>>
      %dma_wait3A_848 = tpu.memref_squeeze %dma_wait3A_847 : memref<1x128xi32, #tpu.memory_space<vmem>> -> memref<128xi32, #tpu.memory_space<vmem>>
      %dma_wait3A_849 = arith.constant 0 : i32
      %dma_wait3A_850 = arith.constant 0 : i32
      %dma_wait3A_851 = tpu.memref_slice %arg11[%dma_wait3A_849, %dma_wait3A_850] : memref<10240x128xf32, #tpu.memory_space<vmem_shared>> -> memref<10240x128xf32, #tpu.memory_space<vmem_shared>>
      tpu.wait_indirect_dma semaphore(%arg14 : memref<!tpu.dma_semaphore, #tpu.memory_space<semaphore_mem>>) src(%arg9 : memref<128x128xf32, #tpu.memory_space<vmem>>) dst(%dma_wait3A_851 : memref<10240x128xf32, #tpu.memory_space<vmem_shared>>)
    }
    %scan3A_387 = arith.constant 4 : i32
    %add3A_388 = arith.constant 32 : i32
    %add3A_389 = arith.addi %mul3A_373, %add3A_388 : i32
    "tpu.region"() ({
      %run_scoped3A = tpu.sem_alloc : memref<!tpu.dma_semaphore, #tpu.memory_space<semaphore_mem>>
      %dma_start3A_783 = arith.constant 0 : i32
      %dma_start3A_784 = tpu.memref_slice %arg4[%add3A_389, %dma_start3A_783] : memref<2560x128xi32, #tpu.memory_space<hbm>> -> memref<16x128xi32, #tpu.memory_space<hbm>>
      %dma_start3A_785 = arith.constant 0 : i32
      %dma_start3A_786 = tpu.memref_slice %arg4[%add3A_389, %dma_start3A_785] : memref<2560x128xi32, #tpu.memory_space<hbm>> -> memref<16x128xi32, #tpu.memory_space<hbm>>
      tpu.enqueue_dma source(%dma_start3A_786 : memref<16x128xi32, #tpu.memory_space<hbm>>) target(%arg7 : memref<16x128xi32, #tpu.memory_space<vmem>>) target_semaphore(%run_scoped3A : memref<!tpu.dma_semaphore, #tpu.memory_space<semaphore_mem>>)
      %dma_wait3A_787 = arith.constant 0 : i32
      %dma_wait3A_788 = tpu.memref_slice %arg4[%add3A_389, %dma_wait3A_787] : memref<2560x128xi32, #tpu.memory_space<hbm>> -> memref<16x128xi32, #tpu.memory_space<hbm>>
      %dma_wait3A_789 = arith.constant 0 : i32
      %dma_wait3A_790 = tpu.memref_slice %arg4[%add3A_389, %dma_wait3A_789] : memref<2560x128xi32, #tpu.memory_space<hbm>> -> memref<16x128xi32, #tpu.memory_space<hbm>>
      tpu.wait_dma2 semaphore(%run_scoped3A : memref<!tpu.dma_semaphore, #tpu.memory_space<semaphore_mem>>) src(%dma_wait3A_790 : memref<16x128xi32, #tpu.memory_space<hbm>>) dst(%arg7 : memref<16x128xi32, #tpu.memory_space<vmem>>)
      tpu.yield
    }) : () -> ()
    %scan3A_390 = arith.constant 0 : i32
    %scan3A_391 = arith.constant 4 : i32
    %scan3A_392 = arith.addi %scan3A_390, %scan3A_391 : i32
    %scan3A_393 = arith.constant 1 : i32
    scf.for %scan3A_783 = %scan3A_390 to %scan3A_392 step %scan3A_393  : i32 {
      %mul3A_784 = arith.constant 1 : i32
      %mul3A_785 = arith.muli %scan3A_783, %mul3A_784 : i32
      %add3A_786 = arith.constant 0 : i32
      %add3A_787 = arith.addi %add3A_786, %mul3A_785 : i32
      %mul3A_788 = arith.constant 4 : i32
      %mul3A_789 = arith.muli %mul3A_788, %add3A_787 : i32
      %add3A_790 = arith.constant 0 : i32
      %add3A_791 = arith.addi %mul3A_789, %add3A_790 : i32
      %dma_start3A_792 = arith.constant 0 : i32
      %dma_start3A_793 = tpu.memref_slice %arg7[%add3A_791, %dma_start3A_792] : memref<16x128xi32, #tpu.memory_space<vmem>> -> memref<1x128xi32, #tpu.memory_space<vmem>>
      %dma_start3A_794 = tpu.memref_squeeze %dma_start3A_793 : memref<1x128xi32, #tpu.memory_space<vmem>> -> memref<128xi32, #tpu.memory_space<vmem>>
      %dma_start3A_795 = arith.constant 0 : i32
      %dma_start3A_796 = arith.constant 0 : i32
      %dma_start3A_797 = tpu.memref_slice %arg11[%dma_start3A_795, %dma_start3A_796] : memref<10240x128xf32, #tpu.memory_space<vmem_shared>> -> memref<10240x128xf32, #tpu.memory_space<vmem_shared>>
      tpu.enqueue_indirect_dma source(%arg9 : memref<128x128xf32, #tpu.memory_space<vmem>>) target(%dma_start3A_797 : memref<10240x128xf32, #tpu.memory_space<vmem_shared>>) offsets(%dma_start3A_794 : memref<128xi32, #tpu.memory_space<vmem>>) semaphore(%arg14 : memref<!tpu.dma_semaphore, #tpu.memory_space<semaphore_mem>>) {add = true}
      %mul3A_798 = arith.constant 4 : i32
      %mul3A_799 = arith.muli %mul3A_798, %add3A_787 : i32
      %add3A_800 = arith.constant 1 : i32
      %add3A_801 = arith.addi %mul3A_799, %add3A_800 : i32
      %dma_start3A_802 = arith.constant 0 : i32
      %dma_start3A_803 = tpu.memref_slice %arg7[%add3A_801, %dma_start3A_802] : memref<16x128xi32, #tpu.memory_space<vmem>> -> memref<1x128xi32, #tpu.memory_space<vmem>>
      %dma_start3A_804 = tpu.memref_squeeze %dma_start3A_803 : memref<1x128xi32, #tpu.memory_space<vmem>> -> memref<128xi32, #tpu.memory_space<vmem>>
      %dma_start3A_805 = arith.constant 0 : i32
      %dma_start3A_806 = arith.constant 0 : i32
      %dma_start3A_807 = tpu.memref_slice %arg11[%dma_start3A_805, %dma_start3A_806] : memref<10240x128xf32, #tpu.memory_space<vmem_shared>> -> memref<10240x128xf32, #tpu.memory_space<vmem_shared>>
      tpu.enqueue_indirect_dma source(%arg9 : memref<128x128xf32, #tpu.memory_space<vmem>>) target(%dma_start3A_807 : memref<10240x128xf32, #tpu.memory_space<vmem_shared>>) offsets(%dma_start3A_804 : memref<128xi32, #tpu.memory_space<vmem>>) semaphore(%arg14 : memref<!tpu.dma_semaphore, #tpu.memory_space<semaphore_mem>>) {add = true}
      %mul3A_808 = arith.constant 4 : i32
      %mul3A_809 = arith.muli %mul3A_808, %add3A_787 : i32
      %add3A_810 = arith.constant 2 : i32
      %add3A_811 = arith.addi %mul3A_809, %add3A_810 : i32
      %dma_start3A_812 = arith.constant 0 : i32
      %dma_start3A_813 = tpu.memref_slice %arg7[%add3A_811, %dma_start3A_812] : memref<16x128xi32, #tpu.memory_space<vmem>> -> memref<1x128xi32, #tpu.memory_space<vmem>>
      %dma_start3A_814 = tpu.memref_squeeze %dma_start3A_813 : memref<1x128xi32, #tpu.memory_space<vmem>> -> memref<128xi32, #tpu.memory_space<vmem>>
      %dma_start3A_815 = arith.constant 0 : i32
      %dma_start3A_816 = arith.constant 0 : i32
      %dma_start3A_817 = tpu.memref_slice %arg11[%dma_start3A_815, %dma_start3A_816] : memref<10240x128xf32, #tpu.memory_space<vmem_shared>> -> memref<10240x128xf32, #tpu.memory_space<vmem_shared>>
      tpu.enqueue_indirect_dma source(%arg9 : memref<128x128xf32, #tpu.memory_space<vmem>>) target(%dma_start3A_817 : memref<10240x128xf32, #tpu.memory_space<vmem_shared>>) offsets(%dma_start3A_814 : memref<128xi32, #tpu.memory_space<vmem>>) semaphore(%arg14 : memref<!tpu.dma_semaphore, #tpu.memory_space<semaphore_mem>>) {add = true}
      %mul3A_818 = arith.constant 4 : i32
      %mul3A_819 = arith.muli %mul3A_818, %add3A_787 : i32
      %add3A_820 = arith.constant 3 : i32
      %add3A_821 = arith.addi %mul3A_819, %add3A_820 : i32
      %dma_start3A_822 = arith.constant 0 : i32
      %dma_start3A_823 = tpu.memref_slice %arg7[%add3A_821, %dma_start3A_822] : memref<16x128xi32, #tpu.memory_space<vmem>> -> memref<1x128xi32, #tpu.memory_space<vmem>>
      %dma_start3A_824 = tpu.memref_squeeze %dma_start3A_823 : memref<1x128xi32, #tpu.memory_space<vmem>> -> memref<128xi32, #tpu.memory_space<vmem>>
      %dma_start3A_825 = arith.constant 0 : i32
      %dma_start3A_826 = arith.constant 0 : i32
      %dma_start3A_827 = tpu.memref_slice %arg11[%dma_start3A_825, %dma_start3A_826] : memref<10240x128xf32, #tpu.memory_space<vmem_shared>> -> memref<10240x128xf32, #tpu.memory_space<vmem_shared>>
      tpu.enqueue_indirect_dma source(%arg9 : memref<128x128xf32, #tpu.memory_space<vmem>>) target(%dma_start3A_827 : memref<10240x128xf32, #tpu.memory_space<vmem_shared>>) offsets(%dma_start3A_824 : memref<128xi32, #tpu.memory_space<vmem>>) semaphore(%arg14 : memref<!tpu.dma_semaphore, #tpu.memory_space<semaphore_mem>>) {add = true}
      %dma_wait3A_828 = arith.constant 0 : i32
      %dma_wait3A_829 = tpu.memref_slice %arg7[%add3A_791, %dma_wait3A_828] : memref<16x128xi32, #tpu.memory_space<vmem>> -> memref<1x128xi32, #tpu.memory_space<vmem>>
      %dma_wait3A_830 = tpu.memref_squeeze %dma_wait3A_829 : memref<1x128xi32, #tpu.memory_space<vmem>> -> memref<128xi32, #tpu.memory_space<vmem>>
      %dma_wait3A_831 = arith.constant 0 : i32
      %dma_wait3A_832 = arith.constant 0 : i32
      %dma_wait3A_833 = tpu.memref_slice %arg11[%dma_wait3A_831, %dma_wait3A_832] : memref<10240x128xf32, #tpu.memory_space<vmem_shared>> -> memref<10240x128xf32, #tpu.memory_space<vmem_shared>>
      tpu.wait_indirect_dma semaphore(%arg14 : memref<!tpu.dma_semaphore, #tpu.memory_space<semaphore_mem>>) src(%arg9 : memref<128x128xf32, #tpu.memory_space<vmem>>) dst(%dma_wait3A_833 : memref<10240x128xf32, #tpu.memory_space<vmem_shared>>)
      %dma_wait3A_834 = arith.constant 0 : i32
      %dma_wait3A_835 = tpu.memref_slice %arg7[%add3A_801, %dma_wait3A_834] : memref<16x128xi32, #tpu.memory_space<vmem>> -> memref<1x128xi32, #tpu.memory_space<vmem>>
      %dma_wait3A_836 = tpu.memref_squeeze %dma_wait3A_835 : memref<1x128xi32, #tpu.memory_space<vmem>> -> memref<128xi32, #tpu.memory_space<vmem>>
      %dma_wait3A_837 = arith.constant 0 : i32
      %dma_wait3A_838 = arith.constant 0 : i32
      %dma_wait3A_839 = tpu.memref_slice %arg11[%dma_wait3A_837, %dma_wait3A_838] : memref<10240x128xf32, #tpu.memory_space<vmem_shared>> -> memref<10240x128xf32, #tpu.memory_space<vmem_shared>>
      tpu.wait_indirect_dma semaphore(%arg14 : memref<!tpu.dma_semaphore, #tpu.memory_space<semaphore_mem>>) src(%arg9 : memref<128x128xf32, #tpu.memory_space<vmem>>) dst(%dma_wait3A_839 : memref<10240x128xf32, #tpu.memory_space<vmem_shared>>)
      %dma_wait3A_840 = arith.constant 0 : i32
      %dma_wait3A_841 = tpu.memref_slice %arg7[%add3A_811, %dma_wait3A_840] : memref<16x128xi32, #tpu.memory_space<vmem>> -> memref<1x128xi32, #tpu.memory_space<vmem>>
      %dma_wait3A_842 = tpu.memref_squeeze %dma_wait3A_841 : memref<1x128xi32, #tpu.memory_space<vmem>> -> memref<128xi32, #tpu.memory_space<vmem>>
      %dma_wait3A_843 = arith.constant 0 : i32
      %dma_wait3A_844 = arith.constant 0 : i32
      %dma_wait3A_845 = tpu.memref_slice %arg11[%dma_wait3A_843, %dma_wait3A_844] : memref<10240x128xf32, #tpu.memory_space<vmem_shared>> -> memref<10240x128xf32, #tpu.memory_space<vmem_shared>>
      tpu.wait_indirect_dma semaphore(%arg14 : memref<!tpu.dma_semaphore, #tpu.memory_space<semaphore_mem>>) src(%arg9 : memref<128x128xf32, #tpu.memory_space<vmem>>) dst(%dma_wait3A_845 : memref<10240x128xf32, #tpu.memory_space<vmem_shared>>)
      %dma_wait3A_846 = arith.constant 0 : i32
      %dma_wait3A_847 = tpu.memref_slice %arg7[%add3A_821, %dma_wait3A_846] : memref<16x128xi32, #tpu.memory_space<vmem>> -> memref<1x128xi32, #tpu.memory_space<vmem>>
      %dma_wait3A_848 = tpu.memref_squeeze %dma_wait3A_847 : memref<1x128xi32, #tpu.memory_space<vmem>> -> memref<128xi32, #tpu.memory_space<vmem>>
      %dma_wait3A_849 = arith.constant 0 : i32
      %dma_wait3A_850 = arith.constant 0 : i32
      %dma_wait3A_851 = tpu.memref_slice %arg11[%dma_wait3A_849, %dma_wait3A_850] : memref<10240x128xf32, #tpu.memory_space<vmem_shared>> -> memref<10240x128xf32, #tpu.memory_space<vmem_shared>>
      tpu.wait_indirect_dma semaphore(%arg14 : memref<!tpu.dma_semaphore, #tpu.memory_space<semaphore_mem>>) src(%arg9 : memref<128x128xf32, #tpu.memory_space<vmem>>) dst(%dma_wait3A_851 : memref<10240x128xf32, #tpu.memory_space<vmem_shared>>)
    }
    %scan3A_394 = arith.constant 4 : i32
    %add3A_395 = arith.constant 48 : i32
    %add3A_396 = arith.addi %mul3A_373, %add3A_395 : i32
    "tpu.region"() ({
      %run_scoped3A = tpu.sem_alloc : memref<!tpu.dma_semaphore, #tpu.memory_space<semaphore_mem>>
      %dma_start3A_783 = arith.constant 0 : i32
      %dma_start3A_784 = tpu.memref_slice %arg4[%add3A_396, %dma_start3A_783] : memref<2560x128xi32, #tpu.memory_space<hbm>> -> memref<16x128xi32, #tpu.memory_space<hbm>>
      %dma_start3A_785 = arith.constant 0 : i32
      %dma_start3A_786 = tpu.memref_slice %arg4[%add3A_396, %dma_start3A_785] : memref<2560x128xi32, #tpu.memory_space<hbm>> -> memref<16x128xi32, #tpu.memory_space<hbm>>
      tpu.enqueue_dma source(%dma_start3A_786 : memref<16x128xi32, #tpu.memory_space<hbm>>) target(%arg7 : memref<16x128xi32, #tpu.memory_space<vmem>>) target_semaphore(%run_scoped3A : memref<!tpu.dma_semaphore, #tpu.memory_space<semaphore_mem>>)
      %dma_wait3A_787 = arith.constant 0 : i32
      %dma_wait3A_788 = tpu.memref_slice %arg4[%add3A_396, %dma_wait3A_787] : memref<2560x128xi32, #tpu.memory_space<hbm>> -> memref<16x128xi32, #tpu.memory_space<hbm>>
      %dma_wait3A_789 = arith.constant 0 : i32
      %dma_wait3A_790 = tpu.memref_slice %arg4[%add3A_396, %dma_wait3A_789] : memref<2560x128xi32, #tpu.memory_space<hbm>> -> memref<16x128xi32, #tpu.memory_space<hbm>>
      tpu.wait_dma2 semaphore(%run_scoped3A : memref<!tpu.dma_semaphore, #tpu.memory_space<semaphore_mem>>) src(%dma_wait3A_790 : memref<16x128xi32, #tpu.memory_space<hbm>>) dst(%arg7 : memref<16x128xi32, #tpu.memory_space<vmem>>)
      tpu.yield
    }) : () -> ()
    %scan3A_397 = arith.constant 0 : i32
    %scan3A_398 = arith.constant 4 : i32
    %scan3A_399 = arith.addi %scan3A_397, %scan3A_398 : i32
    %scan3A_400 = arith.constant 1 : i32
    scf.for %scan3A_783 = %scan3A_397 to %scan3A_399 step %scan3A_400  : i32 {
      %mul3A_784 = arith.constant 1 : i32
      %mul3A_785 = arith.muli %scan3A_783, %mul3A_784 : i32
      %add3A_786 = arith.constant 0 : i32
      %add3A_787 = arith.addi %add3A_786, %mul3A_785 : i32
      %mul3A_788 = arith.constant 4 : i32
      %mul3A_789 = arith.muli %mul3A_788, %add3A_787 : i32
      %add3A_790 = arith.constant 0 : i32
      %add3A_791 = arith.addi %mul3A_789, %add3A_790 : i32
      %dma_start3A_792 = arith.constant 0 : i32
      %dma_start3A_793 = tpu.memref_slice %arg7[%add3A_791, %dma_start3A_792] : memref<16x128xi32, #tpu.memory_space<vmem>> -> memref<1x128xi32, #tpu.memory_space<vmem>>
      %dma_start3A_794 = tpu.memref_squeeze %dma_start3A_793 : memref<1x128xi32, #tpu.memory_space<vmem>> -> memref<128xi32, #tpu.memory_space<vmem>>
      %dma_start3A_795 = arith.constant 0 : i32
      %dma_start3A_796 = arith.constant 0 : i32
      %dma_start3A_797 = tpu.memref_slice %arg11[%dma_start3A_795, %dma_start3A_796] : memref<10240x128xf32, #tpu.memory_space<vmem_shared>> -> memref<10240x128xf32, #tpu.memory_space<vmem_shared>>
      tpu.enqueue_indirect_dma source(%arg9 : memref<128x128xf32, #tpu.memory_space<vmem>>) target(%dma_start3A_797 : memref<10240x128xf32, #tpu.memory_space<vmem_shared>>) offsets(%dma_start3A_794 : memref<128xi32, #tpu.memory_space<vmem>>) semaphore(%arg14 : memref<!tpu.dma_semaphore, #tpu.memory_space<semaphore_mem>>) {add = true}
      %mul3A_798 = arith.constant 4 : i32
      %mul3A_799 = arith.muli %mul3A_798, %add3A_787 : i32
      %add3A_800 = arith.constant 1 : i32
      %add3A_801 = arith.addi %mul3A_799, %add3A_800 : i32
      %dma_start3A_802 = arith.constant 0 : i32
      %dma_start3A_803 = tpu.memref_slice %arg7[%add3A_801, %dma_start3A_802] : memref<16x128xi32, #tpu.memory_space<vmem>> -> memref<1x128xi32, #tpu.memory_space<vmem>>
      %dma_start3A_804 = tpu.memref_squeeze %dma_start3A_803 : memref<1x128xi32, #tpu.memory_space<vmem>> -> memref<128xi32, #tpu.memory_space<vmem>>
      %dma_start3A_805 = arith.constant 0 : i32
      %dma_start3A_806 = arith.constant 0 : i32
      %dma_start3A_807 = tpu.memref_slice %arg11[%dma_start3A_805, %dma_start3A_806] : memref<10240x128xf32, #tpu.memory_space<vmem_shared>> -> memref<10240x128xf32, #tpu.memory_space<vmem_shared>>
      tpu.enqueue_indirect_dma source(%arg9 : memref<128x128xf32, #tpu.memory_space<vmem>>) target(%dma_start3A_807 : memref<10240x128xf32, #tpu.memory_space<vmem_shared>>) offsets(%dma_start3A_804 : memref<128xi32, #tpu.memory_space<vmem>>) semaphore(%arg14 : memref<!tpu.dma_semaphore, #tpu.memory_space<semaphore_mem>>) {add = true}
      %mul3A_808 = arith.constant 4 : i32
      %mul3A_809 = arith.muli %mul3A_808, %add3A_787 : i32
      %add3A_810 = arith.constant 2 : i32
      %add3A_811 = arith.addi %mul3A_809, %add3A_810 : i32
      %dma_start3A_812 = arith.constant 0 : i32
      %dma_start3A_813 = tpu.memref_slice %arg7[%add3A_811, %dma_start3A_812] : memref<16x128xi32, #tpu.memory_space<vmem>> -> memref<1x128xi32, #tpu.memory_space<vmem>>
      %dma_start3A_814 = tpu.memref_squeeze %dma_start3A_813 : memref<1x128xi32, #tpu.memory_space<vmem>> -> memref<128xi32, #tpu.memory_space<vmem>>
      %dma_start3A_815 = arith.constant 0 : i32
      %dma_start3A_816 = arith.constant 0 : i32
      %dma_start3A_817 = tpu.memref_slice %arg11[%dma_start3A_815, %dma_start3A_816] : memref<10240x128xf32, #tpu.memory_space<vmem_shared>> -> memref<10240x128xf32, #tpu.memory_space<vmem_shared>>
      tpu.enqueue_indirect_dma source(%arg9 : memref<128x128xf32, #tpu.memory_space<vmem>>) target(%dma_start3A_817 : memref<10240x128xf32, #tpu.memory_space<vmem_shared>>) offsets(%dma_start3A_814 : memref<128xi32, #tpu.memory_space<vmem>>) semaphore(%arg14 : memref<!tpu.dma_semaphore, #tpu.memory_space<semaphore_mem>>) {add = true}
      %mul3A_818 = arith.constant 4 : i32
      %mul3A_819 = arith.muli %mul3A_818, %add3A_787 : i32
      %add3A_820 = arith.constant 3 : i32
      %add3A_821 = arith.addi %mul3A_819, %add3A_820 : i32
      %dma_start3A_822 = arith.constant 0 : i32
      %dma_start3A_823 = tpu.memref_slice %arg7[%add3A_821, %dma_start3A_822] : memref<16x128xi32, #tpu.memory_space<vmem>> -> memref<1x128xi32, #tpu.memory_space<vmem>>
      %dma_start3A_824 = tpu.memref_squeeze %dma_start3A_823 : memref<1x128xi32, #tpu.memory_space<vmem>> -> memref<128xi32, #tpu.memory_space<vmem>>
      %dma_start3A_825 = arith.constant 0 : i32
      %dma_start3A_826 = arith.constant 0 : i32
      %dma_start3A_827 = tpu.memref_slice %arg11[%dma_start3A_825, %dma_start3A_826] : memref<10240x128xf32, #tpu.memory_space<vmem_shared>> -> memref<10240x128xf32, #tpu.memory_space<vmem_shared>>
      tpu.enqueue_indirect_dma source(%arg9 : memref<128x128xf32, #tpu.memory_space<vmem>>) target(%dma_start3A_827 : memref<10240x128xf32, #tpu.memory_space<vmem_shared>>) offsets(%dma_start3A_824 : memref<128xi32, #tpu.memory_space<vmem>>) semaphore(%arg14 : memref<!tpu.dma_semaphore, #tpu.memory_space<semaphore_mem>>) {add = true}
      %dma_wait3A_828 = arith.constant 0 : i32
      %dma_wait3A_829 = tpu.memref_slice %arg7[%add3A_791, %dma_wait3A_828] : memref<16x128xi32, #tpu.memory_space<vmem>> -> memref<1x128xi32, #tpu.memory_space<vmem>>
      %dma_wait3A_830 = tpu.memref_squeeze %dma_wait3A_829 : memref<1x128xi32, #tpu.memory_space<vmem>> -> memref<128xi32, #tpu.memory_space<vmem>>
      %dma_wait3A_831 = arith.constant 0 : i32
      %dma_wait3A_832 = arith.constant 0 : i32
      %dma_wait3A_833 = tpu.memref_slice %arg11[%dma_wait3A_831, %dma_wait3A_832] : memref<10240x128xf32, #tpu.memory_space<vmem_shared>> -> memref<10240x128xf32, #tpu.memory_space<vmem_shared>>
      tpu.wait_indirect_dma semaphore(%arg14 : memref<!tpu.dma_semaphore, #tpu.memory_space<semaphore_mem>>) src(%arg9 : memref<128x128xf32, #tpu.memory_space<vmem>>) dst(%dma_wait3A_833 : memref<10240x128xf32, #tpu.memory_space<vmem_shared>>)
      %dma_wait3A_834 = arith.constant 0 : i32
      %dma_wait3A_835 = tpu.memref_slice %arg7[%add3A_801, %dma_wait3A_834] : memref<16x128xi32, #tpu.memory_space<vmem>> -> memref<1x128xi32, #tpu.memory_space<vmem>>
      %dma_wait3A_836 = tpu.memref_squeeze %dma_wait3A_835 : memref<1x128xi32, #tpu.memory_space<vmem>> -> memref<128xi32, #tpu.memory_space<vmem>>
      %dma_wait3A_837 = arith.constant 0 : i32
      %dma_wait3A_838 = arith.constant 0 : i32
      %dma_wait3A_839 = tpu.memref_slice %arg11[%dma_wait3A_837, %dma_wait3A_838] : memref<10240x128xf32, #tpu.memory_space<vmem_shared>> -> memref<10240x128xf32, #tpu.memory_space<vmem_shared>>
      tpu.wait_indirect_dma semaphore(%arg14 : memref<!tpu.dma_semaphore, #tpu.memory_space<semaphore_mem>>) src(%arg9 : memref<128x128xf32, #tpu.memory_space<vmem>>) dst(%dma_wait3A_839 : memref<10240x128xf32, #tpu.memory_space<vmem_shared>>)
      %dma_wait3A_840 = arith.constant 0 : i32
      %dma_wait3A_841 = tpu.memref_slice %arg7[%add3A_811, %dma_wait3A_840] : memref<16x128xi32, #tpu.memory_space<vmem>> -> memref<1x128xi32, #tpu.memory_space<vmem>>
      %dma_wait3A_842 = tpu.memref_squeeze %dma_wait3A_841 : memref<1x128xi32, #tpu.memory_space<vmem>> -> memref<128xi32, #tpu.memory_space<vmem>>
      %dma_wait3A_843 = arith.constant 0 : i32
      %dma_wait3A_844 = arith.constant 0 : i32
      %dma_wait3A_845 = tpu.memref_slice %arg11[%dma_wait3A_843, %dma_wait3A_844] : memref<10240x128xf32, #tpu.memory_space<vmem_shared>> -> memref<10240x128xf32, #tpu.memory_space<vmem_shared>>
      tpu.wait_indirect_dma semaphore(%arg14 : memref<!tpu.dma_semaphore, #tpu.memory_space<semaphore_mem>>) src(%arg9 : memref<128x128xf32, #tpu.memory_space<vmem>>) dst(%dma_wait3A_845 : memref<10240x128xf32, #tpu.memory_space<vmem_shared>>)
      %dma_wait3A_846 = arith.constant 0 : i32
      %dma_wait3A_847 = tpu.memref_slice %arg7[%add3A_821, %dma_wait3A_846] : memref<16x128xi32, #tpu.memory_space<vmem>> -> memref<1x128xi32, #tpu.memory_space<vmem>>
      %dma_wait3A_848 = tpu.memref_squeeze %dma_wait3A_847 : memref<1x128xi32, #tpu.memory_space<vmem>> -> memref<128xi32, #tpu.memory_space<vmem>>
      %dma_wait3A_849 = arith.constant 0 : i32
      %dma_wait3A_850 = arith.constant 0 : i32
      %dma_wait3A_851 = tpu.memref_slice %arg11[%dma_wait3A_849, %dma_wait3A_850] : memref<10240x128xf32, #tpu.memory_space<vmem_shared>> -> memref<10240x128xf32, #tpu.memory_space<vmem_shared>>
      tpu.wait_indirect_dma semaphore(%arg14 : memref<!tpu.dma_semaphore, #tpu.memory_space<semaphore_mem>>) src(%arg9 : memref<128x128xf32, #tpu.memory_space<vmem>>) dst(%dma_wait3A_851 : memref<10240x128xf32, #tpu.memory_space<vmem_shared>>)
    }
    %scan3A_401 = arith.constant 4 : i32
    %add3A_402 = arith.constant 64 : i32
    %add3A_403 = arith.addi %mul3A_373, %add3A_402 : i32
    "tpu.region"() ({
      %run_scoped3A = tpu.sem_alloc : memref<!tpu.dma_semaphore, #tpu.memory_space<semaphore_mem>>
      %dma_start3A_783 = arith.constant 0 : i32
      %dma_start3A_784 = tpu.memref_slice %arg4[%add3A_403, %dma_start3A_783] : memref<2560x128xi32, #tpu.memory_space<hbm>> -> memref<16x128xi32, #tpu.memory_space<hbm>>
      %dma_start3A_785 = arith.constant 0 : i32
      %dma_start3A_786 = tpu.memref_slice %arg4[%add3A_403, %dma_start3A_785] : memref<2560x128xi32, #tpu.memory_space<hbm>> -> memref<16x128xi32, #tpu.memory_space<hbm>>
      tpu.enqueue_dma source(%dma_start3A_786 : memref<16x128xi32, #tpu.memory_space<hbm>>) target(%arg7 : memref<16x128xi32, #tpu.memory_space<vmem>>) target_semaphore(%run_scoped3A : memref<!tpu.dma_semaphore, #tpu.memory_space<semaphore_mem>>)
      %dma_wait3A_787 = arith.constant 0 : i32
      %dma_wait3A_788 = tpu.memref_slice %arg4[%add3A_403, %dma_wait3A_787] : memref<2560x128xi32, #tpu.memory_space<hbm>> -> memref<16x128xi32, #tpu.memory_space<hbm>>
      %dma_wait3A_789 = arith.constant 0 : i32
      %dma_wait3A_790 = tpu.memref_slice %arg4[%add3A_403, %dma_wait3A_789] : memref<2560x128xi32, #tpu.memory_space<hbm>> -> memref<16x128xi32, #tpu.memory_space<hbm>>
      tpu.wait_dma2 semaphore(%run_scoped3A : memref<!tpu.dma_semaphore, #tpu.memory_space<semaphore_mem>>) src(%dma_wait3A_790 : memref<16x128xi32, #tpu.memory_space<hbm>>) dst(%arg7 : memref<16x128xi32, #tpu.memory_space<vmem>>)
      tpu.yield
    }) : () -> ()
    %scan3A_404 = arith.constant 0 : i32
    %scan3A_405 = arith.constant 4 : i32
    %scan3A_406 = arith.addi %scan3A_404, %scan3A_405 : i32
    %scan3A_407 = arith.constant 1 : i32
    scf.for %scan3A_783 = %scan3A_404 to %scan3A_406 step %scan3A_407  : i32 {
      %mul3A_784 = arith.constant 1 : i32
      %mul3A_785 = arith.muli %scan3A_783, %mul3A_784 : i32
      %add3A_786 = arith.constant 0 : i32
      %add3A_787 = arith.addi %add3A_786, %mul3A_785 : i32
      %mul3A_788 = arith.constant 4 : i32
      %mul3A_789 = arith.muli %mul3A_788, %add3A_787 : i32
      %add3A_790 = arith.constant 0 : i32
      %add3A_791 = arith.addi %mul3A_789, %add3A_790 : i32
      %dma_start3A_792 = arith.constant 0 : i32
      %dma_start3A_793 = tpu.memref_slice %arg7[%add3A_791, %dma_start3A_792] : memref<16x128xi32, #tpu.memory_space<vmem>> -> memref<1x128xi32, #tpu.memory_space<vmem>>
      %dma_start3A_794 = tpu.memref_squeeze %dma_start3A_793 : memref<1x128xi32, #tpu.memory_space<vmem>> -> memref<128xi32, #tpu.memory_space<vmem>>
      %dma_start3A_795 = arith.constant 0 : i32
      %dma_start3A_796 = arith.constant 0 : i32
      %dma_start3A_797 = tpu.memref_slice %arg11[%dma_start3A_795, %dma_start3A_796] : memref<10240x128xf32, #tpu.memory_space<vmem_shared>> -> memref<10240x128xf32, #tpu.memory_space<vmem_shared>>
      tpu.enqueue_indirect_dma source(%arg9 : memref<128x128xf32, #tpu.memory_space<vmem>>) target(%dma_start3A_797 : memref<10240x128xf32, #tpu.memory_space<vmem_shared>>) offsets(%dma_start3A_794 : memref<128xi32, #tpu.memory_space<vmem>>) semaphore(%arg14 : memref<!tpu.dma_semaphore, #tpu.memory_space<semaphore_mem>>) {add = true}
      %mul3A_798 = arith.constant 4 : i32
      %mul3A_799 = arith.muli %mul3A_798, %add3A_787 : i32
      %add3A_800 = arith.constant 1 : i32
      %add3A_801 = arith.addi %mul3A_799, %add3A_800 : i32
      %dma_start3A_802 = arith.constant 0 : i32
      %dma_start3A_803 = tpu.memref_slice %arg7[%add3A_801, %dma_start3A_802] : memref<16x128xi32, #tpu.memory_space<vmem>> -> memref<1x128xi32, #tpu.memory_space<vmem>>
      %dma_start3A_804 = tpu.memref_squeeze %dma_start3A_803 : memref<1x128xi32, #tpu.memory_space<vmem>> -> memref<128xi32, #tpu.memory_space<vmem>>
      %dma_start3A_805 = arith.constant 0 : i32
      %dma_start3A_806 = arith.constant 0 : i32
      %dma_start3A_807 = tpu.memref_slice %arg11[%dma_start3A_805, %dma_start3A_806] : memref<10240x128xf32, #tpu.memory_space<vmem_shared>> -> memref<10240x128xf32, #tpu.memory_space<vmem_shared>>
      tpu.enqueue_indirect_dma source(%arg9 : memref<128x128xf32, #tpu.memory_space<vmem>>) target(%dma_start3A_807 : memref<10240x128xf32, #tpu.memory_space<vmem_shared>>) offsets(%dma_start3A_804 : memref<128xi32, #tpu.memory_space<vmem>>) semaphore(%arg14 : memref<!tpu.dma_semaphore, #tpu.memory_space<semaphore_mem>>) {add = true}
      %mul3A_808 = arith.constant 4 : i32
      %mul3A_809 = arith.muli %mul3A_808, %add3A_787 : i32
      %add3A_810 = arith.constant 2 : i32
      %add3A_811 = arith.addi %mul3A_809, %add3A_810 : i32
      %dma_start3A_812 = arith.constant 0 : i32
      %dma_start3A_813 = tpu.memref_slice %arg7[%add3A_811, %dma_start3A_812] : memref<16x128xi32, #tpu.memory_space<vmem>> -> memref<1x128xi32, #tpu.memory_space<vmem>>
      %dma_start3A_814 = tpu.memref_squeeze %dma_start3A_813 : memref<1x128xi32, #tpu.memory_space<vmem>> -> memref<128xi32, #tpu.memory_space<vmem>>
      %dma_start3A_815 = arith.constant 0 : i32
      %dma_start3A_816 = arith.constant 0 : i32
      %dma_start3A_817 = tpu.memref_slice %arg11[%dma_start3A_815, %dma_start3A_816] : memref<10240x128xf32, #tpu.memory_space<vmem_shared>> -> memref<10240x128xf32, #tpu.memory_space<vmem_shared>>
      tpu.enqueue_indirect_dma source(%arg9 : memref<128x128xf32, #tpu.memory_space<vmem>>) target(%dma_start3A_817 : memref<10240x128xf32, #tpu.memory_space<vmem_shared>>) offsets(%dma_start3A_814 : memref<128xi32, #tpu.memory_space<vmem>>) semaphore(%arg14 : memref<!tpu.dma_semaphore, #tpu.memory_space<semaphore_mem>>) {add = true}
      %mul3A_818 = arith.constant 4 : i32
      %mul3A_819 = arith.muli %mul3A_818, %add3A_787 : i32
      %add3A_820 = arith.constant 3 : i32
      %add3A_821 = arith.addi %mul3A_819, %add3A_820 : i32
      %dma_start3A_822 = arith.constant 0 : i32
      %dma_start3A_823 = tpu.memref_slice %arg7[%add3A_821, %dma_start3A_822] : memref<16x128xi32, #tpu.memory_space<vmem>> -> memref<1x128xi32, #tpu.memory_space<vmem>>
      %dma_start3A_824 = tpu.memref_squeeze %dma_start3A_823 : memref<1x128xi32, #tpu.memory_space<vmem>> -> memref<128xi32, #tpu.memory_space<vmem>>
      %dma_start3A_825 = arith.constant 0 : i32
      %dma_start3A_826 = arith.constant 0 : i32
      %dma_start3A_827 = tpu.memref_slice %arg11[%dma_start3A_825, %dma_start3A_826] : memref<10240x128xf32, #tpu.memory_space<vmem_shared>> -> memref<10240x128xf32, #tpu.memory_space<vmem_shared>>
      tpu.enqueue_indirect_dma source(%arg9 : memref<128x128xf32, #tpu.memory_space<vmem>>) target(%dma_start3A_827 : memref<10240x128xf32, #tpu.memory_space<vmem_shared>>) offsets(%dma_start3A_824 : memref<128xi32, #tpu.memory_space<vmem>>) semaphore(%arg14 : memref<!tpu.dma_semaphore, #tpu.memory_space<semaphore_mem>>) {add = true}
      %dma_wait3A_828 = arith.constant 0 : i32
      %dma_wait3A_829 = tpu.memref_slice %arg7[%add3A_791, %dma_wait3A_828] : memref<16x128xi32, #tpu.memory_space<vmem>> -> memref<1x128xi32, #tpu.memory_space<vmem>>
      %dma_wait3A_830 = tpu.memref_squeeze %dma_wait3A_829 : memref<1x128xi32, #tpu.memory_space<vmem>> -> memref<128xi32, #tpu.memory_space<vmem>>
      %dma_wait3A_831 = arith.constant 0 : i32
      %dma_wait3A_832 = arith.constant 0 : i32
      %dma_wait3A_833 = tpu.memref_slice %arg11[%dma_wait3A_831, %dma_wait3A_832] : memref<10240x128xf32, #tpu.memory_space<vmem_shared>> -> memref<10240x128xf32, #tpu.memory_space<vmem_shared>>
      tpu.wait_indirect_dma semaphore(%arg14 : memref<!tpu.dma_semaphore, #tpu.memory_space<semaphore_mem>>) src(%arg9 : memref<128x128xf32, #tpu.memory_space<vmem>>) dst(%dma_wait3A_833 : memref<10240x128xf32, #tpu.memory_space<vmem_shared>>)
      %dma_wait3A_834 = arith.constant 0 : i32
      %dma_wait3A_835 = tpu.memref_slice %arg7[%add3A_801, %dma_wait3A_834] : memref<16x128xi32, #tpu.memory_space<vmem>> -> memref<1x128xi32, #tpu.memory_space<vmem>>
      %dma_wait3A_836 = tpu.memref_squeeze %dma_wait3A_835 : memref<1x128xi32, #tpu.memory_space<vmem>> -> memref<128xi32, #tpu.memory_space<vmem>>
      %dma_wait3A_837 = arith.constant 0 : i32
      %dma_wait3A_838 = arith.constant 0 : i32
      %dma_wait3A_839 = tpu.memref_slice %arg11[%dma_wait3A_837, %dma_wait3A_838] : memref<10240x128xf32, #tpu.memory_space<vmem_shared>> -> memref<10240x128xf32, #tpu.memory_space<vmem_shared>>
      tpu.wait_indirect_dma semaphore(%arg14 : memref<!tpu.dma_semaphore, #tpu.memory_space<semaphore_mem>>) src(%arg9 : memref<128x128xf32, #tpu.memory_space<vmem>>) dst(%dma_wait3A_839 : memref<10240x128xf32, #tpu.memory_space<vmem_shared>>)
      %dma_wait3A_840 = arith.constant 0 : i32
      %dma_wait3A_841 = tpu.memref_slice %arg7[%add3A_811, %dma_wait3A_840] : memref<16x128xi32, #tpu.memory_space<vmem>> -> memref<1x128xi32, #tpu.memory_space<vmem>>
      %dma_wait3A_842 = tpu.memref_squeeze %dma_wait3A_841 : memref<1x128xi32, #tpu.memory_space<vmem>> -> memref<128xi32, #tpu.memory_space<vmem>>
      %dma_wait3A_843 = arith.constant 0 : i32
      %dma_wait3A_844 = arith.constant 0 : i32
      %dma_wait3A_845 = tpu.memref_slice %arg11[%dma_wait3A_843, %dma_wait3A_844] : memref<10240x128xf32, #tpu.memory_space<vmem_shared>> -> memref<10240x128xf32, #tpu.memory_space<vmem_shared>>
      tpu.wait_indirect_dma semaphore(%arg14 : memref<!tpu.dma_semaphore, #tpu.memory_space<semaphore_mem>>) src(%arg9 : memref<128x128xf32, #tpu.memory_space<vmem>>) dst(%dma_wait3A_845 : memref<10240x128xf32, #tpu.memory_space<vmem_shared>>)
      %dma_wait3A_846 = arith.constant 0 : i32
      %dma_wait3A_847 = tpu.memref_slice %arg7[%add3A_821, %dma_wait3A_846] : memref<16x128xi32, #tpu.memory_space<vmem>> -> memref<1x128xi32, #tpu.memory_space<vmem>>
      %dma_wait3A_848 = tpu.memref_squeeze %dma_wait3A_847 : memref<1x128xi32, #tpu.memory_space<vmem>> -> memref<128xi32, #tpu.memory_space<vmem>>
      %dma_wait3A_849 = arith.constant 0 : i32
      %dma_wait3A_850 = arith.constant 0 : i32
      %dma_wait3A_851 = tpu.memref_slice %arg11[%dma_wait3A_849, %dma_wait3A_850] : memref<10240x128xf32, #tpu.memory_space<vmem_shared>> -> memref<10240x128xf32, #tpu.memory_space<vmem_shared>>
      tpu.wait_indirect_dma semaphore(%arg14 : memref<!tpu.dma_semaphore, #tpu.memory_space<semaphore_mem>>) src(%arg9 : memref<128x128xf32, #tpu.memory_space<vmem>>) dst(%dma_wait3A_851 : memref<10240x128xf32, #tpu.memory_space<vmem_shared>>)
    }
    %scan3A_408 = arith.constant 4 : i32
    %barrier3A_409 = arith.constant 0 : index
    tpu.barrier barrier_id(%barrier3A_409)
    %mul3A_410 = arith.constant 10240 : i32
    %mul3A_411 = arith.muli %arg0, %mul3A_410 : i32
    %add3A_412 = arith.addi %mul3A_411, %mul3A_7 : i32
    %add3A_413 = arith.constant 0 : i32
    %add3A_414 = arith.addi %mul3A_7, %add3A_413 : i32
    %add3A_415 = arith.constant 0 : i32
    %add3A_416 = arith.addi %add3A_414, %add3A_415 : i32
    %add3A_417 = vector.broadcast %add3A_416 : i32 to vector<16xi32>
    %add3A_418 = arith.addi %iota3A, %add3A_417 : vector<16xi32>
    %swap3A_419 = arith.constant 0 : index
    %swap3A_420 = tpu.vector_load %arg8[%swap3A_419] {strides = array<i32>} : memref<128xi32, #tpu.memory_space<vmem>>, vector<16xi32>,
    %swap3A_421 = vector.shape_cast %swap3A_420 : vector<16xi32> to vector<16xi32>
    %swap3A_422 = vector.shape_cast %add3A_418 : vector<16xi32> to vector<16xi32>
    tpu.vector_store %arg8[%swap3A_419], %swap3A_422 {strides = array<i32>} : memref<128xi32, #tpu.memory_space<vmem>>, vector<16xi32>,
    %add3A_423 = arith.constant 16 : i32
    %add3A_424 = arith.addi %add3A_414, %add3A_423 : i32
    %add3A_425 = vector.broadcast %add3A_424 : i32 to vector<16xi32>
    %add3A_426 = arith.addi %iota3A, %add3A_425 : vector<16xi32>
    %swap3A_427 = arith.constant 16 : index
    %swap3A_428 = tpu.vector_load %arg8[%swap3A_427] {strides = array<i32>} : memref<128xi32, #tpu.memory_space<vmem>>, vector<16xi32>,
    %swap3A_429 = vector.shape_cast %swap3A_428 : vector<16xi32> to vector<16xi32>
    %swap3A_430 = vector.shape_cast %add3A_426 : vector<16xi32> to vector<16xi32>
    tpu.vector_store %arg8[%swap3A_427], %swap3A_430 {strides = array<i32>} : memref<128xi32, #tpu.memory_space<vmem>>, vector<16xi32>,
    %add3A_431 = arith.constant 32 : i32
    %add3A_432 = arith.addi %add3A_414, %add3A_431 : i32
    %add3A_433 = vector.broadcast %add3A_432 : i32 to vector<16xi32>
    %add3A_434 = arith.addi %iota3A, %add3A_433 : vector<16xi32>
    %swap3A_435 = arith.constant 32 : index
    %swap3A_436 = tpu.vector_load %arg8[%swap3A_435] {strides = array<i32>} : memref<128xi32, #tpu.memory_space<vmem>>, vector<16xi32>,
    %swap3A_437 = vector.shape_cast %swap3A_436 : vector<16xi32> to vector<16xi32>
    %swap3A_438 = vector.shape_cast %add3A_434 : vector<16xi32> to vector<16xi32>
    tpu.vector_store %arg8[%swap3A_435], %swap3A_438 {strides = array<i32>} : memref<128xi32, #tpu.memory_space<vmem>>, vector<16xi32>,
    %add3A_439 = arith.constant 48 : i32
    %add3A_440 = arith.addi %add3A_414, %add3A_439 : i32
    %add3A_441 = vector.broadcast %add3A_440 : i32 to vector<16xi32>
    %add3A_442 = arith.addi %iota3A, %add3A_441 : vector<16xi32>
    %swap3A_443 = arith.constant 48 : index
    %swap3A_444 = tpu.vector_load %arg8[%swap3A_443] {strides = array<i32>} : memref<128xi32, #tpu.memory_space<vmem>>, vector<16xi32>,
    %swap3A_445 = vector.shape_cast %swap3A_444 : vector<16xi32> to vector<16xi32>
    %swap3A_446 = vector.shape_cast %add3A_442 : vector<16xi32> to vector<16xi32>
    tpu.vector_store %arg8[%swap3A_443], %swap3A_446 {strides = array<i32>} : memref<128xi32, #tpu.memory_space<vmem>>, vector<16xi32>,
    %add3A_447 = arith.constant 64 : i32
    %add3A_448 = arith.addi %add3A_414, %add3A_447 : i32
    %add3A_449 = vector.broadcast %add3A_448 : i32 to vector<16xi32>
    %add3A_450 = arith.addi %iota3A, %add3A_449 : vector<16xi32>
    %swap3A_451 = arith.constant 64 : index
    %swap3A_452 = tpu.vector_load %arg8[%swap3A_451] {strides = array<i32>} : memref<128xi32, #tpu.memory_space<vmem>>, vector<16xi32>,
    %swap3A_453 = vector.shape_cast %swap3A_452 : vector<16xi32> to vector<16xi32>
    %swap3A_454 = vector.shape_cast %add3A_450 : vector<16xi32> to vector<16xi32>
    tpu.vector_store %arg8[%swap3A_451], %swap3A_454 {strides = array<i32>} : memref<128xi32, #tpu.memory_space<vmem>>, vector<16xi32>,
    %add3A_455 = arith.constant 80 : i32
    %add3A_456 = arith.addi %add3A_414, %add3A_455 : i32
    %add3A_457 = vector.broadcast %add3A_456 : i32 to vector<16xi32>
    %add3A_458 = arith.addi %iota3A, %add3A_457 : vector<16xi32>
    %swap3A_459 = arith.constant 80 : index
    %swap3A_460 = tpu.vector_load %arg8[%swap3A_459] {strides = array<i32>} : memref<128xi32, #tpu.memory_space<vmem>>, vector<16xi32>,
    %swap3A_461 = vector.shape_cast %swap3A_460 : vector<16xi32> to vector<16xi32>
    %swap3A_462 = vector.shape_cast %add3A_458 : vector<16xi32> to vector<16xi32>
    tpu.vector_store %arg8[%swap3A_459], %swap3A_462 {strides = array<i32>} : memref<128xi32, #tpu.memory_space<vmem>>, vector<16xi32>,
    %add3A_463 = arith.constant 96 : i32
    %add3A_464 = arith.addi %add3A_414, %add3A_463 : i32
    %add3A_465 = vector.broadcast %add3A_464 : i32 to vector<16xi32>
    %add3A_466 = arith.addi %iota3A, %add3A_465 : vector<16xi32>
    %swap3A_467 = arith.constant 96 : index
    %swap3A_468 = tpu.vector_load %arg8[%swap3A_467] {strides = array<i32>} : memref<128xi32, #tpu.memory_space<vmem>>, vector<16xi32>,
    %swap3A_469 = vector.shape_cast %swap3A_468 : vector<16xi32> to vector<16xi32>
    %swap3A_470 = vector.shape_cast %add3A_466 : vector<16xi32> to vector<16xi32>
    tpu.vector_store %arg8[%swap3A_467], %swap3A_470 {strides = array<i32>} : memref<128xi32, #tpu.memory_space<vmem>>, vector<16xi32>,
    %add3A_471 = arith.constant 112 : i32
    %add3A_472 = arith.addi %add3A_414, %add3A_471 : i32
    %add3A_473 = vector.broadcast %add3A_472 : i32 to vector<16xi32>
    %add3A_474 = arith.addi %iota3A, %add3A_473 : vector<16xi32>
    %swap3A_475 = arith.constant 112 : index
    %swap3A_476 = tpu.vector_load %arg8[%swap3A_475] {strides = array<i32>} : memref<128xi32, #tpu.memory_space<vmem>>, vector<16xi32>,
    %swap3A_477 = vector.shape_cast %swap3A_476 : vector<16xi32> to vector<16xi32>
    %swap3A_478 = vector.shape_cast %add3A_474 : vector<16xi32> to vector<16xi32>
    tpu.vector_store %arg8[%swap3A_475], %swap3A_478 {strides = array<i32>} : memref<128xi32, #tpu.memory_space<vmem>>, vector<16xi32>,
    %dma_start3A_479 = arith.constant 0 : i32
    %dma_start3A_480 = arith.constant 0 : i32
    %dma_start3A_481 = tpu.memref_slice %arg11[%dma_start3A_479, %dma_start3A_480] : memref<10240x128xf32, #tpu.memory_space<vmem_shared>> -> memref<10240x128xf32, #tpu.memory_space<vmem_shared>>
    tpu.enqueue_indirect_dma source(%dma_start3A_481 : memref<10240x128xf32, #tpu.memory_space<vmem_shared>>) target(%arg9 : memref<128x128xf32, #tpu.memory_space<vmem>>) offsets(%arg8 : memref<128xi32, #tpu.memory_space<vmem>>) semaphore(%arg12 : memref<!tpu.dma_semaphore, #tpu.memory_space<semaphore_mem>>)
    %dma_wait3A_482 = arith.constant 0 : i32
    %dma_wait3A_483 = arith.constant 0 : i32
    %dma_wait3A_484 = tpu.memref_slice %arg11[%dma_wait3A_482, %dma_wait3A_483] : memref<10240x128xf32, #tpu.memory_space<vmem_shared>> -> memref<10240x128xf32, #tpu.memory_space<vmem_shared>>
    tpu.wait_indirect_dma semaphore(%arg12 : memref<!tpu.dma_semaphore, #tpu.memory_space<semaphore_mem>>) src(%dma_wait3A_484 : memref<10240x128xf32, #tpu.memory_space<vmem_shared>>) dst(%arg9 : memref<128x128xf32, #tpu.memory_space<vmem>>)
    %add3A_485 = arith.constant 0 : i32
    %add3A_486 = arith.addi %add3A_412, %add3A_485 : i32
    "tpu.region"() ({
      %run_scoped3A = tpu.sem_alloc : memref<!tpu.dma_semaphore, #tpu.memory_space<semaphore_mem>>
      %dma_start3A_783 = arith.constant 0 : i32
      %dma_start3A_784 = tpu.memref_slice %arg5[%add3A_486, %dma_start3A_783] : memref<20480x128xf32, #tpu.memory_space<hbm>> -> memref<128x128xf32, #tpu.memory_space<hbm>>
      %dma_start3A_785 = arith.constant 0 : i32
      %dma_start3A_786 = tpu.memref_slice %arg5[%add3A_486, %dma_start3A_785] : memref<20480x128xf32, #tpu.memory_space<hbm>> -> memref<128x128xf32, #tpu.memory_space<hbm>>
      tpu.enqueue_dma source(%arg9 : memref<128x128xf32, #tpu.memory_space<vmem>>) target(%dma_start3A_786 : memref<128x128xf32, #tpu.memory_space<hbm>>) target_semaphore(%run_scoped3A : memref<!tpu.dma_semaphore, #tpu.memory_space<semaphore_mem>>)
      %dma_wait3A_787 = arith.constant 0 : i32
      %dma_wait3A_788 = tpu.memref_slice %arg5[%add3A_486, %dma_wait3A_787] : memref<20480x128xf32, #tpu.memory_space<hbm>> -> memref<128x128xf32, #tpu.memory_space<hbm>>
      %dma_wait3A_789 = arith.constant 0 : i32
      %dma_wait3A_790 = tpu.memref_slice %arg5[%add3A_486, %dma_wait3A_789] : memref<20480x128xf32, #tpu.memory_space<hbm>> -> memref<128x128xf32, #tpu.memory_space<hbm>>
      tpu.wait_dma2 semaphore(%run_scoped3A : memref<!tpu.dma_semaphore, #tpu.memory_space<semaphore_mem>>) src(%arg9 : memref<128x128xf32, #tpu.memory_space<vmem>>) dst(%dma_wait3A_790 : memref<128x128xf32, #tpu.memory_space<hbm>>)
      tpu.yield
    }) : () -> ()
    %add3A_487 = arith.constant 128 : i32
    %add3A_488 = arith.addi %mul3A_7, %add3A_487 : i32
    %add3A_489 = arith.constant 0 : i32
    %add3A_490 = arith.addi %add3A_488, %add3A_489 : i32
    %add3A_491 = vector.broadcast %add3A_490 : i32 to vector<16xi32>
    %add3A_492 = arith.addi %iota3A, %add3A_491 : vector<16xi32>
    %swap3A_493 = arith.constant 0 : index
    %swap3A_494 = tpu.vector_load %arg8[%swap3A_493] {strides = array<i32>} : memref<128xi32, #tpu.memory_space<vmem>>, vector<16xi32>,
    %swap3A_495 = vector.shape_cast %swap3A_494 : vector<16xi32> to vector<16xi32>
    %swap3A_496 = vector.shape_cast %add3A_492 : vector<16xi32> to vector<16xi32>
    tpu.vector_store %arg8[%swap3A_493], %swap3A_496 {strides = array<i32>} : memref<128xi32, #tpu.memory_space<vmem>>, vector<16xi32>,
    %add3A_497 = arith.constant 16 : i32
    %add3A_498 = arith.addi %add3A_488, %add3A_497 : i32
    %add3A_499 = vector.broadcast %add3A_498 : i32 to vector<16xi32>
    %add3A_500 = arith.addi %iota3A, %add3A_499 : vector<16xi32>
    %swap3A_501 = arith.constant 16 : index
    %swap3A_502 = tpu.vector_load %arg8[%swap3A_501] {strides = array<i32>} : memref<128xi32, #tpu.memory_space<vmem>>, vector<16xi32>,
    %swap3A_503 = vector.shape_cast %swap3A_502 : vector<16xi32> to vector<16xi32>
    %swap3A_504 = vector.shape_cast %add3A_500 : vector<16xi32> to vector<16xi32>
    tpu.vector_store %arg8[%swap3A_501], %swap3A_504 {strides = array<i32>} : memref<128xi32, #tpu.memory_space<vmem>>, vector<16xi32>,
    %add3A_505 = arith.constant 32 : i32
    %add3A_506 = arith.addi %add3A_488, %add3A_505 : i32
    %add3A_507 = vector.broadcast %add3A_506 : i32 to vector<16xi32>
    %add3A_508 = arith.addi %iota3A, %add3A_507 : vector<16xi32>
    %swap3A_509 = arith.constant 32 : index
    %swap3A_510 = tpu.vector_load %arg8[%swap3A_509] {strides = array<i32>} : memref<128xi32, #tpu.memory_space<vmem>>, vector<16xi32>,
    %swap3A_511 = vector.shape_cast %swap3A_510 : vector<16xi32> to vector<16xi32>
    %swap3A_512 = vector.shape_cast %add3A_508 : vector<16xi32> to vector<16xi32>
    tpu.vector_store %arg8[%swap3A_509], %swap3A_512 {strides = array<i32>} : memref<128xi32, #tpu.memory_space<vmem>>, vector<16xi32>,
    %add3A_513 = arith.constant 48 : i32
    %add3A_514 = arith.addi %add3A_488, %add3A_513 : i32
    %add3A_515 = vector.broadcast %add3A_514 : i32 to vector<16xi32>
    %add3A_516 = arith.addi %iota3A, %add3A_515 : vector<16xi32>
    %swap3A_517 = arith.constant 48 : index
    %swap3A_518 = tpu.vector_load %arg8[%swap3A_517] {strides = array<i32>} : memref<128xi32, #tpu.memory_space<vmem>>, vector<16xi32>,
    %swap3A_519 = vector.shape_cast %swap3A_518 : vector<16xi32> to vector<16xi32>
    %swap3A_520 = vector.shape_cast %add3A_516 : vector<16xi32> to vector<16xi32>
    tpu.vector_store %arg8[%swap3A_517], %swap3A_520 {strides = array<i32>} : memref<128xi32, #tpu.memory_space<vmem>>, vector<16xi32>,
    %add3A_521 = arith.constant 64 : i32
    %add3A_522 = arith.addi %add3A_488, %add3A_521 : i32
    %add3A_523 = vector.broadcast %add3A_522 : i32 to vector<16xi32>
    %add3A_524 = arith.addi %iota3A, %add3A_523 : vector<16xi32>
    %swap3A_525 = arith.constant 64 : index
    %swap3A_526 = tpu.vector_load %arg8[%swap3A_525] {strides = array<i32>} : memref<128xi32, #tpu.memory_space<vmem>>, vector<16xi32>,
    %swap3A_527 = vector.shape_cast %swap3A_526 : vector<16xi32> to vector<16xi32>
    %swap3A_528 = vector.shape_cast %add3A_524 : vector<16xi32> to vector<16xi32>
    tpu.vector_store %arg8[%swap3A_525], %swap3A_528 {strides = array<i32>} : memref<128xi32, #tpu.memory_space<vmem>>, vector<16xi32>,
    %add3A_529 = arith.constant 80 : i32
    %add3A_530 = arith.addi %add3A_488, %add3A_529 : i32
    %add3A_531 = vector.broadcast %add3A_530 : i32 to vector<16xi32>
    %add3A_532 = arith.addi %iota3A, %add3A_531 : vector<16xi32>
    %swap3A_533 = arith.constant 80 : index
    %swap3A_534 = tpu.vector_load %arg8[%swap3A_533] {strides = array<i32>} : memref<128xi32, #tpu.memory_space<vmem>>, vector<16xi32>,
    %swap3A_535 = vector.shape_cast %swap3A_534 : vector<16xi32> to vector<16xi32>
    %swap3A_536 = vector.shape_cast %add3A_532 : vector<16xi32> to vector<16xi32>
    tpu.vector_store %arg8[%swap3A_533], %swap3A_536 {strides = array<i32>} : memref<128xi32, #tpu.memory_space<vmem>>, vector<16xi32>,
    %add3A_537 = arith.constant 96 : i32
    %add3A_538 = arith.addi %add3A_488, %add3A_537 : i32
    %add3A_539 = vector.broadcast %add3A_538 : i32 to vector<16xi32>
    %add3A_540 = arith.addi %iota3A, %add3A_539 : vector<16xi32>
    %swap3A_541 = arith.constant 96 : index
    %swap3A_542 = tpu.vector_load %arg8[%swap3A_541] {strides = array<i32>} : memref<128xi32, #tpu.memory_space<vmem>>, vector<16xi32>,
    %swap3A_543 = vector.shape_cast %swap3A_542 : vector<16xi32> to vector<16xi32>
    %swap3A_544 = vector.shape_cast %add3A_540 : vector<16xi32> to vector<16xi32>
    tpu.vector_store %arg8[%swap3A_541], %swap3A_544 {strides = array<i32>} : memref<128xi32, #tpu.memory_space<vmem>>, vector<16xi32>,
    %add3A_545 = arith.constant 112 : i32
    %add3A_546 = arith.addi %add3A_488, %add3A_545 : i32
    %add3A_547 = vector.broadcast %add3A_546 : i32 to vector<16xi32>
    %add3A_548 = arith.addi %iota3A, %add3A_547 : vector<16xi32>
    %swap3A_549 = arith.constant 112 : index
    %swap3A_550 = tpu.vector_load %arg8[%swap3A_549] {strides = array<i32>} : memref<128xi32, #tpu.memory_space<vmem>>, vector<16xi32>,
    %swap3A_551 = vector.shape_cast %swap3A_550 : vector<16xi32> to vector<16xi32>
    %swap3A_552 = vector.shape_cast %add3A_548 : vector<16xi32> to vector<16xi32>
    tpu.vector_store %arg8[%swap3A_549], %swap3A_552 {strides = array<i32>} : memref<128xi32, #tpu.memory_space<vmem>>, vector<16xi32>,
    %dma_start3A_553 = arith.constant 0 : i32
    %dma_start3A_554 = arith.constant 0 : i32
    %dma_start3A_555 = tpu.memref_slice %arg11[%dma_start3A_553, %dma_start3A_554] : memref<10240x128xf32, #tpu.memory_space<vmem_shared>> -> memref<10240x128xf32, #tpu.memory_space<vmem_shared>>
    tpu.enqueue_indirect_dma source(%dma_start3A_555 : memref<10240x128xf32, #tpu.memory_space<vmem_shared>>) target(%arg9 : memref<128x128xf32, #tpu.memory_space<vmem>>) offsets(%arg8 : memref<128xi32, #tpu.memory_space<vmem>>) semaphore(%arg12 : memref<!tpu.dma_semaphore, #tpu.memory_space<semaphore_mem>>)
    %dma_wait3A_556 = arith.constant 0 : i32
    %dma_wait3A_557 = arith.constant 0 : i32
    %dma_wait3A_558 = tpu.memref_slice %arg11[%dma_wait3A_556, %dma_wait3A_557] : memref<10240x128xf32, #tpu.memory_space<vmem_shared>> -> memref<10240x128xf32, #tpu.memory_space<vmem_shared>>
    tpu.wait_indirect_dma semaphore(%arg12 : memref<!tpu.dma_semaphore, #tpu.memory_space<semaphore_mem>>) src(%dma_wait3A_558 : memref<10240x128xf32, #tpu.memory_space<vmem_shared>>) dst(%arg9 : memref<128x128xf32, #tpu.memory_space<vmem>>)
    %add3A_559 = arith.constant 128 : i32
    %add3A_560 = arith.addi %add3A_412, %add3A_559 : i32
    "tpu.region"() ({
      %run_scoped3A = tpu.sem_alloc : memref<!tpu.dma_semaphore, #tpu.memory_space<semaphore_mem>>
      %dma_start3A_783 = arith.constant 0 : i32
      %dma_start3A_784 = tpu.memref_slice %arg5[%add3A_560, %dma_start3A_783] : memref<20480x128xf32, #tpu.memory_space<hbm>> -> memref<128x128xf32, #tpu.memory_space<hbm>>
      %dma_start3A_785 = arith.constant 0 : i32
      %dma_start3A_786 = tpu.memref_slice %arg5[%add3A_560, %dma_start3A_785] : memref<20480x128xf32, #tpu.memory_space<hbm>> -> memref<128x128xf32, #tpu.memory_space<hbm>>
      tpu.enqueue_dma source(%arg9 : memref<128x128xf32, #tpu.memory_space<vmem>>) target(%dma_start3A_786 : memref<128x128xf32, #tpu.memory_space<hbm>>) target_semaphore(%run_scoped3A : memref<!tpu.dma_semaphore, #tpu.memory_space<semaphore_mem>>)
      %dma_wait3A_787 = arith.constant 0 : i32
      %dma_wait3A_788 = tpu.memref_slice %arg5[%add3A_560, %dma_wait3A_787] : memref<20480x128xf32, #tpu.memory_space<hbm>> -> memref<128x128xf32, #tpu.memory_space<hbm>>
      %dma_wait3A_789 = arith.constant 0 : i32
      %dma_wait3A_790 = tpu.memref_slice %arg5[%add3A_560, %dma_wait3A_789] : memref<20480x128xf32, #tpu.memory_space<hbm>> -> memref<128x128xf32, #tpu.memory_space<hbm>>
      tpu.wait_dma2 semaphore(%run_scoped3A : memref<!tpu.dma_semaphore, #tpu.memory_space<semaphore_mem>>) src(%arg9 : memref<128x128xf32, #tpu.memory_space<vmem>>) dst(%dma_wait3A_790 : memref<128x128xf32, #tpu.memory_space<hbm>>)
      tpu.yield
    }) : () -> ()
    %add3A_561 = arith.constant 256 : i32
    %add3A_562 = arith.addi %mul3A_7, %add3A_561 : i32
    %add3A_563 = arith.constant 0 : i32
    %add3A_564 = arith.addi %add3A_562, %add3A_563 : i32
    %add3A_565 = vector.broadcast %add3A_564 : i32 to vector<16xi32>
    %add3A_566 = arith.addi %iota3A, %add3A_565 : vector<16xi32>
    %swap3A_567 = arith.constant 0 : index
    %swap3A_568 = tpu.vector_load %arg8[%swap3A_567] {strides = array<i32>} : memref<128xi32, #tpu.memory_space<vmem>>, vector<16xi32>,
    %swap3A_569 = vector.shape_cast %swap3A_568 : vector<16xi32> to vector<16xi32>
    %swap3A_570 = vector.shape_cast %add3A_566 : vector<16xi32> to vector<16xi32>
    tpu.vector_store %arg8[%swap3A_567], %swap3A_570 {strides = array<i32>} : memref<128xi32, #tpu.memory_space<vmem>>, vector<16xi32>,
    %add3A_571 = arith.constant 16 : i32
    %add3A_572 = arith.addi %add3A_562, %add3A_571 : i32
    %add3A_573 = vector.broadcast %add3A_572 : i32 to vector<16xi32>
    %add3A_574 = arith.addi %iota3A, %add3A_573 : vector<16xi32>
    %swap3A_575 = arith.constant 16 : index
    %swap3A_576 = tpu.vector_load %arg8[%swap3A_575] {strides = array<i32>} : memref<128xi32, #tpu.memory_space<vmem>>, vector<16xi32>,
    %swap3A_577 = vector.shape_cast %swap3A_576 : vector<16xi32> to vector<16xi32>
    %swap3A_578 = vector.shape_cast %add3A_574 : vector<16xi32> to vector<16xi32>
    tpu.vector_store %arg8[%swap3A_575], %swap3A_578 {strides = array<i32>} : memref<128xi32, #tpu.memory_space<vmem>>, vector<16xi32>,
    %add3A_579 = arith.constant 32 : i32
    %add3A_580 = arith.addi %add3A_562, %add3A_579 : i32
    %add3A_581 = vector.broadcast %add3A_580 : i32 to vector<16xi32>
    %add3A_582 = arith.addi %iota3A, %add3A_581 : vector<16xi32>
    %swap3A_583 = arith.constant 32 : index
    %swap3A_584 = tpu.vector_load %arg8[%swap3A_583] {strides = array<i32>} : memref<128xi32, #tpu.memory_space<vmem>>, vector<16xi32>,
    %swap3A_585 = vector.shape_cast %swap3A_584 : vector<16xi32> to vector<16xi32>
    %swap3A_586 = vector.shape_cast %add3A_582 : vector<16xi32> to vector<16xi32>
    tpu.vector_store %arg8[%swap3A_583], %swap3A_586 {strides = array<i32>} : memref<128xi32, #tpu.memory_space<vmem>>, vector<16xi32>,
    %add3A_587 = arith.constant 48 : i32
    %add3A_588 = arith.addi %add3A_562, %add3A_587 : i32
    %add3A_589 = vector.broadcast %add3A_588 : i32 to vector<16xi32>
    %add3A_590 = arith.addi %iota3A, %add3A_589 : vector<16xi32>
    %swap3A_591 = arith.constant 48 : index
    %swap3A_592 = tpu.vector_load %arg8[%swap3A_591] {strides = array<i32>} : memref<128xi32, #tpu.memory_space<vmem>>, vector<16xi32>,
    %swap3A_593 = vector.shape_cast %swap3A_592 : vector<16xi32> to vector<16xi32>
    %swap3A_594 = vector.shape_cast %add3A_590 : vector<16xi32> to vector<16xi32>
    tpu.vector_store %arg8[%swap3A_591], %swap3A_594 {strides = array<i32>} : memref<128xi32, #tpu.memory_space<vmem>>, vector<16xi32>,
    %add3A_595 = arith.constant 64 : i32
    %add3A_596 = arith.addi %add3A_562, %add3A_595 : i32
    %add3A_597 = vector.broadcast %add3A_596 : i32 to vector<16xi32>
    %add3A_598 = arith.addi %iota3A, %add3A_597 : vector<16xi32>
    %swap3A_599 = arith.constant 64 : index
    %swap3A_600 = tpu.vector_load %arg8[%swap3A_599] {strides = array<i32>} : memref<128xi32, #tpu.memory_space<vmem>>, vector<16xi32>,
    %swap3A_601 = vector.shape_cast %swap3A_600 : vector<16xi32> to vector<16xi32>
    %swap3A_602 = vector.shape_cast %add3A_598 : vector<16xi32> to vector<16xi32>
    tpu.vector_store %arg8[%swap3A_599], %swap3A_602 {strides = array<i32>} : memref<128xi32, #tpu.memory_space<vmem>>, vector<16xi32>,
    %add3A_603 = arith.constant 80 : i32
    %add3A_604 = arith.addi %add3A_562, %add3A_603 : i32
    %add3A_605 = vector.broadcast %add3A_604 : i32 to vector<16xi32>
    %add3A_606 = arith.addi %iota3A, %add3A_605 : vector<16xi32>
    %swap3A_607 = arith.constant 80 : index
    %swap3A_608 = tpu.vector_load %arg8[%swap3A_607] {strides = array<i32>} : memref<128xi32, #tpu.memory_space<vmem>>, vector<16xi32>,
    %swap3A_609 = vector.shape_cast %swap3A_608 : vector<16xi32> to vector<16xi32>
    %swap3A_610 = vector.shape_cast %add3A_606 : vector<16xi32> to vector<16xi32>
    tpu.vector_store %arg8[%swap3A_607], %swap3A_610 {strides = array<i32>} : memref<128xi32, #tpu.memory_space<vmem>>, vector<16xi32>,
    %add3A_611 = arith.constant 96 : i32
    %add3A_612 = arith.addi %add3A_562, %add3A_611 : i32
    %add3A_613 = vector.broadcast %add3A_612 : i32 to vector<16xi32>
    %add3A_614 = arith.addi %iota3A, %add3A_613 : vector<16xi32>
    %swap3A_615 = arith.constant 96 : index
    %swap3A_616 = tpu.vector_load %arg8[%swap3A_615] {strides = array<i32>} : memref<128xi32, #tpu.memory_space<vmem>>, vector<16xi32>,
    %swap3A_617 = vector.shape_cast %swap3A_616 : vector<16xi32> to vector<16xi32>
    %swap3A_618 = vector.shape_cast %add3A_614 : vector<16xi32> to vector<16xi32>
    tpu.vector_store %arg8[%swap3A_615], %swap3A_618 {strides = array<i32>} : memref<128xi32, #tpu.memory_space<vmem>>, vector<16xi32>,
    %add3A_619 = arith.constant 112 : i32
    %add3A_620 = arith.addi %add3A_562, %add3A_619 : i32
    %add3A_621 = vector.broadcast %add3A_620 : i32 to vector<16xi32>
    %add3A_622 = arith.addi %iota3A, %add3A_621 : vector<16xi32>
    %swap3A_623 = arith.constant 112 : index
    %swap3A_624 = tpu.vector_load %arg8[%swap3A_623] {strides = array<i32>} : memref<128xi32, #tpu.memory_space<vmem>>, vector<16xi32>,
    %swap3A_625 = vector.shape_cast %swap3A_624 : vector<16xi32> to vector<16xi32>
    %swap3A_626 = vector.shape_cast %add3A_622 : vector<16xi32> to vector<16xi32>
    tpu.vector_store %arg8[%swap3A_623], %swap3A_626 {strides = array<i32>} : memref<128xi32, #tpu.memory_space<vmem>>, vector<16xi32>,
    %dma_start3A_627 = arith.constant 0 : i32
    %dma_start3A_628 = arith.constant 0 : i32
    %dma_start3A_629 = tpu.memref_slice %arg11[%dma_start3A_627, %dma_start3A_628] : memref<10240x128xf32, #tpu.memory_space<vmem_shared>> -> memref<10240x128xf32, #tpu.memory_space<vmem_shared>>
    tpu.enqueue_indirect_dma source(%dma_start3A_629 : memref<10240x128xf32, #tpu.memory_space<vmem_shared>>) target(%arg9 : memref<128x128xf32, #tpu.memory_space<vmem>>) offsets(%arg8 : memref<128xi32, #tpu.memory_space<vmem>>) semaphore(%arg12 : memref<!tpu.dma_semaphore, #tpu.memory_space<semaphore_mem>>)
    %dma_wait3A_630 = arith.constant 0 : i32
    %dma_wait3A_631 = arith.constant 0 : i32
    %dma_wait3A_632 = tpu.memref_slice %arg11[%dma_wait3A_630, %dma_wait3A_631] : memref<10240x128xf32, #tpu.memory_space<vmem_shared>> -> memref<10240x128xf32, #tpu.memory_space<vmem_shared>>
    tpu.wait_indirect_dma semaphore(%arg12 : memref<!tpu.dma_semaphore, #tpu.memory_space<semaphore_mem>>) src(%dma_wait3A_632 : memref<10240x128xf32, #tpu.memory_space<vmem_shared>>) dst(%arg9 : memref<128x128xf32, #tpu.memory_space<vmem>>)
    %add3A_633 = arith.constant 256 : i32
    %add3A_634 = arith.addi %add3A_412, %add3A_633 : i32
    "tpu.region"() ({
      %run_scoped3A = tpu.sem_alloc : memref<!tpu.dma_semaphore, #tpu.memory_space<semaphore_mem>>
      %dma_start3A_783 = arith.constant 0 : i32
      %dma_start3A_784 = tpu.memref_slice %arg5[%add3A_634, %dma_start3A_783] : memref<20480x128xf32, #tpu.memory_space<hbm>> -> memref<128x128xf32, #tpu.memory_space<hbm>>
      %dma_start3A_785 = arith.constant 0 : i32
      %dma_start3A_786 = tpu.memref_slice %arg5[%add3A_634, %dma_start3A_785] : memref<20480x128xf32, #tpu.memory_space<hbm>> -> memref<128x128xf32, #tpu.memory_space<hbm>>
      tpu.enqueue_dma source(%arg9 : memref<128x128xf32, #tpu.memory_space<vmem>>) target(%dma_start3A_786 : memref<128x128xf32, #tpu.memory_space<hbm>>) target_semaphore(%run_scoped3A : memref<!tpu.dma_semaphore, #tpu.memory_space<semaphore_mem>>)
      %dma_wait3A_787 = arith.constant 0 : i32
      %dma_wait3A_788 = tpu.memref_slice %arg5[%add3A_634, %dma_wait3A_787] : memref<20480x128xf32, #tpu.memory_space<hbm>> -> memref<128x128xf32, #tpu.memory_space<hbm>>
      %dma_wait3A_789 = arith.constant 0 : i32
      %dma_wait3A_790 = tpu.memref_slice %arg5[%add3A_634, %dma_wait3A_789] : memref<20480x128xf32, #tpu.memory_space<hbm>> -> memref<128x128xf32, #tpu.memory_space<hbm>>
      tpu.wait_dma2 semaphore(%run_scoped3A : memref<!tpu.dma_semaphore, #tpu.memory_space<semaphore_mem>>) src(%arg9 : memref<128x128xf32, #tpu.memory_space<vmem>>) dst(%dma_wait3A_790 : memref<128x128xf32, #tpu.memory_space<hbm>>)
      tpu.yield
    }) : () -> ()
    %add3A_635 = arith.constant 384 : i32
    %add3A_636 = arith.addi %mul3A_7, %add3A_635 : i32
    %add3A_637 = arith.constant 0 : i32
    %add3A_638 = arith.addi %add3A_636, %add3A_637 : i32
    %add3A_639 = vector.broadcast %add3A_638 : i32 to vector<16xi32>
    %add3A_640 = arith.addi %iota3A, %add3A_639 : vector<16xi32>
    %swap3A_641 = arith.constant 0 : index
    %swap3A_642 = tpu.vector_load %arg8[%swap3A_641] {strides = array<i32>} : memref<128xi32, #tpu.memory_space<vmem>>, vector<16xi32>,
    %swap3A_643 = vector.shape_cast %swap3A_642 : vector<16xi32> to vector<16xi32>
    %swap3A_644 = vector.shape_cast %add3A_640 : vector<16xi32> to vector<16xi32>
    tpu.vector_store %arg8[%swap3A_641], %swap3A_644 {strides = array<i32>} : memref<128xi32, #tpu.memory_space<vmem>>, vector<16xi32>,
    %add3A_645 = arith.constant 16 : i32
    %add3A_646 = arith.addi %add3A_636, %add3A_645 : i32
    %add3A_647 = vector.broadcast %add3A_646 : i32 to vector<16xi32>
    %add3A_648 = arith.addi %iota3A, %add3A_647 : vector<16xi32>
    %swap3A_649 = arith.constant 16 : index
    %swap3A_650 = tpu.vector_load %arg8[%swap3A_649] {strides = array<i32>} : memref<128xi32, #tpu.memory_space<vmem>>, vector<16xi32>,
    %swap3A_651 = vector.shape_cast %swap3A_650 : vector<16xi32> to vector<16xi32>
    %swap3A_652 = vector.shape_cast %add3A_648 : vector<16xi32> to vector<16xi32>
    tpu.vector_store %arg8[%swap3A_649], %swap3A_652 {strides = array<i32>} : memref<128xi32, #tpu.memory_space<vmem>>, vector<16xi32>,
    %add3A_653 = arith.constant 32 : i32
    %add3A_654 = arith.addi %add3A_636, %add3A_653 : i32
    %add3A_655 = vector.broadcast %add3A_654 : i32 to vector<16xi32>
    %add3A_656 = arith.addi %iota3A, %add3A_655 : vector<16xi32>
    %swap3A_657 = arith.constant 32 : index
    %swap3A_658 = tpu.vector_load %arg8[%swap3A_657] {strides = array<i32>} : memref<128xi32, #tpu.memory_space<vmem>>, vector<16xi32>,
    %swap3A_659 = vector.shape_cast %swap3A_658 : vector<16xi32> to vector<16xi32>
    %swap3A_660 = vector.shape_cast %add3A_656 : vector<16xi32> to vector<16xi32>
    tpu.vector_store %arg8[%swap3A_657], %swap3A_660 {strides = array<i32>} : memref<128xi32, #tpu.memory_space<vmem>>, vector<16xi32>,
    %add3A_661 = arith.constant 48 : i32
    %add3A_662 = arith.addi %add3A_636, %add3A_661 : i32
    %add3A_663 = vector.broadcast %add3A_662 : i32 to vector<16xi32>
    %add3A_664 = arith.addi %iota3A, %add3A_663 : vector<16xi32>
    %swap3A_665 = arith.constant 48 : index
    %swap3A_666 = tpu.vector_load %arg8[%swap3A_665] {strides = array<i32>} : memref<128xi32, #tpu.memory_space<vmem>>, vector<16xi32>,
    %swap3A_667 = vector.shape_cast %swap3A_666 : vector<16xi32> to vector<16xi32>
    %swap3A_668 = vector.shape_cast %add3A_664 : vector<16xi32> to vector<16xi32>
    tpu.vector_store %arg8[%swap3A_665], %swap3A_668 {strides = array<i32>} : memref<128xi32, #tpu.memory_space<vmem>>, vector<16xi32>,
    %add3A_669 = arith.constant 64 : i32
    %add3A_670 = arith.addi %add3A_636, %add3A_669 : i32
    %add3A_671 = vector.broadcast %add3A_670 : i32 to vector<16xi32>
    %add3A_672 = arith.addi %iota3A, %add3A_671 : vector<16xi32>
    %swap3A_673 = arith.constant 64 : index
    %swap3A_674 = tpu.vector_load %arg8[%swap3A_673] {strides = array<i32>} : memref<128xi32, #tpu.memory_space<vmem>>, vector<16xi32>,
    %swap3A_675 = vector.shape_cast %swap3A_674 : vector<16xi32> to vector<16xi32>
    %swap3A_676 = vector.shape_cast %add3A_672 : vector<16xi32> to vector<16xi32>
    tpu.vector_store %arg8[%swap3A_673], %swap3A_676 {strides = array<i32>} : memref<128xi32, #tpu.memory_space<vmem>>, vector<16xi32>,
    %add3A_677 = arith.constant 80 : i32
    %add3A_678 = arith.addi %add3A_636, %add3A_677 : i32
    %add3A_679 = vector.broadcast %add3A_678 : i32 to vector<16xi32>
    %add3A_680 = arith.addi %iota3A, %add3A_679 : vector<16xi32>
    %swap3A_681 = arith.constant 80 : index
    %swap3A_682 = tpu.vector_load %arg8[%swap3A_681] {strides = array<i32>} : memref<128xi32, #tpu.memory_space<vmem>>, vector<16xi32>,
    %swap3A_683 = vector.shape_cast %swap3A_682 : vector<16xi32> to vector<16xi32>
    %swap3A_684 = vector.shape_cast %add3A_680 : vector<16xi32> to vector<16xi32>
    tpu.vector_store %arg8[%swap3A_681], %swap3A_684 {strides = array<i32>} : memref<128xi32, #tpu.memory_space<vmem>>, vector<16xi32>,
    %add3A_685 = arith.constant 96 : i32
    %add3A_686 = arith.addi %add3A_636, %add3A_685 : i32
    %add3A_687 = vector.broadcast %add3A_686 : i32 to vector<16xi32>
    %add3A_688 = arith.addi %iota3A, %add3A_687 : vector<16xi32>
    %swap3A_689 = arith.constant 96 : index
    %swap3A_690 = tpu.vector_load %arg8[%swap3A_689] {strides = array<i32>} : memref<128xi32, #tpu.memory_space<vmem>>, vector<16xi32>,
    %swap3A_691 = vector.shape_cast %swap3A_690 : vector<16xi32> to vector<16xi32>
    %swap3A_692 = vector.shape_cast %add3A_688 : vector<16xi32> to vector<16xi32>
    tpu.vector_store %arg8[%swap3A_689], %swap3A_692 {strides = array<i32>} : memref<128xi32, #tpu.memory_space<vmem>>, vector<16xi32>,
    %add3A_693 = arith.constant 112 : i32
    %add3A_694 = arith.addi %add3A_636, %add3A_693 : i32
    %add3A_695 = vector.broadcast %add3A_694 : i32 to vector<16xi32>
    %add3A_696 = arith.addi %iota3A, %add3A_695 : vector<16xi32>
    %swap3A_697 = arith.constant 112 : index
    %swap3A_698 = tpu.vector_load %arg8[%swap3A_697] {strides = array<i32>} : memref<128xi32, #tpu.memory_space<vmem>>, vector<16xi32>,
    %swap3A_699 = vector.shape_cast %swap3A_698 : vector<16xi32> to vector<16xi32>
    %swap3A_700 = vector.shape_cast %add3A_696 : vector<16xi32> to vector<16xi32>
    tpu.vector_store %arg8[%swap3A_697], %swap3A_700 {strides = array<i32>} : memref<128xi32, #tpu.memory_space<vmem>>, vector<16xi32>,
    %dma_start3A_701 = arith.constant 0 : i32
    %dma_start3A_702 = arith.constant 0 : i32
    %dma_start3A_703 = tpu.memref_slice %arg11[%dma_start3A_701, %dma_start3A_702] : memref<10240x128xf32, #tpu.memory_space<vmem_shared>> -> memref<10240x128xf32, #tpu.memory_space<vmem_shared>>
    tpu.enqueue_indirect_dma source(%dma_start3A_703 : memref<10240x128xf32, #tpu.memory_space<vmem_shared>>) target(%arg9 : memref<128x128xf32, #tpu.memory_space<vmem>>) offsets(%arg8 : memref<128xi32, #tpu.memory_space<vmem>>) semaphore(%arg12 : memref<!tpu.dma_semaphore, #tpu.memory_space<semaphore_mem>>)
    %dma_wait3A_704 = arith.constant 0 : i32
    %dma_wait3A_705 = arith.constant 0 : i32
    %dma_wait3A_706 = tpu.memref_slice %arg11[%dma_wait3A_704, %dma_wait3A_705] : memref<10240x128xf32, #tpu.memory_space<vmem_shared>> -> memref<10240x128xf32, #tpu.memory_space<vmem_shared>>
    tpu.wait_indirect_dma semaphore(%arg12 : memref<!tpu.dma_semaphore, #tpu.memory_space<semaphore_mem>>) src(%dma_wait3A_706 : memref<10240x128xf32, #tpu.memory_space<vmem_shared>>) dst(%arg9 : memref<128x128xf32, #tpu.memory_space<vmem>>)
    %add3A_707 = arith.constant 384 : i32
    %add3A_708 = arith.addi %add3A_412, %add3A_707 : i32
    "tpu.region"() ({
      %run_scoped3A = tpu.sem_alloc : memref<!tpu.dma_semaphore, #tpu.memory_space<semaphore_mem>>
      %dma_start3A_783 = arith.constant 0 : i32
      %dma_start3A_784 = tpu.memref_slice %arg5[%add3A_708, %dma_start3A_783] : memref<20480x128xf32, #tpu.memory_space<hbm>> -> memref<128x128xf32, #tpu.memory_space<hbm>>
      %dma_start3A_785 = arith.constant 0 : i32
      %dma_start3A_786 = tpu.memref_slice %arg5[%add3A_708, %dma_start3A_785] : memref<20480x128xf32, #tpu.memory_space<hbm>> -> memref<128x128xf32, #tpu.memory_space<hbm>>
      tpu.enqueue_dma source(%arg9 : memref<128x128xf32, #tpu.memory_space<vmem>>) target(%dma_start3A_786 : memref<128x128xf32, #tpu.memory_space<hbm>>) target_semaphore(%run_scoped3A : memref<!tpu.dma_semaphore, #tpu.memory_space<semaphore_mem>>)
      %dma_wait3A_787 = arith.constant 0 : i32
      %dma_wait3A_788 = tpu.memref_slice %arg5[%add3A_708, %dma_wait3A_787] : memref<20480x128xf32, #tpu.memory_space<hbm>> -> memref<128x128xf32, #tpu.memory_space<hbm>>
      %dma_wait3A_789 = arith.constant 0 : i32
      %dma_wait3A_790 = tpu.memref_slice %arg5[%add3A_708, %dma_wait3A_789] : memref<20480x128xf32, #tpu.memory_space<hbm>> -> memref<128x128xf32, #tpu.memory_space<hbm>>
      tpu.wait_dma2 semaphore(%run_scoped3A : memref<!tpu.dma_semaphore, #tpu.memory_space<semaphore_mem>>) src(%arg9 : memref<128x128xf32, #tpu.memory_space<vmem>>) dst(%dma_wait3A_790 : memref<128x128xf32, #tpu.memory_space<hbm>>)
      tpu.yield
    }) : () -> ()
    %add3A_709 = arith.constant 512 : i32
    %add3A_710 = arith.addi %mul3A_7, %add3A_709 : i32
    %add3A_711 = arith.constant 0 : i32
    %add3A_712 = arith.addi %add3A_710, %add3A_711 : i32
    %add3A_713 = vector.broadcast %add3A_712 : i32 to vector<16xi32>
    %add3A_714 = arith.addi %iota3A, %add3A_713 : vector<16xi32>
    %swap3A_715 = arith.constant 0 : index
    %swap3A_716 = tpu.vector_load %arg8[%swap3A_715] {strides = array<i32>} : memref<128xi32, #tpu.memory_space<vmem>>, vector<16xi32>,
    %swap3A_717 = vector.shape_cast %swap3A_716 : vector<16xi32> to vector<16xi32>
    %swap3A_718 = vector.shape_cast %add3A_714 : vector<16xi32> to vector<16xi32>
    tpu.vector_store %arg8[%swap3A_715], %swap3A_718 {strides = array<i32>} : memref<128xi32, #tpu.memory_space<vmem>>, vector<16xi32>,
    %add3A_719 = arith.constant 16 : i32
    %add3A_720 = arith.addi %add3A_710, %add3A_719 : i32
    %add3A_721 = vector.broadcast %add3A_720 : i32 to vector<16xi32>
    %add3A_722 = arith.addi %iota3A, %add3A_721 : vector<16xi32>
    %swap3A_723 = arith.constant 16 : index
    %swap3A_724 = tpu.vector_load %arg8[%swap3A_723] {strides = array<i32>} : memref<128xi32, #tpu.memory_space<vmem>>, vector<16xi32>,
    %swap3A_725 = vector.shape_cast %swap3A_724 : vector<16xi32> to vector<16xi32>
    %swap3A_726 = vector.shape_cast %add3A_722 : vector<16xi32> to vector<16xi32>
    tpu.vector_store %arg8[%swap3A_723], %swap3A_726 {strides = array<i32>} : memref<128xi32, #tpu.memory_space<vmem>>, vector<16xi32>,
    %add3A_727 = arith.constant 32 : i32
    %add3A_728 = arith.addi %add3A_710, %add3A_727 : i32
    %add3A_729 = vector.broadcast %add3A_728 : i32 to vector<16xi32>
    %add3A_730 = arith.addi %iota3A, %add3A_729 : vector<16xi32>
    %swap3A_731 = arith.constant 32 : index
    %swap3A_732 = tpu.vector_load %arg8[%swap3A_731] {strides = array<i32>} : memref<128xi32, #tpu.memory_space<vmem>>, vector<16xi32>,
    %swap3A_733 = vector.shape_cast %swap3A_732 : vector<16xi32> to vector<16xi32>
    %swap3A_734 = vector.shape_cast %add3A_730 : vector<16xi32> to vector<16xi32>
    tpu.vector_store %arg8[%swap3A_731], %swap3A_734 {strides = array<i32>} : memref<128xi32, #tpu.memory_space<vmem>>, vector<16xi32>,
    %add3A_735 = arith.constant 48 : i32
    %add3A_736 = arith.addi %add3A_710, %add3A_735 : i32
    %add3A_737 = vector.broadcast %add3A_736 : i32 to vector<16xi32>
    %add3A_738 = arith.addi %iota3A, %add3A_737 : vector<16xi32>
    %swap3A_739 = arith.constant 48 : index
    %swap3A_740 = tpu.vector_load %arg8[%swap3A_739] {strides = array<i32>} : memref<128xi32, #tpu.memory_space<vmem>>, vector<16xi32>,
    %swap3A_741 = vector.shape_cast %swap3A_740 : vector<16xi32> to vector<16xi32>
    %swap3A_742 = vector.shape_cast %add3A_738 : vector<16xi32> to vector<16xi32>
    tpu.vector_store %arg8[%swap3A_739], %swap3A_742 {strides = array<i32>} : memref<128xi32, #tpu.memory_space<vmem>>, vector<16xi32>,
    %add3A_743 = arith.constant 64 : i32
    %add3A_744 = arith.addi %add3A_710, %add3A_743 : i32
    %add3A_745 = vector.broadcast %add3A_744 : i32 to vector<16xi32>
    %add3A_746 = arith.addi %iota3A, %add3A_745 : vector<16xi32>
    %swap3A_747 = arith.constant 64 : index
    %swap3A_748 = tpu.vector_load %arg8[%swap3A_747] {strides = array<i32>} : memref<128xi32, #tpu.memory_space<vmem>>, vector<16xi32>,
    %swap3A_749 = vector.shape_cast %swap3A_748 : vector<16xi32> to vector<16xi32>
    %swap3A_750 = vector.shape_cast %add3A_746 : vector<16xi32> to vector<16xi32>
    tpu.vector_store %arg8[%swap3A_747], %swap3A_750 {strides = array<i32>} : memref<128xi32, #tpu.memory_space<vmem>>, vector<16xi32>,
    %add3A_751 = arith.constant 80 : i32
    %add3A_752 = arith.addi %add3A_710, %add3A_751 : i32
    %add3A_753 = vector.broadcast %add3A_752 : i32 to vector<16xi32>
    %add3A_754 = arith.addi %iota3A, %add3A_753 : vector<16xi32>
    %swap3A_755 = arith.constant 80 : index
    %swap3A_756 = tpu.vector_load %arg8[%swap3A_755] {strides = array<i32>} : memref<128xi32, #tpu.memory_space<vmem>>, vector<16xi32>,
    %swap3A_757 = vector.shape_cast %swap3A_756 : vector<16xi32> to vector<16xi32>
    %swap3A_758 = vector.shape_cast %add3A_754 : vector<16xi32> to vector<16xi32>
    tpu.vector_store %arg8[%swap3A_755], %swap3A_758 {strides = array<i32>} : memref<128xi32, #tpu.memory_space<vmem>>, vector<16xi32>,
    %add3A_759 = arith.constant 96 : i32
    %add3A_760 = arith.addi %add3A_710, %add3A_759 : i32
    %add3A_761 = vector.broadcast %add3A_760 : i32 to vector<16xi32>
    %add3A_762 = arith.addi %iota3A, %add3A_761 : vector<16xi32>
    %swap3A_763 = arith.constant 96 : index
    %swap3A_764 = tpu.vector_load %arg8[%swap3A_763] {strides = array<i32>} : memref<128xi32, #tpu.memory_space<vmem>>, vector<16xi32>,
    %swap3A_765 = vector.shape_cast %swap3A_764 : vector<16xi32> to vector<16xi32>
    %swap3A_766 = vector.shape_cast %add3A_762 : vector<16xi32> to vector<16xi32>
    tpu.vector_store %arg8[%swap3A_763], %swap3A_766 {strides = array<i32>} : memref<128xi32, #tpu.memory_space<vmem>>, vector<16xi32>,
    %add3A_767 = arith.constant 112 : i32
    %add3A_768 = arith.addi %add3A_710, %add3A_767 : i32
    %add3A_769 = vector.broadcast %add3A_768 : i32 to vector<16xi32>
    %add3A_770 = arith.addi %iota3A, %add3A_769 : vector<16xi32>
    %swap3A_771 = arith.constant 112 : index
    %swap3A_772 = tpu.vector_load %arg8[%swap3A_771] {strides = array<i32>} : memref<128xi32, #tpu.memory_space<vmem>>, vector<16xi32>,
    %swap3A_773 = vector.shape_cast %swap3A_772 : vector<16xi32> to vector<16xi32>
    %swap3A_774 = vector.shape_cast %add3A_770 : vector<16xi32> to vector<16xi32>
    tpu.vector_store %arg8[%swap3A_771], %swap3A_774 {strides = array<i32>} : memref<128xi32, #tpu.memory_space<vmem>>, vector<16xi32>,
    %dma_start3A_775 = arith.constant 0 : i32
    %dma_start3A_776 = arith.constant 0 : i32
    %dma_start3A_777 = tpu.memref_slice %arg11[%dma_start3A_775, %dma_start3A_776] : memref<10240x128xf32, #tpu.memory_space<vmem_shared>> -> memref<10240x128xf32, #tpu.memory_space<vmem_shared>>
    tpu.enqueue_indirect_dma source(%dma_start3A_777 : memref<10240x128xf32, #tpu.memory_space<vmem_shared>>) target(%arg9 : memref<128x128xf32, #tpu.memory_space<vmem>>) offsets(%arg8 : memref<128xi32, #tpu.memory_space<vmem>>) semaphore(%arg12 : memref<!tpu.dma_semaphore, #tpu.memory_space<semaphore_mem>>)
    %dma_wait3A_778 = arith.constant 0 : i32
    %dma_wait3A_779 = arith.constant 0 : i32
    %dma_wait3A_780 = tpu.memref_slice %arg11[%dma_wait3A_778, %dma_wait3A_779] : memref<10240x128xf32, #tpu.memory_space<vmem_shared>> -> memref<10240x128xf32, #tpu.memory_space<vmem_shared>>
    tpu.wait_indirect_dma semaphore(%arg12 : memref<!tpu.dma_semaphore, #tpu.memory_space<semaphore_mem>>) src(%dma_wait3A_780 : memref<10240x128xf32, #tpu.memory_space<vmem_shared>>) dst(%arg9 : memref<128x128xf32, #tpu.memory_space<vmem>>)
    %add3A_781 = arith.constant 512 : i32
    %add3A_782 = arith.addi %add3A_412, %add3A_781 : i32
    "tpu.region"() ({
      %run_scoped3A = tpu.sem_alloc : memref<!tpu.dma_semaphore, #tpu.memory_space<semaphore_mem>>
      %dma_start3A_783 = arith.constant 0 : i32
      %dma_start3A_784 = tpu.memref_slice %arg5[%add3A_782, %dma_start3A_783] : memref<20480x128xf32, #tpu.memory_space<hbm>> -> memref<128x128xf32, #tpu.memory_space<hbm>>
      %dma_start3A_785 = arith.constant 0 : i32
      %dma_start3A_786 = tpu.memref_slice %arg5[%add3A_782, %dma_start3A_785] : memref<20480x128xf32, #tpu.memory_space<hbm>> -> memref<128x128xf32, #tpu.memory_space<hbm>>
      tpu.enqueue_dma source(%arg9 : memref<128x128xf32, #tpu.memory_space<vmem>>) target(%dma_start3A_786 : memref<128x128xf32, #tpu.memory_space<hbm>>) target_semaphore(%run_scoped3A : memref<!tpu.dma_semaphore, #tpu.memory_space<semaphore_mem>>)
      %dma_wait3A_787 = arith.constant 0 : i32
      %dma_wait3A_788 = tpu.memref_slice %arg5[%add3A_782, %dma_wait3A_787] : memref<20480x128xf32, #tpu.memory_space<hbm>> -> memref<128x128xf32, #tpu.memory_space<hbm>>
      %dma_wait3A_789 = arith.constant 0 : i32
      %dma_wait3A_790 = tpu.memref_slice %arg5[%add3A_782, %dma_wait3A_789] : memref<20480x128xf32, #tpu.memory_space<hbm>> -> memref<128x128xf32, #tpu.memory_space<hbm>>
      tpu.wait_dma2 semaphore(%run_scoped3A : memref<!tpu.dma_semaphore, #tpu.memory_space<semaphore_mem>>) src(%arg9 : memref<128x128xf32, #tpu.memory_space<vmem>>) dst(%dma_wait3A_790 : memref<128x128xf32, #tpu.memory_space<hbm>>)
      tpu.yield
    }) : () -> ()
    return
  }
}

module attributes {stable_mosaic.version = 14 : i64} {
  func.func @_ln_body(%arg0: memref<10000x128xf32, #tpu.memory_space<vmem>>, %arg1: memref<1x128xf32, #tpu.memory_space<vmem>>, %arg2: memref<1x128xf32, #tpu.memory_space<vmem>>, %arg3: memref<10000x128xf32, #tpu.memory_space<vmem>>) attributes {dimension_semantics = [], scalar_prefetch = 0 : i64, scratch_operands = 0 : i64, tpu.core_type = #tpu.core_type<tc>} {
    %get3A = arith.constant 0 : index
    %get3A_0 = arith.constant 0 : index
    %get3A_1 = vector.load %arg0[%get3A, %get3A_0] : memref<10000x128xf32, #tpu.memory_space<vmem>>, vector<10000x128xf32>
    %reduce_sum3A = vector.shape_cast %get3A_1 : vector<10000x128xf32> to vector<1x10000x128xf32>
    %reduce_sum3A_2 = arith.constant dense<0.000000e+00> : vector<1xf32>
    %reduce_sum3A_3 = vector.multi_reduction <add>, %reduce_sum3A, %reduce_sum3A_2 [1, 2] : vector<1x10000x128xf32> to vector<1xf32>
    %reduce_sum3A_4 = vector.shape_cast %reduce_sum3A_3 : vector<1xf32> to vector<1x1x1xf32>
    %reduce_sum3A_5 = vector.extract %reduce_sum3A_4[0, 0, 0] : f32 from vector<1x1x1xf32>
    %div3A = arith.constant 1.280000e+06 : f32
    %div3A_6 = arith.divf %reduce_sum3A_5, %div3A : f32
    %sub3A = vector.broadcast %div3A_6 : f32 to vector<10000x128xf32>
    %sub3A_7 = arith.subf %get3A_1, %sub3A : vector<10000x128xf32>
    %integer_pow3A = arith.mulf %sub3A_7, %sub3A_7 : vector<10000x128xf32>
    %reduce_sum3A_8 = vector.shape_cast %integer_pow3A : vector<10000x128xf32> to vector<1x10000x128xf32>
    %reduce_sum3A_9 = arith.constant dense<0.000000e+00> : vector<1xf32>
    %reduce_sum3A_10 = vector.multi_reduction <add>, %reduce_sum3A_8, %reduce_sum3A_9 [1, 2] : vector<1x10000x128xf32> to vector<1xf32>
    %reduce_sum3A_11 = vector.shape_cast %reduce_sum3A_10 : vector<1xf32> to vector<1x1x1xf32>
    %reduce_sum3A_12 = vector.extract %reduce_sum3A_11[0, 0, 0] : f32 from vector<1x1x1xf32>
    %div3A_13 = arith.constant 1.280000e+06 : f32
    %div3A_14 = arith.divf %reduce_sum3A_12, %div3A_13 : f32
    %sqrt3A = math.sqrt %div3A_14 : f32
    %add3A = arith.constant 9.99999974E-6 : f32
    %add3A_15 = arith.addf %sqrt3A, %add3A : f32
    %div3A_16 = arith.constant 1.000000e+00 : f32
    %div3A_17 = arith.divf %div3A_16, %add3A_15 : f32
    %sub3A_18 = vector.broadcast %div3A_6 : f32 to vector<10000x128xf32>
    %sub3A_19 = arith.subf %get3A_1, %sub3A_18 : vector<10000x128xf32>
    %mul3A = vector.broadcast %div3A_17 : f32 to vector<10000x128xf32>
    %mul3A_20 = arith.mulf %sub3A_19, %mul3A : vector<10000x128xf32>
    %get3A_21 = arith.constant 0 : index
    %get3A_22 = arith.constant 0 : index
    %get3A_23 = vector.load %arg1[%get3A_21, %get3A_22] : memref<1x128xf32, #tpu.memory_space<vmem>>, vector<1x128xf32>
    %mul3A_24 = vector.broadcast %get3A_23 : vector<1x128xf32> to vector<10000x128xf32>
    %mul3A_25 = arith.mulf %mul3A_20, %mul3A_24 : vector<10000x128xf32>
    %get3A_26 = arith.constant 0 : index
    %get3A_27 = arith.constant 0 : index
    %get3A_28 = vector.load %arg2[%get3A_26, %get3A_27] : memref<1x128xf32, #tpu.memory_space<vmem>>, vector<1x128xf32>
    %add3A_29 = vector.broadcast %get3A_28 : vector<1x128xf32> to vector<10000x128xf32>
    %add3A_30 = arith.addf %mul3A_25, %add3A_29 : vector<10000x128xf32>
    %max3A = arith.constant 0.000000e+00 : f32
    %max3A_31 = vector.broadcast %max3A : f32 to vector<10000x128xf32>
    %max3A_32 = arith.maximumf %add3A_30, %max3A_31 : vector<10000x128xf32>
    %swap3A = arith.constant 0 : index
    %swap3A_33 = arith.constant 0 : index
    %swap3A_34 = vector.load %arg3[%swap3A, %swap3A_33] : memref<10000x128xf32, #tpu.memory_space<vmem>>, vector<10000x128xf32>
    tpu.vector_store %arg3[%swap3A, %swap3A_33], %max3A_32 {strides = array<i32>} : memref<10000x128xf32, #tpu.memory_space<vmem>>, vector<10000x128xf32>,
    return
  }
}

module attributes {stable_mosaic.version = 14 : i64} {
  func.func @_comb_body(%arg0: i32, %arg1: memref<2x1000x128xf32, #tpu.memory_space<vmem>>, %arg2: memref<2x1000x128xf32, #tpu.memory_space<vmem>>, %arg3: memref<1000x128xf32, #tpu.memory_space<vmem>>, %arg4: memref<128x128xf32, #tpu.memory_space<vmem>>, %arg5: memref<1x128xf32, #tpu.memory_space<vmem>>, %arg6: memref<128x128xf32, #tpu.memory_space<vmem>>, %arg7: memref<1000x128xf32, #tpu.memory_space<vmem>>) attributes {dimension_semantics = [#tpu.dimension_semantics<arbitrary>], iteration_bounds = array<i64: 10>, scalar_prefetch = 0 : i64, scratch_operands = 0 : i64, tpu.core_type = #tpu.core_type<tc>, window_params = [{transform_indices = @transform_0, window_bounds = array<i64: 2, 1000, 128>}, {transform_indices = @transform_1, window_bounds = array<i64: 2, 1000, 128>}, {transform_indices = @transform_2, window_bounds = array<i64: 1000, 128>}, {pipeline_mode = #tpu.pipeline_mode<synchronous>, transform_indices = @transform_3, window_bounds = array<i64: 128, 128>}, {pipeline_mode = #tpu.pipeline_mode<synchronous>, transform_indices = @transform_4, window_bounds = array<i64: 1, 128>}, {pipeline_mode = #tpu.pipeline_mode<synchronous>, transform_indices = @transform_5, window_bounds = array<i64: 128, 128>}, {transform_indices = @transform_6, window_bounds = array<i64: 1000, 128>}]} {
    %get3A = arith.constant 0 : index
    %get3A_0 = arith.constant 0 : index
    %get3A_1 = arith.constant 0 : index
    %get3A_2 = vector.load %arg1[%get3A, %get3A_0, %get3A_1] : memref<2x1000x128xf32, #tpu.memory_space<vmem>>, vector<1x1000x128xf32>
    %get3A_3 = vector.shape_cast %get3A_2 : vector<1x1000x128xf32> to vector<1000x128xf32>
    %get3A_4 = arith.constant 1 : index
    %get3A_5 = arith.constant 0 : index
    %get3A_6 = arith.constant 0 : index
    %get3A_7 = vector.load %arg1[%get3A_4, %get3A_5, %get3A_6] : memref<2x1000x128xf32, #tpu.memory_space<vmem>>, vector<1x1000x128xf32>
    %get3A_8 = vector.shape_cast %get3A_7 : vector<1x1000x128xf32> to vector<1000x128xf32>
    %add3A = arith.addf %get3A_3, %get3A_8 : vector<1000x128xf32>
    %get3A_9 = arith.constant 0 : index
    %get3A_10 = arith.constant 0 : index
    %get3A_11 = arith.constant 0 : index
    %get3A_12 = vector.load %arg2[%get3A_9, %get3A_10, %get3A_11] : memref<2x1000x128xf32, #tpu.memory_space<vmem>>, vector<1x1000x1xf32>
    %get3A_13 = vector.shape_cast %get3A_12 : vector<1x1000x1xf32> to vector<1000x1xf32>
    %get3A_14 = arith.constant 1 : index
    %get3A_15 = arith.constant 0 : index
    %get3A_16 = arith.constant 0 : index
    %get3A_17 = vector.load %arg2[%get3A_14, %get3A_15, %get3A_16] : memref<2x1000x128xf32, #tpu.memory_space<vmem>>, vector<1x1000x1xf32>
    %get3A_18 = vector.shape_cast %get3A_17 : vector<1x1000x1xf32> to vector<1000x1xf32>
    %add3A_19 = arith.addf %get3A_13, %get3A_18 : vector<1000x1xf32>
    %max3A = arith.constant 1.000000e+00 : f32
    %max3A_20 = vector.broadcast %max3A : f32 to vector<1000x1xf32>
    %max3A_21 = arith.maximumf %add3A_19, %max3A_20 : vector<1000x1xf32>
    %div3A = vector.broadcast %max3A_21 : vector<1000x1xf32> to vector<1000x128xf32>
    %div3A_22 = arith.divf %add3A, %div3A : vector<1000x128xf32>
    %get3A_23 = arith.constant 0 : index
    %get3A_24 = arith.constant 0 : index
    %get3A_25 = vector.load %arg3[%get3A_23, %get3A_24] : memref<1000x128xf32, #tpu.memory_space<vmem>>, vector<1000x128xf32>
    %get3A_26 = arith.constant 0 : index
    %get3A_27 = arith.constant 0 : index
    %get3A_28 = vector.load %arg4[%get3A_26, %get3A_27] : memref<128x128xf32, #tpu.memory_space<vmem>>, vector<128x128xf32>
    %dot_general3A = arith.constant dense<0.000000e+00> : vector<1000x128xf32>
    %dot_general3A_29 = tpu.matmul %div3A_22, %get3A_28, %dot_general3A {dimension_numbers = #tpu.dot_dimension_numbers<[1], [0], [0], [1], [0, 0, 1, 1], [], []>, transpose_lhs_hint = false} : vector<1000x128xf32>, vector<128x128xf32>, vector<1000x128xf32> -> vector<1000x128xf32>
    %get3A_30 = arith.constant 0 : index
    %get3A_31 = arith.constant 0 : index
    %get3A_32 = vector.load %arg5[%get3A_30, %get3A_31] : memref<1x128xf32, #tpu.memory_space<vmem>>, vector<1x128xf32>
    %add3A_33 = vector.broadcast %get3A_32 : vector<1x128xf32> to vector<1000x128xf32>
    %add3A_34 = arith.addf %dot_general3A_29, %add3A_33 : vector<1000x128xf32>
    %get3A_35 = arith.constant 0 : index
    %get3A_36 = arith.constant 0 : index
    %get3A_37 = vector.load %arg6[%get3A_35, %get3A_36] : memref<128x128xf32, #tpu.memory_space<vmem>>, vector<128x128xf32>
    %dot_general3A_38 = arith.constant dense<0.000000e+00> : vector<1000x128xf32>
    %dot_general3A_39 = tpu.matmul %get3A_25, %get3A_37, %dot_general3A_38 {dimension_numbers = #tpu.dot_dimension_numbers<[1], [0], [0], [1], [0, 0, 1, 1], [], []>, transpose_lhs_hint = false} : vector<1000x128xf32>, vector<128x128xf32>, vector<1000x128xf32> -> vector<1000x128xf32>
    %add3A_40 = arith.addf %add3A_34, %dot_general3A_39 : vector<1000x128xf32>
    %swap3A = arith.constant 0 : index
    %swap3A_41 = arith.constant 0 : index
    %swap3A_42 = vector.load %arg7[%swap3A, %swap3A_41] : memref<1000x128xf32, #tpu.memory_space<vmem>>, vector<1000x128xf32>
    tpu.vector_store %arg7[%swap3A, %swap3A_41], %add3A_40 {strides = array<i32>} : memref<1000x128xf32, #tpu.memory_space<vmem>>, vector<1000x128xf32>,
    return
  }
  func.func @transform_0(%arg0: i32) -> (i32, i32, i32) {
    %c0_i32 = arith.constant 0 : i32
    %c0_i32_0 = arith.constant 0 : i32
    %c0_i32_1 = arith.constant 0 : i32
    return %c0_i32, %arg0, %c0_i32_0 : i32, i32, i32
  }
  func.func @transform_1(%arg0: i32) -> (i32, i32, i32) {
    %c0_i32 = arith.constant 0 : i32
    %c0_i32_0 = arith.constant 0 : i32
    %c0_i32_1 = arith.constant 0 : i32
    return %c0_i32, %arg0, %c0_i32_0 : i32, i32, i32
  }
  func.func @transform_2(%arg0: i32) -> (i32, i32) {
    %c0_i32 = arith.constant 0 : i32
    %c0_i32_0 = arith.constant 0 : i32
    return %arg0, %c0_i32 : i32, i32
  }
  func.func @transform_3(%arg0: i32) -> (i32, i32) {
    %c0_i32 = arith.constant 0 : i32
    %c0_i32_0 = arith.constant 0 : i32
    %c0_i32_1 = arith.constant 0 : i32
    return %c0_i32, %c0_i32_0 : i32, i32
  }
  func.func @transform_4(%arg0: i32) -> (i32, i32) {
    %c0_i32 = arith.constant 0 : i32
    %c0_i32_0 = arith.constant 0 : i32
    %c0_i32_1 = arith.constant 0 : i32
    return %c0_i32, %c0_i32_0 : i32, i32
  }
  func.func @transform_5(%arg0: i32) -> (i32, i32) {
    %c0_i32 = arith.constant 0 : i32
    %c0_i32_0 = arith.constant 0 : i32
    %c0_i32_1 = arith.constant 0 : i32
    return %c0_i32, %c0_i32_0 : i32, i32
  }
  func.func @transform_6(%arg0: i32) -> (i32, i32) {
    %c0_i32 = arith.constant 0 : i32
    %c0_i32_0 = arith.constant 0 : i32
    return %arg0, %c0_i32 : i32, i32
  }
}

</mosaic_0001>

<sc_bundles>
// kernel: kernel.6.cloned.1.call-start
scs
__scs_entry_jumppad:
0x0: {  	(pc) =	sbr.rel $0x88, $3  }
0x1: {  	(tag) =	ssettag $0x0;
	lr =	simm.s32 $0x1  }
0x2: {  	[smem:$0x3F9A] =	sst lr;
	_ =	strace $0xD0000000  }
0x3: {  	_ = 	snop  }
0x4: {  	_ = 	snop  }
0x5: {  	_ = 	snop  }
0x6: {  	_ = 	snop  }
0x7: {  	_ = 	snop  }
__scs_overlays_trampoline_lowered:
0x8: {  	[smem:$0x3FA9] =	sst s0  }
0x9: {  	[smem:$0x3FAA] =	sst s1  }
0xa: {  	[smem:$0x3FAB] =	sst s2  }
0xb: {  	[smem:$0x3FAC] =	sst s3  }
0xc: {  	[smem:$0x3FAD] =	sst s4  }
0xd: {  	[smem:$0x3FAE] =	sst s5  }
0xe: {  	[smem:$0x3FAF] =	sst s6  }
0xf: {  	[smem:$0x3FB0] =	sst s7  }
0x10: {  	[smem:$0x3FB1] =	sst s8  }
0x11: {  	[smem:$0x3FB2] =	sst s9;
	s0 =	simm.s32 @!p0 $0x0  }
0x12: {  	s1 =	sld [smem:$0x3F98];
	s0 =	simm.s32 @p0 $0x1  }
0x13: {  	[smem:$0x3FB3] =	sst s0;
	s0 =	simm.s32 @!p1 $0x0  }
0x14: {  	s2 =	sld [smem:$0x3F97];
	s0 =	simm.s32 @p1 $0x1  }
0x15: {  	[smem:$0x3FB4] =	sst s0;
	s0 =	simm.s32 @!p2 $0x0  }
0x16: {  	s3 =	sld [smem:$0x3FDB];
	s0 =	simm.s32 @p2 $0x1  }
0x17: {  	s4 =	simm.s32 $0x1BF5;
	[smem:$0x3FB6] =	sst s0  }
0x18: {  	s0 =	sld [smem:$0x3F99];
	_ =	swait.ge [sflag:s4], $0x0  }
0x19: {  	s7 =	sld [smem:$0x3F9A]  }
0x1a: {  	s8 =	sadd.s32 $0xFFFFE003, lr  }
0x1b: {  	s9 =	sadd.s32 $0xFFFFFEF7, lr;
	s5 =	simm.s32 $0xFFFFFFFF;
	p2 =	slt.u32 s8, $0xFFFFF086  }
0x1c: {  	p1 =	slt.u32 s9, $0xF7A;
	s5 =	simm.s32 @!p2 $0x0  }
0x1d: {  	s5 =	simm.s32 @p1 $0x1;
	p0 =	seq.s32 s7, s2  }
0x1e: {  	s7 =	smul.u32 @!p0 $0xF7A, s2;
	p2 =	seq.s32 @!p0 s5, $0x0  }
0x1f: {  	s9 =	smul.u32 $0xF7A, s1;
	s8 =	simm.s32 @!p0 $0x1BF5;
	p2 =	por !p2, p0  }
0x20: {  	[sflag:s8] =	ssyncset.s32 @!p0 $0xFFFFF086;
	s6 =	sadd.s32 @!p0 s3, s7;
	s7 =	simm.s32 @!p0 $0x108  }
0x21: {  	s3 =	sadd.s32 s3, s9;
	s6 =	sadd.s32 @!p0 $0x88, s6;
	s7 =	simm.s32 @p2 $0x1082  }
0x22: {  	[simem:s7], [sflag:s8] =	dma.local @!p0 [hbm:s6], $0xF7A  }
0x23: {  	s9 =	sor.u32 $0xD0000000, s2;
	s6 =	simm.s32 $0x108;
	_ =	swait.ge @!p0 [sflag:s8], $0x0  }
0x24: {  	s3 =	sadd.s32 $0x88, s3;
	s6 =	simm.s32 @!p1 $0x1082;
	[sflag:s4] =	ssyncset.s32 $0xFFFFF086  }
0x25: {  	[simem:s6], [sflag:s4] =	dma.local [hbm:s3], $0xF7A  }
0x26: {  	[smem:$0x3F9A] =	sst s1;
	(tag) =	ssettag s2;
	_ =	strace s9  }
0x27: {  	s1 =	sld [smem:$0x3FAA]  }
0x28: {  	s2 =	sld [smem:$0x3FAB]  }
0x29: {  	s4 =	sld [smem:$0x3FAD]  }
0x2a: {  	p0 =	seq.s32 s5, $0x0;
	s5 =	sld [smem:$0x3FAE]  }
0x2b: {  	s6 =	sld [smem:$0x3FAF]  }
0x2c: {  	s7 =	sld [smem:$0x3FB0]  }
0x2d: {  	s3 =	simm.s32 $0x108;
	s8 =	sld [smem:$0x3FB1]  }
0x2e: {  	s3 =	simm.s32 @!p0 $0x1082;
	s9 =	sld [smem:$0x3FB2]  }
0x2f: {  	lr =	sadd.s32 s0, s3;
	s0 =	sld [smem:$0x3FA9]  }
0x30: {  	s3 =	sld [smem:$0x3FAC]  }
0x31: {  	[smem:$0x3FB5] =	sst s10  }
0x32: {  	s10 =	sld [smem:$0x3FB3];
	_ =	sdelay $0x3  }
0x33: {  	p0 =	seq.s32 s10, $0x1;
	s10 =	sld [smem:$0x3FB5];
	_ =	sdelay $0x3  }
0x34: {  	[smem:$0x3FB5] =	sst s10  }
0x35: {  	s10 =	sld [smem:$0x3FB4];
	_ =	sdelay $0x3  }
0x36: {  	p1 =	seq.s32 s10, $0x1;
	s10 =	sld [smem:$0x3FB5];
	_ =	sdelay $0x3  }
0x37: {  	[smem:$0x3FB5] =	sst s10  }
0x38: {  	s10 =	sld [smem:$0x3FB6]  }
0x39: {  	_ = 	snop;
	(pc) =	sbr.ind lr, $3  }
0x3a: {  	_ = 	snop  }
0x3b: {  	_ = 	snop  }
0x3c: {  	p2 =	seq.s32 s10, $0x1;
	s10 =	sld [smem:$0x3FB5]  }
0x3d: {  	_ =	shalt  }
0x3e: {  	_ =	shalt  }
0x3f: {  	_ =	shalt  }
0x40: {  	_ =	shalt  }
0x41: {  	_ =	shalt  }
0x42: {  	_ =	shalt  }
0x43: {  	_ =	shalt  }
0x44: {  	_ =	shalt  }
0x45: {  	_ =	shalt  }
0x46: {  	_ =	shalt  }
0x47: {  	_ =	shalt  }
0x48: {  	_ =	shalt  }
0x49: {  	_ =	shalt  }
0x4a: {  	_ =	shalt  }
0x4b: {  	_ =	shalt  }
0x4c: {  	_ =	shalt  }
0x4d: {  	_ =	shalt  }
0x4e: {  	_ =	shalt  }
0x4f: {  	_ =	shalt  }
0x50: {  	_ =	shalt  }
0x51: {  	_ =	shalt  }
0x52: {  	_ =	shalt  }
0x53: {  	_ =	shalt  }
0x54: {  	_ =	shalt  }
0x55: {  	_ =	shalt  }
0x56: {  	_ =	shalt  }
0x57: {  	_ =	shalt  }
0x58: {  	_ =	shalt  }
0x59: {  	_ =	shalt  }
0x5a: {  	_ =	shalt  }
0x5b: {  	_ =	shalt  }
0x5c: {  	_ =	shalt  }
0x5d: {  	_ =	shalt  }
0x5e: {  	_ =	shalt  }
0x5f: {  	_ =	shalt  }
0x60: {  	_ =	shalt  }
0x61: {  	_ =	shalt  }
0x62: {  	_ =	shalt  }
0x63: {  	_ =	shalt  }
0x64: {  	_ =	shalt  }
0x65: {  	_ =	shalt  }
0x66: {  	_ =	shalt  }
0x67: {  	_ =	shalt  }
0x68: {  	_ =	shalt  }
0x69: {  	_ =	shalt  }
0x6a: {  	_ =	shalt  }
0x6b: {  	_ =	shalt  }
0x6c: {  	_ =	shalt  }
0x6d: {  	_ =	shalt  }
0x6e: {  	_ =	shalt  }
0x6f: {  	_ =	shalt  }
0x70: {  	_ =	shalt  }
0x71: {  	_ =	shalt  }
0x72: {  	_ =	shalt  }
0x73: {  	_ =	shalt  }
0x74: {  	_ =	shalt  }
0x75: {  	_ =	shalt  }
0x76: {  	_ =	shalt  }
0x77: {  	_ =	shalt  }
0x78: {  	_ =	shalt  }
0x79: {  	_ =	shalt  }
0x7a: {  	_ =	shalt  }
0x7b: {  	_ =	shalt  }
0x7c: {  	_ =	shalt  }
0x7d: {  	_ =	shalt  }
0x7e: {  	_ =	shalt  }
0x7f: {  	_ =	shalt  }
0x80: {  	_ =	shalt  }
0x81: {  	_ =	shalt  }
0x82: {  	_ =	shalt  }
0x83: {  	_ =	shalt  }
0x84: {  	_ =	shalt  }
0x85: {  	_ =	shalt  }
0x86: {  	_ =	shalt  }
0x87: {  	_ =	shalt  }
.Lfunc_end0:
.L_simem_size_0:
called_computation_lowered:
.L_overlay_start_0:
0x88: {  	s2 =	sld [smem:$0x3FD9]  }
0x89: {  	s3 =	sld [smem:$0x3FFE];
	_ =	sdelay $0x1  }
0x8a: {  	s1 =	srdreg.scid  }
0x8b: {  	s0 =	sand.u32 $0x1, s1  }
0x8c: {  	s17 =	sshll.u32 s0, $0xA;
	s2 =	sadd.s32 s3, s2  }
0x8d: {  	s2 =	sadd.s32 s2, s17  }
0x8e: {  	[smem:$0x3FC1] =	sst s2  }
0x8f: {  	_ = 	snop  }
0x90: {  	s2 =	sld [smem:$0x3FD0];
	(tm) =	ssettm $0x1  }
0x91: {  	s18 =	sld [smem:$0x3FFB];
	_ =	sdelay $0x3  }
0x92: {  	_ =	strace s18  }
0x93: {  	s3 =	sld [smem:$0x3FFC];
	_ =	sdelay $0x3  }
0x94: {  	_ =	strace s3  }
0x95: {  	s3 =	sld [smem:$0x3FFD];
	_ =	sdelay $0x3  }
0x96: {  	_ =	strace s3  }
0x97: {  	_ =	strace $0x8FFFFFFF  }
0x98: {  	s19 =	sld [smem:$0x3FDB];
	_ =	sdelay $0x1  }
0x99: {  	s4 =	simm.s32 $_scs_section_size  }
0x9a: {  	s5 =	simm.s32 $_size__tile_overlayer_lowered;
	s6 =	simm.s32 $_tile_overlayer_lowered  }
0x9b: {  	s22 =	simm.s32 $0x1BFF;
	s21 =	sshll.u32 s6, $0x1;
	s3 =	sadd.s32 s4, s19  }
0x9c: {  	s7 =	simm.s32 $0x0;
	s20 =	sshll.u32 s5, $0x1;
	s5 =	sadd.s32 s21, s3  }
0x9d: {  	[timem:s7], [sflag:s22] =	dma.local [hbm:s5], s20  }
0x9e: {  	_ =	swait.ge [sflag:s22], s20  }
0x9f: {  	s4 =	ssub.s32 $0x0, s20;
	[sflag:s22] =	ssyncset.done $0x0  }
0xa0: {  	[sflag:s22] =	ssyncadd.s32 s4;
	_ =	sdelay $0x1  }
0xa1: {  	s23 =	simm.s32 $0x1B8B  }
0xa2: {  	_ =	swait.ge [sflag:s23], $0x1  }
0xa3: {  	[sflag:s23] =	ssyncset.done $0x0  }
0xa4: {  	s25 =	simm.s32 $0x1B8E;
	s24 =	sld [smem:$0x3FFE];
	[sflag:s23] =	ssyncadd.s32 $0xFFFFFFFF  }
0xa5: {  	s26 =	simm.s32 $execute0_lowered;
	[smem:$0x3FD2] =	sst s25  }
0xa6: {  	s5 =	sshll.u32 s26, $0x1;
	_ =	strace $0x80000046;
	[dreg:$0x1] =	wrdreg $0xFFFFFFFF  }
0xa7: {  	s28 =	simm.s32 $_size_execute0_lowered;
	s3 =	sadd.s32 s3, s5;
	[dreg:$0x0] =	wrdreg $0x0  }
0xa8: {  	s5 =	sshll.u32 s28, $0x1;
	[dreg:$0x2] =	wrdreg s3  }
0xa9: {  	[dreg:$0x3] =	wrdreg s5  }
0xaa: {  	[dreg:$0x4] =	wrdreg $0xC0  }
0xab: {  	_ =	task [dreg:s7], $0x5FFFF  }
0xac: {  	[dreg:$0x1] =	wrdreg $0xFFFFFFFF  }
0xad: {  	[dreg:$0x0] =	wrdreg $0x60  }
0xae: {  	[dreg:$0x2] =	wrdreg s2  }
0xaf: {  	[dreg:$0x3] =	wrdreg s24  }
0xb0: {  	[dreg:$0x4] =	wrdreg $0x90800  }
0xb1: {  	[dreg:$0x5] =	wrdreg $0x9  }
0xb2: {  	_ =	task.clear_ibuf [dreg:s7], $0x6FFFF;
	_ =	strace $0x90000046  }
0xb3: {  	s29 =	simm.s32 $0x9;
	_ =	strace $0x80000048  }
0xb4: {  	_ =	swait.ge [sflag:s29], $0x1  }
0xb5: {  	[sflag:s29] =	ssyncadd.s32 $0xFFFFFFFF  }
0xb6: {  	_ =	strace $0x90000048  }
0xb7: {  	_ =	sfence  }
0xb8: {  	s30 =	sld [smem:$0x0];
	_ =	sdelay $0x2  }
0xb9: {  	s31 =	sshll.u32 s1, $0xD;
	s1 =	sshrl.u32 s1, $0x2  }
0xba: {  	s3 =	sand.u32 $0x4000, s31;
	s1 =	sadd.s32 s1, s30  }
0xbb: {  	s0 =	sor.u32 s3, s0;
	s1 =	sshll.u32 s1, $0x11  }
0xbc: {  	s0 =	sor.u32 s1, s0  }
0xbd: {  	s0 =	sadd.s32 $0x8F2B, s0  }
0xbe: {  	[sflag:s0] =	ssyncadd.remote.s32 $0x1  }
0xbf: {  	_ =	sfence.sel $0xFFFF  }
0xc0: {  	[dreg:$0x0] =	wrdreg $0xFFFFFFFF;
	(pc) =	sbr.abs _section_cstart, $3  }
0xc1: {  	[dreg:$0x1] =	wrdreg $0xFFFFFFFF  }
0xc2: {  	_ =	task.clear_ibuf [dreg:s7], $0x2FFFF;
	_ =	strace $0x9FFFFFFF  }
0xc3: {  	(tm) =	ssettm $0x7FFFFFFF  }
tec
execute0_lowered:
.L_overlay_start_1:
0x0: {  	(tag) =	ssettag $0x1  }
0x1: {  	s1 =	rddreg [dreg:$0x0]  }
0x2: {  	s2 =	rddreg [dreg:$0x1]  }
0x3: {  	s3 =	rddreg [dreg:$0x2]  }
0x4: {  	s0 =	srdreg.scid;
	s10 =	stileid.u32  }
0x5: {  	s4 =	simm.s32 $0x0;
	s5 =	sand.u32 $0x1, s0;
	s0 =	smul.u32 $0x280, s10  }
0x6: {  	[smem:$0x7FF] =	sst s4;
	s7 =	sadd.s32 $0xBA00, s2;
	s10 =	sshll.u32 s10, $0x1  }
0x7: {  	s6 =	smul.u32 $0x2800, s5;
	s9 =	ssub.s32 $0x2, s5;
	s5 =	sor.u32 s5, s10  }
0x8: {  	s8 =	sadd.s32 $0x1A00, s2;
	s19 =	sshrl.u32 s9, $0x1;
	s20 =	smul.u32 $0x500, s5  }
0x9: {  	_ =	strace $0x80000047;
	s21 =	ssub.s32 s9, s19;
	s19 =	sadd.s32 $0x190, s0  }
0xa: {  	s5 =	smul.u32 $0x2800, s5;
	s31 =	sadd.s32 s8, s20;
	[smem:$0x7FB] =	sst s19  }
0xb: {  	s6 =	sadd.s32 s0, s6;
	s19 =	sadd.s32 $0x1A0, s0;
	[dreg:$0x4] =	wrdreg s31  }
0xc: {  	s9 =	sadd.s32 $0xE0, s0;
	s21 =	smax.u32 s21, $0x1;
	[dreg:$0x1f] =	wrdreg s19  }
0xd: {  	v39 =	vlaneseq.u32;
	s6 =	sshll.u32 s6, $0x4;
	s5 =	sshrl.u32 s5, $0x3;
	[dreg:$0x13] =	wrdreg s21  }
0xe: {  	v14 =	vor.u32 s9, v39;
	s13 =	sadd.s32 s6, s2;
	s2 =	sadd.s32 s7, s20;
	s9 =	sld [smem:$0x7FB]  }
0xf: {  	s6 =	sadd.s32 $0x100, s5;
	s19 =	sadd.s32 $0x1B0, s0;
	[dreg:$0x5] =	wrdreg s2  }
0x10: {  	s11 =	sadd.s32 s8, s6;
	[smem:$0x7FC] =	sst s19  }
0x11: {  	s10 =	sadd.s32 $0x200, s5;
	s2 =	sadd.s32 s7, s6;
	[dreg:$0x6] =	wrdreg s11  }
0x12: {  	s12 =	sadd.s32 s8, s10;
	[dreg:$0x7] =	wrdreg s2  }
0x13: {  	s15 =	sadd.s32 $0x300, s5;
	s14 =	sadd.s32 s7, s10;
	[dreg:$0x8] =	wrdreg s12  }
0x14: {  	s5 =	sadd.s32 $0x400, s5;
	s16 =	sadd.s32 s8, s15;
	[dreg:$0x9] =	wrdreg s14  }
0x15: {  	s17 =	sadd.s32 s8, s5;
	[dreg:$0xa] =	wrdreg s16  }
0x16: {  	s18 =	sadd.s32 s7, s5;
	[dreg:$0xc] =	wrdreg s17  }
0x17: {  	s19 =	sadd.s32 $0x1C0, s0;
	[dreg:$0xd] =	wrdreg s18  }
0x18: {  	s10 =	sadd.s32 $0xF0, s0;
	[smem:$0x7FD] =	sst s19  }
0x19: {  	s2 =	sadd.s32 s7, s15;
	v15 =	vor.u32 s10, v39;
	s10 =	rddreg [dreg:$0x1f]  }
0x1a: {  	s19 =	sadd.s32 $0x1D0, s0;
	[dreg:$0xb] =	wrdreg s2  }
0x1b: {  	s11 =	sadd.s32 $0x100, s0;
	[dreg:$0x1c] =	wrdreg s19  }
0x1c: {  	s12 =	sadd.s32 $0x110, s0;
	v16 =	vor.u32 s11, v39;
	s11 =	sld [smem:$0x7FC]  }
0x1d: {  	s19 =	sadd.s32 $0x1E0, s0;
	v17 =	vor.u32 s12, v39;
	s12 =	sld [smem:$0x7FD]  }
0x1e: {  	[dreg:$0x1d] =	wrdreg s19;
	s19 =	sadd.s32 $0x1F0, s0  }
0x1f: {  	s14 =	sadd.s32 $0x120, s0;
	[dreg:$0x1e] =	wrdreg s19  }
0x20: {  	v18 =	vor.u32 s14, v39;
	s19 =	sadd.s32 $0x200, s0;
	s14 =	rddreg [dreg:$0x1d]  }
0x21: {  	s15 =	sadd.s32 $0x130, s0;
	[dreg:$0x19] =	wrdreg s19  }
0x22: {  	v19 =	vor.u32 s15, v39;
	s19 =	sadd.s32 $0x210, s0;
	s15 =	rddreg [dreg:$0x1e]  }
0x23: {  	s16 =	sadd.s32 $0x160, s0;
	[dreg:$0x1a] =	wrdreg s19  }
0x24: {  	v22 =	vor.u32 s16, v39;
	s19 =	sadd.s32 $0x220, s0;
	s16 =	rddreg [dreg:$0x19]  }
0x25: {  	s17 =	sadd.s32 $0x140, s0;
	[dreg:$0x1b] =	wrdreg s19  }
0x26: {  	v20 =	vor.u32 s17, v39;
	s19 =	sadd.s32 $0x230, s0;
	s17 =	rddreg [dreg:$0x1a]  }
0x27: {  	s18 =	sadd.s32 $0x150, s0;
	[dreg:$0x16] =	wrdreg s19  }
0x28: {  	v21 =	vor.u32 s18, v39;
	s19 =	sadd.s32 $0x240, s0;
	s18 =	rddreg [dreg:$0x1b]  }
0x29: {  	s28 =	sor.u32 $0x10, s0;
	[dreg:$0x17] =	wrdreg s19;
	s19 =	sadd.s32 $0x250, s0  }
0x2a: {  	s22 =	sor.u32 $0x20, s0;
	s20 =	sadd.s32 $0x170, s0;
	[dreg:$0x18] =	wrdreg s19  }
0x2b: {  	s23 =	sor.u32 $0x30, s0;
	v23 =	vor.u32 s20, v39;
	s19 =	sadd.s32 $0x260, s0;
	s20 =	rddreg [dreg:$0x17]  }
0x2c: {  	s29 =	sor.u32 $0x40, s0;
	s24 =	sor.u32 $0x50, s0;
	[dreg:$0x14] =	wrdreg s19  }
0x2d: {  	s25 =	sor.u32 $0x60, s0;
	v2 =	vor.u32 s22, v39;
	s19 =	sadd.s32 $0x270, s0;
	s22 =	rddreg [dreg:$0x18]  }
0x2e: {  	s26 =	sor.u32 $0x70, s0;
	s30 =	sadd.s32 $0x80, s0;
	[dreg:$0x15] =	wrdreg s19  }
0x2f: {  	v40 =	vimm.f32 $0.0e+00;
	v0 =	vor.u32 s0, v39;
	v6 =	vor.u32 s25, v39;
	s31 =	sadd.s32 $0x180, s0;
	s19 =	sadd.s32 $0x15A00, s13;
	s25 =	rddreg [dreg:$0x14]  }
0x30: {  	v1 =	vor.u32 s28, v39;
	v3 =	vor.u32 s23, v39;
	v4 =	vor.u32 s29, v39;
	s5 =	sadd.s32 $0xA0, s0;
	s6 =	sadd.s32 $0xB0, s0;
	[dreg:$0xe] =	wrdreg s19  }
0x31: {  	v5 =	vor.u32 s24, v39;
	v7 =	vor.u32 s26, v39;
	s8 =	sadd.s32 $0xD0, s0;
	v24 =	vor.u32 s31, v39;
	s19 =	sadd.s32 $0x16200, s13;
	s31 =	rddreg [dreg:$0x15]  }
0x32: {  	v8 =	vor.u32 s30, v39;
	s7 =	sadd.s32 $0xC0, s0;
	v10 =	vor.u32 s5, v39;
	v11 =	vor.u32 s6, v39;
	[dreg:$0xf] =	wrdreg s19;
	s19 =	sadd.s32 $0x16A00, s13  }
0x33: {  	v13 =	vor.u32 s8, v39;
	s2 =	sadd.s32 $0x90, s0;
	v12 =	vor.u32 s7, v39;
	v25 =	vor.u32 s9, v39;
	[dreg:$0x10] =	wrdreg s19;
	s19 =	sadd.s32 $0x17200, s13  }
0x34: {  	s23 =	simm.s32 $0x1080;
	v26 =	vor.u32 s10, v39;
	v9 =	vor.u32 s2, v39;
	v27 =	vor.u32 s11, v39;
	[dreg:$0x11] =	wrdreg s19  }
0x35: {  	s24 =	simm.s32 $0x1;
	v28 =	vor.u32 s12, v39;
	v30 =	vor.u32 s14, v39;
	v31 =	vor.u32 s15, v39;
	s19 =	sadd.s32 $0x17A00, s13;
	s13 =	rddreg [dreg:$0x1c]  }
0x36: {  	s26 =	simm.s32 $0x4;
	s28 =	simm.s32 $0x5080;
	v32 =	vor.u32 s16, v39;
	v33 =	vor.u32 s17, v39;
	v34 =	vor.u32 s18, v39;
	[dreg:$0x12] =	wrdreg s19  }
0x37: {  	s29 =	simm.s32 $0x2;
	s30 =	simm.s32 $0x3;
	v36 =	vor.u32 s20, v39;
	v37 =	vor.u32 s22, v39;
	v38 =	vor.u32 s25, v39;
	s19 =	rddreg [dreg:$0x16]  }
0x38: {  	s21 =	simm.s32 $0x80;
	s22 =	simm.s32 $0x0;
	s25 =	simm.s32 $0x1000;
	v29 =	vor.u32 s13, v39;
	v35 =	vor.u32 s19, v39;
	v39 =	vor.u32 s31, v39  }
.LBB2_1:
0x39: {  	s13 =	simm.s32 $0x0;
	s14 =	simm.s32 $0x200  }
.LBB2_2:
0x3a: {  	p0 =	sne.s32 s14, $0xFE00;
	[tilespmem:s13+$0x10F0] =	vst v40  }
0x3b: {  	[tilespmem:s13+$0x1080] =	vst v40  }
0x3c: {  	[tilespmem:s13+$0x1090] =	vst v40  }
.Ltmp0:
0x3d: {  	[tilespmem:s13+$0x10A0] =	vst v40;
	(pc) =	sbr.rel @p0 .LBB2_2-.Ltmp0, $4  }
0x3e: {  	[tilespmem:s13+$0x10B0] =	vst v40  }
0x3f: {  	[tilespmem:s13+$0x10C0] =	vst v40  }
0x40: {  	[tilespmem:s13+$0x10D0] =	vst v40  }
0x41: {  	[tilespmem:s13+$0x10E0] =	vst v40;
	s13 =	sshra.s32 s14, $0x2;
	s14 =	sadd.s32 $0x200, s14  }
0x42: {  	[tilespmem:s13+$0x10F0] =	vst v40  }
0x43: {  	[tilespmem:s13+$0x1080] =	vst v40  }
0x44: {  	[tilespmem:s13+$0x1090] =	vst v40  }
0x45: {  	[tilespmem:s13+$0x10A0] =	vst v40  }
0x46: {  	[tilespmem:s13+$0x10B0] =	vst v40  }
0x47: {  	[tilespmem:s13+$0x10C0] =	vst v40  }
0x48: {  	[tilespmem:s13+$0x10D0] =	vst v40  }
0x49: {  	[tilespmem:s13+$0x10E0] =	vst v40  }
0x4a: {  	[tilespmem:$0x1000] =	vst v0  }
0x4b: {  	[tilespmem:$0x1010] =	vst v1  }
0x4c: {  	[tilespmem:$0x1020] =	vst v2  }
0x4d: {  	[tilespmem:$0x1030] =	vst v3  }
0x4e: {  	[tilespmem:$0x1040] =	vst v4  }
0x4f: {  	[tilespmem:$0x1050] =	vst v5  }
0x50: {  	[tilespmem:$0x1060] =	vst v6  }
0x51: {  	[tilespmem:$0x1070] =	vst v7  }
0x52: {  	[spmem:s3] =	stream.indirect.scatter [tilespmem:s23], [sflag:$0x1], $0x80, s25, s21, $0xb8;
	[tilespmem:$0x1D080] =	vst v63  }
0x53: {  	_ =	swait.ge [sflag:s24], $0x4000  }
0x54: {  	[sflag:s24] =	ssyncset.done $0x0  }
0x55: {  	[sflag:s24] =	ssyncadd.s32 $0xFFFFC000  }
0x56: {  	[tilespmem:$0x1000] =	vst v8  }
0x57: {  	[tilespmem:$0x1010] =	vst v9  }
0x58: {  	[tilespmem:$0x1020] =	vst v10  }
0x59: {  	[tilespmem:$0x1030] =	vst v11  }
0x5a: {  	[tilespmem:$0x1040] =	vst v12  }
0x5b: {  	[tilespmem:$0x1050] =	vst v13  }
0x5c: {  	[tilespmem:$0x1060] =	vst v14  }
0x5d: {  	[tilespmem:$0x1070] =	vst v15  }
0x5e: {  	[spmem:s3] =	stream.indirect.scatter [tilespmem:s23], [sflag:$0x1], $0x80, s25, s21, $0xb8;
	[tilespmem:$0x1D080] =	vst v63  }
0x5f: {  	_ =	swait.ge [sflag:s24], $0x4000  }
0x60: {  	[sflag:s24] =	ssyncset.done $0x0  }
0x61: {  	[sflag:s24] =	ssyncadd.s32 $0xFFFFC000  }
0x62: {  	[tilespmem:$0x1000] =	vst v16  }
0x63: {  	[tilespmem:$0x1010] =	vst v17  }
0x64: {  	[tilespmem:$0x1020] =	vst v18  }
0x65: {  	[tilespmem:$0x1030] =	vst v19  }
0x66: {  	[tilespmem:$0x1040] =	vst v20  }
0x67: {  	[tilespmem:$0x1050] =	vst v21  }
0x68: {  	[tilespmem:$0x1060] =	vst v22  }
0x69: {  	[tilespmem:$0x1070] =	vst v23  }
0x6a: {  	[spmem:s3] =	stream.indirect.scatter [tilespmem:s23], [sflag:$0x1], $0x80, s25, s21, $0xb8;
	[tilespmem:$0x1D080] =	vst v63  }
0x6b: {  	_ =	swait.ge [sflag:s24], $0x4000  }
0x6c: {  	[sflag:s24] =	ssyncset.done $0x0  }
0x6d: {  	[sflag:s24] =	ssyncadd.s32 $0xFFFFC000  }
0x6e: {  	[tilespmem:$0x1000] =	vst v24  }
0x6f: {  	[tilespmem:$0x1010] =	vst v25  }
0x70: {  	[tilespmem:$0x1020] =	vst v26  }
0x71: {  	[tilespmem:$0x1030] =	vst v27  }
0x72: {  	[tilespmem:$0x1040] =	vst v28  }
0x73: {  	[tilespmem:$0x1050] =	vst v29  }
0x74: {  	[tilespmem:$0x1060] =	vst v30  }
0x75: {  	[tilespmem:$0x1070] =	vst v31  }
0x76: {  	[spmem:s3] =	stream.indirect.scatter [tilespmem:s23], [sflag:$0x1], $0x80, s25, s21, $0xb8;
	[tilespmem:$0x1D080] =	vst v63  }
0x77: {  	_ =	swait.ge [sflag:s24], $0x4000  }
0x78: {  	[sflag:s24] =	ssyncset.done $0x0  }
0x79: {  	[sflag:s24] =	ssyncadd.s32 $0xFFFFC000  }
0x7a: {  	[tilespmem:$0x1000] =	vst v32  }
0x7b: {  	[tilespmem:$0x1010] =	vst v33  }
0x7c: {  	[tilespmem:$0x1020] =	vst v34  }
0x7d: {  	[tilespmem:$0x1030] =	vst v35  }
0x7e: {  	[tilespmem:$0x1040] =	vst v36  }
0x7f: {  	[tilespmem:$0x1050] =	vst v37  }
0x80: {  	[tilespmem:$0x1060] =	vst v38  }
0x81: {  	[tilespmem:$0x1070] =	vst v39  }
0x82: {  	[spmem:s3] =	stream.indirect.scatter [tilespmem:s23], [sflag:$0x1], $0x80, s25, s21, $0xb8;
	[tilespmem:$0x1D080] =	vst v63  }
0x83: {  	_ =	swait.ge [sflag:s24], $0x4000  }
0x84: {  	[sflag:s24] =	ssyncset.done $0x0  }
0x85: {  	[sflag:s24] =	ssyncadd.s32 $0xFFFFC000  }
0x86: {  	[bflag:$0x0] =	sbarrier.arrive $0xFFFF  }
0x87: {  	s0 =	simm.s32 $0x800;
	s10 =	rddreg [dreg:$0x4]  }
0x88: {  	[tilespmem:s0], [sflag:$0x4] =	stream.linear.gather [hbm4b:s10+s4], $0x800, $0x38;
	[tilespmem:$0x1D080] =	vst v63  }
0x89: {  	_ =	swait.ge [sflag:s26], $0x800  }
0x8a: {  	[sflag:s26] =	ssyncset.done $0x0  }
0x8b: {  	s11 =	rddreg [dreg:$0x5];
	[sflag:s26] =	ssyncadd.s32 $0xFFFFF800  }
0x8c: {  	[tilespmem:s4], [sflag:$0x4] =	stream.linear.gather [hbm4b:s11+s4], $0x800, $0x38;
	[tilespmem:$0x1D080] =	vst v63  }
0x8d: {  	_ =	swait.ge [sflag:s26], $0x800  }
0x8e: {  	[sflag:s26] =	ssyncset.done $0x0  }
0x8f: {  	[sflag:s26] =	ssyncadd.s32 $0xFFFFF800  }
0x90: {  	[tilespmem:s23], [sflag:$0x1] =	stream.indirect.gather [hbm4b:s1+s21], $0x80, s4, s21, $0xb8;
	[tilespmem:$0x1D080] =	vst v63  }
0x91: {  	_ = 	snop  }
0x92: {  	[tilespmem:s28], [sflag:$0x2] =	stream.indirect.gather [hbm4b:s1+s21], $0x80, s21, s21, $0xb8;
	[tilespmem:$0x1D080] =	vst v63  }
0x93: {  	_ =	swait.ge [sflag:s24], $0x4000  }
0x94: {  	[sflag:s24] =	ssyncset.done $0x0  }
0x95: {  	[sflag:s24] =	ssyncadd.s32 $0xFFFFC000  }
0x96: {  	[spmem:s3] =	stream.indirect.scatter.add.f32 [tilespmem:s23], [sflag:$0x3], $0x80, s0, s21, $0xb8;
	[tilespmem:$0x1D080] =	vst v63  }
0x97: {  	_ =	swait.ge [sflag:s29], $0x4000  }
0x98: {  	[sflag:s29] =	ssyncset.done $0x0  }
0x99: {  	[sflag:s29] =	ssyncadd.s32 $0xFFFFC000  }
0x9a: {  	_ =	swait.ge [sflag:s30], $0x4000  }
0x9b: {  	[sflag:s30] =	ssyncset.done $0x0  }
0x9c: {  	s2 =	simm.s32 $0x880;
	[sflag:s30] =	ssyncadd.s32 $0xFFFFC000  }
0x9d: {  	[spmem:s3] =	stream.indirect.scatter.add.f32 [tilespmem:s28], [sflag:$0x3], $0x80, s2, s21, $0xb8;
	[tilespmem:$0x1D080] =	vst v63  }
0x9e: {  	_ =	swait.ge [sflag:s30], $0x4000  }
0x9f: {  	[sflag:s30] =	ssyncset.done $0x0  }
0xa0: {  	s12 =	simm.s32 $0x100;
	[sflag:s30] =	ssyncadd.s32 $0xFFFFC000  }
0xa1: {  	[tilespmem:s23], [sflag:$0x1] =	stream.indirect.gather [hbm4b:s1+s21], $0x80, s12, s21, $0xb8;
	[tilespmem:$0x1D080] =	vst v63  }
0xa2: {  	s13 =	simm.s32 $0x180  }
0xa3: {  	[tilespmem:s28], [sflag:$0x2] =	stream.indirect.gather [hbm4b:s1+s21], $0x80, s13, s21, $0xb8;
	[tilespmem:$0x1D080] =	vst v63  }
0xa4: {  	_ =	swait.ge [sflag:s24], $0x4000  }
0xa5: {  	[sflag:s24] =	ssyncset.done $0x0  }
0xa6: {  	s14 =	simm.s32 $0x900;
	[sflag:s24] =	ssyncadd.s32 $0xFFFFC000  }
0xa7: {  	[spmem:s3] =	stream.indirect.scatter.add.f32 [tilespmem:s23], [sflag:$0x3], $0x80, s14, s21, $0xb8;
	[tilespmem:$0x1D080] =	vst v63  }
0xa8: {  	_ =	swait.ge [sflag:s29], $0x4000  }
0xa9: {  	[sflag:s29] =	ssyncset.done $0x0  }
0xaa: {  	[sflag:s29] =	ssyncadd.s32 $0xFFFFC000  }
0xab: {  	_ =	swait.ge [sflag:s30], $0x4000  }
0xac: {  	[sflag:s30] =	ssyncset.done $0x0  }
0xad: {  	s15 =	simm.s32 $0x980;
	[sflag:s30] =	ssyncadd.s32 $0xFFFFC000  }
0xae: {  	[spmem:s3] =	stream.indirect.scatter.add.f32 [tilespmem:s28], [sflag:$0x3], $0x80, s15, s21, $0xb8;
	[tilespmem:$0x1D080] =	vst v63  }
0xaf: {  	_ =	swait.ge [sflag:s30], $0x4000  }
0xb0: {  	[sflag:s30] =	ssyncset.done $0x0  }
0xb1: {  	s16 =	simm.s32 $0x200;
	[sflag:s30] =	ssyncadd.s32 $0xFFFFC000  }
0xb2: {  	[tilespmem:s23], [sflag:$0x1] =	stream.indirect.gather [hbm4b:s1+s21], $0x80, s16, s21, $0xb8;
	[tilespmem:$0x1D080] =	vst v63  }
0xb3: {  	s17 =	simm.s32 $0x280  }
0xb4: {  	[tilespmem:s28], [sflag:$0x2] =	stream.indirect.gather [hbm4b:s1+s21], $0x80, s17, s21, $0xb8;
	[tilespmem:$0x1D080] =	vst v63  }
0xb5: {  	_ =	swait.ge [sflag:s24], $0x4000  }
0xb6: {  	[sflag:s24] =	ssyncset.done $0x0  }
0xb7: {  	s18 =	simm.s32 $0xA00;
	[sflag:s24] =	ssyncadd.s32 $0xFFFFC000  }
0xb8: {  	[spmem:s3] =	stream.indirect.scatter.add.f32 [tilespmem:s23], [sflag:$0x3], $0x80, s18, s21, $0xb8;
	[tilespmem:$0x1D080] =	vst v63  }
0xb9: {  	_ =	swait.ge [sflag:s29], $0x4000  }
0xba: {  	[sflag:s29] =	ssyncset.done $0x0  }
0xbb: {  	[sflag:s29] =	ssyncadd.s32 $0xFFFFC000  }
0xbc: {  	_ =	swait.ge [sflag:s30], $0x4000  }
0xbd: {  	[sflag:s30] =	ssyncset.done $0x0  }
0xbe: {  	s19 =	simm.s32 $0xA80;
	[sflag:s30] =	ssyncadd.s32 $0xFFFFC000  }
0xbf: {  	[spmem:s3] =	stream.indirect.scatter.add.f32 [tilespmem:s28], [sflag:$0x3], $0x80, s19, s21, $0xb8;
	[tilespmem:$0x1D080] =	vst v63  }
0xc0: {  	_ =	swait.ge [sflag:s30], $0x4000  }
0xc1: {  	[sflag:s30] =	ssyncset.done $0x0  }
0xc2: {  	s20 =	simm.s32 $0x300;
	[sflag:s30] =	ssyncadd.s32 $0xFFFFC000  }
0xc3: {  	[tilespmem:s23], [sflag:$0x1] =	stream.indirect.gather [hbm4b:s1+s21], $0x80, s20, s21, $0xb8;
	[tilespmem:$0x1D080] =	vst v63  }
0xc4: {  	s31 =	simm.s32 $0x380  }
0xc5: {  	[tilespmem:s28], [sflag:$0x2] =	stream.indirect.gather [hbm4b:s1+s21], $0x80, s31, s21, $0xb8;
	[tilespmem:$0x1D080] =	vst v63  }
0xc6: {  	_ =	swait.ge [sflag:s24], $0x4000  }
0xc7: {  	[sflag:s24] =	ssyncset.done $0x0  }
0xc8: {  	s12 =	simm.s32 $0xB00;
	[sflag:s24] =	ssyncadd.s32 $0xFFFFC000  }
0xc9: {  	[spmem:s3] =	stream.indirect.scatter.add.f32 [tilespmem:s23], [sflag:$0x3], $0x80, s12, s21, $0xb8;
	[tilespmem:$0x1D080] =	vst v63  }
0xca: {  	_ =	swait.ge [sflag:s29], $0x4000  }
0xcb: {  	[sflag:s29] =	ssyncset.done $0x0  }
0xcc: {  	[sflag:s29] =	ssyncadd.s32 $0xFFFFC000  }
0xcd: {  	_ =	swait.ge [sflag:s30], $0x4000  }
0xce: {  	[sflag:s30] =	ssyncset.done $0x0  }
0xcf: {  	s13 =	simm.s32 $0xB80;
	[sflag:s30] =	ssyncadd.s32 $0xFFFFC000  }
0xd0: {  	[spmem:s3] =	stream.indirect.scatter.add.f32 [tilespmem:s28], [sflag:$0x3], $0x80, s13, s21, $0xb8;
	[tilespmem:$0x1D080] =	vst v63  }
0xd1: {  	_ =	swait.ge [sflag:s30], $0x4000  }
0xd2: {  	[sflag:s30] =	ssyncset.done $0x0  }
0xd3: {  	s14 =	simm.s32 $0x400;
	[sflag:s30] =	ssyncadd.s32 $0xFFFFC000  }
0xd4: {  	[tilespmem:s23], [sflag:$0x1] =	stream.indirect.gather [hbm4b:s1+s21], $0x80, s14, s21, $0xb8;
	[tilespmem:$0x1D080] =	vst v63  }
0xd5: {  	s15 =	simm.s32 $0x480  }
0xd6: {  	[tilespmem:s28], [sflag:$0x2] =	stream.indirect.gather [hbm4b:s1+s21], $0x80, s15, s21, $0xb8;
	[tilespmem:$0x1D080] =	vst v63  }
0xd7: {  	_ =	swait.ge [sflag:s24], $0x4000  }
0xd8: {  	[sflag:s24] =	ssyncset.done $0x0  }
0xd9: {  	s16 =	simm.s32 $0xC00;
	[sflag:s24] =	ssyncadd.s32 $0xFFFFC000  }
0xda: {  	[spmem:s3] =	stream.indirect.scatter.add.f32 [tilespmem:s23], [sflag:$0x3], $0x80, s16, s21, $0xb8;
	[tilespmem:$0x1D080] =	vst v63  }
0xdb: {  	_ =	swait.ge [sflag:s29], $0x4000  }
0xdc: {  	[sflag:s29] =	ssyncset.done $0x0  }
0xdd: {  	[sflag:s29] =	ssyncadd.s32 $0xFFFFC000  }
0xde: {  	_ =	swait.ge [sflag:s30], $0x4000  }
0xdf: {  	[sflag:s30] =	ssyncset.done $0x0  }
0xe0: {  	s17 =	simm.s32 $0xC80;
	[sflag:s30] =	ssyncadd.s32 $0xFFFFC000  }
0xe1: {  	[spmem:s3] =	stream.indirect.scatter.add.f32 [tilespmem:s28], [sflag:$0x3], $0x80, s17, s21, $0xb8;
	[tilespmem:$0x1D080] =	vst v63  }
0xe2: {  	_ =	swait.ge [sflag:s30], $0x4000  }
0xe3: {  	[sflag:s30] =	ssyncset.done $0x0  }
0xe4: {  	s18 =	simm.s32 $0x500;
	[sflag:s30] =	ssyncadd.s32 $0xFFFFC000  }
0xe5: {  	[tilespmem:s23], [sflag:$0x1] =	stream.indirect.gather [hbm4b:s1+s21], $0x80, s18, s21, $0xb8;
	[tilespmem:$0x1D080] =	vst v63  }
0xe6: {  	s19 =	simm.s32 $0x580  }
0xe7: {  	[tilespmem:s28], [sflag:$0x2] =	stream.indirect.gather [hbm4b:s1+s21], $0x80, s19, s21, $0xb8;
	[tilespmem:$0x1D080] =	vst v63  }
0xe8: {  	_ =	swait.ge [sflag:s24], $0x4000  }
0xe9: {  	[sflag:s24] =	ssyncset.done $0x0  }
0xea: {  	s20 =	simm.s32 $0xD00;
	[sflag:s24] =	ssyncadd.s32 $0xFFFFC000  }
0xeb: {  	[spmem:s3] =	stream.indirect.scatter.add.f32 [tilespmem:s23], [sflag:$0x3], $0x80, s20, s21, $0xb8;
	[tilespmem:$0x1D080] =	vst v63  }
0xec: {  	_ =	swait.ge [sflag:s29], $0x4000  }
0xed: {  	[sflag:s29] =	ssyncset.done $0x0  }
0xee: {  	[sflag:s29] =	ssyncadd.s32 $0xFFFFC000  }
0xef: {  	_ =	swait.ge [sflag:s30], $0x4000  }
0xf0: {  	[sflag:s30] =	ssyncset.done $0x0  }
0xf1: {  	s31 =	simm.s32 $0xD80;
	[sflag:s30] =	ssyncadd.s32 $0xFFFFC000  }
0xf2: {  	[spmem:s3] =	stream.indirect.scatter.add.f32 [tilespmem:s28], [sflag:$0x3], $0x80, s31, s21, $0xb8;
	[tilespmem:$0x1D080] =	vst v63  }
0xf3: {  	_ =	swait.ge [sflag:s30], $0x4000  }
0xf4: {  	[sflag:s30] =	ssyncset.done $0x0  }
0xf5: {  	s2 =	simm.s32 $0x600;
	[sflag:s30] =	ssyncadd.s32 $0xFFFFC000  }
0xf6: {  	[tilespmem:s23], [sflag:$0x1] =	stream.indirect.gather [hbm4b:s1+s21], $0x80, s2, s21, $0xb8;
	[tilespmem:$0x1D080] =	vst v63  }
0xf7: {  	s14 =	simm.s32 $0x680  }
0xf8: {  	[tilespmem:s28], [sflag:$0x2] =	stream.indirect.gather [hbm4b:s1+s21], $0x80, s14, s21, $0xb8;
	[tilespmem:$0x1D080] =	vst v63  }
0xf9: {  	_ =	swait.ge [sflag:s24], $0x4000  }
0xfa: {  	[sflag:s24] =	ssyncset.done $0x0  }
0xfb: {  	s15 =	simm.s32 $0xE00;
	[sflag:s24] =	ssyncadd.s32 $0xFFFFC000  }
0xfc: {  	[spmem:s3] =	stream.indirect.scatter.add.f32 [tilespmem:s23], [sflag:$0x3], $0x80, s15, s21, $0xb8;
	[tilespmem:$0x1D080] =	vst v63  }
0xfd: {  	_ =	swait.ge [sflag:s29], $0x4000  }
0xfe: {  	[sflag:s29] =	ssyncset.done $0x0  }
0xff: {  	[sflag:s29] =	ssyncadd.s32 $0xFFFFC000  }
0x100: {  	_ =	swait.ge [sflag:s30], $0x4000  }
0x101: {  	[sflag:s30] =	ssyncset.done $0x0  }
0x102: {  	s16 =	simm.s32 $0xE80;
	[sflag:s30] =	ssyncadd.s32 $0xFFFFC000  }
0x103: {  	[spmem:s3] =	stream.indirect.scatter.add.f32 [tilespmem:s28], [sflag:$0x3], $0x80, s16, s21, $0xb8;
	[tilespmem:$0x1D080] =	vst v63  }
0x104: {  	_ =	swait.ge [sflag:s30], $0x4000  }
0x105: {  	[sflag:s30] =	ssyncset.done $0x0  }
0x106: {  	s2 =	simm.s32 $0x700;
	[sflag:s30] =	ssyncadd.s32 $0xFFFFC000  }
0x107: {  	[tilespmem:s23], [sflag:$0x1] =	stream.indirect.gather [hbm4b:s1+s21], $0x80, s2, s21, $0xb8;
	[tilespmem:$0x1D080] =	vst v63  }
0x108: {  	s14 =	simm.s32 $0x780  }
0x109: {  	[tilespmem:s28], [sflag:$0x2] =	stream.indirect.gather [hbm4b:s1+s21], $0x80, s14, s21, $0xb8;
	[tilespmem:$0x1D080] =	vst v63  }
0x10a: {  	_ =	swait.ge [sflag:s24], $0x4000  }
0x10b: {  	[sflag:s24] =	ssyncset.done $0x0  }
0x10c: {  	s15 =	simm.s32 $0xF00;
	[sflag:s24] =	ssyncadd.s32 $0xFFFFC000  }
0x10d: {  	[spmem:s3] =	stream.indirect.scatter.add.f32 [tilespmem:s23], [sflag:$0x3], $0x80, s15, s21, $0xb8;
	[tilespmem:$0x1D080] =	vst v63  }
0x10e: {  	_ =	swait.ge [sflag:s29], $0x4000  }
0x10f: {  	[sflag:s29] =	ssyncset.done $0x0  }
0x110: {  	[sflag:s29] =	ssyncadd.s32 $0xFFFFC000  }
0x111: {  	_ =	swait.ge [sflag:s30], $0x4000  }
0x112: {  	[sflag:s30] =	ssyncset.done $0x0  }
0x113: {  	s16 =	simm.s32 $0xF80;
	[sflag:s30] =	ssyncadd.s32 $0xFFFFC000  }
0x114: {  	[spmem:s3] =	stream.indirect.scatter.add.f32 [tilespmem:s28], [sflag:$0x3], $0x80, s16, s21, $0xb8;
	[tilespmem:$0x1D080] =	vst v63  }
0x115: {  	_ =	swait.ge [sflag:s30], $0x4000  }
0x116: {  	[sflag:s30] =	ssyncset.done $0x0  }
0x117: {  	s2 =	rddreg [dreg:$0x6];
	[sflag:s30] =	ssyncadd.s32 $0xFFFFC000  }
0x118: {  	[tilespmem:s0], [sflag:$0x4] =	stream.linear.gather [hbm4b:s2+s4], $0x800, $0x38;
	[tilespmem:$0x1D080] =	vst v63  }
0x119: {  	_ =	swait.ge [sflag:s26], $0x800  }
0x11a: {  	[sflag:s26] =	ssyncset.done $0x0  }
0x11b: {  	s2 =	rddreg [dreg:$0x7];
	[sflag:s26] =	ssyncadd.s32 $0xFFFFF800  }
0x11c: {  	[tilespmem:s4], [sflag:$0x4] =	stream.linear.gather [hbm4b:s2+s4], $0x800, $0x38;
	[tilespmem:$0x1D080] =	vst v63  }
0x11d: {  	_ =	swait.ge [sflag:s26], $0x800  }
0x11e: {  	[sflag:s26] =	ssyncset.done $0x0  }
0x11f: {  	[sflag:s26] =	ssyncadd.s32 $0xFFFFF800  }
0x120: {  	[tilespmem:s23], [sflag:$0x1] =	stream.indirect.gather [hbm4b:s1+s21], $0x80, s4, s21, $0xb8;
	[tilespmem:$0x1D080] =	vst v63  }
0x121: {  	_ = 	snop  }
0x122: {  	[tilespmem:s28], [sflag:$0x2] =	stream.indirect.gather [hbm4b:s1+s21], $0x80, s21, s21, $0xb8;
	[tilespmem:$0x1D080] =	vst v63  }
0x123: {  	_ =	swait.ge [sflag:s24], $0x4000  }
0x124: {  	[sflag:s24] =	ssyncset.done $0x0  }
0x125: {  	[sflag:s24] =	ssyncadd.s32 $0xFFFFC000  }
0x126: {  	[spmem:s3] =	stream.indirect.scatter.add.f32 [tilespmem:s23], [sflag:$0x3], $0x80, s0, s21, $0xb8;
	[tilespmem:$0x1D080] =	vst v63  }
0x127: {  	_ =	swait.ge [sflag:s29], $0x4000  }
0x128: {  	[sflag:s29] =	ssyncset.done $0x0  }
0x129: {  	[sflag:s29] =	ssyncadd.s32 $0xFFFFC000  }
0x12a: {  	_ =	swait.ge [sflag:s30], $0x4000  }
0x12b: {  	[sflag:s30] =	ssyncset.done $0x0  }
0x12c: {  	s6 =	simm.s32 $0x880;
	[sflag:s30] =	ssyncadd.s32 $0xFFFFC000  }
0x12d: {  	[spmem:s3] =	stream.indirect.scatter.add.f32 [tilespmem:s28], [sflag:$0x3], $0x80, s6, s21, $0xb8;
	[tilespmem:$0x1D080] =	vst v63  }
0x12e: {  	_ =	swait.ge [sflag:s30], $0x4000  }
0x12f: {  	[sflag:s30] =	ssyncset.done $0x0  }
0x130: {  	s5 =	simm.s32 $0x100;
	[sflag:s30] =	ssyncadd.s32 $0xFFFFC000  }
0x131: {  	[tilespmem:s23], [sflag:$0x1] =	stream.indirect.gather [hbm4b:s1+s21], $0x80, s5, s21, $0xb8;
	[tilespmem:$0x1D080] =	vst v63  }
0x132: {  	s7 =	simm.s32 $0x180  }
0x133: {  	[tilespmem:s28], [sflag:$0x2] =	stream.indirect.gather [hbm4b:s1+s21], $0x80, s7, s21, $0xb8;
	[tilespmem:$0x1D080] =	vst v63  }
0x134: {  	_ =	swait.ge [sflag:s24], $0x4000  }
0x135: {  	[sflag:s24] =	ssyncset.done $0x0  }
0x136: {  	s8 =	simm.s32 $0x900;
	[sflag:s24] =	ssyncadd.s32 $0xFFFFC000  }
0x137: {  	[spmem:s3] =	stream.indirect.scatter.add.f32 [tilespmem:s23], [sflag:$0x3], $0x80, s8, s21, $0xb8;
	[tilespmem:$0x1D080] =	vst v63  }
0x138: {  	_ =	swait.ge [sflag:s29], $0x4000  }
0x139: {  	[sflag:s29] =	ssyncset.done $0x0  }
0x13a: {  	[sflag:s29] =	ssyncadd.s32 $0xFFFFC000  }
0x13b: {  	_ =	swait.ge [sflag:s30], $0x4000  }
0x13c: {  	[sflag:s30] =	ssyncset.done $0x0  }
0x13d: {  	s9 =	simm.s32 $0x980;
	[sflag:s30] =	ssyncadd.s32 $0xFFFFC000  }
0x13e: {  	[spmem:s3] =	stream.indirect.scatter.add.f32 [tilespmem:s28], [sflag:$0x3], $0x80, s9, s21, $0xb8;
	[tilespmem:$0x1D080] =	vst v63  }
0x13f: {  	_ =	swait.ge [sflag:s30], $0x4000  }
0x140: {  	[sflag:s30] =	ssyncset.done $0x0  }
0x141: {  	s6 =	simm.s32 $0x200;
	[sflag:s30] =	ssyncadd.s32 $0xFFFFC000  }
0x142: {  	[tilespmem:s23], [sflag:$0x1] =	stream.indirect.gather [hbm4b:s1+s21], $0x80, s6, s21, $0xb8;
	[tilespmem:$0x1D080] =	vst v63  }
0x143: {  	s10 =	simm.s32 $0x280  }
0x144: {  	[tilespmem:s28], [sflag:$0x2] =	stream.indirect.gather [hbm4b:s1+s21], $0x80, s10, s21, $0xb8;
	[tilespmem:$0x1D080] =	vst v63  }
0x145: {  	_ =	swait.ge [sflag:s24], $0x4000  }
0x146: {  	[sflag:s24] =	ssyncset.done $0x0  }
0x147: {  	s11 =	simm.s32 $0xA00;
	[sflag:s24] =	ssyncadd.s32 $0xFFFFC000  }
0x148: {  	[spmem:s3] =	stream.indirect.scatter.add.f32 [tilespmem:s23], [sflag:$0x3], $0x80, s11, s21, $0xb8;
	[tilespmem:$0x1D080] =	vst v63  }
0x149: {  	_ =	swait.ge [sflag:s29], $0x4000  }
0x14a: {  	[sflag:s29] =	ssyncset.done $0x0  }
0x14b: {  	[sflag:s29] =	ssyncadd.s32 $0xFFFFC000  }
0x14c: {  	_ =	swait.ge [sflag:s30], $0x4000  }
0x14d: {  	[sflag:s30] =	ssyncset.done $0x0  }
0x14e: {  	s5 =	simm.s32 $0xA80;
	[sflag:s30] =	ssyncadd.s32 $0xFFFFC000  }
0x14f: {  	[spmem:s3] =	stream.indirect.scatter.add.f32 [tilespmem:s28], [sflag:$0x3], $0x80, s5, s21, $0xb8;
	[tilespmem:$0x1D080] =	vst v63  }
0x150: {  	_ =	swait.ge [sflag:s30], $0x4000  }
0x151: {  	[sflag:s30] =	ssyncset.done $0x0  }
0x152: {  	s2 =	simm.s32 $0x300;
	[sflag:s30] =	ssyncadd.s32 $0xFFFFC000  }
0x153: {  	[tilespmem:s23], [sflag:$0x1] =	stream.indirect.gather [hbm4b:s1+s21], $0x80, s2, s21, $0xb8;
	[tilespmem:$0x1D080] =	vst v63  }
0x154: {  	s7 =	simm.s32 $0x380  }
0x155: {  	[tilespmem:s28], [sflag:$0x2] =	stream.indirect.gather [hbm4b:s1+s21], $0x80, s7, s21, $0xb8;
	[tilespmem:$0x1D080] =	vst v63  }
0x156: {  	_ =	swait.ge [sflag:s24], $0x4000  }
0x157: {  	[sflag:s24] =	ssyncset.done $0x0  }
0x158: {  	s8 =	simm.s32 $0xB00;
	[sflag:s24] =	ssyncadd.s32 $0xFFFFC000  }
0x159: {  	[spmem:s3] =	stream.indirect.scatter.add.f32 [tilespmem:s23], [sflag:$0x3], $0x80, s8, s21, $0xb8;
	[tilespmem:$0x1D080] =	vst v63  }
0x15a: {  	_ =	swait.ge [sflag:s29], $0x4000  }
0x15b: {  	[sflag:s29] =	ssyncset.done $0x0  }
0x15c: {  	[sflag:s29] =	ssyncadd.s32 $0xFFFFC000  }
0x15d: {  	_ =	swait.ge [sflag:s30], $0x4000  }
0x15e: {  	[sflag:s30] =	ssyncset.done $0x0  }
0x15f: {  	s9 =	simm.s32 $0xB80;
	[sflag:s30] =	ssyncadd.s32 $0xFFFFC000  }
0x160: {  	[spmem:s3] =	stream.indirect.scatter.add.f32 [tilespmem:s28], [sflag:$0x3], $0x80, s9, s21, $0xb8;
	[tilespmem:$0x1D080] =	vst v63  }
0x161: {  	_ =	swait.ge [sflag:s30], $0x4000  }
0x162: {  	[sflag:s30] =	ssyncset.done $0x0  }
0x163: {  	s12 =	simm.s32 $0x400;
	[sflag:s30] =	ssyncadd.s32 $0xFFFFC000  }
0x164: {  	[tilespmem:s23], [sflag:$0x1] =	stream.indirect.gather [hbm4b:s1+s21], $0x80, s12, s21, $0xb8;
	[tilespmem:$0x1D080] =	vst v63  }
0x165: {  	s12 =	simm.s32 $0x480  }
0x166: {  	[tilespmem:s28], [sflag:$0x2] =	stream.indirect.gather [hbm4b:s1+s21], $0x80, s12, s21, $0xb8;
	[tilespmem:$0x1D080] =	vst v63  }
0x167: {  	_ =	swait.ge [sflag:s24], $0x4000  }
0x168: {  	[sflag:s24] =	ssyncset.done $0x0  }
0x169: {  	s10 =	simm.s32 $0xC00;
	[sflag:s24] =	ssyncadd.s32 $0xFFFFC000  }
0x16a: {  	[spmem:s3] =	stream.indirect.scatter.add.f32 [tilespmem:s23], [sflag:$0x3], $0x80, s10, s21, $0xb8;
	[tilespmem:$0x1D080] =	vst v63  }
0x16b: {  	_ =	swait.ge [sflag:s29], $0x4000  }
0x16c: {  	[sflag:s29] =	ssyncset.done $0x0  }
0x16d: {  	[sflag:s29] =	ssyncadd.s32 $0xFFFFC000  }
0x16e: {  	_ =	swait.ge [sflag:s30], $0x4000  }
0x16f: {  	[sflag:s30] =	ssyncset.done $0x0  }
0x170: {  	s11 =	simm.s32 $0xC80;
	[sflag:s30] =	ssyncadd.s32 $0xFFFFC000  }
0x171: {  	[spmem:s3] =	stream.indirect.scatter.add.f32 [tilespmem:s28], [sflag:$0x3], $0x80, s11, s21, $0xb8;
	[tilespmem:$0x1D080] =	vst v63  }
0x172: {  	_ =	swait.ge [sflag:s30], $0x4000  }
0x173: {  	[sflag:s30] =	ssyncset.done $0x0  }
0x174: {  	s13 =	simm.s32 $0x500;
	[sflag:s30] =	ssyncadd.s32 $0xFFFFC000  }
0x175: {  	[tilespmem:s23], [sflag:$0x1] =	stream.indirect.gather [hbm4b:s1+s21], $0x80, s13, s21, $0xb8;
	[tilespmem:$0x1D080] =	vst v63  }
0x176: {  	s17 =	simm.s32 $0x580  }
0x177: {  	[tilespmem:s28], [sflag:$0x2] =	stream.indirect.gather [hbm4b:s1+s21], $0x80, s17, s21, $0xb8;
	[tilespmem:$0x1D080] =	vst v63  }
0x178: {  	_ =	swait.ge [sflag:s24], $0x4000  }
0x179: {  	[sflag:s24] =	ssyncset.done $0x0  }
0x17a: {  	s18 =	simm.s32 $0xD00;
	[sflag:s24] =	ssyncadd.s32 $0xFFFFC000  }
0x17b: {  	[spmem:s3] =	stream.indirect.scatter.add.f32 [tilespmem:s23], [sflag:$0x3], $0x80, s18, s21, $0xb8;
	[tilespmem:$0x1D080] =	vst v63  }
0x17c: {  	_ =	swait.ge [sflag:s29], $0x4000  }
0x17d: {  	[sflag:s29] =	ssyncset.done $0x0  }
0x17e: {  	[sflag:s29] =	ssyncadd.s32 $0xFFFFC000  }
0x17f: {  	_ =	swait.ge [sflag:s30], $0x4000  }
0x180: {  	[sflag:s30] =	ssyncset.done $0x0  }
0x181: {  	s19 =	simm.s32 $0xD80;
	[sflag:s30] =	ssyncadd.s32 $0xFFFFC000  }
0x182: {  	[spmem:s3] =	stream.indirect.scatter.add.f32 [tilespmem:s28], [sflag:$0x3], $0x80, s19, s21, $0xb8;
	[tilespmem:$0x1D080] =	vst v63  }
0x183: {  	_ =	swait.ge [sflag:s30], $0x4000  }
0x184: {  	[sflag:s30] =	ssyncset.done $0x0  }
0x185: {  	s17 =	simm.s32 $0x600;
	[sflag:s30] =	ssyncadd.s32 $0xFFFFC000  }
0x186: {  	[tilespmem:s23], [sflag:$0x1] =	stream.indirect.gather [hbm4b:s1+s21], $0x80, s17, s21, $0xb8;
	[tilespmem:$0x1D080] =	vst v63  }
0x187: {  	s20 =	simm.s32 $0x680  }
0x188: {  	[tilespmem:s28], [sflag:$0x2] =	stream.indirect.gather [hbm4b:s1+s21], $0x80, s20, s21, $0xb8;
	[tilespmem:$0x1D080] =	vst v63  }
0x189: {  	_ =	swait.ge [sflag:s24], $0x4000  }
0x18a: {  	[sflag:s24] =	ssyncset.done $0x0  }
0x18b: {  	s31 =	simm.s32 $0xE00;
	[sflag:s24] =	ssyncadd.s32 $0xFFFFC000  }
0x18c: {  	[spmem:s3] =	stream.indirect.scatter.add.f32 [tilespmem:s23], [sflag:$0x3], $0x80, s31, s21, $0xb8;
	[tilespmem:$0x1D080] =	vst v63  }
0x18d: {  	_ =	swait.ge [sflag:s29], $0x4000  }
0x18e: {  	[sflag:s29] =	ssyncset.done $0x0  }
0x18f: {  	[sflag:s29] =	ssyncadd.s32 $0xFFFFC000  }
0x190: {  	_ =	swait.ge [sflag:s30], $0x4000  }
0x191: {  	[sflag:s30] =	ssyncset.done $0x0  }
0x192: {  	s18 =	simm.s32 $0xE80;
	[sflag:s30] =	ssyncadd.s32 $0xFFFFC000  }
0x193: {  	[spmem:s3] =	stream.indirect.scatter.add.f32 [tilespmem:s28], [sflag:$0x3], $0x80, s18, s21, $0xb8;
	[tilespmem:$0x1D080] =	vst v63  }
0x194: {  	_ =	swait.ge [sflag:s30], $0x4000  }
0x195: {  	[sflag:s30] =	ssyncset.done $0x0  }
0x196: {  	s18 =	simm.s32 $0x700;
	[sflag:s30] =	ssyncadd.s32 $0xFFFFC000  }
0x197: {  	[tilespmem:s23], [sflag:$0x1] =	stream.indirect.gather [hbm4b:s1+s21], $0x80, s18, s21, $0xb8;
	[tilespmem:$0x1D080] =	vst v63  }
0x198: {  	s14 =	simm.s32 $0x780  }
0x199: {  	[tilespmem:s28], [sflag:$0x2] =	stream.indirect.gather [hbm4b:s1+s21], $0x80, s14, s21, $0xb8;
	[tilespmem:$0x1D080] =	vst v63  }
0x19a: {  	_ =	swait.ge [sflag:s24], $0x4000  }
0x19b: {  	[sflag:s24] =	ssyncset.done $0x0  }
0x19c: {  	s15 =	simm.s32 $0xF00;
	[sflag:s24] =	ssyncadd.s32 $0xFFFFC000  }
0x19d: {  	[spmem:s3] =	stream.indirect.scatter.add.f32 [tilespmem:s23], [sflag:$0x3], $0x80, s15, s21, $0xb8;
	[tilespmem:$0x1D080] =	vst v63  }
0x19e: {  	_ =	swait.ge [sflag:s29], $0x4000  }
0x19f: {  	[sflag:s29] =	ssyncset.done $0x0  }
0x1a0: {  	[sflag:s29] =	ssyncadd.s32 $0xFFFFC000  }
0x1a1: {  	_ =	swait.ge [sflag:s30], $0x4000  }
0x1a2: {  	[sflag:s30] =	ssyncset.done $0x0  }
0x1a3: {  	s16 =	simm.s32 $0xF80;
	[sflag:s30] =	ssyncadd.s32 $0xFFFFC000  }
0x1a4: {  	[spmem:s3] =	stream.indirect.scatter.add.f32 [tilespmem:s28], [sflag:$0x3], $0x80, s16, s21, $0xb8;
	[tilespmem:$0x1D080] =	vst v63  }
0x1a5: {  	_ =	swait.ge [sflag:s30], $0x4000  }
0x1a6: {  	[sflag:s30] =	ssyncset.done $0x0  }
0x1a7: {  	s13 =	rddreg [dreg:$0x8];
	[sflag:s30] =	ssyncadd.s32 $0xFFFFC000  }
0x1a8: {  	[tilespmem:s0], [sflag:$0x4] =	stream.linear.gather [hbm4b:s13+s4], $0x800, $0x38;
	[tilespmem:$0x1D080] =	vst v63  }
0x1a9: {  	_ =	swait.ge [sflag:s26], $0x800  }
0x1aa: {  	[sflag:s26] =	ssyncset.done $0x0  }
0x1ab: {  	s13 =	rddreg [dreg:$0x9];
	[sflag:s26] =	ssyncadd.s32 $0xFFFFF800  }
0x1ac: {  	[tilespmem:s4], [sflag:$0x4] =	stream.linear.gather [hbm4b:s13+s4], $0x800, $0x38;
	[tilespmem:$0x1D080] =	vst v63  }
0x1ad: {  	_ =	swait.ge [sflag:s26], $0x800  }
0x1ae: {  	[sflag:s26] =	ssyncset.done $0x0  }
0x1af: {  	[sflag:s26] =	ssyncadd.s32 $0xFFFFF800  }
0x1b0: {  	[tilespmem:s23], [sflag:$0x1] =	stream.indirect.gather [hbm4b:s1+s21], $0x80, s4, s21, $0xb8;
	[tilespmem:$0x1D080] =	vst v63  }
0x1b1: {  	_ = 	snop  }
0x1b2: {  	[tilespmem:s28], [sflag:$0x2] =	stream.indirect.gather [hbm4b:s1+s21], $0x80, s21, s21, $0xb8;
	[tilespmem:$0x1D080] =	vst v63  }
0x1b3: {  	_ =	swait.ge [sflag:s24], $0x4000  }
0x1b4: {  	[sflag:s24] =	ssyncset.done $0x0  }
0x1b5: {  	[sflag:s24] =	ssyncadd.s32 $0xFFFFC000  }
0x1b6: {  	[spmem:s3] =	stream.indirect.scatter.add.f32 [tilespmem:s23], [sflag:$0x3], $0x80, s0, s21, $0xb8;
	[tilespmem:$0x1D080] =	vst v63  }
0x1b7: {  	_ =	swait.ge [sflag:s29], $0x4000  }
0x1b8: {  	[sflag:s29] =	ssyncset.done $0x0  }
0x1b9: {  	[sflag:s29] =	ssyncadd.s32 $0xFFFFC000  }
0x1ba: {  	_ =	swait.ge [sflag:s30], $0x4000  }
0x1bb: {  	[sflag:s30] =	ssyncset.done $0x0  }
0x1bc: {  	s13 =	simm.s32 $0x880;
	[sflag:s30] =	ssyncadd.s32 $0xFFFFC000  }
0x1bd: {  	[spmem:s3] =	stream.indirect.scatter.add.f32 [tilespmem:s28], [sflag:$0x3], $0x80, s13, s21, $0xb8;
	[tilespmem:$0x1D080] =	vst v63  }
0x1be: {  	_ =	swait.ge [sflag:s30], $0x4000  }
0x1bf: {  	[sflag:s30] =	ssyncset.done $0x0  }
0x1c0: {  	s13 =	simm.s32 $0x100;
	[sflag:s30] =	ssyncadd.s32 $0xFFFFC000  }
0x1c1: {  	[tilespmem:s23], [sflag:$0x1] =	stream.indirect.gather [hbm4b:s1+s21], $0x80, s13, s21, $0xb8;
	[tilespmem:$0x1D080] =	vst v63  }
0x1c2: {  	s13 =	simm.s32 $0x180  }
0x1c3: {  	[tilespmem:s28], [sflag:$0x2] =	stream.indirect.gather [hbm4b:s1+s21], $0x80, s13, s21, $0xb8;
	[tilespmem:$0x1D080] =	vst v63  }
0x1c4: {  	_ =	swait.ge [sflag:s24], $0x4000  }
0x1c5: {  	[sflag:s24] =	ssyncset.done $0x0  }
0x1c6: {  	s13 =	simm.s32 $0x900;
	[sflag:s24] =	ssyncadd.s32 $0xFFFFC000  }
0x1c7: {  	[spmem:s3] =	stream.indirect.scatter.add.f32 [tilespmem:s23], [sflag:$0x3], $0x80, s13, s21, $0xb8;
	[tilespmem:$0x1D080] =	vst v63  }
0x1c8: {  	_ =	swait.ge [sflag:s29], $0x4000  }
0x1c9: {  	[sflag:s29] =	ssyncset.done $0x0  }
0x1ca: {  	[sflag:s29] =	ssyncadd.s32 $0xFFFFC000  }
0x1cb: {  	_ =	swait.ge [sflag:s30], $0x4000  }
0x1cc: {  	[sflag:s30] =	ssyncset.done $0x0  }
0x1cd: {  	s13 =	simm.s32 $0x980;
	[sflag:s30] =	ssyncadd.s32 $0xFFFFC000  }
0x1ce: {  	[spmem:s3] =	stream.indirect.scatter.add.f32 [tilespmem:s28], [sflag:$0x3], $0x80, s13, s21, $0xb8;
	[tilespmem:$0x1D080] =	vst v63  }
0x1cf: {  	_ =	swait.ge [sflag:s30], $0x4000  }
0x1d0: {  	[sflag:s30] =	ssyncset.done $0x0  }
0x1d1: {  	[sflag:s30] =	ssyncadd.s32 $0xFFFFC000  }
0x1d2: {  	[tilespmem:s23], [sflag:$0x1] =	stream.indirect.gather [hbm4b:s1+s21], $0x80, s6, s21, $0xb8;
	[tilespmem:$0x1D080] =	vst v63  }
0x1d3: {  	s13 =	simm.s32 $0x280  }
0x1d4: {  	[tilespmem:s28], [sflag:$0x2] =	stream.indirect.gather [hbm4b:s1+s21], $0x80, s13, s21, $0xb8;
	[tilespmem:$0x1D080] =	vst v63  }
0x1d5: {  	_ =	swait.ge [sflag:s24], $0x4000  }
0x1d6: {  	[sflag:s24] =	ssyncset.done $0x0  }
0x1d7: {  	s13 =	simm.s32 $0xA00;
	[sflag:s24] =	ssyncadd.s32 $0xFFFFC000  }
0x1d8: {  	[spmem:s3] =	stream.indirect.scatter.add.f32 [tilespmem:s23], [sflag:$0x3], $0x80, s13, s21, $0xb8;
	[tilespmem:$0x1D080] =	vst v63  }
0x1d9: {  	_ =	swait.ge [sflag:s29], $0x4000  }
0x1da: {  	[sflag:s29] =	ssyncset.done $0x0  }
0x1db: {  	[sflag:s29] =	ssyncadd.s32 $0xFFFFC000  }
0x1dc: {  	_ =	swait.ge [sflag:s30], $0x4000  }
0x1dd: {  	[sflag:s30] =	ssyncset.done $0x0  }
0x1de: {  	[sflag:s30] =	ssyncadd.s32 $0xFFFFC000  }
0x1df: {  	[spmem:s3] =	stream.indirect.scatter.add.f32 [tilespmem:s28], [sflag:$0x3], $0x80, s5, s21, $0xb8;
	[tilespmem:$0x1D080] =	vst v63  }
0x1e0: {  	_ =	swait.ge [sflag:s30], $0x4000  }
0x1e1: {  	[sflag:s30] =	ssyncset.done $0x0  }
0x1e2: {  	[sflag:s30] =	ssyncadd.s32 $0xFFFFC000  }
0x1e3: {  	[tilespmem:s23], [sflag:$0x1] =	stream.indirect.gather [hbm4b:s1+s21], $0x80, s2, s21, $0xb8;
	[tilespmem:$0x1D080] =	vst v63  }
0x1e4: {  	_ = 	snop  }
0x1e5: {  	[tilespmem:s28], [sflag:$0x2] =	stream.indirect.gather [hbm4b:s1+s21], $0x80, s7, s21, $0xb8;
	[tilespmem:$0x1D080] =	vst v63  }
0x1e6: {  	_ =	swait.ge [sflag:s24], $0x4000  }
0x1e7: {  	[sflag:s24] =	ssyncset.done $0x0  }
0x1e8: {  	[sflag:s24] =	ssyncadd.s32 $0xFFFFC000  }
0x1e9: {  	[spmem:s3] =	stream.indirect.scatter.add.f32 [tilespmem:s23], [sflag:$0x3], $0x80, s8, s21, $0xb8;
	[tilespmem:$0x1D080] =	vst v63  }
0x1ea: {  	_ =	swait.ge [sflag:s29], $0x4000  }
0x1eb: {  	[sflag:s29] =	ssyncset.done $0x0  }
0x1ec: {  	[sflag:s29] =	ssyncadd.s32 $0xFFFFC000  }
0x1ed: {  	_ =	swait.ge [sflag:s30], $0x4000  }
0x1ee: {  	[sflag:s30] =	ssyncset.done $0x0  }
0x1ef: {  	[sflag:s30] =	ssyncadd.s32 $0xFFFFC000  }
0x1f0: {  	[spmem:s3] =	stream.indirect.scatter.add.f32 [tilespmem:s28], [sflag:$0x3], $0x80, s9, s21, $0xb8;
	[tilespmem:$0x1D080] =	vst v63  }
0x1f1: {  	_ =	swait.ge [sflag:s30], $0x4000  }
0x1f2: {  	[sflag:s30] =	ssyncset.done $0x0  }
0x1f3: {  	s13 =	simm.s32 $0x400;
	[sflag:s30] =	ssyncadd.s32 $0xFFFFC000  }
0x1f4: {  	[tilespmem:s23], [sflag:$0x1] =	stream.indirect.gather [hbm4b:s1+s21], $0x80, s13, s21, $0xb8;
	[tilespmem:$0x1D080] =	vst v63  }
0x1f5: {  	_ = 	snop  }
0x1f6: {  	[tilespmem:s28], [sflag:$0x2] =	stream.indirect.gather [hbm4b:s1+s21], $0x80, s12, s21, $0xb8;
	[tilespmem:$0x1D080] =	vst v63  }
0x1f7: {  	_ =	swait.ge [sflag:s24], $0x4000  }
0x1f8: {  	[sflag:s24] =	ssyncset.done $0x0  }
0x1f9: {  	[sflag:s24] =	ssyncadd.s32 $0xFFFFC000  }
0x1fa: {  	[spmem:s3] =	stream.indirect.scatter.add.f32 [tilespmem:s23], [sflag:$0x3], $0x80, s10, s21, $0xb8;
	[tilespmem:$0x1D080] =	vst v63  }
0x1fb: {  	_ =	swait.ge [sflag:s29], $0x4000  }
0x1fc: {  	[sflag:s29] =	ssyncset.done $0x0  }
0x1fd: {  	[sflag:s29] =	ssyncadd.s32 $0xFFFFC000  }
0x1fe: {  	_ =	swait.ge [sflag:s30], $0x4000  }
0x1ff: {  	[sflag:s30] =	ssyncset.done $0x0  }
0x200: {  	[sflag:s30] =	ssyncadd.s32 $0xFFFFC000  }
0x201: {  	[spmem:s3] =	stream.indirect.scatter.add.f32 [tilespmem:s28], [sflag:$0x3], $0x80, s11, s21, $0xb8;
	[tilespmem:$0x1D080] =	vst v63  }
0x202: {  	_ =	swait.ge [sflag:s30], $0x4000  }
0x203: {  	[sflag:s30] =	ssyncset.done $0x0  }
0x204: {  	s13 =	simm.s32 $0x500;
	[sflag:s30] =	ssyncadd.s32 $0xFFFFC000  }
0x205: {  	[tilespmem:s23], [sflag:$0x1] =	stream.indirect.gather [hbm4b:s1+s21], $0x80, s13, s21, $0xb8;
	[tilespmem:$0x1D080] =	vst v63  }
0x206: {  	s13 =	simm.s32 $0x580  }
0x207: {  	[tilespmem:s28], [sflag:$0x2] =	stream.indirect.gather [hbm4b:s1+s21], $0x80, s13, s21, $0xb8;
	[tilespmem:$0x1D080] =	vst v63  }
0x208: {  	_ =	swait.ge [sflag:s24], $0x4000  }
0x209: {  	[sflag:s24] =	ssyncset.done $0x0  }
0x20a: {  	s13 =	simm.s32 $0xD00;
	[sflag:s24] =	ssyncadd.s32 $0xFFFFC000  }
0x20b: {  	[spmem:s3] =	stream.indirect.scatter.add.f32 [tilespmem:s23], [sflag:$0x3], $0x80, s13, s21, $0xb8;
	[tilespmem:$0x1D080] =	vst v63  }
0x20c: {  	_ =	swait.ge [sflag:s29], $0x4000  }
0x20d: {  	[sflag:s29] =	ssyncset.done $0x0  }
0x20e: {  	[sflag:s29] =	ssyncadd.s32 $0xFFFFC000  }
0x20f: {  	_ =	swait.ge [sflag:s30], $0x4000  }
0x210: {  	[sflag:s30] =	ssyncset.done $0x0  }
0x211: {  	s19 =	simm.s32 $0xD80;
	[sflag:s30] =	ssyncadd.s32 $0xFFFFC000  }
0x212: {  	[spmem:s3] =	stream.indirect.scatter.add.f32 [tilespmem:s28], [sflag:$0x3], $0x80, s19, s21, $0xb8;
	[tilespmem:$0x1D080] =	vst v63  }
0x213: {  	_ =	swait.ge [sflag:s30], $0x4000  }
0x214: {  	[sflag:s30] =	ssyncset.done $0x0  }
0x215: {  	s17 =	simm.s32 $0x600;
	[sflag:s30] =	ssyncadd.s32 $0xFFFFC000  }
0x216: {  	[tilespmem:s23], [sflag:$0x1] =	stream.indirect.gather [hbm4b:s1+s21], $0x80, s17, s21, $0xb8;
	[tilespmem:$0x1D080] =	vst v63  }
0x217: {  	s20 =	simm.s32 $0x680  }
0x218: {  	[tilespmem:s28], [sflag:$0x2] =	stream.indirect.gather [hbm4b:s1+s21], $0x80, s20, s21, $0xb8;
	[tilespmem:$0x1D080] =	vst v63  }
0x219: {  	_ =	swait.ge [sflag:s24], $0x4000  }
0x21a: {  	[sflag:s24] =	ssyncset.done $0x0  }
0x21b: {  	s31 =	simm.s32 $0xE00;
	[sflag:s24] =	ssyncadd.s32 $0xFFFFC000  }
0x21c: {  	[spmem:s3] =	stream.indirect.scatter.add.f32 [tilespmem:s23], [sflag:$0x3], $0x80, s31, s21, $0xb8;
	[tilespmem:$0x1D080] =	vst v63  }
0x21d: {  	_ =	swait.ge [sflag:s29], $0x4000  }
0x21e: {  	[sflag:s29] =	ssyncset.done $0x0  }
0x21f: {  	[sflag:s29] =	ssyncadd.s32 $0xFFFFC000  }
0x220: {  	_ =	swait.ge [sflag:s30], $0x4000  }
0x221: {  	[sflag:s30] =	ssyncset.done $0x0  }
0x222: {  	s31 =	simm.s32 $0xE80;
	[sflag:s30] =	ssyncadd.s32 $0xFFFFC000  }
0x223: {  	[spmem:s3] =	stream.indirect.scatter.add.f32 [tilespmem:s28], [sflag:$0x3], $0x80, s31, s21, $0xb8;
	[tilespmem:$0x1D080] =	vst v63  }
0x224: {  	_ =	swait.ge [sflag:s30], $0x4000  }
0x225: {  	[sflag:s30] =	ssyncset.done $0x0  }
0x226: {  	s18 =	simm.s32 $0x700;
	[sflag:s30] =	ssyncadd.s32 $0xFFFFC000  }
0x227: {  	[tilespmem:s23], [sflag:$0x1] =	stream.indirect.gather [hbm4b:s1+s21], $0x80, s18, s21, $0xb8;
	[tilespmem:$0x1D080] =	vst v63  }
0x228: {  	s14 =	simm.s32 $0x780  }
0x229: {  	[tilespmem:s28], [sflag:$0x2] =	stream.indirect.gather [hbm4b:s1+s21], $0x80, s14, s21, $0xb8;
	[tilespmem:$0x1D080] =	vst v63  }
0x22a: {  	_ =	swait.ge [sflag:s24], $0x4000  }
0x22b: {  	[sflag:s24] =	ssyncset.done $0x0  }
0x22c: {  	s15 =	simm.s32 $0xF00;
	[sflag:s24] =	ssyncadd.s32 $0xFFFFC000  }
0x22d: {  	[spmem:s3] =	stream.indirect.scatter.add.f32 [tilespmem:s23], [sflag:$0x3], $0x80, s15, s21, $0xb8;
	[tilespmem:$0x1D080] =	vst v63  }
0x22e: {  	_ =	swait.ge [sflag:s29], $0x4000  }
0x22f: {  	[sflag:s29] =	ssyncset.done $0x0  }
0x230: {  	[sflag:s29] =	ssyncadd.s32 $0xFFFFC000  }
0x231: {  	_ =	swait.ge [sflag:s30], $0x4000  }
0x232: {  	[sflag:s30] =	ssyncset.done $0x0  }
0x233: {  	s16 =	simm.s32 $0xF80;
	[sflag:s30] =	ssyncadd.s32 $0xFFFFC000  }
0x234: {  	[spmem:s3] =	stream.indirect.scatter.add.f32 [tilespmem:s28], [sflag:$0x3], $0x80, s16, s21, $0xb8;
	[tilespmem:$0x1D080] =	vst v63  }
0x235: {  	_ =	swait.ge [sflag:s30], $0x4000  }
0x236: {  	[sflag:s30] =	ssyncset.done $0x0  }
0x237: {  	s16 =	rddreg [dreg:$0xa];
	[sflag:s30] =	ssyncadd.s32 $0xFFFFC000  }
0x238: {  	[tilespmem:s0], [sflag:$0x4] =	stream.linear.gather [hbm4b:s16+s4], $0x800, $0x38;
	[tilespmem:$0x1D080] =	vst v63  }
0x239: {  	_ =	swait.ge [sflag:s26], $0x800  }
0x23a: {  	[sflag:s26] =	ssyncset.done $0x0  }
0x23b: {  	s19 =	rddreg [dreg:$0xb];
	[sflag:s26] =	ssyncadd.s32 $0xFFFFF800  }
0x23c: {  	[tilespmem:s4], [sflag:$0x4] =	stream.linear.gather [hbm4b:s19+s4], $0x800, $0x38;
	[tilespmem:$0x1D080] =	vst v63  }
0x23d: {  	_ =	swait.ge [sflag:s26], $0x800  }
0x23e: {  	[sflag:s26] =	ssyncset.done $0x0  }
0x23f: {  	[sflag:s26] =	ssyncadd.s32 $0xFFFFF800  }
0x240: {  	[tilespmem:s23], [sflag:$0x1] =	stream.indirect.gather [hbm4b:s1+s21], $0x80, s4, s21, $0xb8;
	[tilespmem:$0x1D080] =	vst v63  }
0x241: {  	_ = 	snop  }
0x242: {  	[tilespmem:s28], [sflag:$0x2] =	stream.indirect.gather [hbm4b:s1+s21], $0x80, s21, s21, $0xb8;
	[tilespmem:$0x1D080] =	vst v63  }
0x243: {  	_ =	swait.ge [sflag:s24], $0x4000  }
0x244: {  	[sflag:s24] =	ssyncset.done $0x0  }
0x245: {  	[sflag:s24] =	ssyncadd.s32 $0xFFFFC000  }
0x246: {  	[spmem:s3] =	stream.indirect.scatter.add.f32 [tilespmem:s23], [sflag:$0x3], $0x80, s0, s21, $0xb8;
	[tilespmem:$0x1D080] =	vst v63  }
0x247: {  	_ =	swait.ge [sflag:s29], $0x4000  }
0x248: {  	[sflag:s29] =	ssyncset.done $0x0  }
0x249: {  	[sflag:s29] =	ssyncadd.s32 $0xFFFFC000  }
0x24a: {  	_ =	swait.ge [sflag:s30], $0x4000  }
0x24b: {  	[sflag:s30] =	ssyncset.done $0x0  }
0x24c: {  	s20 =	simm.s32 $0x880;
	[sflag:s30] =	ssyncadd.s32 $0xFFFFC000  }
0x24d: {  	[spmem:s3] =	stream.indirect.scatter.add.f32 [tilespmem:s28], [sflag:$0x3], $0x80, s20, s21, $0xb8;
	[tilespmem:$0x1D080] =	vst v63  }
0x24e: {  	_ =	swait.ge [sflag:s30], $0x4000  }
0x24f: {  	[sflag:s30] =	ssyncset.done $0x0  }
0x250: {  	s31 =	simm.s32 $0x100;
	[sflag:s30] =	ssyncadd.s32 $0xFFFFC000  }
0x251: {  	[tilespmem:s23], [sflag:$0x1] =	stream.indirect.gather [hbm4b:s1+s21], $0x80, s31, s21, $0xb8;
	[tilespmem:$0x1D080] =	vst v63  }
0x252: {  	s14 =	simm.s32 $0x180  }
0x253: {  	[tilespmem:s28], [sflag:$0x2] =	stream.indirect.gather [hbm4b:s1+s21], $0x80, s14, s21, $0xb8;
	[tilespmem:$0x1D080] =	vst v63  }
0x254: {  	_ =	swait.ge [sflag:s24], $0x4000  }
0x255: {  	[sflag:s24] =	ssyncset.done $0x0  }
0x256: {  	s15 =	simm.s32 $0x900;
	[sflag:s24] =	ssyncadd.s32 $0xFFFFC000  }
0x257: {  	[spmem:s3] =	stream.indirect.scatter.add.f32 [tilespmem:s23], [sflag:$0x3], $0x80, s15, s21, $0xb8;
	[tilespmem:$0x1D080] =	vst v63  }
0x258: {  	_ =	swait.ge [sflag:s29], $0x4000  }
0x259: {  	[sflag:s29] =	ssyncset.done $0x0  }
0x25a: {  	[sflag:s29] =	ssyncadd.s32 $0xFFFFC000  }
0x25b: {  	_ =	swait.ge [sflag:s30], $0x4000  }
0x25c: {  	[sflag:s30] =	ssyncset.done $0x0  }
0x25d: {  	s16 =	simm.s32 $0x980;
	[sflag:s30] =	ssyncadd.s32 $0xFFFFC000  }
0x25e: {  	[spmem:s3] =	stream.indirect.scatter.add.f32 [tilespmem:s28], [sflag:$0x3], $0x80, s16, s21, $0xb8;
	[tilespmem:$0x1D080] =	vst v63  }
0x25f: {  	_ =	swait.ge [sflag:s30], $0x4000  }
0x260: {  	[sflag:s30] =	ssyncset.done $0x0  }
0x261: {  	s6 =	simm.s32 $0x200;
	[sflag:s30] =	ssyncadd.s32 $0xFFFFC000  }
0x262: {  	[tilespmem:s23], [sflag:$0x1] =	stream.indirect.gather [hbm4b:s1+s21], $0x80, s6, s21, $0xb8;
	[tilespmem:$0x1D080] =	vst v63  }
0x263: {  	s19 =	simm.s32 $0x280  }
0x264: {  	[tilespmem:s28], [sflag:$0x2] =	stream.indirect.gather [hbm4b:s1+s21], $0x80, s19, s21, $0xb8;
	[tilespmem:$0x1D080] =	vst v63  }
0x265: {  	_ =	swait.ge [sflag:s24], $0x4000  }
0x266: {  	[sflag:s24] =	ssyncset.done $0x0  }
0x267: {  	s20 =	simm.s32 $0xA00;
	[sflag:s24] =	ssyncadd.s32 $0xFFFFC000  }
0x268: {  	[spmem:s3] =	stream.indirect.scatter.add.f32 [tilespmem:s23], [sflag:$0x3], $0x80, s20, s21, $0xb8;
	[tilespmem:$0x1D080] =	vst v63  }
0x269: {  	_ =	swait.ge [sflag:s29], $0x4000  }
0x26a: {  	[sflag:s29] =	ssyncset.done $0x0  }
0x26b: {  	[sflag:s29] =	ssyncadd.s32 $0xFFFFC000  }
0x26c: {  	_ =	swait.ge [sflag:s30], $0x4000  }
0x26d: {  	[sflag:s30] =	ssyncset.done $0x0  }
0x26e: {  	s5 =	simm.s32 $0xA80;
	[sflag:s30] =	ssyncadd.s32 $0xFFFFC000  }
0x26f: {  	[spmem:s3] =	stream.indirect.scatter.add.f32 [tilespmem:s28], [sflag:$0x3], $0x80, s5, s21, $0xb8;
	[tilespmem:$0x1D080] =	vst v63  }
0x270: {  	_ =	swait.ge [sflag:s30], $0x4000  }
0x271: {  	[sflag:s30] =	ssyncset.done $0x0  }
0x272: {  	s2 =	simm.s32 $0x300;
	[sflag:s30] =	ssyncadd.s32 $0xFFFFC000  }
0x273: {  	[tilespmem:s23], [sflag:$0x1] =	stream.indirect.gather [hbm4b:s1+s21], $0x80, s2, s21, $0xb8;
	[tilespmem:$0x1D080] =	vst v63  }
0x274: {  	s7 =	simm.s32 $0x380  }
0x275: {  	[tilespmem:s28], [sflag:$0x2] =	stream.indirect.gather [hbm4b:s1+s21], $0x80, s7, s21, $0xb8;
	[tilespmem:$0x1D080] =	vst v63  }
0x276: {  	_ =	swait.ge [sflag:s24], $0x4000  }
0x277: {  	[sflag:s24] =	ssyncset.done $0x0  }
0x278: {  	s8 =	simm.s32 $0xB00;
	[sflag:s24] =	ssyncadd.s32 $0xFFFFC000  }
0x279: {  	[spmem:s3] =	stream.indirect.scatter.add.f32 [tilespmem:s23], [sflag:$0x3], $0x80, s8, s21, $0xb8;
	[tilespmem:$0x1D080] =	vst v63  }
0x27a: {  	_ =	swait.ge [sflag:s29], $0x4000  }
0x27b: {  	[sflag:s29] =	ssyncset.done $0x0  }
0x27c: {  	[sflag:s29] =	ssyncadd.s32 $0xFFFFC000  }
0x27d: {  	_ =	swait.ge [sflag:s30], $0x4000  }
0x27e: {  	[sflag:s30] =	ssyncset.done $0x0  }
0x27f: {  	s9 =	simm.s32 $0xB80;
	[sflag:s30] =	ssyncadd.s32 $0xFFFFC000  }
0x280: {  	[spmem:s3] =	stream.indirect.scatter.add.f32 [tilespmem:s28], [sflag:$0x3], $0x80, s9, s21, $0xb8;
	[tilespmem:$0x1D080] =	vst v63  }
0x281: {  	_ =	swait.ge [sflag:s30], $0x4000  }
0x282: {  	[sflag:s30] =	ssyncset.done $0x0  }
0x283: {  	s31 =	simm.s32 $0x400;
	[sflag:s30] =	ssyncadd.s32 $0xFFFFC000  }
0x284: {  	[tilespmem:s23], [sflag:$0x1] =	stream.indirect.gather [hbm4b:s1+s21], $0x80, s31, s21, $0xb8;
	[tilespmem:$0x1D080] =	vst v63  }
0x285: {  	s12 =	simm.s32 $0x480  }
0x286: {  	[tilespmem:s28], [sflag:$0x2] =	stream.indirect.gather [hbm4b:s1+s21], $0x80, s12, s21, $0xb8;
	[tilespmem:$0x1D080] =	vst v63  }
0x287: {  	_ =	swait.ge [sflag:s24], $0x4000  }
0x288: {  	[sflag:s24] =	ssyncset.done $0x0  }
0x289: {  	s10 =	simm.s32 $0xC00;
	[sflag:s24] =	ssyncadd.s32 $0xFFFFC000  }
0x28a: {  	[spmem:s3] =	stream.indirect.scatter.add.f32 [tilespmem:s23], [sflag:$0x3], $0x80, s10, s21, $0xb8;
	[tilespmem:$0x1D080] =	vst v63  }
0x28b: {  	_ =	swait.ge [sflag:s29], $0x4000  }
0x28c: {  	[sflag:s29] =	ssyncset.done $0x0  }
0x28d: {  	[sflag:s29] =	ssyncadd.s32 $0xFFFFC000  }
0x28e: {  	_ =	swait.ge [sflag:s30], $0x4000  }
0x28f: {  	[sflag:s30] =	ssyncset.done $0x0  }
0x290: {  	s11 =	simm.s32 $0xC80;
	[sflag:s30] =	ssyncadd.s32 $0xFFFFC000  }
0x291: {  	[spmem:s3] =	stream.indirect.scatter.add.f32 [tilespmem:s28], [sflag:$0x3], $0x80, s11, s21, $0xb8;
	[tilespmem:$0x1D080] =	vst v63  }
0x292: {  	_ =	swait.ge [sflag:s30], $0x4000  }
0x293: {  	[sflag:s30] =	ssyncset.done $0x0  }
0x294: {  	s13 =	simm.s32 $0x500;
	[sflag:s30] =	ssyncadd.s32 $0xFFFFC000  }
0x295: {  	[tilespmem:s23], [sflag:$0x1] =	stream.indirect.gather [hbm4b:s1+s21], $0x80, s13, s21, $0xb8;
	[tilespmem:$0x1D080] =	vst v63  }
0x296: {  	s14 =	simm.s32 $0x580  }
0x297: {  	[tilespmem:s28], [sflag:$0x2] =	stream.indirect.gather [hbm4b:s1+s21], $0x80, s14, s21, $0xb8;
	[tilespmem:$0x1D080] =	vst v63  }
0x298: {  	_ =	swait.ge [sflag:s24], $0x4000  }
0x299: {  	[sflag:s24] =	ssyncset.done $0x0  }
0x29a: {  	s19 =	simm.s32 $0xD00;
	[sflag:s24] =	ssyncadd.s32 $0xFFFFC000  }
0x29b: {  	[spmem:s3] =	stream.indirect.scatter.add.f32 [tilespmem:s23], [sflag:$0x3], $0x80, s19, s21, $0xb8;
	[tilespmem:$0x1D080] =	vst v63  }
0x29c: {  	_ =	swait.ge [sflag:s29], $0x4000  }
0x29d: {  	[sflag:s29] =	ssyncset.done $0x0  }
0x29e: {  	[sflag:s29] =	ssyncadd.s32 $0xFFFFC000  }
0x29f: {  	_ =	swait.ge [sflag:s30], $0x4000  }
0x2a0: {  	[sflag:s30] =	ssyncset.done $0x0  }
0x2a1: {  	s20 =	simm.s32 $0xD80;
	[sflag:s30] =	ssyncadd.s32 $0xFFFFC000  }
0x2a2: {  	[spmem:s3] =	stream.indirect.scatter.add.f32 [tilespmem:s28], [sflag:$0x3], $0x80, s20, s21, $0xb8;
	[tilespmem:$0x1D080] =	vst v63  }
0x2a3: {  	_ =	swait.ge [sflag:s30], $0x4000  }
0x2a4: {  	[sflag:s30] =	ssyncset.done $0x0  }
0x2a5: {  	s17 =	simm.s32 $0x600;
	[sflag:s30] =	ssyncadd.s32 $0xFFFFC000  }
0x2a6: {  	[tilespmem:s23], [sflag:$0x1] =	stream.indirect.gather [hbm4b:s1+s21], $0x80, s17, s21, $0xb8;
	[tilespmem:$0x1D080] =	vst v63  }
0x2a7: {  	s31 =	simm.s32 $0x680  }
0x2a8: {  	[tilespmem:s28], [sflag:$0x2] =	stream.indirect.gather [hbm4b:s1+s21], $0x80, s31, s21, $0xb8;
	[tilespmem:$0x1D080] =	vst v63  }
0x2a9: {  	_ =	swait.ge [sflag:s24], $0x4000  }
0x2aa: {  	[sflag:s24] =	ssyncset.done $0x0  }
0x2ab: {  	s17 =	simm.s32 $0xE00;
	[sflag:s24] =	ssyncadd.s32 $0xFFFFC000  }
0x2ac: {  	[spmem:s3] =	stream.indirect.scatter.add.f32 [tilespmem:s23], [sflag:$0x3], $0x80, s17, s21, $0xb8;
	[tilespmem:$0x1D080] =	vst v63  }
0x2ad: {  	_ =	swait.ge [sflag:s29], $0x4000  }
0x2ae: {  	[sflag:s29] =	ssyncset.done $0x0  }
0x2af: {  	[sflag:s29] =	ssyncadd.s32 $0xFFFFC000  }
0x2b0: {  	_ =	swait.ge [sflag:s30], $0x4000  }
0x2b1: {  	[sflag:s30] =	ssyncset.done $0x0  }
0x2b2: {  	s17 =	simm.s32 $0xE80;
	[sflag:s30] =	ssyncadd.s32 $0xFFFFC000  }
0x2b3: {  	[spmem:s3] =	stream.indirect.scatter.add.f32 [tilespmem:s28], [sflag:$0x3], $0x80, s17, s21, $0xb8;
	[tilespmem:$0x1D080] =	vst v63  }
0x2b4: {  	_ =	swait.ge [sflag:s30], $0x4000  }
0x2b5: {  	[sflag:s30] =	ssyncset.done $0x0  }
0x2b6: {  	s18 =	simm.s32 $0x700;
	[sflag:s30] =	ssyncadd.s32 $0xFFFFC000  }
0x2b7: {  	[tilespmem:s23], [sflag:$0x1] =	stream.indirect.gather [hbm4b:s1+s21], $0x80, s18, s21, $0xb8;
	[tilespmem:$0x1D080] =	vst v63  }
0x2b8: {  	s18 =	simm.s32 $0x780  }
0x2b9: {  	[tilespmem:s28], [sflag:$0x2] =	stream.indirect.gather [hbm4b:s1+s21], $0x80, s18, s21, $0xb8;
	[tilespmem:$0x1D080] =	vst v63  }
0x2ba: {  	_ =	swait.ge [sflag:s24], $0x4000  }
0x2bb: {  	[sflag:s24] =	ssyncset.done $0x0  }
0x2bc: {  	s13 =	simm.s32 $0xF00;
	[sflag:s24] =	ssyncadd.s32 $0xFFFFC000  }
0x2bd: {  	[spmem:s3] =	stream.indirect.scatter.add.f32 [tilespmem:s23], [sflag:$0x3], $0x80, s13, s21, $0xb8;
	[tilespmem:$0x1D080] =	vst v63  }
0x2be: {  	_ =	swait.ge [sflag:s29], $0x4000  }
0x2bf: {  	[sflag:s29] =	ssyncset.done $0x0  }
0x2c0: {  	[sflag:s29] =	ssyncadd.s32 $0xFFFFC000  }
0x2c1: {  	_ =	swait.ge [sflag:s30], $0x4000  }
0x2c2: {  	[sflag:s30] =	ssyncset.done $0x0  }
0x2c3: {  	s13 =	simm.s32 $0xF80;
	[sflag:s30] =	ssyncadd.s32 $0xFFFFC000  }
0x2c4: {  	[spmem:s3] =	stream.indirect.scatter.add.f32 [tilespmem:s28], [sflag:$0x3], $0x80, s13, s21, $0xb8;
	[tilespmem:$0x1D080] =	vst v63  }
0x2c5: {  	_ =	swait.ge [sflag:s30], $0x4000  }
0x2c6: {  	[sflag:s30] =	ssyncset.done $0x0  }
0x2c7: {  	s13 =	rddreg [dreg:$0xc];
	[sflag:s30] =	ssyncadd.s32 $0xFFFFC000  }
0x2c8: {  	[tilespmem:s0], [sflag:$0x4] =	stream.linear.gather [hbm4b:s13+s4], $0x800, $0x38;
	[tilespmem:$0x1D080] =	vst v63  }
0x2c9: {  	_ =	swait.ge [sflag:s26], $0x800  }
0x2ca: {  	[sflag:s26] =	ssyncset.done $0x0  }
0x2cb: {  	s13 =	rddreg [dreg:$0xd];
	[sflag:s26] =	ssyncadd.s32 $0xFFFFF800  }
0x2cc: {  	[tilespmem:s4], [sflag:$0x4] =	stream.linear.gather [hbm4b:s13+s4], $0x800, $0x38;
	[tilespmem:$0x1D080] =	vst v63  }
0x2cd: {  	_ =	swait.ge [sflag:s26], $0x800  }
0x2ce: {  	[sflag:s26] =	ssyncset.done $0x0  }
0x2cf: {  	[sflag:s26] =	ssyncadd.s32 $0xFFFFF800  }
0x2d0: {  	[tilespmem:s23], [sflag:$0x1] =	stream.indirect.gather [hbm4b:s1+s21], $0x80, s4, s21, $0xb8;
	[tilespmem:$0x1D080] =	vst v63  }
0x2d1: {  	_ = 	snop  }
0x2d2: {  	[tilespmem:s28], [sflag:$0x2] =	stream.indirect.gather [hbm4b:s1+s21], $0x80, s21, s21, $0xb8;
	[tilespmem:$0x1D080] =	vst v63  }
0x2d3: {  	_ =	swait.ge [sflag:s24], $0x4000  }
0x2d4: {  	[sflag:s24] =	ssyncset.done $0x0  }
0x2d5: {  	[sflag:s24] =	ssyncadd.s32 $0xFFFFC000  }
0x2d6: {  	[spmem:s3] =	stream.indirect.scatter.add.f32 [tilespmem:s23], [sflag:$0x3], $0x80, s0, s21, $0xb8;
	[tilespmem:$0x1D080] =	vst v63  }
0x2d7: {  	_ =	swait.ge [sflag:s29], $0x4000  }
0x2d8: {  	[sflag:s29] =	ssyncset.done $0x0  }
0x2d9: {  	[sflag:s29] =	ssyncadd.s32 $0xFFFFC000  }
0x2da: {  	_ =	swait.ge [sflag:s30], $0x4000  }
0x2db: {  	[sflag:s30] =	ssyncset.done $0x0  }
0x2dc: {  	s13 =	simm.s32 $0x880;
	[sflag:s30] =	ssyncadd.s32 $0xFFFFC000  }
0x2dd: {  	[spmem:s3] =	stream.indirect.scatter.add.f32 [tilespmem:s28], [sflag:$0x3], $0x80, s13, s21, $0xb8;
	[tilespmem:$0x1D080] =	vst v63  }
0x2de: {  	_ =	swait.ge [sflag:s30], $0x4000  }
0x2df: {  	[sflag:s30] =	ssyncset.done $0x0  }
0x2e0: {  	s13 =	simm.s32 $0x100;
	[sflag:s30] =	ssyncadd.s32 $0xFFFFC000  }
0x2e1: {  	[tilespmem:s23], [sflag:$0x1] =	stream.indirect.gather [hbm4b:s1+s21], $0x80, s13, s21, $0xb8;
	[tilespmem:$0x1D080] =	vst v63  }
0x2e2: {  	s13 =	simm.s32 $0x180  }
0x2e3: {  	[tilespmem:s28], [sflag:$0x2] =	stream.indirect.gather [hbm4b:s1+s21], $0x80, s13, s21, $0xb8;
	[tilespmem:$0x1D080] =	vst v63  }
0x2e4: {  	_ =	swait.ge [sflag:s24], $0x4000  }
0x2e5: {  	[sflag:s24] =	ssyncset.done $0x0  }
0x2e6: {  	s13 =	simm.s32 $0x900;
	[sflag:s24] =	ssyncadd.s32 $0xFFFFC000  }
0x2e7: {  	[spmem:s3] =	stream.indirect.scatter.add.f32 [tilespmem:s23], [sflag:$0x3], $0x80, s13, s21, $0xb8;
	[tilespmem:$0x1D080] =	vst v63  }
0x2e8: {  	_ =	swait.ge [sflag:s29], $0x4000  }
0x2e9: {  	[sflag:s29] =	ssyncset.done $0x0  }
0x2ea: {  	[sflag:s29] =	ssyncadd.s32 $0xFFFFC000  }
0x2eb: {  	_ =	swait.ge [sflag:s30], $0x4000  }
0x2ec: {  	[sflag:s30] =	ssyncset.done $0x0  }
0x2ed: {  	s13 =	simm.s32 $0x980;
	[sflag:s30] =	ssyncadd.s32 $0xFFFFC000  }
0x2ee: {  	[spmem:s3] =	stream.indirect.scatter.add.f32 [tilespmem:s28], [sflag:$0x3], $0x80, s13, s21, $0xb8;
	[tilespmem:$0x1D080] =	vst v63  }
0x2ef: {  	_ =	swait.ge [sflag:s30], $0x4000  }
0x2f0: {  	[sflag:s30] =	ssyncset.done $0x0  }
0x2f1: {  	s16 =	simm.s32 $0x200;
	[sflag:s30] =	ssyncadd.s32 $0xFFFFC000  }
0x2f2: {  	[tilespmem:s23], [sflag:$0x1] =	stream.indirect.gather [hbm4b:s1+s21], $0x80, s16, s21, $0xb8;
	[tilespmem:$0x1D080] =	vst v63  }
0x2f3: {  	s13 =	simm.s32 $0x280  }
0x2f4: {  	[tilespmem:s28], [sflag:$0x2] =	stream.indirect.gather [hbm4b:s1+s21], $0x80, s13, s21, $0xb8;
	[tilespmem:$0x1D080] =	vst v63  }
0x2f5: {  	_ =	swait.ge [sflag:s24], $0x4000  }
0x2f6: {  	[sflag:s24] =	ssyncset.done $0x0  }
0x2f7: {  	s16 =	simm.s32 $0xA00;
	[sflag:s24] =	ssyncadd.s32 $0xFFFFC000  }
0x2f8: {  	[spmem:s3] =	stream.indirect.scatter.add.f32 [tilespmem:s23], [sflag:$0x3], $0x80, s16, s21, $0xb8;
	[tilespmem:$0x1D080] =	vst v63  }
0x2f9: {  	_ =	swait.ge [sflag:s29], $0x4000  }
0x2fa: {  	[sflag:s29] =	ssyncset.done $0x0  }
0x2fb: {  	[sflag:s29] =	ssyncadd.s32 $0xFFFFC000  }
0x2fc: {  	_ =	swait.ge [sflag:s30], $0x4000  }
0x2fd: {  	[sflag:s30] =	ssyncset.done $0x0  }
0x2fe: {  	s6 =	simm.s32 $0xA80;
	[sflag:s30] =	ssyncadd.s32 $0xFFFFC000  }
0x2ff: {  	[spmem:s3] =	stream.indirect.scatter.add.f32 [tilespmem:s28], [sflag:$0x3], $0x80, s6, s21, $0xb8;
	[tilespmem:$0x1D080] =	vst v63  }
0x300: {  	_ =	swait.ge [sflag:s30], $0x4000  }
0x301: {  	[sflag:s30] =	ssyncset.done $0x0  }
0x302: {  	s5 =	simm.s32 $0x300;
	[sflag:s30] =	ssyncadd.s32 $0xFFFFC000  }
0x303: {  	[tilespmem:s23], [sflag:$0x1] =	stream.indirect.gather [hbm4b:s1+s21], $0x80, s5, s21, $0xb8;
	[tilespmem:$0x1D080] =	vst v63  }
0x304: {  	s2 =	simm.s32 $0x380  }
0x305: {  	[tilespmem:s28], [sflag:$0x2] =	stream.indirect.gather [hbm4b:s1+s21], $0x80, s2, s21, $0xb8;
	[tilespmem:$0x1D080] =	vst v63  }
0x306: {  	_ =	swait.ge [sflag:s24], $0x4000  }
0x307: {  	[sflag:s24] =	ssyncset.done $0x0  }
0x308: {  	s7 =	simm.s32 $0xB00;
	[sflag:s24] =	ssyncadd.s32 $0xFFFFC000  }
0x309: {  	[spmem:s3] =	stream.indirect.scatter.add.f32 [tilespmem:s23], [sflag:$0x3], $0x80, s7, s21, $0xb8;
	[tilespmem:$0x1D080] =	vst v63  }
0x30a: {  	_ =	swait.ge [sflag:s29], $0x4000  }
0x30b: {  	[sflag:s29] =	ssyncset.done $0x0  }
0x30c: {  	[sflag:s29] =	ssyncadd.s32 $0xFFFFC000  }
0x30d: {  	_ =	swait.ge [sflag:s30], $0x4000  }
0x30e: {  	[sflag:s30] =	ssyncset.done $0x0  }
0x30f: {  	s8 =	simm.s32 $0xB80;
	[sflag:s30] =	ssyncadd.s32 $0xFFFFC000  }
0x310: {  	[spmem:s3] =	stream.indirect.scatter.add.f32 [tilespmem:s28], [sflag:$0x3], $0x80, s8, s21, $0xb8;
	[tilespmem:$0x1D080] =	vst v63  }
0x311: {  	_ =	swait.ge [sflag:s30], $0x4000  }
0x312: {  	[sflag:s30] =	ssyncset.done $0x0  }
0x313: {  	s15 =	simm.s32 $0x400;
	[sflag:s30] =	ssyncadd.s32 $0xFFFFC000  }
0x314: {  	[tilespmem:s23], [sflag:$0x1] =	stream.indirect.gather [hbm4b:s1+s21], $0x80, s15, s21, $0xb8;
	[tilespmem:$0x1D080] =	vst v63  }
0x315: {  	s9 =	simm.s32 $0x480  }
0x316: {  	[tilespmem:s28], [sflag:$0x2] =	stream.indirect.gather [hbm4b:s1+s21], $0x80, s9, s21, $0xb8;
	[tilespmem:$0x1D080] =	vst v63  }
0x317: {  	_ =	swait.ge [sflag:s24], $0x4000  }
0x318: {  	[sflag:s24] =	ssyncset.done $0x0  }
0x319: {  	s12 =	simm.s32 $0xC00;
	[sflag:s24] =	ssyncadd.s32 $0xFFFFC000  }
0x31a: {  	[spmem:s3] =	stream.indirect.scatter.add.f32 [tilespmem:s23], [sflag:$0x3], $0x80, s12, s21, $0xb8;
	[tilespmem:$0x1D080] =	vst v63  }
0x31b: {  	_ =	swait.ge [sflag:s29], $0x4000  }
0x31c: {  	[sflag:s29] =	ssyncset.done $0x0  }
0x31d: {  	[sflag:s29] =	ssyncadd.s32 $0xFFFFC000  }
0x31e: {  	_ =	swait.ge [sflag:s30], $0x4000  }
0x31f: {  	[sflag:s30] =	ssyncset.done $0x0  }
0x320: {  	s10 =	simm.s32 $0xC80;
	[sflag:s30] =	ssyncadd.s32 $0xFFFFC000  }
0x321: {  	[spmem:s3] =	stream.indirect.scatter.add.f32 [tilespmem:s28], [sflag:$0x3], $0x80, s10, s21, $0xb8;
	[tilespmem:$0x1D080] =	vst v63  }
0x322: {  	_ =	swait.ge [sflag:s30], $0x4000  }
0x323: {  	[sflag:s30] =	ssyncset.done $0x0  }
0x324: {  	s10 =	simm.s32 $0x500;
	[sflag:s30] =	ssyncadd.s32 $0xFFFFC000  }
0x325: {  	[tilespmem:s23], [sflag:$0x1] =	stream.indirect.gather [hbm4b:s1+s21], $0x80, s10, s21, $0xb8;
	[tilespmem:$0x1D080] =	vst v63  }
0x326: {  	s14 =	simm.s32 $0x580  }
0x327: {  	[tilespmem:s28], [sflag:$0x2] =	stream.indirect.gather [hbm4b:s1+s21], $0x80, s14, s21, $0xb8;
	[tilespmem:$0x1D080] =	vst v63  }
0x328: {  	_ =	swait.ge [sflag:s24], $0x4000  }
0x329: {  	[sflag:s24] =	ssyncset.done $0x0  }
0x32a: {  	s19 =	simm.s32 $0xD00;
	[sflag:s24] =	ssyncadd.s32 $0xFFFFC000  }
0x32b: {  	[spmem:s3] =	stream.indirect.scatter.add.f32 [tilespmem:s23], [sflag:$0x3], $0x80, s19, s21, $0xb8;
	[tilespmem:$0x1D080] =	vst v63  }
0x32c: {  	_ =	swait.ge [sflag:s29], $0x4000  }
0x32d: {  	[sflag:s29] =	ssyncset.done $0x0  }
0x32e: {  	[sflag:s29] =	ssyncadd.s32 $0xFFFFC000  }
0x32f: {  	_ =	swait.ge [sflag:s30], $0x4000  }
0x330: {  	[sflag:s30] =	ssyncset.done $0x0  }
0x331: {  	s20 =	simm.s32 $0xD80;
	[sflag:s30] =	ssyncadd.s32 $0xFFFFC000  }
0x332: {  	[spmem:s3] =	stream.indirect.scatter.add.f32 [tilespmem:s28], [sflag:$0x3], $0x80, s20, s21, $0xb8;
	[tilespmem:$0x1D080] =	vst v63  }
0x333: {  	_ =	swait.ge [sflag:s30], $0x4000  }
0x334: {  	[sflag:s30] =	ssyncset.done $0x0  }
0x335: {  	s11 =	simm.s32 $0x600;
	[sflag:s30] =	ssyncadd.s32 $0xFFFFC000  }
0x336: {  	[tilespmem:s23], [sflag:$0x1] =	stream.indirect.gather [hbm4b:s1+s21], $0x80, s11, s21, $0xb8;
	[tilespmem:$0x1D080] =	vst v63  }
0x337: {  	s31 =	simm.s32 $0x680  }
0x338: {  	[tilespmem:s28], [sflag:$0x2] =	stream.indirect.gather [hbm4b:s1+s21], $0x80, s31, s21, $0xb8;
	[tilespmem:$0x1D080] =	vst v63  }
0x339: {  	_ =	swait.ge [sflag:s24], $0x4000  }
0x33a: {  	[sflag:s24] =	ssyncset.done $0x0  }
0x33b: {  	s12 =	simm.s32 $0xE00;
	[sflag:s24] =	ssyncadd.s32 $0xFFFFC000  }
0x33c: {  	[spmem:s3] =	stream.indirect.scatter.add.f32 [tilespmem:s23], [sflag:$0x3], $0x80, s12, s21, $0xb8;
	[tilespmem:$0x1D080] =	vst v63  }
0x33d: {  	_ =	swait.ge [sflag:s29], $0x4000  }
0x33e: {  	[sflag:s29] =	ssyncset.done $0x0  }
0x33f: {  	[sflag:s29] =	ssyncadd.s32 $0xFFFFC000  }
0x340: {  	_ =	swait.ge [sflag:s30], $0x4000  }
0x341: {  	[sflag:s30] =	ssyncset.done $0x0  }
0x342: {  	s13 =	simm.s32 $0xE80;
	[sflag:s30] =	ssyncadd.s32 $0xFFFFC000  }
0x343: {  	[spmem:s3] =	stream.indirect.scatter.add.f32 [tilespmem:s28], [sflag:$0x3], $0x80, s13, s21, $0xb8;
	[tilespmem:$0x1D080] =	vst v63  }
0x344: {  	_ =	swait.ge [sflag:s30], $0x4000  }
0x345: {  	[sflag:s30] =	ssyncset.done $0x0  }
0x346: {  	s17 =	simm.s32 $0x700;
	[sflag:s30] =	ssyncadd.s32 $0xFFFFC000  }
0x347: {  	[tilespmem:s23], [sflag:$0x1] =	stream.indirect.gather [hbm4b:s1+s21], $0x80, s17, s21, $0xb8;
	[tilespmem:$0x1D080] =	vst v63  }
0x348: {  	s18 =	simm.s32 $0x780  }
0x349: {  	[tilespmem:s28], [sflag:$0x2] =	stream.indirect.gather [hbm4b:s1+s21], $0x80, s18, s21, $0xb8;
	[tilespmem:$0x1D080] =	vst v63  }
0x34a: {  	_ =	swait.ge [sflag:s24], $0x4000  }
0x34b: {  	[sflag:s24] =	ssyncset.done $0x0  }
0x34c: {  	s14 =	simm.s32 $0xF00;
	[sflag:s24] =	ssyncadd.s32 $0xFFFFC000  }
0x34d: {  	[spmem:s3] =	stream.indirect.scatter.add.f32 [tilespmem:s23], [sflag:$0x3], $0x80, s14, s21, $0xb8;
	[tilespmem:$0x1D080] =	vst v63  }
0x34e: {  	_ =	swait.ge [sflag:s29], $0x4000  }
0x34f: {  	[sflag:s29] =	ssyncset.done $0x0  }
0x350: {  	[sflag:s29] =	ssyncadd.s32 $0xFFFFC000  }
0x351: {  	_ =	swait.ge [sflag:s30], $0x4000  }
0x352: {  	[sflag:s30] =	ssyncset.done $0x0  }
0x353: {  	s15 =	simm.s32 $0xF80;
	[sflag:s30] =	ssyncadd.s32 $0xFFFFC000  }
0x354: {  	[spmem:s3] =	stream.indirect.scatter.add.f32 [tilespmem:s28], [sflag:$0x3], $0x80, s15, s21, $0xb8;
	[tilespmem:$0x1D080] =	vst v63  }
0x355: {  	_ =	swait.ge [sflag:s30], $0x4000  }
0x356: {  	[sflag:s30] =	ssyncset.done $0x0  }
0x357: {  	[sflag:s30] =	ssyncadd.s32 $0xFFFFC000  }
0x358: {  	[bflag:$0x0] =	sbarrier.arrive $0xFFFF  }
0x359: {  	[tilespmem:$0x1000] =	vst v0  }
0x35a: {  	[tilespmem:$0x1010] =	vst v1  }
0x35b: {  	[tilespmem:$0x1020] =	vst v2  }
0x35c: {  	[tilespmem:$0x1030] =	vst v3  }
0x35d: {  	[tilespmem:$0x1040] =	vst v4  }
0x35e: {  	[tilespmem:$0x1050] =	vst v5  }
0x35f: {  	[tilespmem:$0x1060] =	vst v6  }
0x360: {  	[tilespmem:$0x1070] =	vst v7  }
0x361: {  	[tilespmem:s23], [sflag:$0x1] =	stream.indirect.gather [spmem:s3], $0x80, s25, s21, $0xb8;
	[tilespmem:$0x1D080] =	vst v63  }
0x362: {  	_ =	swait.ge [sflag:s24], $0x4000  }
0x363: {  	[sflag:s24] =	ssyncset.done $0x0  }
0x364: {  	s16 =	rddreg [dreg:$0xe];
	[sflag:s24] =	ssyncadd.s32 $0xFFFFC000  }
0x365: {  	[hbm4b:s16+s4] =	stream.linear.scatter [tilespmem:s23], [sflag:$0x4], $0x4000, $0x38;
	[tilespmem:$0x1D080] =	vst v63  }
0x366: {  	_ =	swait.ge [sflag:s26], $0x4000  }
0x367: {  	[sflag:s26] =	ssyncset.done $0x0  }
0x368: {  	[sflag:s26] =	ssyncadd.s32 $0xFFFFC000  }
0x369: {  	[tilespmem:$0x1000] =	vst v8  }
0x36a: {  	[tilespmem:$0x1010] =	vst v9  }
0x36b: {  	[tilespmem:$0x1020] =	vst v10  }
0x36c: {  	[tilespmem:$0x1030] =	vst v11  }
0x36d: {  	[tilespmem:$0x1040] =	vst v12  }
0x36e: {  	[tilespmem:$0x1050] =	vst v13  }
0x36f: {  	[tilespmem:$0x1060] =	vst v14  }
0x370: {  	[tilespmem:$0x1070] =	vst v15  }
0x371: {  	[tilespmem:s23], [sflag:$0x1] =	stream.indirect.gather [spmem:s3], $0x80, s25, s21, $0xb8;
	[tilespmem:$0x1D080] =	vst v63  }
0x372: {  	_ =	swait.ge [sflag:s24], $0x4000  }
0x373: {  	[sflag:s24] =	ssyncset.done $0x0  }
0x374: {  	s17 =	rddreg [dreg:$0xf];
	[sflag:s24] =	ssyncadd.s32 $0xFFFFC000  }
0x375: {  	[hbm4b:s17+s4] =	stream.linear.scatter [tilespmem:s23], [sflag:$0x4], $0x4000, $0x38;
	[tilespmem:$0x1D080] =	vst v63  }
0x376: {  	_ =	swait.ge [sflag:s26], $0x4000  }
0x377: {  	[sflag:s26] =	ssyncset.done $0x0  }
0x378: {  	[sflag:s26] =	ssyncadd.s32 $0xFFFFC000  }
0x379: {  	[tilespmem:$0x1000] =	vst v16  }
0x37a: {  	[tilespmem:$0x1010] =	vst v17  }
0x37b: {  	[tilespmem:$0x1020] =	vst v18  }
0x37c: {  	[tilespmem:$0x1030] =	vst v19  }
0x37d: {  	[tilespmem:$0x1040] =	vst v20  }
0x37e: {  	[tilespmem:$0x1050] =	vst v21  }
0x37f: {  	[tilespmem:$0x1060] =	vst v22  }
0x380: {  	[tilespmem:$0x1070] =	vst v23  }
0x381: {  	[tilespmem:s23], [sflag:$0x1] =	stream.indirect.gather [spmem:s3], $0x80, s25, s21, $0xb8;
	[tilespmem:$0x1D080] =	vst v63  }
0x382: {  	_ =	swait.ge [sflag:s24], $0x4000  }
0x383: {  	[sflag:s24] =	ssyncset.done $0x0  }
0x384: {  	s18 =	rddreg [dreg:$0x10];
	[sflag:s24] =	ssyncadd.s32 $0xFFFFC000  }
0x385: {  	[hbm4b:s18+s4] =	stream.linear.scatter [tilespmem:s23], [sflag:$0x4], $0x4000, $0x38;
	[tilespmem:$0x1D080] =	vst v63  }
0x386: {  	_ =	swait.ge [sflag:s26], $0x4000  }
0x387: {  	[sflag:s26] =	ssyncset.done $0x0  }
0x388: {  	[sflag:s26] =	ssyncadd.s32 $0xFFFFC000  }
0x389: {  	[tilespmem:$0x1000] =	vst v24  }
0x38a: {  	[tilespmem:$0x1010] =	vst v25  }
0x38b: {  	[tilespmem:$0x1020] =	vst v26  }
0x38c: {  	[tilespmem:$0x1030] =	vst v27  }
0x38d: {  	[tilespmem:$0x1040] =	vst v28  }
0x38e: {  	[tilespmem:$0x1050] =	vst v29  }
0x38f: {  	[tilespmem:$0x1060] =	vst v30  }
0x390: {  	[tilespmem:$0x1070] =	vst v31  }
0x391: {  	[tilespmem:s23], [sflag:$0x1] =	stream.indirect.gather [spmem:s3], $0x80, s25, s21, $0xb8;
	[tilespmem:$0x1D080] =	vst v63  }
0x392: {  	_ =	swait.ge [sflag:s24], $0x4000  }
0x393: {  	[sflag:s24] =	ssyncset.done $0x0  }
0x394: {  	s19 =	rddreg [dreg:$0x11];
	[sflag:s24] =	ssyncadd.s32 $0xFFFFC000  }
0x395: {  	[hbm4b:s19+s4] =	stream.linear.scatter [tilespmem:s23], [sflag:$0x4], $0x4000, $0x38;
	[tilespmem:$0x1D080] =	vst v63  }
0x396: {  	_ =	swait.ge [sflag:s26], $0x4000  }
0x397: {  	[sflag:s26] =	ssyncset.done $0x0  }
0x398: {  	[sflag:s26] =	ssyncadd.s32 $0xFFFFC000  }
0x399: {  	[tilespmem:$0x1000] =	vst v32  }
0x39a: {  	[tilespmem:$0x1010] =	vst v33  }
0x39b: {  	[tilespmem:$0x1020] =	vst v34  }
0x39c: {  	[tilespmem:$0x1030] =	vst v35  }
0x39d: {  	[tilespmem:$0x1040] =	vst v36  }
0x39e: {  	[tilespmem:$0x1050] =	vst v37  }
0x39f: {  	[tilespmem:$0x1060] =	vst v38  }
0x3a0: {  	[tilespmem:$0x1070] =	vst v39  }
0x3a1: {  	[tilespmem:s23], [sflag:$0x1] =	stream.indirect.gather [spmem:s3], $0x80, s25, s21, $0xb8;
	[tilespmem:$0x1D080] =	vst v63  }
0x3a2: {  	_ =	swait.ge [sflag:s24], $0x4000  }
0x3a3: {  	[sflag:s24] =	ssyncset.done $0x0  }
0x3a4: {  	s20 =	rddreg [dreg:$0x12];
	[sflag:s24] =	ssyncadd.s32 $0xFFFFC000  }
0x3a5: {  	[hbm4b:s20+s4] =	stream.linear.scatter [tilespmem:s23], [sflag:$0x4], $0x4000, $0x38;
	[tilespmem:$0x1D080] =	vst v63  }
0x3a6: {  	_ =	swait.ge [sflag:s26], $0x4000  }
0x3a7: {  	s22 =	sadd.s32 $0x1, s22;
	s31 =	rddreg [dreg:$0x13]  }
0x3a8: {  	p0 =	sne.s32 s22, s31  }
.Ltmp1:
0x3a9: {  	_ = 	snop;
	(pc) =	sbr.rel @p0 .LBB2_1-.Ltmp1, $3  }
0x3aa: {  	_ =	sdelay $0x1  }
0x3ab: {  	[sflag:s26] =	ssyncset.done $0x0  }
0x3ac: {  	[sflag:s26] =	ssyncadd.s32 $0xFFFFC000  }
0x3ad: {  	_ =	sfence.sel $0x180000  }
0x3ae: {  	[bflag:$0x0] =	sbarrier.arrive $0xFFFF  }
0x3af: {  	_ =	strace $0x90000047  }
0x3b0: {  	s0 =	stileid.u32;
	[bflag:$0x2] =	sbarrier.arrive $0xFFFF  }
0x3b1: {  	p0 =	sne.s32 s0, $0x0;
	s0 =	rddreg [dreg:$0x3]  }
0x3b2: {  	s0 =	sadd.s32 @!p0 $0x100000, s0  }
0x3b3: {  	[sflag:s0] =	ssyncadd.tile.s32 @!p0 $0x1;
	_ =	shalt  }
.Lfunc_end2:
_tile_overlayer_lowered:
.L_overlay_start_2:
0x3b4: {  	(tag) =	ssettag $0x2  }
0x3b5: {  	s0 =	rddreg [dreg:$0x0];
	s2 =	stileid.u32  }
0x3b6: {  	s1 =	rddreg [dreg:$0x1];
	p0 =	sne.s32 s2, $0x0  }
0x3b7: {  	s3 =	rddreg [dreg:$0x2];
	[bflag:$0x3] =	sbarrier.arrive $0xFFFF;
	s2 =	simm.s32 @!p0 $0x1C04  }
0x3b8: {  	[timem:s3], [sflag:s2] =	dma.local @!p0 [hbm:s0], s1  }
0x3b9: {  	s0 =	simm.s32 @!p0 $0x4  }
0x3ba: {  	_ =	swait.ge @!p0 [sflag:s0], s1  }
0x3bb: {  	s1 =	ssub.s32 @!p0 $0x0, s1;
	[sflag:s0] =	ssyncset.done @!p0 $0x0  }
0x3bc: {  	[sflag:s0] =	ssyncadd.s32 @!p0 s1  }
0x3bd: {  	[bflag:$0x3] =	sbarrier.arrive $0xFFFF  }
0x3be: {  	_ =	shalt  }

// kernel: kernel.9.cloned.1.call-start
scs
__scs_entry_jumppad:
0x0: {  	(pc) =	sbr.rel $0x88, $3  }
0x1: {  	(tag) =	ssettag $0x0;
	lr =	simm.s32 $0x1  }
0x2: {  	[smem:$0x3F9A] =	sst lr;
	_ =	strace $0xD0000000  }
0x3: {  	_ = 	snop  }
0x4: {  	_ = 	snop  }
0x5: {  	_ = 	snop  }
0x6: {  	_ = 	snop  }
0x7: {  	_ = 	snop  }
__scs_overlays_trampoline_lowered:
0x8: {  	[smem:$0x3FA9] =	sst s0  }
0x9: {  	[smem:$0x3FAA] =	sst s1  }
0xa: {  	[smem:$0x3FAB] =	sst s2  }
0xb: {  	[smem:$0x3FAC] =	sst s3  }
0xc: {  	[smem:$0x3FAD] =	sst s4  }
0xd: {  	[smem:$0x3FAE] =	sst s5  }
0xe: {  	[smem:$0x3FAF] =	sst s6  }
0xf: {  	[smem:$0x3FB0] =	sst s7  }
0x10: {  	[smem:$0x3FB1] =	sst s8  }
0x11: {  	[smem:$0x3FB2] =	sst s9;
	s0 =	simm.s32 @!p0 $0x0  }
0x12: {  	s1 =	sld [smem:$0x3F98];
	s0 =	simm.s32 @p0 $0x1  }
0x13: {  	[smem:$0x3FB3] =	sst s0;
	s0 =	simm.s32 @!p1 $0x0  }
0x14: {  	s2 =	sld [smem:$0x3F97];
	s0 =	simm.s32 @p1 $0x1  }
0x15: {  	[smem:$0x3FB4] =	sst s0;
	s0 =	simm.s32 @!p2 $0x0  }
0x16: {  	s3 =	sld [smem:$0x3FDB];
	s0 =	simm.s32 @p2 $0x1  }
0x17: {  	s4 =	simm.s32 $0x1BF5;
	[smem:$0x3FB6] =	sst s0  }
0x18: {  	s0 =	sld [smem:$0x3F99];
	_ =	swait.ge [sflag:s4], $0x0  }
0x19: {  	s7 =	sld [smem:$0x3F9A]  }
0x1a: {  	s8 =	sadd.s32 $0xFFFFE003, lr  }
0x1b: {  	s9 =	sadd.s32 $0xFFFFFEF7, lr;
	s5 =	simm.s32 $0xFFFFFFFF;
	p2 =	slt.u32 s8, $0xFFFFF086  }
0x1c: {  	p1 =	slt.u32 s9, $0xF7A;
	s5 =	simm.s32 @!p2 $0x0  }
0x1d: {  	s5 =	simm.s32 @p1 $0x1;
	p0 =	seq.s32 s7, s2  }
0x1e: {  	s7 =	smul.u32 @!p0 $0xF7A, s2;
	p2 =	seq.s32 @!p0 s5, $0x0  }
0x1f: {  	s9 =	smul.u32 $0xF7A, s1;
	s8 =	simm.s32 @!p0 $0x1BF5;
	p2 =	por !p2, p0  }
0x20: {  	[sflag:s8] =	ssyncset.s32 @!p0 $0xFFFFF086;
	s6 =	sadd.s32 @!p0 s3, s7;
	s7 =	simm.s32 @!p0 $0x108  }
0x21: {  	s3 =	sadd.s32 s3, s9;
	s6 =	sadd.s32 @!p0 $0x88, s6;
	s7 =	simm.s32 @p2 $0x1082  }
0x22: {  	[simem:s7], [sflag:s8] =	dma.local @!p0 [hbm:s6], $0xF7A  }
0x23: {  	s9 =	sor.u32 $0xD0000000, s2;
	s6 =	simm.s32 $0x108;
	_ =	swait.ge @!p0 [sflag:s8], $0x0  }
0x24: {  	s3 =	sadd.s32 $0x88, s3;
	s6 =	simm.s32 @!p1 $0x1082;
	[sflag:s4] =	ssyncset.s32 $0xFFFFF086  }
0x25: {  	[simem:s6], [sflag:s4] =	dma.local [hbm:s3], $0xF7A  }
0x26: {  	[smem:$0x3F9A] =	sst s1;
	(tag) =	ssettag s2;
	_ =	strace s9  }
0x27: {  	s1 =	sld [smem:$0x3FAA]  }
0x28: {  	s2 =	sld [smem:$0x3FAB]  }
0x29: {  	s4 =	sld [smem:$0x3FAD]  }
0x2a: {  	p0 =	seq.s32 s5, $0x0;
	s5 =	sld [smem:$0x3FAE]  }
0x2b: {  	s6 =	sld [smem:$0x3FAF]  }
0x2c: {  	s7 =	sld [smem:$0x3FB0]  }
0x2d: {  	s3 =	simm.s32 $0x108;
	s8 =	sld [smem:$0x3FB1]  }
0x2e: {  	s3 =	simm.s32 @!p0 $0x1082;
	s9 =	sld [smem:$0x3FB2]  }
0x2f: {  	lr =	sadd.s32 s0, s3;
	s0 =	sld [smem:$0x3FA9]  }
0x30: {  	s3 =	sld [smem:$0x3FAC]  }
0x31: {  	[smem:$0x3FB5] =	sst s10  }
0x32: {  	s10 =	sld [smem:$0x3FB3];
	_ =	sdelay $0x3  }
0x33: {  	p0 =	seq.s32 s10, $0x1;
	s10 =	sld [smem:$0x3FB5];
	_ =	sdelay $0x3  }
0x34: {  	[smem:$0x3FB5] =	sst s10  }
0x35: {  	s10 =	sld [smem:$0x3FB4];
	_ =	sdelay $0x3  }
0x36: {  	p1 =	seq.s32 s10, $0x1;
	s10 =	sld [smem:$0x3FB5];
	_ =	sdelay $0x3  }
0x37: {  	[smem:$0x3FB5] =	sst s10  }
0x38: {  	s10 =	sld [smem:$0x3FB6]  }
0x39: {  	_ = 	snop;
	(pc) =	sbr.ind lr, $3  }
0x3a: {  	_ = 	snop  }
0x3b: {  	_ = 	snop  }
0x3c: {  	p2 =	seq.s32 s10, $0x1;
	s10 =	sld [smem:$0x3FB5]  }
0x3d: {  	_ =	shalt  }
0x3e: {  	_ =	shalt  }
0x3f: {  	_ =	shalt  }
0x40: {  	_ =	shalt  }
0x41: {  	_ =	shalt  }
0x42: {  	_ =	shalt  }
0x43: {  	_ =	shalt  }
0x44: {  	_ =	shalt  }
0x45: {  	_ =	shalt  }
0x46: {  	_ =	shalt  }
0x47: {  	_ =	shalt  }
0x48: {  	_ =	shalt  }
0x49: {  	_ =	shalt  }
0x4a: {  	_ =	shalt  }
0x4b: {  	_ =	shalt  }
0x4c: {  	_ =	shalt  }
0x4d: {  	_ =	shalt  }
0x4e: {  	_ =	shalt  }
0x4f: {  	_ =	shalt  }
0x50: {  	_ =	shalt  }
0x51: {  	_ =	shalt  }
0x52: {  	_ =	shalt  }
0x53: {  	_ =	shalt  }
0x54: {  	_ =	shalt  }
0x55: {  	_ =	shalt  }
0x56: {  	_ =	shalt  }
0x57: {  	_ =	shalt  }
0x58: {  	_ =	shalt  }
0x59: {  	_ =	shalt  }
0x5a: {  	_ =	shalt  }
0x5b: {  	_ =	shalt  }
0x5c: {  	_ =	shalt  }
0x5d: {  	_ =	shalt  }
0x5e: {  	_ =	shalt  }
0x5f: {  	_ =	shalt  }
0x60: {  	_ =	shalt  }
0x61: {  	_ =	shalt  }
0x62: {  	_ =	shalt  }
0x63: {  	_ =	shalt  }
0x64: {  	_ =	shalt  }
0x65: {  	_ =	shalt  }
0x66: {  	_ =	shalt  }
0x67: {  	_ =	shalt  }
0x68: {  	_ =	shalt  }
0x69: {  	_ =	shalt  }
0x6a: {  	_ =	shalt  }
0x6b: {  	_ =	shalt  }
0x6c: {  	_ =	shalt  }
0x6d: {  	_ =	shalt  }
0x6e: {  	_ =	shalt  }
0x6f: {  	_ =	shalt  }
0x70: {  	_ =	shalt  }
0x71: {  	_ =	shalt  }
0x72: {  	_ =	shalt  }
0x73: {  	_ =	shalt  }
0x74: {  	_ =	shalt  }
0x75: {  	_ =	shalt  }
0x76: {  	_ =	shalt  }
0x77: {  	_ =	shalt  }
0x78: {  	_ =	shalt  }
0x79: {  	_ =	shalt  }
0x7a: {  	_ =	shalt  }
0x7b: {  	_ =	shalt  }
0x7c: {  	_ =	shalt  }
0x7d: {  	_ =	shalt  }
0x7e: {  	_ =	shalt  }
0x7f: {  	_ =	shalt  }
0x80: {  	_ =	shalt  }
0x81: {  	_ =	shalt  }
0x82: {  	_ =	shalt  }
0x83: {  	_ =	shalt  }
0x84: {  	_ =	shalt  }
0x85: {  	_ =	shalt  }
0x86: {  	_ =	shalt  }
0x87: {  	_ =	shalt  }
.Lfunc_end0:
.L_simem_size_0:
called_computation.1_lowered:
.L_overlay_start_0:
0x88: {  	s2 =	sld [smem:$0x3FD9]  }
0x89: {  	s3 =	sld [smem:$0x3FFE];
	_ =	sdelay $0x1  }
0x8a: {  	s1 =	srdreg.scid  }
0x8b: {  	s0 =	sand.u32 $0x1, s1  }
0x8c: {  	s17 =	sshll.u32 s0, $0xA;
	s2 =	sadd.s32 s3, s2  }
0x8d: {  	s2 =	sadd.s32 s2, s17  }
0x8e: {  	[smem:$0x3FC1] =	sst s2  }
0x8f: {  	_ = 	snop  }
0x90: {  	(tm) =	ssettm $0x1  }
0x91: {  	s18 =	sld [smem:$0x3FFB];
	_ =	sdelay $0x3  }
0x92: {  	_ =	strace s18  }
0x93: {  	s2 =	sld [smem:$0x3FFC];
	_ =	sdelay $0x3  }
0x94: {  	_ =	strace s2  }
0x95: {  	s2 =	sld [smem:$0x3FFD];
	_ =	sdelay $0x3  }
0x96: {  	_ =	strace s2  }
0x97: {  	_ =	strace $0x8FFFFFFF  }
0x98: {  	s19 =	sld [smem:$0x3FDB];
	_ =	sdelay $0x1  }
0x99: {  	s20 =	simm.s32 $_scs_section_size  }
0x9a: {  	s4 =	simm.s32 $_size__tile_overlayer_lowered;
	s5 =	simm.s32 $_tile_overlayer_lowered  }
0x9b: {  	s6 =	simm.s32 $0x1BFF;
	s21 =	sshll.u32 s5, $0x1;
	s3 =	sadd.s32 s20, s19  }
0x9c: {  	s22 =	simm.s32 $0x0;
	s4 =	sshll.u32 s4, $0x1;
	s5 =	sadd.s32 s21, s3  }
0x9d: {  	[timem:s22], [sflag:s6] =	dma.local [hbm:s5], s4  }
0x9e: {  	_ =	swait.ge [sflag:s6], s4  }
0x9f: {  	s4 =	ssub.s32 $0x0, s4;
	[sflag:s6] =	ssyncset.done $0x0  }
0xa0: {  	[sflag:s6] =	ssyncadd.s32 s4;
	_ =	sdelay $0x1  }
0xa1: {  	s23 =	simm.s32 $0x1B8B  }
0xa2: {  	_ =	swait.ge [sflag:s23], $0x1  }
0xa3: {  	[sflag:s23] =	ssyncset.done $0x0  }
0xa4: {  	[sflag:s23] =	ssyncadd.s32 $0xFFFFFFFF  }
0xa5: {  	s4 =	sld [smem:$0x0]  }
0xa6: {  	s5 =	sand.u32 $0xFFFFFFFE, s1  }
0xa7: {  	p0 =	sne.s32 s1, s5  }
0xa8: {  	s5 =	sshll.u32 @p0 s5, $0xE  }
0xa9: {  	s5 =	sadd.s32 @p0 $0x11B8D, s5;
	s6 =	sshll.u32 @p0 s4, $0x11  }
0xaa: {  	s5 =	sor.u32 @p0 s6, s5  }
0xab: {  	[sflag:s5] =	ssyncadd.remote.s32 @p0 $0x1;
	_ =	sdelay $0x1  }
0xac: {  	s5 =	simm.s32 @p0 $0x1B8D  }
0xad: {  	_ =	swait.eq @p0 [sflag:s5], $0x1  }
0xae: {  	[sflag:s5] =	ssyncadd.s32 @p0 $0xFFFFFFFF  }
0xaf: {  	s6 =	sshll.u32 @!p0 s1, $0xE  }
0xb0: {  	s6 =	sor.u32 @!p0 $0x4000, s6;
	s5 =	simm.s32 @!p0 $0x1B8D  }
0xb1: {  	s4 =	sshll.u32 @!p0 s4, $0x11;
	s6 =	sadd.s32 @!p0 $0x11B8D, s6;
	_ =	swait.eq @!p0 [sflag:s5], $0x1  }
0xb2: {  	s4 =	sor.u32 @!p0 s4, s6;
	[sflag:s5] =	ssyncadd.s32 @!p0 $0xFFFFFFFF  }
0xb3: {  	s25 =	simm.s32 $0x1B8E;
	s24 =	sld [smem:$0x3FFE];
	[sflag:s4] =	ssyncadd.remote.s32 @!p0 $0x1  }
0xb4: {  	s26 =	simm.s32 $execute0_lowered;
	[smem:$0x3FD2] =	sst s25  }
0xb5: {  	s5 =	sshll.u32 s26, $0x1;
	_ =	strace $0x80000049;
	[dreg:$0x1] =	wrdreg $0xFFFFFFFF  }
0xb6: {  	s28 =	simm.s32 $_size_execute0_lowered;
	s3 =	sadd.s32 s3, s5;
	[dreg:$0x0] =	wrdreg $0x0  }
0xb7: {  	s5 =	sshll.u32 s28, $0x1;
	[dreg:$0x2] =	wrdreg s3  }
0xb8: {  	[dreg:$0x3] =	wrdreg s5  }
0xb9: {  	[dreg:$0x4] =	wrdreg $0xC0  }
0xba: {  	_ =	task [dreg:s22], $0x5FFFF  }
0xbb: {  	[dreg:$0x1] =	wrdreg $0xFFFFFFFF  }
0xbc: {  	[dreg:$0x0] =	wrdreg $0x60  }
0xbd: {  	[dreg:$0x2] =	wrdreg s24  }
0xbe: {  	[dreg:$0x3] =	wrdreg $0x48800  }
0xbf: {  	[dreg:$0x4] =	wrdreg $0xA  }
0xc0: {  	_ =	task.clear_ibuf [dreg:s22], $0x5FFFF;
	_ =	strace $0x90000049  }
0xc1: {  	s29 =	simm.s32 $0xA;
	_ =	strace $0x8000004B  }
0xc2: {  	_ =	swait.ge [sflag:s29], $0x1  }
0xc3: {  	[sflag:s29] =	ssyncadd.s32 $0xFFFFFFFF  }
0xc4: {  	_ =	strace $0x9000004B  }
0xc5: {  	_ =	sfence  }
0xc6: {  	s30 =	sld [smem:$0x0];
	_ =	sdelay $0x2  }
0xc7: {  	s31 =	sshll.u32 s1, $0xD;
	s1 =	sshrl.u32 s1, $0x2  }
0xc8: {  	s4 =	sand.u32 $0x4000, s31;
	s1 =	sadd.s32 s1, s30  }
0xc9: {  	s0 =	sor.u32 s4, s0;
	s1 =	sshll.u32 s1, $0x11  }
0xca: {  	s0 =	sor.u32 s1, s0  }
0xcb: {  	s0 =	sadd.s32 $0x8F2B, s0  }
0xcc: {  	[sflag:s0] =	ssyncadd.remote.s32 $0x1  }
0xcd: {  	_ =	sfence.sel $0xFFFF  }
0xce: {  	[dreg:$0x0] =	wrdreg $0xFFFFFFFF;
	(pc) =	sbr.abs _section_cstart, $3  }
0xcf: {  	[dreg:$0x1] =	wrdreg $0xFFFFFFFF  }
0xd0: {  	_ =	task.clear_ibuf [dreg:s22], $0x2FFFF;
	_ =	strace $0x9FFFFFFF  }
0xd1: {  	(tm) =	ssettm $0x7FFFFFFF  }
tec
execute0_lowered:
.L_overlay_start_1:
0x0: {  	(tag) =	ssettag $0x1  }
0x1: {  	s0 =	rddreg [dreg:$0x0]  }
0x2: {  	s2 =	rddreg [dreg:$0x1]  }
0x3: {  	s1 =	srdreg.scid;
	s9 =	stileid.u32  }
0x4: {  	s3 =	simm.s32 $0x0;
	s5 =	sand.u32 $0x1, s1;
	s4 =	smul.u32 $0x280, s9  }
0x5: {  	[smem:$0x7FF] =	sst s3;
	s6 =	sadd.s32 $0x1A00, s0;
	s9 =	sshll.u32 s9, $0x1  }
0x6: {  	s1 =	smul.u32 $0x2800, s5;
	_ =	strace $0x8000004A;
	s7 =	ssub.s32 $0x2, s5  }
0x7: {  	s5 =	sor.u32 s5, s9;
	s8 =	sshrl.u32 s7, $0x1;
	s9 =	sor.u32 $0x30, s4  }
0x8: {  	s10 =	sor.u32 $0x40, s4;
	s11 =	sor.u32 $0x50, s4;
	s12 =	sor.u32 $0x60, s4  }
0x9: {  	s13 =	sor.u32 $0x70, s4;
	s14 =	sadd.s32 $0x80, s4;
	s15 =	sadd.s32 $0x90, s4  }
0xa: {  	s16 =	sadd.s32 $0xA0, s4;
	s17 =	sadd.s32 $0xB0, s4;
	s18 =	smul.u32 $0x2800, s5  }
0xb: {  	s19 =	sadd.s32 $0xC0, s4;
	s20 =	sadd.s32 $0xD0, s4;
	s5 =	smul.u32 $0x500, s5  }
0xc: {  	s21 =	sadd.s32 $0xE0, s4;
	s22 =	sadd.s32 $0xF0, s4;
	s23 =	sadd.s32 $0x100, s4  }
0xd: {  	s24 =	sadd.s32 $0x130, s4;
	s25 =	sadd.s32 $0x140, s4;
	s30 =	sadd.s32 $0x1B0, s4  }
0xe: {  	s28 =	sadd.s32 $0x160, s4;
	s26 =	ssub.s32 s7, s8;
	[dreg:$0x9] =	wrdreg s30  }
0xf: {  	v39 =	vlaneseq.u32;
	s29 =	sadd.s32 $0x170, s4;
	s30 =	sadd.s32 $0x1C0, s4;
	[dreg:$0x8] =	wrdreg s26  }
0x10: {  	s31 =	sadd.s32 $0x260, s4;
	v2 =	vor.u32 s9, v39;
	s9 =	sadd.s32 $0x1E0, s4;
	[dreg:$0xa] =	wrdreg s30  }
0x11: {  	s1 =	sadd.s32 s4, s1;
	v4 =	vor.u32 s11, v39;
	s11 =	sadd.s32 $0x210, s4;
	[dreg:$0xb] =	wrdreg s9  }
0x12: {  	s7 =	sor.u32 $0x10, s4;
	v5 =	vor.u32 s12, v39;
	s12 =	sadd.s32 $0x220, s4;
	[dreg:$0xd] =	wrdreg s11  }
0x13: {  	s8 =	sor.u32 $0x20, s4;
	v7 =	vor.u32 s14, v39;
	s14 =	sadd.s32 $0x240, s4;
	[dreg:$0xe] =	wrdreg s12  }
0x14: {  	v8 =	vor.u32 s15, v39;
	s15 =	sadd.s32 $0x250, s4;
	v9 =	vor.u32 s16, v39;
	s16 =	simm.s32 $0x800;
	[dreg:$0xf] =	wrdreg s14  }
0x15: {  	v22 =	vor.u32 s28, v39;
	v23 =	vor.u32 s29, v39;
	s28 =	simm.s32 $0x400;
	s29 =	simm.s32 $0x480;
	[dreg:$0x10] =	wrdreg s15  }
0x16: {  	v19 =	vor.u32 s24, v39;
	v38 =	vor.u32 s31, v39;
	s31 =	simm.s32 $0x580;
	s5 =	sadd.s32 s6, s5;
	s24 =	rddreg [dreg:$0x9]  }
0x17: {  	s1 =	sshll.u32 s1, $0x4;
	s9 =	sadd.s32 $0x1F0, s4;
	[dreg:$0x3] =	wrdreg s5  }
0x18: {  	s18 =	sshrl.u32 s18, $0x3;
	s26 =	sadd.s32 $0x150, s4;
	[dreg:$0xc] =	wrdreg s9  }
0x19: {  	v14 =	vor.u32 s21, v39;
	v0 =	vor.u32 s7, v39;
	v1 =	vor.u32 s8, v39;
	s7 =	sadd.s32 $0x1D0, s4;
	s8 =	sadd.s32 $0x200, s4;
	s21 =	rddreg [dreg:$0x8]  }
0x1a: {  	v20 =	vor.u32 s25, v39;
	s30 =	sadd.s32 $0x230, s4;
	s15 =	simm.s32 $0x80;
	s25 =	rddreg [dreg:$0xa]  }
0x1b: {  	s0 =	sadd.s32 s1, s0;
	s5 =	sadd.s32 s6, s18;
	v21 =	vor.u32 s26, v39;
	s26 =	rddreg [dreg:$0xb]  }
0x1c: {  	s6 =	sadd.s32 $0x110, s4;
	s18 =	sadd.s32 $0x120, s4;
	v29 =	vor.u32 s7, v39;
	s7 =	rddreg [dreg:$0xf]  }
0x1d: {  	s1 =	sadd.s32 $0x180, s4;
	v27 =	vor.u32 s24, v39;
	v32 =	vor.u32 s8, v39;
	s24 =	simm.s32 $0x280;
	s8 =	rddreg [dreg:$0x10]  }
0x1e: {  	v35 =	vor.u32 s30, v39;
	s30 =	simm.s32 $0x500;
	[dreg:$0x11] =	wrdreg s1;
	s1 =	sadd.s32 $0x190, s4  }
0x1f: {  	v10 =	vor.u32 s17, v39;
	v12 =	vor.u32 s19, v39;
	v13 =	vor.u32 s20, v39;
	s17 =	sadd.s32 $0x100, s5;
	s19 =	sadd.s32 $0x200, s5;
	s20 =	sadd.s32 $0x300, s5  }
0x20: {  	s5 =	sadd.s32 $0x400, s5;
	v17 =	vor.u32 s6, v39;
	s9 =	sadd.s32 $0x65C00, s0;
	s6 =	rddreg [dreg:$0xe]  }
0x21: {  	v3 =	vor.u32 s10, v39;
	s10 =	sadd.s32 $0x66400, s0;
	s11 =	sadd.s32 $0x66C00, s0;
	[dreg:$0x12] =	wrdreg s1  }
0x22: {  	v6 =	vor.u32 s13, v39;
	s12 =	sadd.s32 $0x67400, s0;
	s13 =	sadd.s32 $0x67C00, s0;
	[dreg:$0x4] =	wrdreg s17  }
0x23: {  	v18 =	vor.u32 s18, v39;
	s14 =	smax.u32 s21, $0x1;
	s18 =	simm.s32 $0x1;
	[dreg:$0x5] =	wrdreg s19  }
0x24: {  	v28 =	vor.u32 s25, v39;
	s21 =	simm.s32 $0x180;
	s25 =	simm.s32 $0x300;
	[dreg:$0x6] =	wrdreg s20  }
0x25: {  	v30 =	vor.u32 s26, v39;
	s26 =	simm.s32 $0x380;
	s0 =	simm.s32 $0x600;
	[dreg:$0x7] =	wrdreg s5  }
0x26: {  	v11 =	vor.u32 s4, v39;
	v15 =	vor.u32 s22, v39;
	s1 =	sadd.s32 $0x1A0, s4;
	s4 =	sadd.s32 $0x270, s4;
	s22 =	rddreg [dreg:$0x11]  }
0x27: {  	v40 =	vimm.f32 $0.0e+00;
	v41 =	vimm.f32 $1.000000000e+00;
	v16 =	vor.u32 s23, v39;
	s17 =	simm.s32 $0x880;
	s19 =	simm.s32 $0x3;
	s5 =	rddreg [dreg:$0xd]  }
0x28: {  	v36 =	vor.u32 s7, v39;
	v37 =	vor.u32 s8, v39;
	s20 =	simm.s32 $0x100;
	v34 =	vor.u32 s6, v39;
	s6 =	simm.s32 $0x0;
	s23 =	rddreg [dreg:$0x12]  }
0x29: {  	v24 =	vor.u32 s22, v39;
	v26 =	vor.u32 s1, v39;
	s22 =	simm.s32 $0x2;
	s1 =	rddreg [dreg:$0xc];
	v33 =	vor.u32 s5, v39;
	s5 =	simm.s32 $0x780  }
0x2a: {  	v25 =	vor.u32 s23, v39;
	s23 =	simm.s32 $0x200;
	v31 =	vor.u32 s1, v39;
	s1 =	simm.s32 $0x680;
	v39 =	vor.u32 s4, v39;
	s4 =	simm.s32 $0x700  }
.LBB2_1:
0x2b: {  	s7 =	simm.s32 $0x0;
	s8 =	simm.s32 $0x200  }
.LBB2_2:
0x2c: {  	p0 =	sne.s32 s8, $0xFE00;
	[tilespmem:s7+$0x8F0] =	vst v40  }
0x2d: {  	[tilespmem:s7+$0x880] =	vst v40  }
0x2e: {  	[tilespmem:s7+$0x890] =	vst v40  }
.Ltmp0:
0x2f: {  	[tilespmem:s7+$0x8A0] =	vst v40;
	(pc) =	sbr.rel @p0 .LBB2_2-.Ltmp0, $4  }
0x30: {  	[tilespmem:s7+$0x8B0] =	vst v40  }
0x31: {  	[tilespmem:s7+$0x8C0] =	vst v40  }
0x32: {  	[tilespmem:s7+$0x8D0] =	vst v40  }
0x33: {  	[tilespmem:s7+$0x8E0] =	vst v40;
	s7 =	sshra.s32 s8, $0x2;
	s8 =	sadd.s32 $0x200, s8  }
0x34: {  	[tilespmem:s7+$0x8F0] =	vst v40  }
0x35: {  	[tilespmem:s7+$0x880] =	vst v40  }
0x36: {  	[tilespmem:s7+$0x890] =	vst v40  }
0x37: {  	[tilespmem:s7+$0x8A0] =	vst v40  }
0x38: {  	[tilespmem:s7+$0x8B0] =	vst v40  }
0x39: {  	[tilespmem:s7+$0x8C0] =	vst v40  }
0x3a: {  	[tilespmem:s7+$0x8D0] =	vst v40  }
0x3b: {  	[tilespmem:s7+$0x8E0] =	vst v40  }
0x3c: {  	[tilespmem:$0x800] =	vst v11  }
0x3d: {  	[tilespmem:$0x810] =	vst v0  }
0x3e: {  	[tilespmem:$0x820] =	vst v1  }
0x3f: {  	[tilespmem:$0x830] =	vst v2  }
0x40: {  	[tilespmem:$0x840] =	vst v3  }
0x41: {  	[tilespmem:$0x850] =	vst v4  }
0x42: {  	[tilespmem:$0x860] =	vst v5  }
0x43: {  	[tilespmem:$0x870] =	vst v6  }
0x44: {  	[spmem:s2] =	stream.indirect.scatter [tilespmem:s17], [sflag:$0x1], $0x80, s16, s15, $0xb8;
	[tilespmem:$0x18880] =	vst v63  }
0x45: {  	_ =	swait.ge [sflag:s18], $0x4000  }
0x46: {  	[sflag:s18] =	ssyncset.done $0x0  }
0x47: {  	[sflag:s18] =	ssyncadd.s32 $0xFFFFC000  }
0x48: {  	[tilespmem:$0x800] =	vst v7  }
0x49: {  	[tilespmem:$0x810] =	vst v8  }
0x4a: {  	[tilespmem:$0x820] =	vst v9  }
0x4b: {  	[tilespmem:$0x830] =	vst v10  }
0x4c: {  	[tilespmem:$0x840] =	vst v12  }
0x4d: {  	[tilespmem:$0x850] =	vst v13  }
0x4e: {  	[tilespmem:$0x860] =	vst v14  }
0x4f: {  	[tilespmem:$0x870] =	vst v15  }
0x50: {  	[spmem:s2] =	stream.indirect.scatter [tilespmem:s17], [sflag:$0x1], $0x80, s16, s15, $0xb8;
	[tilespmem:$0x18880] =	vst v63  }
0x51: {  	_ =	swait.ge [sflag:s18], $0x4000  }
0x52: {  	[sflag:s18] =	ssyncset.done $0x0  }
0x53: {  	[sflag:s18] =	ssyncadd.s32 $0xFFFFC000  }
0x54: {  	[tilespmem:$0x800] =	vst v16  }
0x55: {  	[tilespmem:$0x810] =	vst v17  }
0x56: {  	[tilespmem:$0x820] =	vst v18  }
0x57: {  	[tilespmem:$0x830] =	vst v19  }
0x58: {  	[tilespmem:$0x840] =	vst v20  }
0x59: {  	[tilespmem:$0x850] =	vst v21  }
0x5a: {  	[tilespmem:$0x860] =	vst v22  }
0x5b: {  	[tilespmem:$0x870] =	vst v23  }
0x5c: {  	[spmem:s2] =	stream.indirect.scatter [tilespmem:s17], [sflag:$0x1], $0x80, s16, s15, $0xb8;
	[tilespmem:$0x18880] =	vst v63  }
0x5d: {  	_ =	swait.ge [sflag:s18], $0x4000  }
0x5e: {  	[sflag:s18] =	ssyncset.done $0x0  }
0x5f: {  	[sflag:s18] =	ssyncadd.s32 $0xFFFFC000  }
0x60: {  	[tilespmem:$0x800] =	vst v24  }
0x61: {  	[tilespmem:$0x810] =	vst v25  }
0x62: {  	[tilespmem:$0x820] =	vst v26  }
0x63: {  	[tilespmem:$0x830] =	vst v27  }
0x64: {  	[tilespmem:$0x840] =	vst v28  }
0x65: {  	[tilespmem:$0x850] =	vst v29  }
0x66: {  	[tilespmem:$0x860] =	vst v30  }
0x67: {  	[tilespmem:$0x870] =	vst v31  }
0x68: {  	[spmem:s2] =	stream.indirect.scatter [tilespmem:s17], [sflag:$0x1], $0x80, s16, s15, $0xb8;
	[tilespmem:$0x18880] =	vst v63  }
0x69: {  	_ =	swait.ge [sflag:s18], $0x4000  }
0x6a: {  	[sflag:s18] =	ssyncset.done $0x0  }
0x6b: {  	[sflag:s18] =	ssyncadd.s32 $0xFFFFC000  }
0x6c: {  	[tilespmem:$0x800] =	vst v32  }
0x6d: {  	[tilespmem:$0x810] =	vst v33  }
0x6e: {  	[tilespmem:$0x820] =	vst v34  }
0x6f: {  	[tilespmem:$0x830] =	vst v35  }
0x70: {  	[tilespmem:$0x840] =	vst v36  }
0x71: {  	[tilespmem:$0x850] =	vst v37  }
0x72: {  	[tilespmem:$0x860] =	vst v38  }
0x73: {  	[tilespmem:$0x870] =	vst v39  }
0x74: {  	[spmem:s2] =	stream.indirect.scatter [tilespmem:s17], [sflag:$0x1], $0x80, s16, s15, $0xb8;
	[tilespmem:$0x18880] =	vst v63  }
0x75: {  	_ =	swait.ge [sflag:s18], $0x4000  }
0x76: {  	[sflag:s18] =	ssyncset.done $0x0  }
0x77: {  	s7 =	simm.s32 $0x0;
	s8 =	simm.s32 $0x200;
	[sflag:s18] =	ssyncadd.s32 $0xFFFFC000  }
.LBB2_4:
0x78: {  	p0 =	sne.s32 s8, $0xFE00;
	[tilespmem:s7+$0x8F0] =	vst v41  }
0x79: {  	[tilespmem:s7+$0x880] =	vst v41  }
0x7a: {  	[tilespmem:s7+$0x890] =	vst v41  }
.Ltmp1:
0x7b: {  	[tilespmem:s7+$0x8A0] =	vst v41;
	(pc) =	sbr.rel @p0 .LBB2_4-.Ltmp1, $4  }
0x7c: {  	[tilespmem:s7+$0x8B0] =	vst v41  }
0x7d: {  	[tilespmem:s7+$0x8C0] =	vst v41  }
0x7e: {  	[tilespmem:s7+$0x8D0] =	vst v41  }
0x7f: {  	[tilespmem:s7+$0x8E0] =	vst v41;
	s7 =	sshra.s32 s8, $0x2;
	s8 =	sadd.s32 $0x200, s8  }
0x80: {  	[tilespmem:s7+$0x8F0] =	vst v41  }
0x81: {  	[tilespmem:s7+$0x880] =	vst v41  }
0x82: {  	[tilespmem:s7+$0x890] =	vst v41  }
0x83: {  	[tilespmem:s7+$0x8A0] =	vst v41  }
0x84: {  	[tilespmem:s7+$0x8B0] =	vst v41  }
0x85: {  	[tilespmem:s7+$0x8C0] =	vst v41  }
0x86: {  	[tilespmem:s7+$0x8D0] =	vst v41  }
0x87: {  	[tilespmem:s7+$0x8E0] =	vst v41  }
0x88: {  	[bflag:$0x0] =	sbarrier.arrive $0xFFFF  }
0x89: {  	s8 =	rddreg [dreg:$0x3]  }
0x8a: {  	[tilespmem:s3], [sflag:$0x3] =	stream.linear.gather [hbm4b:s8+s3], $0x800, $0x38;
	[tilespmem:$0x18880] =	vst v63  }
0x8b: {  	_ =	swait.ge [sflag:s19], $0x800  }
0x8c: {  	[sflag:s19] =	ssyncset.done $0x0  }
0x8d: {  	[sflag:s19] =	ssyncadd.s32 $0xFFFFF800  }
0x8e: {  	[spmem:s2] =	stream.indirect.scatter.add.f32 [tilespmem:s17], [sflag:$0x2], $0x80, s3, s15, $0xb8;
	[tilespmem:$0x18880] =	vst v63  }
0x8f: {  	_ = 	snop  }
0x90: {  	[spmem:s2] =	stream.indirect.scatter.add.f32 [tilespmem:s17], [sflag:$0x2], $0x80, s15, s15, $0xb8;
	[tilespmem:$0x18880] =	vst v63  }
0x91: {  	_ = 	snop  }
0x92: {  	[spmem:s2] =	stream.indirect.scatter.add.f32 [tilespmem:s17], [sflag:$0x2], $0x80, s20, s15, $0xb8;
	[tilespmem:$0x18880] =	vst v63  }
0x93: {  	_ = 	snop  }
0x94: {  	[spmem:s2] =	stream.indirect.scatter.add.f32 [tilespmem:s17], [sflag:$0x2], $0x80, s21, s15, $0xb8;
	[tilespmem:$0x18880] =	vst v63  }
0x95: {  	_ =	swait.ge [sflag:s22], $0x4000  }
0x96: {  	[sflag:s22] =	ssyncset.done $0x0  }
0x97: {  	[sflag:s22] =	ssyncadd.s32 $0xFFFFC000  }
0x98: {  	_ =	swait.ge [sflag:s22], $0x4000  }
0x99: {  	[sflag:s22] =	ssyncset.done $0x0  }
0x9a: {  	[sflag:s22] =	ssyncadd.s32 $0xFFFFC000  }
0x9b: {  	_ =	swait.ge [sflag:s22], $0x4000  }
0x9c: {  	[sflag:s22] =	ssyncset.done $0x0  }
0x9d: {  	[sflag:s22] =	ssyncadd.s32 $0xFFFFC000  }
0x9e: {  	_ =	swait.ge [sflag:s22], $0x4000  }
0x9f: {  	[sflag:s22] =	ssyncset.done $0x0  }
0xa0: {  	[sflag:s22] =	ssyncadd.s32 $0xFFFFC000  }
0xa1: {  	[spmem:s2] =	stream.indirect.scatter.add.f32 [tilespmem:s17], [sflag:$0x2], $0x80, s23, s15, $0xb8;
	[tilespmem:$0x18880] =	vst v63  }
0xa2: {  	_ = 	snop  }
0xa3: {  	[spmem:s2] =	stream.indirect.scatter.add.f32 [tilespmem:s17], [sflag:$0x2], $0x80, s24, s15, $0xb8;
	[tilespmem:$0x18880] =	vst v63  }
0xa4: {  	_ = 	snop  }
0xa5: {  	[spmem:s2] =	stream.indirect.scatter.add.f32 [tilespmem:s17], [sflag:$0x2], $0x80, s25, s15, $0xb8;
	[tilespmem:$0x18880] =	vst v63  }
0xa6: {  	_ = 	snop  }
0xa7: {  	[spmem:s2] =	stream.indirect.scatter.add.f32 [tilespmem:s17], [sflag:$0x2], $0x80, s26, s15, $0xb8;
	[tilespmem:$0x18880] =	vst v63  }
0xa8: {  	_ =	swait.ge [sflag:s22], $0x4000  }
0xa9: {  	[sflag:s22] =	ssyncset.done $0x0  }
0xaa: {  	[sflag:s22] =	ssyncadd.s32 $0xFFFFC000  }
0xab: {  	_ =	swait.ge [sflag:s22], $0x4000  }
0xac: {  	[sflag:s22] =	ssyncset.done $0x0  }
0xad: {  	[sflag:s22] =	ssyncadd.s32 $0xFFFFC000  }
0xae: {  	_ =	swait.ge [sflag:s22], $0x4000  }
0xaf: {  	[sflag:s22] =	ssyncset.done $0x0  }
0xb0: {  	[sflag:s22] =	ssyncadd.s32 $0xFFFFC000  }
0xb1: {  	_ =	swait.ge [sflag:s22], $0x4000  }
0xb2: {  	[sflag:s22] =	ssyncset.done $0x0  }
0xb3: {  	[sflag:s22] =	ssyncadd.s32 $0xFFFFC000  }
0xb4: {  	[spmem:s2] =	stream.indirect.scatter.add.f32 [tilespmem:s17], [sflag:$0x2], $0x80, s28, s15, $0xb8;
	[tilespmem:$0x18880] =	vst v63  }
0xb5: {  	_ = 	snop  }
0xb6: {  	[spmem:s2] =	stream.indirect.scatter.add.f32 [tilespmem:s17], [sflag:$0x2], $0x80, s29, s15, $0xb8;
	[tilespmem:$0x18880] =	vst v63  }
0xb7: {  	_ = 	snop  }
0xb8: {  	[spmem:s2] =	stream.indirect.scatter.add.f32 [tilespmem:s17], [sflag:$0x2], $0x80, s30, s15, $0xb8;
	[tilespmem:$0x18880] =	vst v63  }
0xb9: {  	_ = 	snop  }
0xba: {  	[spmem:s2] =	stream.indirect.scatter.add.f32 [tilespmem:s17], [sflag:$0x2], $0x80, s31, s15, $0xb8;
	[tilespmem:$0x18880] =	vst v63  }
0xbb: {  	_ =	swait.ge [sflag:s22], $0x4000  }
0xbc: {  	[sflag:s22] =	ssyncset.done $0x0  }
0xbd: {  	[sflag:s22] =	ssyncadd.s32 $0xFFFFC000  }
0xbe: {  	_ =	swait.ge [sflag:s22], $0x4000  }
0xbf: {  	[sflag:s22] =	ssyncset.done $0x0  }
0xc0: {  	[sflag:s22] =	ssyncadd.s32 $0xFFFFC000  }
0xc1: {  	_ =	swait.ge [sflag:s22], $0x4000  }
0xc2: {  	[sflag:s22] =	ssyncset.done $0x0  }
0xc3: {  	[sflag:s22] =	ssyncadd.s32 $0xFFFFC000  }
0xc4: {  	_ =	swait.ge [sflag:s22], $0x4000  }
0xc5: {  	[sflag:s22] =	ssyncset.done $0x0  }
0xc6: {  	[sflag:s22] =	ssyncadd.s32 $0xFFFFC000  }
0xc7: {  	[spmem:s2] =	stream.indirect.scatter.add.f32 [tilespmem:s17], [sflag:$0x2], $0x80, s0, s15, $0xb8;
	[tilespmem:$0x18880] =	vst v63  }
0xc8: {  	_ = 	snop  }
0xc9: {  	[spmem:s2] =	stream.indirect.scatter.add.f32 [tilespmem:s17], [sflag:$0x2], $0x80, s1, s15, $0xb8;
	[tilespmem:$0x18880] =	vst v63  }
0xca: {  	_ = 	snop  }
0xcb: {  	[spmem:s2] =	stream.indirect.scatter.add.f32 [tilespmem:s17], [sflag:$0x2], $0x80, s4, s15, $0xb8;
	[tilespmem:$0x18880] =	vst v63  }
0xcc: {  	_ = 	snop  }
0xcd: {  	[spmem:s2] =	stream.indirect.scatter.add.f32 [tilespmem:s17], [sflag:$0x2], $0x80, s5, s15, $0xb8;
	[tilespmem:$0x18880] =	vst v63  }
0xce: {  	_ =	swait.ge [sflag:s22], $0x4000  }
0xcf: {  	[sflag:s22] =	ssyncset.done $0x0  }
0xd0: {  	[sflag:s22] =	ssyncadd.s32 $0xFFFFC000  }
0xd1: {  	_ =	swait.ge [sflag:s22], $0x4000  }
0xd2: {  	[sflag:s22] =	ssyncset.done $0x0  }
0xd3: {  	[sflag:s22] =	ssyncadd.s32 $0xFFFFC000  }
0xd4: {  	_ =	swait.ge [sflag:s22], $0x4000  }
0xd5: {  	[sflag:s22] =	ssyncset.done $0x0  }
0xd6: {  	[sflag:s22] =	ssyncadd.s32 $0xFFFFC000  }
0xd7: {  	_ =	swait.ge [sflag:s22], $0x4000  }
0xd8: {  	[sflag:s22] =	ssyncset.done $0x0  }
0xd9: {  	s8 =	rddreg [dreg:$0x4];
	[sflag:s22] =	ssyncadd.s32 $0xFFFFC000  }
0xda: {  	[tilespmem:s3], [sflag:$0x3] =	stream.linear.gather [hbm4b:s8+s3], $0x800, $0x38;
	[tilespmem:$0x18880] =	vst v63  }
0xdb: {  	_ =	swait.ge [sflag:s19], $0x800  }
0xdc: {  	[sflag:s19] =	ssyncset.done $0x0  }
0xdd: {  	[sflag:s19] =	ssyncadd.s32 $0xFFFFF800  }
0xde: {  	[spmem:s2] =	stream.indirect.scatter.add.f32 [tilespmem:s17], [sflag:$0x2], $0x80, s3, s15, $0xb8;
	[tilespmem:$0x18880] =	vst v63  }
0xdf: {  	_ = 	snop  }
0xe0: {  	[spmem:s2] =	stream.indirect.scatter.add.f32 [tilespmem:s17], [sflag:$0x2], $0x80, s15, s15, $0xb8;
	[tilespmem:$0x18880] =	vst v63  }
0xe1: {  	_ = 	snop  }
0xe2: {  	[spmem:s2] =	stream.indirect.scatter.add.f32 [tilespmem:s17], [sflag:$0x2], $0x80, s20, s15, $0xb8;
	[tilespmem:$0x18880] =	vst v63  }
0xe3: {  	_ = 	snop  }
0xe4: {  	[spmem:s2] =	stream.indirect.scatter.add.f32 [tilespmem:s17], [sflag:$0x2], $0x80, s21, s15, $0xb8;
	[tilespmem:$0x18880] =	vst v63  }
0xe5: {  	_ =	swait.ge [sflag:s22], $0x4000  }
0xe6: {  	[sflag:s22] =	ssyncset.done $0x0  }
0xe7: {  	[sflag:s22] =	ssyncadd.s32 $0xFFFFC000  }
0xe8: {  	_ =	swait.ge [sflag:s22], $0x4000  }
0xe9: {  	[sflag:s22] =	ssyncset.done $0x0  }
0xea: {  	[sflag:s22] =	ssyncadd.s32 $0xFFFFC000  }
0xeb: {  	_ =	swait.ge [sflag:s22], $0x4000  }
0xec: {  	[sflag:s22] =	ssyncset.done $0x0  }
0xed: {  	[sflag:s22] =	ssyncadd.s32 $0xFFFFC000  }
0xee: {  	_ =	swait.ge [sflag:s22], $0x4000  }
0xef: {  	[sflag:s22] =	ssyncset.done $0x0  }
0xf0: {  	[sflag:s22] =	ssyncadd.s32 $0xFFFFC000  }
0xf1: {  	[spmem:s2] =	stream.indirect.scatter.add.f32 [tilespmem:s17], [sflag:$0x2], $0x80, s23, s15, $0xb8;
	[tilespmem:$0x18880] =	vst v63  }
0xf2: {  	_ = 	snop  }
0xf3: {  	[spmem:s2] =	stream.indirect.scatter.add.f32 [tilespmem:s17], [sflag:$0x2], $0x80, s24, s15, $0xb8;
	[tilespmem:$0x18880] =	vst v63  }
0xf4: {  	_ = 	snop  }
0xf5: {  	[spmem:s2] =	stream.indirect.scatter.add.f32 [tilespmem:s17], [sflag:$0x2], $0x80, s25, s15, $0xb8;
	[tilespmem:$0x18880] =	vst v63  }
0xf6: {  	_ = 	snop  }
0xf7: {  	[spmem:s2] =	stream.indirect.scatter.add.f32 [tilespmem:s17], [sflag:$0x2], $0x80, s26, s15, $0xb8;
	[tilespmem:$0x18880] =	vst v63  }
0xf8: {  	_ =	swait.ge [sflag:s22], $0x4000  }
0xf9: {  	[sflag:s22] =	ssyncset.done $0x0  }
0xfa: {  	[sflag:s22] =	ssyncadd.s32 $0xFFFFC000  }
0xfb: {  	_ =	swait.ge [sflag:s22], $0x4000  }
0xfc: {  	[sflag:s22] =	ssyncset.done $0x0  }
0xfd: {  	[sflag:s22] =	ssyncadd.s32 $0xFFFFC000  }
0xfe: {  	_ =	swait.ge [sflag:s22], $0x4000  }
0xff: {  	[sflag:s22] =	ssyncset.done $0x0  }
0x100: {  	[sflag:s22] =	ssyncadd.s32 $0xFFFFC000  }
0x101: {  	_ =	swait.ge [sflag:s22], $0x4000  }
0x102: {  	[sflag:s22] =	ssyncset.done $0x0  }
0x103: {  	[sflag:s22] =	ssyncadd.s32 $0xFFFFC000  }
0x104: {  	[spmem:s2] =	stream.indirect.scatter.add.f32 [tilespmem:s17], [sflag:$0x2], $0x80, s28, s15, $0xb8;
	[tilespmem:$0x18880] =	vst v63  }
0x105: {  	_ = 	snop  }
0x106: {  	[spmem:s2] =	stream.indirect.scatter.add.f32 [tilespmem:s17], [sflag:$0x2], $0x80, s29, s15, $0xb8;
	[tilespmem:$0x18880] =	vst v63  }
0x107: {  	_ = 	snop  }
0x108: {  	[spmem:s2] =	stream.indirect.scatter.add.f32 [tilespmem:s17], [sflag:$0x2], $0x80, s30, s15, $0xb8;
	[tilespmem:$0x18880] =	vst v63  }
0x109: {  	_ = 	snop  }
0x10a: {  	[spmem:s2] =	stream.indirect.scatter.add.f32 [tilespmem:s17], [sflag:$0x2], $0x80, s31, s15, $0xb8;
	[tilespmem:$0x18880] =	vst v63  }
0x10b: {  	_ =	swait.ge [sflag:s22], $0x4000  }
0x10c: {  	[sflag:s22] =	ssyncset.done $0x0  }
0x10d: {  	[sflag:s22] =	ssyncadd.s32 $0xFFFFC000  }
0x10e: {  	_ =	swait.ge [sflag:s22], $0x4000  }
0x10f: {  	[sflag:s22] =	ssyncset.done $0x0  }
0x110: {  	[sflag:s22] =	ssyncadd.s32 $0xFFFFC000  }
0x111: {  	_ =	swait.ge [sflag:s22], $0x4000  }
0x112: {  	[sflag:s22] =	ssyncset.done $0x0  }
0x113: {  	[sflag:s22] =	ssyncadd.s32 $0xFFFFC000  }
0x114: {  	_ =	swait.ge [sflag:s22], $0x4000  }
0x115: {  	[sflag:s22] =	ssyncset.done $0x0  }
0x116: {  	[sflag:s22] =	ssyncadd.s32 $0xFFFFC000  }
0x117: {  	[spmem:s2] =	stream.indirect.scatter.add.f32 [tilespmem:s17], [sflag:$0x2], $0x80, s0, s15, $0xb8;
	[tilespmem:$0x18880] =	vst v63  }
0x118: {  	_ = 	snop  }
0x119: {  	[spmem:s2] =	stream.indirect.scatter.add.f32 [tilespmem:s17], [sflag:$0x2], $0x80, s1, s15, $0xb8;
	[tilespmem:$0x18880] =	vst v63  }
0x11a: {  	_ = 	snop  }
0x11b: {  	[spmem:s2] =	stream.indirect.scatter.add.f32 [tilespmem:s17], [sflag:$0x2], $0x80, s4, s15, $0xb8;
	[tilespmem:$0x18880] =	vst v63  }
0x11c: {  	_ = 	snop  }
0x11d: {  	[spmem:s2] =	stream.indirect.scatter.add.f32 [tilespmem:s17], [sflag:$0x2], $0x80, s5, s15, $0xb8;
	[tilespmem:$0x18880] =	vst v63  }
0x11e: {  	_ =	swait.ge [sflag:s22], $0x4000  }
0x11f: {  	[sflag:s22] =	ssyncset.done $0x0  }
0x120: {  	[sflag:s22] =	ssyncadd.s32 $0xFFFFC000  }
0x121: {  	_ =	swait.ge [sflag:s22], $0x4000  }
0x122: {  	[sflag:s22] =	ssyncset.done $0x0  }
0x123: {  	[sflag:s22] =	ssyncadd.s32 $0xFFFFC000  }
0x124: {  	_ =	swait.ge [sflag:s22], $0x4000  }
0x125: {  	[sflag:s22] =	ssyncset.done $0x0  }
0x126: {  	[sflag:s22] =	ssyncadd.s32 $0xFFFFC000  }
0x127: {  	_ =	swait.ge [sflag:s22], $0x4000  }
0x128: {  	[sflag:s22] =	ssyncset.done $0x0  }
0x129: {  	s8 =	rddreg [dreg:$0x5];
	[sflag:s22] =	ssyncadd.s32 $0xFFFFC000  }
0x12a: {  	[tilespmem:s3], [sflag:$0x3] =	stream.linear.gather [hbm4b:s8+s3], $0x800, $0x38;
	[tilespmem:$0x18880] =	vst v63  }
0x12b: {  	_ =	swait.ge [sflag:s19], $0x800  }
0x12c: {  	[sflag:s19] =	ssyncset.done $0x0  }
0x12d: {  	[sflag:s19] =	ssyncadd.s32 $0xFFFFF800  }
0x12e: {  	[spmem:s2] =	stream.indirect.scatter.add.f32 [tilespmem:s17], [sflag:$0x2], $0x80, s3, s15, $0xb8;
	[tilespmem:$0x18880] =	vst v63  }
0x12f: {  	_ = 	snop  }
0x130: {  	[spmem:s2] =	stream.indirect.scatter.add.f32 [tilespmem:s17], [sflag:$0x2], $0x80, s15, s15, $0xb8;
	[tilespmem:$0x18880] =	vst v63  }
0x131: {  	_ = 	snop  }
0x132: {  	[spmem:s2] =	stream.indirect.scatter.add.f32 [tilespmem:s17], [sflag:$0x2], $0x80, s20, s15, $0xb8;
	[tilespmem:$0x18880] =	vst v63  }
0x133: {  	_ = 	snop  }
0x134: {  	[spmem:s2] =	stream.indirect.scatter.add.f32 [tilespmem:s17], [sflag:$0x2], $0x80, s21, s15, $0xb8;
	[tilespmem:$0x18880] =	vst v63  }
0x135: {  	_ =	swait.ge [sflag:s22], $0x4000  }
0x136: {  	[sflag:s22] =	ssyncset.done $0x0  }
0x137: {  	[sflag:s22] =	ssyncadd.s32 $0xFFFFC000  }
0x138: {  	_ =	swait.ge [sflag:s22], $0x4000  }
0x139: {  	[sflag:s22] =	ssyncset.done $0x0  }
0x13a: {  	[sflag:s22] =	ssyncadd.s32 $0xFFFFC000  }
0x13b: {  	_ =	swait.ge [sflag:s22], $0x4000  }
0x13c: {  	[sflag:s22] =	ssyncset.done $0x0  }
0x13d: {  	[sflag:s22] =	ssyncadd.s32 $0xFFFFC000  }
0x13e: {  	_ =	swait.ge [sflag:s22], $0x4000  }
0x13f: {  	[sflag:s22] =	ssyncset.done $0x0  }
0x140: {  	[sflag:s22] =	ssyncadd.s32 $0xFFFFC000  }
0x141: {  	[spmem:s2] =	stream.indirect.scatter.add.f32 [tilespmem:s17], [sflag:$0x2], $0x80, s23, s15, $0xb8;
	[tilespmem:$0x18880] =	vst v63  }
0x142: {  	_ = 	snop  }
0x143: {  	[spmem:s2] =	stream.indirect.scatter.add.f32 [tilespmem:s17], [sflag:$0x2], $0x80, s24, s15, $0xb8;
	[tilespmem:$0x18880] =	vst v63  }
0x144: {  	_ = 	snop  }
0x145: {  	[spmem:s2] =	stream.indirect.scatter.add.f32 [tilespmem:s17], [sflag:$0x2], $0x80, s25, s15, $0xb8;
	[tilespmem:$0x18880] =	vst v63  }
0x146: {  	_ = 	snop  }
0x147: {  	[spmem:s2] =	stream.indirect.scatter.add.f32 [tilespmem:s17], [sflag:$0x2], $0x80, s26, s15, $0xb8;
	[tilespmem:$0x18880] =	vst v63  }
0x148: {  	_ =	swait.ge [sflag:s22], $0x4000  }
0x149: {  	[sflag:s22] =	ssyncset.done $0x0  }
0x14a: {  	[sflag:s22] =	ssyncadd.s32 $0xFFFFC000  }
0x14b: {  	_ =	swait.ge [sflag:s22], $0x4000  }
0x14c: {  	[sflag:s22] =	ssyncset.done $0x0  }
0x14d: {  	[sflag:s22] =	ssyncadd.s32 $0xFFFFC000  }
0x14e: {  	_ =	swait.ge [sflag:s22], $0x4000  }
0x14f: {  	[sflag:s22] =	ssyncset.done $0x0  }
0x150: {  	[sflag:s22] =	ssyncadd.s32 $0xFFFFC000  }
0x151: {  	_ =	swait.ge [sflag:s22], $0x4000  }
0x152: {  	[sflag:s22] =	ssyncset.done $0x0  }
0x153: {  	[sflag:s22] =	ssyncadd.s32 $0xFFFFC000  }
0x154: {  	[spmem:s2] =	stream.indirect.scatter.add.f32 [tilespmem:s17], [sflag:$0x2], $0x80, s28, s15, $0xb8;
	[tilespmem:$0x18880] =	vst v63  }
0x155: {  	_ = 	snop  }
0x156: {  	[spmem:s2] =	stream.indirect.scatter.add.f32 [tilespmem:s17], [sflag:$0x2], $0x80, s29, s15, $0xb8;
	[tilespmem:$0x18880] =	vst v63  }
0x157: {  	_ = 	snop  }
0x158: {  	[spmem:s2] =	stream.indirect.scatter.add.f32 [tilespmem:s17], [sflag:$0x2], $0x80, s30, s15, $0xb8;
	[tilespmem:$0x18880] =	vst v63  }
0x159: {  	_ = 	snop  }
0x15a: {  	[spmem:s2] =	stream.indirect.scatter.add.f32 [tilespmem:s17], [sflag:$0x2], $0x80, s31, s15, $0xb8;
	[tilespmem:$0x18880] =	vst v63  }
0x15b: {  	_ =	swait.ge [sflag:s22], $0x4000  }
0x15c: {  	[sflag:s22] =	ssyncset.done $0x0  }
0x15d: {  	[sflag:s22] =	ssyncadd.s32 $0xFFFFC000  }
0x15e: {  	_ =	swait.ge [sflag:s22], $0x4000  }
0x15f: {  	[sflag:s22] =	ssyncset.done $0x0  }
0x160: {  	[sflag:s22] =	ssyncadd.s32 $0xFFFFC000  }
0x161: {  	_ =	swait.ge [sflag:s22], $0x4000  }
0x162: {  	[sflag:s22] =	ssyncset.done $0x0  }
0x163: {  	[sflag:s22] =	ssyncadd.s32 $0xFFFFC000  }
0x164: {  	_ =	swait.ge [sflag:s22], $0x4000  }
0x165: {  	[sflag:s22] =	ssyncset.done $0x0  }
0x166: {  	[sflag:s22] =	ssyncadd.s32 $0xFFFFC000  }
0x167: {  	[spmem:s2] =	stream.indirect.scatter.add.f32 [tilespmem:s17], [sflag:$0x2], $0x80, s0, s15, $0xb8;
	[tilespmem:$0x18880] =	vst v63  }
0x168: {  	_ = 	snop  }
0x169: {  	[spmem:s2] =	stream.indirect.scatter.add.f32 [tilespmem:s17], [sflag:$0x2], $0x80, s1, s15, $0xb8;
	[tilespmem:$0x18880] =	vst v63  }
0x16a: {  	_ = 	snop  }
0x16b: {  	[spmem:s2] =	stream.indirect.scatter.add.f32 [tilespmem:s17], [sflag:$0x2], $0x80, s4, s15, $0xb8;
	[tilespmem:$0x18880] =	vst v63  }
0x16c: {  	_ = 	snop  }
0x16d: {  	[spmem:s2] =	stream.indirect.scatter.add.f32 [tilespmem:s17], [sflag:$0x2], $0x80, s5, s15, $0xb8;
	[tilespmem:$0x18880] =	vst v63  }
0x16e: {  	_ =	swait.ge [sflag:s22], $0x4000  }
0x16f: {  	[sflag:s22] =	ssyncset.done $0x0  }
0x170: {  	[sflag:s22] =	ssyncadd.s32 $0xFFFFC000  }
0x171: {  	_ =	swait.ge [sflag:s22], $0x4000  }
0x172: {  	[sflag:s22] =	ssyncset.done $0x0  }
0x173: {  	[sflag:s22] =	ssyncadd.s32 $0xFFFFC000  }
0x174: {  	_ =	swait.ge [sflag:s22], $0x4000  }
0x175: {  	[sflag:s22] =	ssyncset.done $0x0  }
0x176: {  	[sflag:s22] =	ssyncadd.s32 $0xFFFFC000  }
0x177: {  	_ =	swait.ge [sflag:s22], $0x4000  }
0x178: {  	[sflag:s22] =	ssyncset.done $0x0  }
0x179: {  	s8 =	rddreg [dreg:$0x6];
	[sflag:s22] =	ssyncadd.s32 $0xFFFFC000  }
0x17a: {  	[tilespmem:s3], [sflag:$0x3] =	stream.linear.gather [hbm4b:s8+s3], $0x800, $0x38;
	[tilespmem:$0x18880] =	vst v63  }
0x17b: {  	_ =	swait.ge [sflag:s19], $0x800  }
0x17c: {  	[sflag:s19] =	ssyncset.done $0x0  }
0x17d: {  	[sflag:s19] =	ssyncadd.s32 $0xFFFFF800  }
0x17e: {  	[spmem:s2] =	stream.indirect.scatter.add.f32 [tilespmem:s17], [sflag:$0x2], $0x80, s3, s15, $0xb8;
	[tilespmem:$0x18880] =	vst v63  }
0x17f: {  	_ = 	snop  }
0x180: {  	[spmem:s2] =	stream.indirect.scatter.add.f32 [tilespmem:s17], [sflag:$0x2], $0x80, s15, s15, $0xb8;
	[tilespmem:$0x18880] =	vst v63  }
0x181: {  	_ = 	snop  }
0x182: {  	[spmem:s2] =	stream.indirect.scatter.add.f32 [tilespmem:s17], [sflag:$0x2], $0x80, s20, s15, $0xb8;
	[tilespmem:$0x18880] =	vst v63  }
0x183: {  	_ = 	snop  }
0x184: {  	[spmem:s2] =	stream.indirect.scatter.add.f32 [tilespmem:s17], [sflag:$0x2], $0x80, s21, s15, $0xb8;
	[tilespmem:$0x18880] =	vst v63  }
0x185: {  	_ =	swait.ge [sflag:s22], $0x4000  }
0x186: {  	[sflag:s22] =	ssyncset.done $0x0  }
0x187: {  	[sflag:s22] =	ssyncadd.s32 $0xFFFFC000  }
0x188: {  	_ =	swait.ge [sflag:s22], $0x4000  }
0x189: {  	[sflag:s22] =	ssyncset.done $0x0  }
0x18a: {  	[sflag:s22] =	ssyncadd.s32 $0xFFFFC000  }
0x18b: {  	_ =	swait.ge [sflag:s22], $0x4000  }
0x18c: {  	[sflag:s22] =	ssyncset.done $0x0  }
0x18d: {  	[sflag:s22] =	ssyncadd.s32 $0xFFFFC000  }
0x18e: {  	_ =	swait.ge [sflag:s22], $0x4000  }
0x18f: {  	[sflag:s22] =	ssyncset.done $0x0  }
0x190: {  	[sflag:s22] =	ssyncadd.s32 $0xFFFFC000  }
0x191: {  	[spmem:s2] =	stream.indirect.scatter.add.f32 [tilespmem:s17], [sflag:$0x2], $0x80, s23, s15, $0xb8;
	[tilespmem:$0x18880] =	vst v63  }
0x192: {  	_ = 	snop  }
0x193: {  	[spmem:s2] =	stream.indirect.scatter.add.f32 [tilespmem:s17], [sflag:$0x2], $0x80, s24, s15, $0xb8;
	[tilespmem:$0x18880] =	vst v63  }
0x194: {  	_ = 	snop  }
0x195: {  	[spmem:s2] =	stream.indirect.scatter.add.f32 [tilespmem:s17], [sflag:$0x2], $0x80, s25, s15, $0xb8;
	[tilespmem:$0x18880] =	vst v63  }
0x196: {  	_ = 	snop  }
0x197: {  	[spmem:s2] =	stream.indirect.scatter.add.f32 [tilespmem:s17], [sflag:$0x2], $0x80, s26, s15, $0xb8;
	[tilespmem:$0x18880] =	vst v63  }
0x198: {  	_ =	swait.ge [sflag:s22], $0x4000  }
0x199: {  	[sflag:s22] =	ssyncset.done $0x0  }
0x19a: {  	[sflag:s22] =	ssyncadd.s32 $0xFFFFC000  }
0x19b: {  	_ =	swait.ge [sflag:s22], $0x4000  }
0x19c: {  	[sflag:s22] =	ssyncset.done $0x0  }
0x19d: {  	[sflag:s22] =	ssyncadd.s32 $0xFFFFC000  }
0x19e: {  	_ =	swait.ge [sflag:s22], $0x4000  }
0x19f: {  	[sflag:s22] =	ssyncset.done $0x0  }
0x1a0: {  	[sflag:s22] =	ssyncadd.s32 $0xFFFFC000  }
0x1a1: {  	_ =	swait.ge [sflag:s22], $0x4000  }
0x1a2: {  	[sflag:s22] =	ssyncset.done $0x0  }
0x1a3: {  	[sflag:s22] =	ssyncadd.s32 $0xFFFFC000  }
0x1a4: {  	[spmem:s2] =	stream.indirect.scatter.add.f32 [tilespmem:s17], [sflag:$0x2], $0x80, s28, s15, $0xb8;
	[tilespmem:$0x18880] =	vst v63  }
0x1a5: {  	_ = 	snop  }
0x1a6: {  	[spmem:s2] =	stream.indirect.scatter.add.f32 [tilespmem:s17], [sflag:$0x2], $0x80, s29, s15, $0xb8;
	[tilespmem:$0x18880] =	vst v63  }
0x1a7: {  	_ = 	snop  }
0x1a8: {  	[spmem:s2] =	stream.indirect.scatter.add.f32 [tilespmem:s17], [sflag:$0x2], $0x80, s30, s15, $0xb8;
	[tilespmem:$0x18880] =	vst v63  }
0x1a9: {  	_ = 	snop  }
0x1aa: {  	[spmem:s2] =	stream.indirect.scatter.add.f32 [tilespmem:s17], [sflag:$0x2], $0x80, s31, s15, $0xb8;
	[tilespmem:$0x18880] =	vst v63  }
0x1ab: {  	_ =	swait.ge [sflag:s22], $0x4000  }
0x1ac: {  	[sflag:s22] =	ssyncset.done $0x0  }
0x1ad: {  	[sflag:s22] =	ssyncadd.s32 $0xFFFFC000  }
0x1ae: {  	_ =	swait.ge [sflag:s22], $0x4000  }
0x1af: {  	[sflag:s22] =	ssyncset.done $0x0  }
0x1b0: {  	[sflag:s22] =	ssyncadd.s32 $0xFFFFC000  }
0x1b1: {  	_ =	swait.ge [sflag:s22], $0x4000  }
0x1b2: {  	[sflag:s22] =	ssyncset.done $0x0  }
0x1b3: {  	[sflag:s22] =	ssyncadd.s32 $0xFFFFC000  }
0x1b4: {  	_ =	swait.ge [sflag:s22], $0x4000  }
0x1b5: {  	[sflag:s22] =	ssyncset.done $0x0  }
0x1b6: {  	[sflag:s22] =	ssyncadd.s32 $0xFFFFC000  }
0x1b7: {  	[spmem:s2] =	stream.indirect.scatter.add.f32 [tilespmem:s17], [sflag:$0x2], $0x80, s0, s15, $0xb8;
	[tilespmem:$0x18880] =	vst v63  }
0x1b8: {  	_ = 	snop  }
0x1b9: {  	[spmem:s2] =	stream.indirect.scatter.add.f32 [tilespmem:s17], [sflag:$0x2], $0x80, s1, s15, $0xb8;
	[tilespmem:$0x18880] =	vst v63  }
0x1ba: {  	_ = 	snop  }
0x1bb: {  	[spmem:s2] =	stream.indirect.scatter.add.f32 [tilespmem:s17], [sflag:$0x2], $0x80, s4, s15, $0xb8;
	[tilespmem:$0x18880] =	vst v63  }
0x1bc: {  	_ = 	snop  }
0x1bd: {  	[spmem:s2] =	stream.indirect.scatter.add.f32 [tilespmem:s17], [sflag:$0x2], $0x80, s5, s15, $0xb8;
	[tilespmem:$0x18880] =	vst v63  }
0x1be: {  	_ =	swait.ge [sflag:s22], $0x4000  }
0x1bf: {  	[sflag:s22] =	ssyncset.done $0x0  }
0x1c0: {  	[sflag:s22] =	ssyncadd.s32 $0xFFFFC000  }
0x1c1: {  	_ =	swait.ge [sflag:s22], $0x4000  }
0x1c2: {  	[sflag:s22] =	ssyncset.done $0x0  }
0x1c3: {  	[sflag:s22] =	ssyncadd.s32 $0xFFFFC000  }
0x1c4: {  	_ =	swait.ge [sflag:s22], $0x4000  }
0x1c5: {  	[sflag:s22] =	ssyncset.done $0x0  }
0x1c6: {  	[sflag:s22] =	ssyncadd.s32 $0xFFFFC000  }
0x1c7: {  	_ =	swait.ge [sflag:s22], $0x4000  }
0x1c8: {  	[sflag:s22] =	ssyncset.done $0x0  }
0x1c9: {  	s8 =	rddreg [dreg:$0x7];
	[sflag:s22] =	ssyncadd.s32 $0xFFFFC000  }
0x1ca: {  	[tilespmem:s3], [sflag:$0x3] =	stream.linear.gather [hbm4b:s8+s3], $0x800, $0x38;
	[tilespmem:$0x18880] =	vst v63  }
0x1cb: {  	_ =	swait.ge [sflag:s19], $0x800  }
0x1cc: {  	[sflag:s19] =	ssyncset.done $0x0  }
0x1cd: {  	[sflag:s19] =	ssyncadd.s32 $0xFFFFF800  }
0x1ce: {  	[spmem:s2] =	stream.indirect.scatter.add.f32 [tilespmem:s17], [sflag:$0x2], $0x80, s3, s15, $0xb8;
	[tilespmem:$0x18880] =	vst v63  }
0x1cf: {  	_ = 	snop  }
0x1d0: {  	[spmem:s2] =	stream.indirect.scatter.add.f32 [tilespmem:s17], [sflag:$0x2], $0x80, s15, s15, $0xb8;
	[tilespmem:$0x18880] =	vst v63  }
0x1d1: {  	_ = 	snop  }
0x1d2: {  	[spmem:s2] =	stream.indirect.scatter.add.f32 [tilespmem:s17], [sflag:$0x2], $0x80, s20, s15, $0xb8;
	[tilespmem:$0x18880] =	vst v63  }
0x1d3: {  	_ = 	snop  }
0x1d4: {  	[spmem:s2] =	stream.indirect.scatter.add.f32 [tilespmem:s17], [sflag:$0x2], $0x80, s21, s15, $0xb8;
	[tilespmem:$0x18880] =	vst v63  }
0x1d5: {  	_ =	swait.ge [sflag:s22], $0x4000  }
0x1d6: {  	[sflag:s22] =	ssyncset.done $0x0  }
0x1d7: {  	[sflag:s22] =	ssyncadd.s32 $0xFFFFC000  }
0x1d8: {  	_ =	swait.ge [sflag:s22], $0x4000  }
0x1d9: {  	[sflag:s22] =	ssyncset.done $0x0  }
0x1da: {  	[sflag:s22] =	ssyncadd.s32 $0xFFFFC000  }
0x1db: {  	_ =	swait.ge [sflag:s22], $0x4000  }
0x1dc: {  	[sflag:s22] =	ssyncset.done $0x0  }
0x1dd: {  	[sflag:s22] =	ssyncadd.s32 $0xFFFFC000  }
0x1de: {  	_ =	swait.ge [sflag:s22], $0x4000  }
0x1df: {  	[sflag:s22] =	ssyncset.done $0x0  }
0x1e0: {  	[sflag:s22] =	ssyncadd.s32 $0xFFFFC000  }
0x1e1: {  	[spmem:s2] =	stream.indirect.scatter.add.f32 [tilespmem:s17], [sflag:$0x2], $0x80, s23, s15, $0xb8;
	[tilespmem:$0x18880] =	vst v63  }
0x1e2: {  	_ = 	snop  }
0x1e3: {  	[spmem:s2] =	stream.indirect.scatter.add.f32 [tilespmem:s17], [sflag:$0x2], $0x80, s24, s15, $0xb8;
	[tilespmem:$0x18880] =	vst v63  }
0x1e4: {  	_ = 	snop  }
0x1e5: {  	[spmem:s2] =	stream.indirect.scatter.add.f32 [tilespmem:s17], [sflag:$0x2], $0x80, s25, s15, $0xb8;
	[tilespmem:$0x18880] =	vst v63  }
0x1e6: {  	_ = 	snop  }
0x1e7: {  	[spmem:s2] =	stream.indirect.scatter.add.f32 [tilespmem:s17], [sflag:$0x2], $0x80, s26, s15, $0xb8;
	[tilespmem:$0x18880] =	vst v63  }
0x1e8: {  	_ =	swait.ge [sflag:s22], $0x4000  }
0x1e9: {  	[sflag:s22] =	ssyncset.done $0x0  }
0x1ea: {  	[sflag:s22] =	ssyncadd.s32 $0xFFFFC000  }
0x1eb: {  	_ =	swait.ge [sflag:s22], $0x4000  }
0x1ec: {  	[sflag:s22] =	ssyncset.done $0x0  }
0x1ed: {  	[sflag:s22] =	ssyncadd.s32 $0xFFFFC000  }
0x1ee: {  	_ =	swait.ge [sflag:s22], $0x4000  }
0x1ef: {  	[sflag:s22] =	ssyncset.done $0x0  }
0x1f0: {  	[sflag:s22] =	ssyncadd.s32 $0xFFFFC000  }
0x1f1: {  	_ =	swait.ge [sflag:s22], $0x4000  }
0x1f2: {  	[sflag:s22] =	ssyncset.done $0x0  }
0x1f3: {  	[sflag:s22] =	ssyncadd.s32 $0xFFFFC000  }
0x1f4: {  	[spmem:s2] =	stream.indirect.scatter.add.f32 [tilespmem:s17], [sflag:$0x2], $0x80, s28, s15, $0xb8;
	[tilespmem:$0x18880] =	vst v63  }
0x1f5: {  	_ = 	snop  }
0x1f6: {  	[spmem:s2] =	stream.indirect.scatter.add.f32 [tilespmem:s17], [sflag:$0x2], $0x80, s29, s15, $0xb8;
	[tilespmem:$0x18880] =	vst v63  }
0x1f7: {  	_ = 	snop  }
0x1f8: {  	[spmem:s2] =	stream.indirect.scatter.add.f32 [tilespmem:s17], [sflag:$0x2], $0x80, s30, s15, $0xb8;
	[tilespmem:$0x18880] =	vst v63  }
0x1f9: {  	_ = 	snop  }
0x1fa: {  	[spmem:s2] =	stream.indirect.scatter.add.f32 [tilespmem:s17], [sflag:$0x2], $0x80, s31, s15, $0xb8;
	[tilespmem:$0x18880] =	vst v63  }
0x1fb: {  	_ =	swait.ge [sflag:s22], $0x4000  }
0x1fc: {  	[sflag:s22] =	ssyncset.done $0x0  }
0x1fd: {  	[sflag:s22] =	ssyncadd.s32 $0xFFFFC000  }
0x1fe: {  	_ =	swait.ge [sflag:s22], $0x4000  }
0x1ff: {  	[sflag:s22] =	ssyncset.done $0x0  }
0x200: {  	[sflag:s22] =	ssyncadd.s32 $0xFFFFC000  }
0x201: {  	_ =	swait.ge [sflag:s22], $0x4000  }
0x202: {  	[sflag:s22] =	ssyncset.done $0x0  }
0x203: {  	[sflag:s22] =	ssyncadd.s32 $0xFFFFC000  }
0x204: {  	_ =	swait.ge [sflag:s22], $0x4000  }
0x205: {  	[sflag:s22] =	ssyncset.done $0x0  }
0x206: {  	[sflag:s22] =	ssyncadd.s32 $0xFFFFC000  }
0x207: {  	[spmem:s2] =	stream.indirect.scatter.add.f32 [tilespmem:s17], [sflag:$0x2], $0x80, s0, s15, $0xb8;
	[tilespmem:$0x18880] =	vst v63  }
0x208: {  	_ = 	snop  }
0x209: {  	[spmem:s2] =	stream.indirect.scatter.add.f32 [tilespmem:s17], [sflag:$0x2], $0x80, s1, s15, $0xb8;
	[tilespmem:$0x18880] =	vst v63  }
0x20a: {  	_ = 	snop  }
0x20b: {  	[spmem:s2] =	stream.indirect.scatter.add.f32 [tilespmem:s17], [sflag:$0x2], $0x80, s4, s15, $0xb8;
	[tilespmem:$0x18880] =	vst v63  }
0x20c: {  	_ = 	snop  }
0x20d: {  	[spmem:s2] =	stream.indirect.scatter.add.f32 [tilespmem:s17], [sflag:$0x2], $0x80, s5, s15, $0xb8;
	[tilespmem:$0x18880] =	vst v63  }
0x20e: {  	_ =	swait.ge [sflag:s22], $0x4000  }
0x20f: {  	[sflag:s22] =	ssyncset.done $0x0  }
0x210: {  	[sflag:s22] =	ssyncadd.s32 $0xFFFFC000  }
0x211: {  	_ =	swait.ge [sflag:s22], $0x4000  }
0x212: {  	[sflag:s22] =	ssyncset.done $0x0  }
0x213: {  	[sflag:s22] =	ssyncadd.s32 $0xFFFFC000  }
0x214: {  	_ =	swait.ge [sflag:s22], $0x4000  }
0x215: {  	[sflag:s22] =	ssyncset.done $0x0  }
0x216: {  	[sflag:s22] =	ssyncadd.s32 $0xFFFFC000  }
0x217: {  	_ =	swait.ge [sflag:s22], $0x4000  }
0x218: {  	[sflag:s22] =	ssyncset.done $0x0  }
0x219: {  	[sflag:s22] =	ssyncadd.s32 $0xFFFFC000  }
0x21a: {  	[bflag:$0x0] =	sbarrier.arrive $0xFFFF  }
0x21b: {  	[tilespmem:$0x800] =	vst v11  }
0x21c: {  	[tilespmem:$0x810] =	vst v0  }
0x21d: {  	[tilespmem:$0x820] =	vst v1  }
0x21e: {  	[tilespmem:$0x830] =	vst v2  }
0x21f: {  	[tilespmem:$0x840] =	vst v3  }
0x220: {  	[tilespmem:$0x850] =	vst v4  }
0x221: {  	[tilespmem:$0x860] =	vst v5  }
0x222: {  	[tilespmem:$0x870] =	vst v6  }
0x223: {  	[tilespmem:s17], [sflag:$0x1] =	stream.indirect.gather [spmem:s2], $0x80, s16, s15, $0xb8;
	[tilespmem:$0x18880] =	vst v63  }
0x224: {  	_ =	swait.ge [sflag:s18], $0x4000  }
0x225: {  	[sflag:s18] =	ssyncset.done $0x0  }
0x226: {  	[sflag:s18] =	ssyncadd.s32 $0xFFFFC000  }
0x227: {  	[hbm4b:s9+s3] =	stream.linear.scatter [tilespmem:s17], [sflag:$0x3], $0x4000, $0x38;
	[tilespmem:$0x18880] =	vst v63  }
0x228: {  	_ =	swait.ge [sflag:s19], $0x4000  }
0x229: {  	[sflag:s19] =	ssyncset.done $0x0  }
0x22a: {  	[sflag:s19] =	ssyncadd.s32 $0xFFFFC000  }
0x22b: {  	[tilespmem:$0x800] =	vst v7  }
0x22c: {  	[tilespmem:$0x810] =	vst v8  }
0x22d: {  	[tilespmem:$0x820] =	vst v9  }
0x22e: {  	[tilespmem:$0x830] =	vst v10  }
0x22f: {  	[tilespmem:$0x840] =	vst v12  }
0x230: {  	[tilespmem:$0x850] =	vst v13  }
0x231: {  	[tilespmem:$0x860] =	vst v14  }
0x232: {  	[tilespmem:$0x870] =	vst v15  }
0x233: {  	[tilespmem:s17], [sflag:$0x1] =	stream.indirect.gather [spmem:s2], $0x80, s16, s15, $0xb8;
	[tilespmem:$0x18880] =	vst v63  }
0x234: {  	_ =	swait.ge [sflag:s18], $0x4000  }
0x235: {  	[sflag:s18] =	ssyncset.done $0x0  }
0x236: {  	[sflag:s18] =	ssyncadd.s32 $0xFFFFC000  }
0x237: {  	[hbm4b:s10+s3] =	stream.linear.scatter [tilespmem:s17], [sflag:$0x3], $0x4000, $0x38;
	[tilespmem:$0x18880] =	vst v63  }
0x238: {  	_ =	swait.ge [sflag:s19], $0x4000  }
0x239: {  	[sflag:s19] =	ssyncset.done $0x0  }
0x23a: {  	[sflag:s19] =	ssyncadd.s32 $0xFFFFC000  }
0x23b: {  	[tilespmem:$0x800] =	vst v16  }
0x23c: {  	[tilespmem:$0x810] =	vst v17  }
0x23d: {  	[tilespmem:$0x820] =	vst v18  }
0x23e: {  	[tilespmem:$0x830] =	vst v19  }
0x23f: {  	[tilespmem:$0x840] =	vst v20  }
0x240: {  	[tilespmem:$0x850] =	vst v21  }
0x241: {  	[tilespmem:$0x860] =	vst v22  }
0x242: {  	[tilespmem:$0x870] =	vst v23  }
0x243: {  	[tilespmem:s17], [sflag:$0x1] =	stream.indirect.gather [spmem:s2], $0x80, s16, s15, $0xb8;
	[tilespmem:$0x18880] =	vst v63  }
0x244: {  	_ =	swait.ge [sflag:s18], $0x4000  }
0x245: {  	[sflag:s18] =	ssyncset.done $0x0  }
0x246: {  	[sflag:s18] =	ssyncadd.s32 $0xFFFFC000  }
0x247: {  	[hbm4b:s11+s3] =	stream.linear.scatter [tilespmem:s17], [sflag:$0x3], $0x4000, $0x38;
	[tilespmem:$0x18880] =	vst v63  }
0x248: {  	_ =	swait.ge [sflag:s19], $0x4000  }
0x249: {  	[sflag:s19] =	ssyncset.done $0x0  }
0x24a: {  	[sflag:s19] =	ssyncadd.s32 $0xFFFFC000  }
0x24b: {  	[tilespmem:$0x800] =	vst v24  }
0x24c: {  	[tilespmem:$0x810] =	vst v25  }
0x24d: {  	[tilespmem:$0x820] =	vst v26  }
0x24e: {  	[tilespmem:$0x830] =	vst v27  }
0x24f: {  	[tilespmem:$0x840] =	vst v28  }
0x250: {  	[tilespmem:$0x850] =	vst v29  }
0x251: {  	[tilespmem:$0x860] =	vst v30  }
0x252: {  	[tilespmem:$0x870] =	vst v31  }
0x253: {  	[tilespmem:s17], [sflag:$0x1] =	stream.indirect.gather [spmem:s2], $0x80, s16, s15, $0xb8;
	[tilespmem:$0x18880] =	vst v63  }
0x254: {  	_ =	swait.ge [sflag:s18], $0x4000  }
0x255: {  	[sflag:s18] =	ssyncset.done $0x0  }
0x256: {  	[sflag:s18] =	ssyncadd.s32 $0xFFFFC000  }
0x257: {  	[hbm4b:s12+s3] =	stream.linear.scatter [tilespmem:s17], [sflag:$0x3], $0x4000, $0x38;
	[tilespmem:$0x18880] =	vst v63  }
0x258: {  	_ =	swait.ge [sflag:s19], $0x4000  }
0x259: {  	[sflag:s19] =	ssyncset.done $0x0  }
0x25a: {  	[sflag:s19] =	ssyncadd.s32 $0xFFFFC000  }
0x25b: {  	[tilespmem:$0x800] =	vst v32  }
0x25c: {  	[tilespmem:$0x810] =	vst v33  }
0x25d: {  	[tilespmem:$0x820] =	vst v34  }
0x25e: {  	[tilespmem:$0x830] =	vst v35  }
0x25f: {  	[tilespmem:$0x840] =	vst v36  }
0x260: {  	[tilespmem:$0x850] =	vst v37  }
0x261: {  	[tilespmem:$0x860] =	vst v38  }
0x262: {  	[tilespmem:$0x870] =	vst v39  }
0x263: {  	[tilespmem:s17], [sflag:$0x1] =	stream.indirect.gather [spmem:s2], $0x80, s16, s15, $0xb8;
	[tilespmem:$0x18880] =	vst v63  }
0x264: {  	s6 =	sadd.s32 $0x1, s6;
	_ =	swait.ge [sflag:s18], $0x4000  }
0x265: {  	p0 =	sne.s32 s6, s14;
	[sflag:s18] =	ssyncset.done $0x0  }
.Ltmp2:
0x266: {  	[sflag:s18] =	ssyncadd.s32 $0xFFFFC000;
	(pc) =	sbr.rel @p0 .LBB2_1-.Ltmp2, $4  }
0x267: {  	[hbm4b:s13+s3] =	stream.linear.scatter [tilespmem:s17], [sflag:$0x3], $0x4000, $0x38;
	[tilespmem:$0x18880] =	vst v63  }
0x268: {  	_ =	swait.ge [sflag:s19], $0x4000  }
0x269: {  	[sflag:s19] =	ssyncset.done $0x0  }
0x26a: {  	[sflag:s19] =	ssyncadd.s32 $0xFFFFC000  }
0x26b: {  	_ =	sfence.sel $0x180000  }
0x26c: {  	[bflag:$0x0] =	sbarrier.arrive $0xFFFF  }
0x26d: {  	_ =	strace $0x9000004A  }
0x26e: {  	s0 =	stileid.u32;
	[bflag:$0x2] =	sbarrier.arrive $0xFFFF  }
0x26f: {  	p0 =	sne.s32 s0, $0x0;
	s0 =	rddreg [dreg:$0x2]  }
0x270: {  	s0 =	sadd.s32 @!p0 $0x100000, s0  }
0x271: {  	[sflag:s0] =	ssyncadd.tile.s32 @!p0 $0x1;
	_ =	shalt  }
.Lfunc_end2:
_tile_overlayer_lowered:
.L_overlay_start_2:
0x272: {  	(tag) =	ssettag $0x2  }
0x273: {  	s0 =	rddreg [dreg:$0x0];
	s2 =	stileid.u32  }
0x274: {  	s1 =	rddreg [dreg:$0x1];
	p0 =	sne.s32 s2, $0x0  }
0x275: {  	s3 =	rddreg [dreg:$0x2];
	[bflag:$0x3] =	sbarrier.arrive $0xFFFF;
	s2 =	simm.s32 @!p0 $0x1C03  }
0x276: {  	[timem:s3], [sflag:s2] =	dma.local @!p0 [hbm:s0], s1  }
0x277: {  	s0 =	simm.s32 @!p0 $0x3  }
0x278: {  	_ =	swait.ge @!p0 [sflag:s0], s1  }
0x279: {  	s1 =	ssub.s32 @!p0 $0x0, s1;
	[sflag:s0] =	ssyncset.done @!p0 $0x0  }
0x27a: {  	[sflag:s0] =	ssyncadd.s32 @!p0 s1  }
0x27b: {  	[bflag:$0x3] =	sbarrier.arrive $0xFFFF  }
0x27c: {  	_ =	shalt  }

</sc_bundles>
